<compile_context>
chip_gen: v7x
topology: tpu7x:2x2x1
jax: 0.10.2.dev20260603
libtpu: 0.0.44.dev20260713+nightly
codegen_flags: <defaults>
</compile_context>

<pallas_src>
import functools

import jax
import jax.numpy as jnp
from jax import lax
from jax.experimental import pallas as pl
from jax.experimental.pallas import tpu as pltpu
from jax.experimental.pallas import tpu_sc as plsc

B = 16384
INPUT_DIM = 128
N_CAT = 28
VOCAB = 400000
EMB = 16
OUT = 16

NSTRIP = 8
VP_STRIP = 54400
RW = 3200
RG = VP_STRIP // RW
_LAST_BLK = VOCAB // RW - 1

NC = 2
NS = 16
NW = NC * NS
B_PER_W = B // NW
CHUNK = 64
NCHUNK = B_PER_W // CHUNK

def _sc_mesh():
    return plsc.VectorSubcoreMesh(
        core_axis_name="c", subcore_axis_name="s", num_cores=NC, num_subcores=NS
    )


_INV_STRIP = 1.0 / VP_STRIP


def _build_idx(featsb, idxb):

    @plsc.parallel_loop(0, CHUNK, unroll=2)
    def one_row(rr):
        fbase = rr * INPUT_DIM + (INPUT_DIM - N_CAT)
        ibase = rr * N_CAT
        for fo in (0, N_CAT - EMB):
            v = featsb[pl.ds(fbase + fo, EMB)]
            s = ((v + 0.5) * _INV_STRIP).astype(jnp.int32)
            u = v.astype(jnp.int32) - VP_STRIP * s
            idxb[pl.ds(ibase + fo, EMB)] = NSTRIP * u + s


def _sc_gather_sum_body(
    table_hbm, feats_hbm, out_hbm, f0, f1, idx0, idx1, rows0, rows1, acc,
    fsem0, fsem1, sem0, sem1
):
    wid = lax.axis_index("s") * NC + lax.axis_index("c")
    row0 = wid * B_PER_W
    fb = (f0, f1)
    idxb = (idx0, idx1)
    rows = (rows0, rows1)
    fsems = (fsem0, fsem1)
    sems = (sem0, sem1)
    FW = CHUNK * INPUT_DIM

    def feats_copy(ci, p):
        return pltpu.async_copy(
            feats_hbm.at[pl.ds((row0 + ci * CHUNK) * INPUT_DIM, FW)], fb[p], fsems[p]
        )

    feats_copy(0, 0).wait()
    _build_idx(f0, idx0)
    copies = [pltpu.async_copy(table_hbm.at[idx0], rows0, sem0), None]
    fcopies = [None, feats_copy(1, 1) if NCHUNK > 1 else None]
    for ci in range(NCHUNK):
        p = ci % 2
        q = 1 - p
        if ci + 1 < NCHUNK:
            fcopies[q].wait()
            _build_idx(fb[q], idxb[q])
            copies[q] = pltpu.async_copy(table_hbm.at[idxb[q]], rows[q], sems[q])
            if ci + 2 < NCHUNK:
                fcopies[p] = feats_copy(ci + 2, p)
        copies[p].wait()
        r = rows[p]
        rowid = lax.iota(jnp.int32, EMB)

        @plsc.parallel_loop(0, CHUNK, unroll=2)
        def row_body(rr, ci=ci, r=r):
            base = rr * N_CAT
            vs = [r[base + j, :] for j in range(N_CAT)]
            while len(vs) > 1:
                nxt = [vs[k] + vs[k + 1] for k in range(0, len(vs) - 1, 2)]
                if len(vs) % 2:
                    nxt.append(vs[-1])
                vs = nxt
            col = jnp.full((EMB,), ci * CHUNK, jnp.int32) + rr
            plsc.store_scatter(acc, [rowid, col], vs[0])
    pltpu.sync_copy(acc, out_hbm.at[:, pl.ds(row0, B_PER_W)])


_SC_SCRATCH = [
    pltpu.VMEM((CHUNK * INPUT_DIM,), jnp.float32),
    pltpu.VMEM((CHUNK * INPUT_DIM,), jnp.float32),
    pltpu.VMEM((CHUNK * N_CAT,), jnp.int32),
    pltpu.VMEM((CHUNK * N_CAT,), jnp.int32),
    pltpu.VMEM((CHUNK * N_CAT, EMB), jnp.float32),
    pltpu.VMEM((CHUNK * N_CAT, EMB), jnp.float32),
    pltpu.VMEM((EMB, B_PER_W), jnp.float32),
    pltpu.SemaphoreType.DMA,
    pltpu.SemaphoreType.DMA,
    pltpu.SemaphoreType.DMA,
    pltpu.SemaphoreType.DMA,
]

_sc_cache = {}


def _sc_gather_sum(table2d, feats_flat):
    if "k" not in _sc_cache:
        _sc_cache["k"] = pl.kernel(
            _sc_gather_sum_body,
            out_type=jax.ShapeDtypeStruct((EMB, B), jnp.float32),
            mesh=_sc_mesh(),
            scratch_types=_SC_SCRATCH,
            compiler_params=pltpu.CompilerParams(
                use_tc_tiling_on_sc=False, needs_layout_passes=False
            ),
        )
    return _sc_cache["k"](table2d, feats_flat)


TB = 2048

def _repack_body(*refs):
    ins, out = refs[:NSTRIP], refs[NSTRIP]
    out[:] = jnp.concatenate([ins[s][:] for s in range(NSTRIP)], axis=0).T


def _repack_index_map(s):
    if s < NSTRIP - 1:
        return lambda k: (0, RG * s + k)
    return lambda k: (0, jnp.minimum(RG * s + k, _LAST_BLK))


def _mlp_body(feats_ref, w1p_ref, b1_ref, m2t_ref, c_ref, out_ref):
    ht = jnp.tanh(
        jax.lax.dot_general(
            w1p_ref[:], feats_ref[:], (((1,), (1,)), ((), ())),
            preferred_element_type=jnp.float32,
        )
        + b1_ref[:]
    )
    out_ref[:] = (
        jax.lax.dot_general(
            m2t_ref[:], ht, (((0,), (0,)), ((), ())),
            preferred_element_type=jnp.float32,
        )
        + c_ref[:]
    )


def _combine_body(part_ref, sums_ref, m1t_ref, out_ref):
    out_ref[:] = part_ref[:] + jax.lax.dot_general(
        m1t_ref[:], sums_ref[:], (((0,), (0,)), ((), ())),
        preferred_element_type=jnp.float32,
    )


def kernel(ids, feats, table, w1, b1, w2, b2, wfc, bfc, wf, bf):
    del ids
    wfa = wf[:, :OUT]
    wfb = wf[:, OUT:]
    m1t = (wfa @ wfc).T / float(N_CAT)
    m2t = (wfb @ w2).T
    c = (bf + bfc @ wfa.T + b2 @ wfb.T).reshape(OUT, 1)
    w1p = jnp.pad(w1, ((0, 0), (0, N_CAT)))
    b1r = b1.reshape(OUT, 1)

    t_lin = pl.pallas_call(
        _repack_body,
        grid=(RG,),
        in_specs=[pl.BlockSpec((EMB, RW), _repack_index_map(s)) for s in range(NSTRIP)],
        out_specs=pl.BlockSpec((RW, 128), lambda k: (k, 0)),
        out_shape=jax.ShapeDtypeStruct((VP_STRIP, 128), jnp.float32),
    )(*([table.T] * NSTRIP))

    sums = _sc_gather_sum(t_lin.reshape(VP_STRIP * NSTRIP, EMB), feats.reshape(-1))

    grid = (B // TB,)
    partial_t = pl.pallas_call(
        _mlp_body,
        grid=grid,
        in_specs=[
            pl.BlockSpec((TB, INPUT_DIM), lambda i: (i, 0)),
            pl.BlockSpec((OUT, INPUT_DIM), lambda i: (0, 0)),
            pl.BlockSpec((OUT, 1), lambda i: (0, 0)),
            pl.BlockSpec((OUT, OUT), lambda i: (0, 0)),
            pl.BlockSpec((OUT, 1), lambda i: (0, 0)),
        ],
        out_specs=pl.BlockSpec((OUT, TB), lambda i: (0, i)),
        out_shape=jax.ShapeDtypeStruct((OUT, B), jnp.float32),
    )(feats, w1p, b1r, m2t, c)

    TBC = 4096
    out_t = pl.pallas_call(
        _combine_body,
        grid=(B // TBC,),
        in_specs=[
            pl.BlockSpec((OUT, TBC), lambda i: (0, i)),
            pl.BlockSpec((EMB, TBC), lambda i: (0, i)),
            pl.BlockSpec((EMB, OUT), lambda i: (0, 0)),
        ],
        out_specs=pl.BlockSpec((OUT, TBC), lambda i: (0, i)),
        out_shape=jax.ShapeDtypeStruct((OUT, B), jnp.float32),
    )(partial_t, sums, m1t)
    return out_t.T

# --- scband reference (transcript-rebuilt; emitter-appended) ---
"""Pipeline reference for scband-geo-bag-of-words-prep-50491635532343 (READ-ONLY COPY).

The authoritative reference and input builder live on the scoring server;
editing this copy changes nothing except your own understanding.
"""

import jax, jax.numpy as jnp
import numpy as np

B = 16384
INPUT_DIM = 128
N_CAT = 28
VOCAB = 400000
EMB = 16
OUT = 16

def setup_inputs(seed: int = 0) -> dict:
    key = jax.random.key(seed)
    ks = jax.random.split(key, 12)
    ids = jax.random.randint(ks[0], (B,), 0, 16384, dtype=jnp.int64) if jax.config.jax_enable_x64 else jax.random.randint(ks[0], (B,), 0, 16384, dtype=jnp.int32)
    # feats: float tensor whose last 28 columns are categorical indices (cast to int in forward)
    feats = jax.random.randint(ks[1], (B, INPUT_DIM), 0, VOCAB, dtype=jnp.int32).astype(jnp.float32)
    table = jax.random.normal(ks[2], (VOCAB, EMB), dtype=jnp.float32)
    # con_feat_mlp: Linear(input_dim - 28, OUT) -> Tanh -> Linear(OUT, OUT)
    w1 = jax.random.normal(ks[3], (OUT, INPUT_DIM - N_CAT), dtype=jnp.float32) * 0.05
    b1 = jnp.zeros((OUT,), dtype=jnp.float32)
    w2 = jax.random.normal(ks[4], (OUT, OUT), dtype=jnp.float32) * 0.1
    b2 = jnp.zeros((OUT,), dtype=jnp.float32)
    # cat_feat_fc: Linear(EMB, OUT)
    wfc = jax.random.normal(ks[5], (OUT, EMB), dtype=jnp.float32) * 0.1
    bfc = jnp.zeros((OUT,), dtype=jnp.float32)
    # fc: Linear(2*OUT, OUT)
    wf = jax.random.normal(ks[6], (OUT, 2 * OUT), dtype=jnp.float32) * 0.1
    bf = jnp.zeros((OUT,), dtype=jnp.float32)
    return {"ids": ids, "feats": feats, "table": table, "w1": w1, "b1": b1, "w2": w2, "b2": b2, "wfc": wfc, "bfc": bfc, "wf": wf, "bf": bf}

def reference(ids, feats, table, w1, b1, w2, b2, wfc, bfc, wf, bf):
    con_feats = feats[:, :-N_CAT]
    h = jnp.tanh(con_feats @ w1.T + b1)
    con_feat_embs = h @ w2.T + b2
    cat_idx = feats[:, -N_CAT:].astype(jnp.int32)
    cat_feat_embs = jnp.take(table, cat_idx, axis=0).mean(axis=1)
    cat_feat_embs = cat_feat_embs @ wfc.T + bfc
    out = jnp.concatenate([cat_feat_embs, con_feat_embs], axis=1)
    out = out @ wf.T + bf
    return out

if __name__ == "__main__":
    import jax
    _d = setup_inputs()
    print(jax.jit(kernel)(*tuple(_d.values())))

</pallas_src>

<mosaic_0001>
#map = affine_map<(d0, d1) -> (0, 0)>
#map1 = affine_map<(d0, d1) -> (0)>
module attributes {stable_mosaic.version = 14 : i64} {
  func.func @_sc_gather_sum_body(%arg0: i32, %arg1: i32, %arg2: memref<435200x16xf32, #tpu.memory_space<hbm>>, %arg3: memref<2097152xf32, #tpu.memory_space<hbm>>, %arg4: memref<16x16384xf32, #tpu.memory_space<hbm>>, %arg5: memref<8192xf32, #tpu.memory_space<vmem>>, %arg6: memref<8192xf32, #tpu.memory_space<vmem>>, %arg7: memref<1792xi32, #tpu.memory_space<vmem>>, %arg8: memref<1792xi32, #tpu.memory_space<vmem>>, %arg9: memref<1792x16xf32, #tpu.memory_space<vmem>>, %arg10: memref<1792x16xf32, #tpu.memory_space<vmem>>, %arg11: memref<16x512xf32, #tpu.memory_space<vmem>>, %arg12: memref<!tpu.dma_semaphore, #tpu.memory_space<semaphore_mem>>, %arg13: memref<!tpu.dma_semaphore, #tpu.memory_space<semaphore_mem>>, %arg14: memref<!tpu.dma_semaphore, #tpu.memory_space<semaphore_mem>>, %arg15: memref<!tpu.dma_semaphore, #tpu.memory_space<semaphore_mem>>) attributes {dimension_semantics = [#tpu.dimension_semantics<core_parallel>, #tpu.dimension_semantics<subcore_parallel>], iteration_bounds = array<i64: 2, 16>, scalar_prefetch = 0 : i64, scratch_operands = 11 : i64, tpu.core_type = #tpu.core_type<sc_vector_subcore>, window_params = [{transform_indices = #map}, {transform_indices = #map1}, {transform_indices = #map}]} {
    %mul3A = arith.constant 2 : i32
    %mul3A_0 = arith.muli %arg1, %mul3A : i32
    %add3A = arith.addi %mul3A_0, %arg0 : i32
    %mul3A_1 = arith.constant 512 : i32
    %mul3A_2 = arith.muli %add3A, %mul3A_1 : i32
    %add3A_3 = arith.constant 0 : i32
    %add3A_4 = arith.addi %mul3A_2, %add3A_3 : i32
    %mul3A_5 = arith.constant 128 : i32
    %mul3A_6 = arith.muli %add3A_4, %mul3A_5 : i32
    %dma_start3A = tpu.memref_slice %arg3[%mul3A_6] : memref<2097152xf32, #tpu.memory_space<hbm>> -> memref<8192xf32, #tpu.memory_space<hbm>>
    %dma_start3A_7 = tpu.memref_slice %arg3[%mul3A_6] : memref<2097152xf32, #tpu.memory_space<hbm>> -> memref<8192xf32, #tpu.memory_space<hbm>>
    tpu.enqueue_dma source(%dma_start3A_7 : memref<8192xf32, #tpu.memory_space<hbm>>) target(%arg5 : memref<8192xf32, #tpu.memory_space<vmem>>) target_semaphore(%arg12 : memref<!tpu.dma_semaphore, #tpu.memory_space<semaphore_mem>>)
    %dma_wait3A = tpu.memref_slice %arg3[%mul3A_6] : memref<2097152xf32, #tpu.memory_space<hbm>> -> memref<8192xf32, #tpu.memory_space<hbm>>
    %dma_wait3A_8 = tpu.memref_slice %arg3[%mul3A_6] : memref<2097152xf32, #tpu.memory_space<hbm>> -> memref<8192xf32, #tpu.memory_space<hbm>>
    tpu.wait_dma2 semaphore(%arg12 : memref<!tpu.dma_semaphore, #tpu.memory_space<semaphore_mem>>) src(%dma_wait3A_8 : memref<8192xf32, #tpu.memory_space<hbm>>) dst(%arg5 : memref<8192xf32, #tpu.memory_space<vmem>>)
    %parallel_loop3A = arith.constant 0 : i32
    %parallel_loop3A_9 = arith.constant 64 : i32
    %parallel_loop3A_10 = arith.constant 1 : i32
    scf.for %parallel_loop3A_167 = %parallel_loop3A to %parallel_loop3A_9 step %parallel_loop3A_10  : i32 {
      %parallel_loop3A_168 = arith.constant 128 : i32
      %parallel_loop3A_169 = arith.muli %parallel_loop3A_167, %parallel_loop3A_168 : i32
      %parallel_loop3A_170 = arith.constant 100 : i32
      %parallel_loop3A_171 = arith.addi %parallel_loop3A_169, %parallel_loop3A_170 : i32
      %parallel_loop3A_172 = arith.constant 28 : i32
      %parallel_loop3A_173 = arith.muli %parallel_loop3A_167, %parallel_loop3A_172 : i32
      %parallel_loop3A_174 = arith.constant 0 : i32
      %parallel_loop3A_175 = arith.addi %parallel_loop3A_171, %parallel_loop3A_174 : i32
      %parallel_loop3A_176 = arith.index_cast %parallel_loop3A_175 : i32 to index
      %parallel_loop3A_177 = tpu.vector_load %arg5[%parallel_loop3A_176] {strides = array<i32>} : memref<8192xf32, #tpu.memory_space<vmem>>, vector<16xf32>,
      %parallel_loop3A_178 = arith.constant 5.000000e-01 : f32
      %parallel_loop3A_179 = vector.broadcast %parallel_loop3A_178 : f32 to vector<16xf32>
      %parallel_loop3A_180 = arith.addf %parallel_loop3A_177, %parallel_loop3A_179 : vector<16xf32>
      %parallel_loop3A_181 = arith.constant 1.83823522E-5 : f32
      %parallel_loop3A_182 = vector.broadcast %parallel_loop3A_181 : f32 to vector<16xf32>
      %parallel_loop3A_183 = arith.mulf %parallel_loop3A_180, %parallel_loop3A_182 : vector<16xf32>
      %parallel_loop3A_184 = arith.fptosi %parallel_loop3A_183 : vector<16xf32> to vector<16xi32>
      %parallel_loop3A_185 = arith.fptosi %parallel_loop3A_177 : vector<16xf32> to vector<16xi32>
      %parallel_loop3A_186 = arith.constant 54400 : i32
      %parallel_loop3A_187 = vector.broadcast %parallel_loop3A_186 : i32 to vector<16xi32>
      %parallel_loop3A_188 = arith.muli %parallel_loop3A_187, %parallel_loop3A_184 : vector<16xi32>
      %parallel_loop3A_189 = arith.subi %parallel_loop3A_185, %parallel_loop3A_188 : vector<16xi32>
      %parallel_loop3A_190 = arith.constant 8 : i32
      %parallel_loop3A_191 = vector.broadcast %parallel_loop3A_190 : i32 to vector<16xi32>
      %parallel_loop3A_192 = arith.muli %parallel_loop3A_191, %parallel_loop3A_189 : vector<16xi32>
      %parallel_loop3A_193 = arith.addi %parallel_loop3A_192, %parallel_loop3A_184 : vector<16xi32>
      %parallel_loop3A_194 = arith.constant 0 : i32
      %parallel_loop3A_195 = arith.addi %parallel_loop3A_173, %parallel_loop3A_194 : i32
      %parallel_loop3A_196 = arith.index_cast %parallel_loop3A_195 : i32 to index
      %parallel_loop3A_197 = tpu.vector_load %arg7[%parallel_loop3A_196] {strides = array<i32>} : memref<1792xi32, #tpu.memory_space<vmem>>, vector<16xi32>,
      tpu.vector_store %arg7[%parallel_loop3A_196], %parallel_loop3A_193 {strides = array<i32>} : memref<1792xi32, #tpu.memory_space<vmem>>, vector<16xi32>,
      %parallel_loop3A_198 = arith.constant 12 : i32
      %parallel_loop3A_199 = arith.addi %parallel_loop3A_171, %parallel_loop3A_198 : i32
      %parallel_loop3A_200 = arith.index_cast %parallel_loop3A_199 : i32 to index
      %parallel_loop3A_201 = tpu.vector_load %arg5[%parallel_loop3A_200] {strides = array<i32>} : memref<8192xf32, #tpu.memory_space<vmem>>, vector<16xf32>,
      %parallel_loop3A_202 = arith.constant 5.000000e-01 : f32
      %parallel_loop3A_203 = vector.broadcast %parallel_loop3A_202 : f32 to vector<16xf32>
      %parallel_loop3A_204 = arith.addf %parallel_loop3A_201, %parallel_loop3A_203 : vector<16xf32>
      %parallel_loop3A_205 = arith.constant 1.83823522E-5 : f32
      %parallel_loop3A_206 = vector.broadcast %parallel_loop3A_205 : f32 to vector<16xf32>
      %parallel_loop3A_207 = arith.mulf %parallel_loop3A_204, %parallel_loop3A_206 : vector<16xf32>
      %parallel_loop3A_208 = arith.fptosi %parallel_loop3A_207 : vector<16xf32> to vector<16xi32>
      %parallel_loop3A_209 = arith.fptosi %parallel_loop3A_201 : vector<16xf32> to vector<16xi32>
      %parallel_loop3A_210 = arith.constant 54400 : i32
      %parallel_loop3A_211 = vector.broadcast %parallel_loop3A_210 : i32 to vector<16xi32>
      %parallel_loop3A_212 = arith.muli %parallel_loop3A_211, %parallel_loop3A_208 : vector<16xi32>
      %parallel_loop3A_213 = arith.subi %parallel_loop3A_209, %parallel_loop3A_212 : vector<16xi32>
      %parallel_loop3A_214 = arith.constant 8 : i32
      %parallel_loop3A_215 = vector.broadcast %parallel_loop3A_214 : i32 to vector<16xi32>
      %parallel_loop3A_216 = arith.muli %parallel_loop3A_215, %parallel_loop3A_213 : vector<16xi32>
      %parallel_loop3A_217 = arith.addi %parallel_loop3A_216, %parallel_loop3A_208 : vector<16xi32>
      %parallel_loop3A_218 = arith.constant 12 : i32
      %parallel_loop3A_219 = arith.addi %parallel_loop3A_173, %parallel_loop3A_218 : i32
      %parallel_loop3A_220 = arith.index_cast %parallel_loop3A_219 : i32 to index
      %parallel_loop3A_221 = tpu.vector_load %arg7[%parallel_loop3A_220] {strides = array<i32>} : memref<1792xi32, #tpu.memory_space<vmem>>, vector<16xi32>,
      tpu.vector_store %arg7[%parallel_loop3A_220], %parallel_loop3A_217 {strides = array<i32>} : memref<1792xi32, #tpu.memory_space<vmem>>, vector<16xi32>,
    } {sc.loop_unroll_factor = 2 : i64, sc.parallel_access}
    %dma_start3A_11 = arith.constant 0 : i32
    %dma_start3A_12 = arith.constant 0 : i32
    %dma_start3A_13 = tpu.memref_slice %arg2[%dma_start3A_11, %dma_start3A_12] : memref<435200x16xf32, #tpu.memory_space<hbm>> -> memref<435200x16xf32, #tpu.memory_space<hbm>>
    tpu.enqueue_indirect_dma source(%dma_start3A_13 : memref<435200x16xf32, #tpu.memory_space<hbm>>) target(%arg9 : memref<1792x16xf32, #tpu.memory_space<vmem>>) offsets(%arg7 : memref<1792xi32, #tpu.memory_space<vmem>>) semaphore(%arg14 : memref<!tpu.dma_semaphore, #tpu.memory_space<semaphore_mem>>)
    %add3A_14 = arith.constant 64 : i32
    %add3A_15 = arith.addi %mul3A_2, %add3A_14 : i32
    %mul3A_16 = arith.constant 128 : i32
    %mul3A_17 = arith.muli %add3A_15, %mul3A_16 : i32
    %dma_start3A_18 = tpu.memref_slice %arg3[%mul3A_17] : memref<2097152xf32, #tpu.memory_space<hbm>> -> memref<8192xf32, #tpu.memory_space<hbm>>
    %dma_start3A_19 = tpu.memref_slice %arg3[%mul3A_17] : memref<2097152xf32, #tpu.memory_space<hbm>> -> memref<8192xf32, #tpu.memory_space<hbm>>
    tpu.enqueue_dma source(%dma_start3A_19 : memref<8192xf32, #tpu.memory_space<hbm>>) target(%arg6 : memref<8192xf32, #tpu.memory_space<vmem>>) target_semaphore(%arg13 : memref<!tpu.dma_semaphore, #tpu.memory_space<semaphore_mem>>)
    %dma_wait3A_20 = tpu.memref_slice %arg3[%mul3A_17] : memref<2097152xf32, #tpu.memory_space<hbm>> -> memref<8192xf32, #tpu.memory_space<hbm>>
    %dma_wait3A_21 = tpu.memref_slice %arg3[%mul3A_17] : memref<2097152xf32, #tpu.memory_space<hbm>> -> memref<8192xf32, #tpu.memory_space<hbm>>
    tpu.wait_dma2 semaphore(%arg13 : memref<!tpu.dma_semaphore, #tpu.memory_space<semaphore_mem>>) src(%dma_wait3A_21 : memref<8192xf32, #tpu.memory_space<hbm>>) dst(%arg6 : memref<8192xf32, #tpu.memory_space<vmem>>)
    %parallel_loop3A_22 = arith.constant 0 : i32
    %parallel_loop3A_23 = arith.constant 64 : i32
    %parallel_loop3A_24 = arith.constant 1 : i32
    scf.for %parallel_loop3A_167 = %parallel_loop3A_22 to %parallel_loop3A_23 step %parallel_loop3A_24  : i32 {
      %parallel_loop3A_168 = arith.constant 128 : i32
      %parallel_loop3A_169 = arith.muli %parallel_loop3A_167, %parallel_loop3A_168 : i32
      %parallel_loop3A_170 = arith.constant 100 : i32
      %parallel_loop3A_171 = arith.addi %parallel_loop3A_169, %parallel_loop3A_170 : i32
      %parallel_loop3A_172 = arith.constant 28 : i32
      %parallel_loop3A_173 = arith.muli %parallel_loop3A_167, %parallel_loop3A_172 : i32
      %parallel_loop3A_174 = arith.constant 0 : i32
      %parallel_loop3A_175 = arith.addi %parallel_loop3A_171, %parallel_loop3A_174 : i32
      %parallel_loop3A_176 = arith.index_cast %parallel_loop3A_175 : i32 to index
      %parallel_loop3A_177 = tpu.vector_load %arg6[%parallel_loop3A_176] {strides = array<i32>} : memref<8192xf32, #tpu.memory_space<vmem>>, vector<16xf32>,
      %parallel_loop3A_178 = arith.constant 5.000000e-01 : f32
      %parallel_loop3A_179 = vector.broadcast %parallel_loop3A_178 : f32 to vector<16xf32>
      %parallel_loop3A_180 = arith.addf %parallel_loop3A_177, %parallel_loop3A_179 : vector<16xf32>
      %parallel_loop3A_181 = arith.constant 1.83823522E-5 : f32
      %parallel_loop3A_182 = vector.broadcast %parallel_loop3A_181 : f32 to vector<16xf32>
      %parallel_loop3A_183 = arith.mulf %parallel_loop3A_180, %parallel_loop3A_182 : vector<16xf32>
      %parallel_loop3A_184 = arith.fptosi %parallel_loop3A_183 : vector<16xf32> to vector<16xi32>
      %parallel_loop3A_185 = arith.fptosi %parallel_loop3A_177 : vector<16xf32> to vector<16xi32>
      %parallel_loop3A_186 = arith.constant 54400 : i32
      %parallel_loop3A_187 = vector.broadcast %parallel_loop3A_186 : i32 to vector<16xi32>
      %parallel_loop3A_188 = arith.muli %parallel_loop3A_187, %parallel_loop3A_184 : vector<16xi32>
      %parallel_loop3A_189 = arith.subi %parallel_loop3A_185, %parallel_loop3A_188 : vector<16xi32>
      %parallel_loop3A_190 = arith.constant 8 : i32
      %parallel_loop3A_191 = vector.broadcast %parallel_loop3A_190 : i32 to vector<16xi32>
      %parallel_loop3A_192 = arith.muli %parallel_loop3A_191, %parallel_loop3A_189 : vector<16xi32>
      %parallel_loop3A_193 = arith.addi %parallel_loop3A_192, %parallel_loop3A_184 : vector<16xi32>
      %parallel_loop3A_194 = arith.constant 0 : i32
      %parallel_loop3A_195 = arith.addi %parallel_loop3A_173, %parallel_loop3A_194 : i32
      %parallel_loop3A_196 = arith.index_cast %parallel_loop3A_195 : i32 to index
      %parallel_loop3A_197 = tpu.vector_load %arg8[%parallel_loop3A_196] {strides = array<i32>} : memref<1792xi32, #tpu.memory_space<vmem>>, vector<16xi32>,
      tpu.vector_store %arg8[%parallel_loop3A_196], %parallel_loop3A_193 {strides = array<i32>} : memref<1792xi32, #tpu.memory_space<vmem>>, vector<16xi32>,
      %parallel_loop3A_198 = arith.constant 12 : i32
      %parallel_loop3A_199 = arith.addi %parallel_loop3A_171, %parallel_loop3A_198 : i32
      %parallel_loop3A_200 = arith.index_cast %parallel_loop3A_199 : i32 to index
      %parallel_loop3A_201 = tpu.vector_load %arg6[%parallel_loop3A_200] {strides = array<i32>} : memref<8192xf32, #tpu.memory_space<vmem>>, vector<16xf32>,
      %parallel_loop3A_202 = arith.constant 5.000000e-01 : f32
      %parallel_loop3A_203 = vector.broadcast %parallel_loop3A_202 : f32 to vector<16xf32>
      %parallel_loop3A_204 = arith.addf %parallel_loop3A_201, %parallel_loop3A_203 : vector<16xf32>
      %parallel_loop3A_205 = arith.constant 1.83823522E-5 : f32
      %parallel_loop3A_206 = vector.broadcast %parallel_loop3A_205 : f32 to vector<16xf32>
      %parallel_loop3A_207 = arith.mulf %parallel_loop3A_204, %parallel_loop3A_206 : vector<16xf32>
      %parallel_loop3A_208 = arith.fptosi %parallel_loop3A_207 : vector<16xf32> to vector<16xi32>
      %parallel_loop3A_209 = arith.fptosi %parallel_loop3A_201 : vector<16xf32> to vector<16xi32>
      %parallel_loop3A_210 = arith.constant 54400 : i32
      %parallel_loop3A_211 = vector.broadcast %parallel_loop3A_210 : i32 to vector<16xi32>
      %parallel_loop3A_212 = arith.muli %parallel_loop3A_211, %parallel_loop3A_208 : vector<16xi32>
      %parallel_loop3A_213 = arith.subi %parallel_loop3A_209, %parallel_loop3A_212 : vector<16xi32>
      %parallel_loop3A_214 = arith.constant 8 : i32
      %parallel_loop3A_215 = vector.broadcast %parallel_loop3A_214 : i32 to vector<16xi32>
      %parallel_loop3A_216 = arith.muli %parallel_loop3A_215, %parallel_loop3A_213 : vector<16xi32>
      %parallel_loop3A_217 = arith.addi %parallel_loop3A_216, %parallel_loop3A_208 : vector<16xi32>
      %parallel_loop3A_218 = arith.constant 12 : i32
      %parallel_loop3A_219 = arith.addi %parallel_loop3A_173, %parallel_loop3A_218 : i32
      %parallel_loop3A_220 = arith.index_cast %parallel_loop3A_219 : i32 to index
      %parallel_loop3A_221 = tpu.vector_load %arg8[%parallel_loop3A_220] {strides = array<i32>} : memref<1792xi32, #tpu.memory_space<vmem>>, vector<16xi32>,
      tpu.vector_store %arg8[%parallel_loop3A_220], %parallel_loop3A_217 {strides = array<i32>} : memref<1792xi32, #tpu.memory_space<vmem>>, vector<16xi32>,
    } {sc.loop_unroll_factor = 2 : i64, sc.parallel_access}
    %dma_start3A_25 = arith.constant 0 : i32
    %dma_start3A_26 = arith.constant 0 : i32
    %dma_start3A_27 = tpu.memref_slice %arg2[%dma_start3A_25, %dma_start3A_26] : memref<435200x16xf32, #tpu.memory_space<hbm>> -> memref<435200x16xf32, #tpu.memory_space<hbm>>
    tpu.enqueue_indirect_dma source(%dma_start3A_27 : memref<435200x16xf32, #tpu.memory_space<hbm>>) target(%arg10 : memref<1792x16xf32, #tpu.memory_space<vmem>>) offsets(%arg8 : memref<1792xi32, #tpu.memory_space<vmem>>) semaphore(%arg15 : memref<!tpu.dma_semaphore, #tpu.memory_space<semaphore_mem>>)
    %add3A_28 = arith.constant 128 : i32
    %add3A_29 = arith.addi %mul3A_2, %add3A_28 : i32
    %mul3A_30 = arith.constant 128 : i32
    %mul3A_31 = arith.muli %add3A_29, %mul3A_30 : i32
    %dma_start3A_32 = tpu.memref_slice %arg3[%mul3A_31] : memref<2097152xf32, #tpu.memory_space<hbm>> -> memref<8192xf32, #tpu.memory_space<hbm>>
    %dma_start3A_33 = tpu.memref_slice %arg3[%mul3A_31] : memref<2097152xf32, #tpu.memory_space<hbm>> -> memref<8192xf32, #tpu.memory_space<hbm>>
    tpu.enqueue_dma source(%dma_start3A_33 : memref<8192xf32, #tpu.memory_space<hbm>>) target(%arg5 : memref<8192xf32, #tpu.memory_space<vmem>>) target_semaphore(%arg12 : memref<!tpu.dma_semaphore, #tpu.memory_space<semaphore_mem>>)
    %dma_wait3A_34 = arith.constant 0 : i32
    %dma_wait3A_35 = arith.constant 0 : i32
    %dma_wait3A_36 = tpu.memref_slice %arg2[%dma_wait3A_34, %dma_wait3A_35] : memref<435200x16xf32, #tpu.memory_space<hbm>> -> memref<435200x16xf32, #tpu.memory_space<hbm>>
    tpu.wait_indirect_dma semaphore(%arg14 : memref<!tpu.dma_semaphore, #tpu.memory_space<semaphore_mem>>) src(%dma_wait3A_36 : memref<435200x16xf32, #tpu.memory_space<hbm>>) dst(%arg9 : memref<1792x16xf32, #tpu.memory_space<vmem>>)
    %iota3A = tpu.iota {dimensions = array<i32: 0>} : vector<16xi32>
    %parallel_loop3A_37 = arith.constant 0 : i32
    %parallel_loop3A_38 = arith.constant 64 : i32
    %parallel_loop3A_39 = arith.constant 1 : i32
    scf.for %parallel_loop3A_167 = %parallel_loop3A_37 to %parallel_loop3A_38 step %parallel_loop3A_39  : i32 {
      %parallel_loop3A_168 = arith.constant 28 : i32
      %parallel_loop3A_169 = arith.muli %parallel_loop3A_167, %parallel_loop3A_168 : i32
      %parallel_loop3A_170 = arith.constant 0 : i32
      %parallel_loop3A_171 = arith.addi %parallel_loop3A_169, %parallel_loop3A_170 : i32
      %parallel_loop3A_172 = arith.index_cast %parallel_loop3A_171 : i32 to index
      %parallel_loop3A_173 = arith.constant 0 : index
      %parallel_loop3A_174 = tpu.vector_load %arg9[%parallel_loop3A_172, %parallel_loop3A_173] {strides = array<i32>} : memref<1792x16xf32, #tpu.memory_space<vmem>>, vector<16xf32>,
      %parallel_loop3A_175 = arith.constant 1 : i32
      %parallel_loop3A_176 = arith.addi %parallel_loop3A_169, %parallel_loop3A_175 : i32
      %parallel_loop3A_177 = arith.index_cast %parallel_loop3A_176 : i32 to index
      %parallel_loop3A_178 = arith.constant 0 : index
      %parallel_loop3A_179 = tpu.vector_load %arg9[%parallel_loop3A_177, %parallel_loop3A_178] {strides = array<i32>} : memref<1792x16xf32, #tpu.memory_space<vmem>>, vector<16xf32>,
      %parallel_loop3A_180 = arith.constant 2 : i32
      %parallel_loop3A_181 = arith.addi %parallel_loop3A_169, %parallel_loop3A_180 : i32
      %parallel_loop3A_182 = arith.index_cast %parallel_loop3A_181 : i32 to index
      %parallel_loop3A_183 = arith.constant 0 : index
      %parallel_loop3A_184 = tpu.vector_load %arg9[%parallel_loop3A_182, %parallel_loop3A_183] {strides = array<i32>} : memref<1792x16xf32, #tpu.memory_space<vmem>>, vector<16xf32>,
      %parallel_loop3A_185 = arith.constant 3 : i32
      %parallel_loop3A_186 = arith.addi %parallel_loop3A_169, %parallel_loop3A_185 : i32
      %parallel_loop3A_187 = arith.index_cast %parallel_loop3A_186 : i32 to index
      %parallel_loop3A_188 = arith.constant 0 : index
      %parallel_loop3A_189 = tpu.vector_load %arg9[%parallel_loop3A_187, %parallel_loop3A_188] {strides = array<i32>} : memref<1792x16xf32, #tpu.memory_space<vmem>>, vector<16xf32>,
      %parallel_loop3A_190 = arith.constant 4 : i32
      %parallel_loop3A_191 = arith.addi %parallel_loop3A_169, %parallel_loop3A_190 : i32
      %parallel_loop3A_192 = arith.index_cast %parallel_loop3A_191 : i32 to index
      %parallel_loop3A_193 = arith.constant 0 : index
      %parallel_loop3A_194 = tpu.vector_load %arg9[%parallel_loop3A_192, %parallel_loop3A_193] {strides = array<i32>} : memref<1792x16xf32, #tpu.memory_space<vmem>>, vector<16xf32>,
      %parallel_loop3A_195 = arith.constant 5 : i32
      %parallel_loop3A_196 = arith.addi %parallel_loop3A_169, %parallel_loop3A_195 : i32
      %parallel_loop3A_197 = arith.index_cast %parallel_loop3A_196 : i32 to index
      %parallel_loop3A_198 = arith.constant 0 : index
      %parallel_loop3A_199 = tpu.vector_load %arg9[%parallel_loop3A_197, %parallel_loop3A_198] {strides = array<i32>} : memref<1792x16xf32, #tpu.memory_space<vmem>>, vector<16xf32>,
      %parallel_loop3A_200 = arith.constant 6 : i32
      %parallel_loop3A_201 = arith.addi %parallel_loop3A_169, %parallel_loop3A_200 : i32
      %parallel_loop3A_202 = arith.index_cast %parallel_loop3A_201 : i32 to index
      %parallel_loop3A_203 = arith.constant 0 : index
      %parallel_loop3A_204 = tpu.vector_load %arg9[%parallel_loop3A_202, %parallel_loop3A_203] {strides = array<i32>} : memref<1792x16xf32, #tpu.memory_space<vmem>>, vector<16xf32>,
      %parallel_loop3A_205 = arith.constant 7 : i32
      %parallel_loop3A_206 = arith.addi %parallel_loop3A_169, %parallel_loop3A_205 : i32
      %parallel_loop3A_207 = arith.index_cast %parallel_loop3A_206 : i32 to index
      %parallel_loop3A_208 = arith.constant 0 : index
      %parallel_loop3A_209 = tpu.vector_load %arg9[%parallel_loop3A_207, %parallel_loop3A_208] {strides = array<i32>} : memref<1792x16xf32, #tpu.memory_space<vmem>>, vector<16xf32>,
      %parallel_loop3A_210 = arith.constant 8 : i32
      %parallel_loop3A_211 = arith.addi %parallel_loop3A_169, %parallel_loop3A_210 : i32
      %parallel_loop3A_212 = arith.index_cast %parallel_loop3A_211 : i32 to index
      %parallel_loop3A_213 = arith.constant 0 : index
      %parallel_loop3A_214 = tpu.vector_load %arg9[%parallel_loop3A_212, %parallel_loop3A_213] {strides = array<i32>} : memref<1792x16xf32, #tpu.memory_space<vmem>>, vector<16xf32>,
      %parallel_loop3A_215 = arith.constant 9 : i32
      %parallel_loop3A_216 = arith.addi %parallel_loop3A_169, %parallel_loop3A_215 : i32
      %parallel_loop3A_217 = arith.index_cast %parallel_loop3A_216 : i32 to index
      %parallel_loop3A_218 = arith.constant 0 : index
      %parallel_loop3A_219 = tpu.vector_load %arg9[%parallel_loop3A_217, %parallel_loop3A_218] {strides = array<i32>} : memref<1792x16xf32, #tpu.memory_space<vmem>>, vector<16xf32>,
      %parallel_loop3A_220 = arith.constant 10 : i32
      %parallel_loop3A_221 = arith.addi %parallel_loop3A_169, %parallel_loop3A_220 : i32
      %parallel_loop3A_222 = arith.index_cast %parallel_loop3A_221 : i32 to index
      %parallel_loop3A_223 = arith.constant 0 : index
      %parallel_loop3A_224 = tpu.vector_load %arg9[%parallel_loop3A_222, %parallel_loop3A_223] {strides = array<i32>} : memref<1792x16xf32, #tpu.memory_space<vmem>>, vector<16xf32>,
      %parallel_loop3A_225 = arith.constant 11 : i32
      %parallel_loop3A_226 = arith.addi %parallel_loop3A_169, %parallel_loop3A_225 : i32
      %parallel_loop3A_227 = arith.index_cast %parallel_loop3A_226 : i32 to index
      %parallel_loop3A_228 = arith.constant 0 : index
      %parallel_loop3A_229 = tpu.vector_load %arg9[%parallel_loop3A_227, %parallel_loop3A_228] {strides = array<i32>} : memref<1792x16xf32, #tpu.memory_space<vmem>>, vector<16xf32>,
      %parallel_loop3A_230 = arith.constant 12 : i32
      %parallel_loop3A_231 = arith.addi %parallel_loop3A_169, %parallel_loop3A_230 : i32
      %parallel_loop3A_232 = arith.index_cast %parallel_loop3A_231 : i32 to index
      %parallel_loop3A_233 = arith.constant 0 : index
      %parallel_loop3A_234 = tpu.vector_load %arg9[%parallel_loop3A_232, %parallel_loop3A_233] {strides = array<i32>} : memref<1792x16xf32, #tpu.memory_space<vmem>>, vector<16xf32>,
      %parallel_loop3A_235 = arith.constant 13 : i32
      %parallel_loop3A_236 = arith.addi %parallel_loop3A_169, %parallel_loop3A_235 : i32
      %parallel_loop3A_237 = arith.index_cast %parallel_loop3A_236 : i32 to index
      %parallel_loop3A_238 = arith.constant 0 : index
      %parallel_loop3A_239 = tpu.vector_load %arg9[%parallel_loop3A_237, %parallel_loop3A_238] {strides = array<i32>} : memref<1792x16xf32, #tpu.memory_space<vmem>>, vector<16xf32>,
      %parallel_loop3A_240 = arith.constant 14 : i32
      %parallel_loop3A_241 = arith.addi %parallel_loop3A_169, %parallel_loop3A_240 : i32
      %parallel_loop3A_242 = arith.index_cast %parallel_loop3A_241 : i32 to index
      %parallel_loop3A_243 = arith.constant 0 : index
      %parallel_loop3A_244 = tpu.vector_load %arg9[%parallel_loop3A_242, %parallel_loop3A_243] {strides = array<i32>} : memref<1792x16xf32, #tpu.memory_space<vmem>>, vector<16xf32>,
      %parallel_loop3A_245 = arith.constant 15 : i32
      %parallel_loop3A_246 = arith.addi %parallel_loop3A_169, %parallel_loop3A_245 : i32
      %parallel_loop3A_247 = arith.index_cast %parallel_loop3A_246 : i32 to index
      %parallel_loop3A_248 = arith.constant 0 : index
      %parallel_loop3A_249 = tpu.vector_load %arg9[%parallel_loop3A_247, %parallel_loop3A_248] {strides = array<i32>} : memref<1792x16xf32, #tpu.memory_space<vmem>>, vector<16xf32>,
      %parallel_loop3A_250 = arith.constant 16 : i32
      %parallel_loop3A_251 = arith.addi %parallel_loop3A_169, %parallel_loop3A_250 : i32
      %parallel_loop3A_252 = arith.index_cast %parallel_loop3A_251 : i32 to index
      %parallel_loop3A_253 = arith.constant 0 : index
      %parallel_loop3A_254 = tpu.vector_load %arg9[%parallel_loop3A_252, %parallel_loop3A_253] {strides = array<i32>} : memref<1792x16xf32, #tpu.memory_space<vmem>>, vector<16xf32>,
      %parallel_loop3A_255 = arith.constant 17 : i32
      %parallel_loop3A_256 = arith.addi %parallel_loop3A_169, %parallel_loop3A_255 : i32
      %parallel_loop3A_257 = arith.index_cast %parallel_loop3A_256 : i32 to index
      %parallel_loop3A_258 = arith.constant 0 : index
      %parallel_loop3A_259 = tpu.vector_load %arg9[%parallel_loop3A_257, %parallel_loop3A_258] {strides = array<i32>} : memref<1792x16xf32, #tpu.memory_space<vmem>>, vector<16xf32>,
      %parallel_loop3A_260 = arith.constant 18 : i32
      %parallel_loop3A_261 = arith.addi %parallel_loop3A_169, %parallel_loop3A_260 : i32
      %parallel_loop3A_262 = arith.index_cast %parallel_loop3A_261 : i32 to index
      %parallel_loop3A_263 = arith.constant 0 : index
      %parallel_loop3A_264 = tpu.vector_load %arg9[%parallel_loop3A_262, %parallel_loop3A_263] {strides = array<i32>} : memref<1792x16xf32, #tpu.memory_space<vmem>>, vector<16xf32>,
      %parallel_loop3A_265 = arith.constant 19 : i32
      %parallel_loop3A_266 = arith.addi %parallel_loop3A_169, %parallel_loop3A_265 : i32
      %parallel_loop3A_267 = arith.index_cast %parallel_loop3A_266 : i32 to index
      %parallel_loop3A_268 = arith.constant 0 : index
      %parallel_loop3A_269 = tpu.vector_load %arg9[%parallel_loop3A_267, %parallel_loop3A_268] {strides = array<i32>} : memref<1792x16xf32, #tpu.memory_space<vmem>>, vector<16xf32>,
      %parallel_loop3A_270 = arith.constant 20 : i32
      %parallel_loop3A_271 = arith.addi %parallel_loop3A_169, %parallel_loop3A_270 : i32
      %parallel_loop3A_272 = arith.index_cast %parallel_loop3A_271 : i32 to index
      %parallel_loop3A_273 = arith.constant 0 : index
      %parallel_loop3A_274 = tpu.vector_load %arg9[%parallel_loop3A_272, %parallel_loop3A_273] {strides = array<i32>} : memref<1792x16xf32, #tpu.memory_space<vmem>>, vector<16xf32>,
      %parallel_loop3A_275 = arith.constant 21 : i32
      %parallel_loop3A_276 = arith.addi %parallel_loop3A_169, %parallel_loop3A_275 : i32
      %parallel_loop3A_277 = arith.index_cast %parallel_loop3A_276 : i32 to index
      %parallel_loop3A_278 = arith.constant 0 : index
      %parallel_loop3A_279 = tpu.vector_load %arg9[%parallel_loop3A_277, %parallel_loop3A_278] {strides = array<i32>} : memref<1792x16xf32, #tpu.memory_space<vmem>>, vector<16xf32>,
      %parallel_loop3A_280 = arith.constant 22 : i32
      %parallel_loop3A_281 = arith.addi %parallel_loop3A_169, %parallel_loop3A_280 : i32
      %parallel_loop3A_282 = arith.index_cast %parallel_loop3A_281 : i32 to index
      %parallel_loop3A_283 = arith.constant 0 : index
      %parallel_loop3A_284 = tpu.vector_load %arg9[%parallel_loop3A_282, %parallel_loop3A_283] {strides = array<i32>} : memref<1792x16xf32, #tpu.memory_space<vmem>>, vector<16xf32>,
      %parallel_loop3A_285 = arith.constant 23 : i32
      %parallel_loop3A_286 = arith.addi %parallel_loop3A_169, %parallel_loop3A_285 : i32
      %parallel_loop3A_287 = arith.index_cast %parallel_loop3A_286 : i32 to index
      %parallel_loop3A_288 = arith.constant 0 : index
      %parallel_loop3A_289 = tpu.vector_load %arg9[%parallel_loop3A_287, %parallel_loop3A_288] {strides = array<i32>} : memref<1792x16xf32, #tpu.memory_space<vmem>>, vector<16xf32>,
      %parallel_loop3A_290 = arith.constant 24 : i32
      %parallel_loop3A_291 = arith.addi %parallel_loop3A_169, %parallel_loop3A_290 : i32
      %parallel_loop3A_292 = arith.index_cast %parallel_loop3A_291 : i32 to index
      %parallel_loop3A_293 = arith.constant 0 : index
      %parallel_loop3A_294 = tpu.vector_load %arg9[%parallel_loop3A_292, %parallel_loop3A_293] {strides = array<i32>} : memref<1792x16xf32, #tpu.memory_space<vmem>>, vector<16xf32>,
      %parallel_loop3A_295 = arith.constant 25 : i32
      %parallel_loop3A_296 = arith.addi %parallel_loop3A_169, %parallel_loop3A_295 : i32
      %parallel_loop3A_297 = arith.index_cast %parallel_loop3A_296 : i32 to index
      %parallel_loop3A_298 = arith.constant 0 : index
      %parallel_loop3A_299 = tpu.vector_load %arg9[%parallel_loop3A_297, %parallel_loop3A_298] {strides = array<i32>} : memref<1792x16xf32, #tpu.memory_space<vmem>>, vector<16xf32>,
      %parallel_loop3A_300 = arith.constant 26 : i32
      %parallel_loop3A_301 = arith.addi %parallel_loop3A_169, %parallel_loop3A_300 : i32
      %parallel_loop3A_302 = arith.index_cast %parallel_loop3A_301 : i32 to index
      %parallel_loop3A_303 = arith.constant 0 : index
      %parallel_loop3A_304 = tpu.vector_load %arg9[%parallel_loop3A_302, %parallel_loop3A_303] {strides = array<i32>} : memref<1792x16xf32, #tpu.memory_space<vmem>>, vector<16xf32>,
      %parallel_loop3A_305 = arith.constant 27 : i32
      %parallel_loop3A_306 = arith.addi %parallel_loop3A_169, %parallel_loop3A_305 : i32
      %parallel_loop3A_307 = arith.index_cast %parallel_loop3A_306 : i32 to index
      %parallel_loop3A_308 = arith.constant 0 : index
      %parallel_loop3A_309 = tpu.vector_load %arg9[%parallel_loop3A_307, %parallel_loop3A_308] {strides = array<i32>} : memref<1792x16xf32, #tpu.memory_space<vmem>>, vector<16xf32>,
      %parallel_loop3A_310 = arith.addf %parallel_loop3A_174, %parallel_loop3A_179 : vector<16xf32>
      %parallel_loop3A_311 = arith.addf %parallel_loop3A_184, %parallel_loop3A_189 : vector<16xf32>
      %parallel_loop3A_312 = arith.addf %parallel_loop3A_194, %parallel_loop3A_199 : vector<16xf32>
      %parallel_loop3A_313 = arith.addf %parallel_loop3A_204, %parallel_loop3A_209 : vector<16xf32>
      %parallel_loop3A_314 = arith.addf %parallel_loop3A_214, %parallel_loop3A_219 : vector<16xf32>
      %parallel_loop3A_315 = arith.addf %parallel_loop3A_224, %parallel_loop3A_229 : vector<16xf32>
      %parallel_loop3A_316 = arith.addf %parallel_loop3A_234, %parallel_loop3A_239 : vector<16xf32>
      %parallel_loop3A_317 = arith.addf %parallel_loop3A_244, %parallel_loop3A_249 : vector<16xf32>
      %parallel_loop3A_318 = arith.addf %parallel_loop3A_254, %parallel_loop3A_259 : vector<16xf32>
      %parallel_loop3A_319 = arith.addf %parallel_loop3A_264, %parallel_loop3A_269 : vector<16xf32>
      %parallel_loop3A_320 = arith.addf %parallel_loop3A_274, %parallel_loop3A_279 : vector<16xf32>
      %parallel_loop3A_321 = arith.addf %parallel_loop3A_284, %parallel_loop3A_289 : vector<16xf32>
      %parallel_loop3A_322 = arith.addf %parallel_loop3A_294, %parallel_loop3A_299 : vector<16xf32>
      %parallel_loop3A_323 = arith.addf %parallel_loop3A_304, %parallel_loop3A_309 : vector<16xf32>
      %parallel_loop3A_324 = arith.addf %parallel_loop3A_310, %parallel_loop3A_311 : vector<16xf32>
      %parallel_loop3A_325 = arith.addf %parallel_loop3A_312, %parallel_loop3A_313 : vector<16xf32>
      %parallel_loop3A_326 = arith.addf %parallel_loop3A_314, %parallel_loop3A_315 : vector<16xf32>
      %parallel_loop3A_327 = arith.addf %parallel_loop3A_316, %parallel_loop3A_317 : vector<16xf32>
      %parallel_loop3A_328 = arith.addf %parallel_loop3A_318, %parallel_loop3A_319 : vector<16xf32>
      %parallel_loop3A_329 = arith.addf %parallel_loop3A_320, %parallel_loop3A_321 : vector<16xf32>
      %parallel_loop3A_330 = arith.addf %parallel_loop3A_322, %parallel_loop3A_323 : vector<16xf32>
      %parallel_loop3A_331 = arith.addf %parallel_loop3A_324, %parallel_loop3A_325 : vector<16xf32>
      %parallel_loop3A_332 = arith.addf %parallel_loop3A_326, %parallel_loop3A_327 : vector<16xf32>
      %parallel_loop3A_333 = arith.addf %parallel_loop3A_328, %parallel_loop3A_329 : vector<16xf32>
      %parallel_loop3A_334 = arith.addf %parallel_loop3A_331, %parallel_loop3A_332 : vector<16xf32>
      %parallel_loop3A_335 = arith.addf %parallel_loop3A_333, %parallel_loop3A_330 : vector<16xf32>
      %parallel_loop3A_336 = arith.addf %parallel_loop3A_334, %parallel_loop3A_335 : vector<16xf32>
      %parallel_loop3A_337 = arith.constant 0 : i32
      %parallel_loop3A_338 = vector.broadcast %parallel_loop3A_337 : i32 to vector<16xi32>
      %parallel_loop3A_339 = vector.broadcast %parallel_loop3A_167 : i32 to vector<16xi32>
      %parallel_loop3A_340 = arith.addi %parallel_loop3A_338, %parallel_loop3A_339 : vector<16xi32>
      tpu.vector_store_idx %arg11[%iota3A, %parallel_loop3A_340], %parallel_loop3A_336 : memref<16x512xf32, #tpu.memory_space<vmem>>[vector<16xi32>, vector<16xi32>], vector<16xf32>,
    } {sc.loop_unroll_factor = 2 : i64, sc.parallel_access}
    %dma_wait3A_40 = tpu.memref_slice %arg3[%mul3A_31] : memref<2097152xf32, #tpu.memory_space<hbm>> -> memref<8192xf32, #tpu.memory_space<hbm>>
    %dma_wait3A_41 = tpu.memref_slice %arg3[%mul3A_31] : memref<2097152xf32, #tpu.memory_space<hbm>> -> memref<8192xf32, #tpu.memory_space<hbm>>
    tpu.wait_dma2 semaphore(%arg12 : memref<!tpu.dma_semaphore, #tpu.memory_space<semaphore_mem>>) src(%dma_wait3A_41 : memref<8192xf32, #tpu.memory_space<hbm>>) dst(%arg5 : memref<8192xf32, #tpu.memory_space<vmem>>)
    %parallel_loop3A_42 = arith.constant 0 : i32
    %parallel_loop3A_43 = arith.constant 64 : i32
    %parallel_loop3A_44 = arith.constant 1 : i32
    scf.for %parallel_loop3A_167 = %parallel_loop3A_42 to %parallel_loop3A_43 step %parallel_loop3A_44  : i32 {
      %parallel_loop3A_168 = arith.constant 128 : i32
      %parallel_loop3A_169 = arith.muli %parallel_loop3A_167, %parallel_loop3A_168 : i32
      %parallel_loop3A_170 = arith.constant 100 : i32
      %parallel_loop3A_171 = arith.addi %parallel_loop3A_169, %parallel_loop3A_170 : i32
      %parallel_loop3A_172 = arith.constant 28 : i32
      %parallel_loop3A_173 = arith.muli %parallel_loop3A_167, %parallel_loop3A_172 : i32
      %parallel_loop3A_174 = arith.constant 0 : i32
      %parallel_loop3A_175 = arith.addi %parallel_loop3A_171, %parallel_loop3A_174 : i32
      %parallel_loop3A_176 = arith.index_cast %parallel_loop3A_175 : i32 to index
      %parallel_loop3A_177 = tpu.vector_load %arg5[%parallel_loop3A_176] {strides = array<i32>} : memref<8192xf32, #tpu.memory_space<vmem>>, vector<16xf32>,
      %parallel_loop3A_178 = arith.constant 5.000000e-01 : f32
      %parallel_loop3A_179 = vector.broadcast %parallel_loop3A_178 : f32 to vector<16xf32>
      %parallel_loop3A_180 = arith.addf %parallel_loop3A_177, %parallel_loop3A_179 : vector<16xf32>
      %parallel_loop3A_181 = arith.constant 1.83823522E-5 : f32
      %parallel_loop3A_182 = vector.broadcast %parallel_loop3A_181 : f32 to vector<16xf32>
      %parallel_loop3A_183 = arith.mulf %parallel_loop3A_180, %parallel_loop3A_182 : vector<16xf32>
      %parallel_loop3A_184 = arith.fptosi %parallel_loop3A_183 : vector<16xf32> to vector<16xi32>
      %parallel_loop3A_185 = arith.fptosi %parallel_loop3A_177 : vector<16xf32> to vector<16xi32>
      %parallel_loop3A_186 = arith.constant 54400 : i32
      %parallel_loop3A_187 = vector.broadcast %parallel_loop3A_186 : i32 to vector<16xi32>
      %parallel_loop3A_188 = arith.muli %parallel_loop3A_187, %parallel_loop3A_184 : vector<16xi32>
      %parallel_loop3A_189 = arith.subi %parallel_loop3A_185, %parallel_loop3A_188 : vector<16xi32>
      %parallel_loop3A_190 = arith.constant 8 : i32
      %parallel_loop3A_191 = vector.broadcast %parallel_loop3A_190 : i32 to vector<16xi32>
      %parallel_loop3A_192 = arith.muli %parallel_loop3A_191, %parallel_loop3A_189 : vector<16xi32>
      %parallel_loop3A_193 = arith.addi %parallel_loop3A_192, %parallel_loop3A_184 : vector<16xi32>
      %parallel_loop3A_194 = arith.constant 0 : i32
      %parallel_loop3A_195 = arith.addi %parallel_loop3A_173, %parallel_loop3A_194 : i32
      %parallel_loop3A_196 = arith.index_cast %parallel_loop3A_195 : i32 to index
      %parallel_loop3A_197 = tpu.vector_load %arg7[%parallel_loop3A_196] {strides = array<i32>} : memref<1792xi32, #tpu.memory_space<vmem>>, vector<16xi32>,
      tpu.vector_store %arg7[%parallel_loop3A_196], %parallel_loop3A_193 {strides = array<i32>} : memref<1792xi32, #tpu.memory_space<vmem>>, vector<16xi32>,
      %parallel_loop3A_198 = arith.constant 12 : i32
      %parallel_loop3A_199 = arith.addi %parallel_loop3A_171, %parallel_loop3A_198 : i32
      %parallel_loop3A_200 = arith.index_cast %parallel_loop3A_199 : i32 to index
      %parallel_loop3A_201 = tpu.vector_load %arg5[%parallel_loop3A_200] {strides = array<i32>} : memref<8192xf32, #tpu.memory_space<vmem>>, vector<16xf32>,
      %parallel_loop3A_202 = arith.constant 5.000000e-01 : f32
      %parallel_loop3A_203 = vector.broadcast %parallel_loop3A_202 : f32 to vector<16xf32>
      %parallel_loop3A_204 = arith.addf %parallel_loop3A_201, %parallel_loop3A_203 : vector<16xf32>
      %parallel_loop3A_205 = arith.constant 1.83823522E-5 : f32
      %parallel_loop3A_206 = vector.broadcast %parallel_loop3A_205 : f32 to vector<16xf32>
      %parallel_loop3A_207 = arith.mulf %parallel_loop3A_204, %parallel_loop3A_206 : vector<16xf32>
      %parallel_loop3A_208 = arith.fptosi %parallel_loop3A_207 : vector<16xf32> to vector<16xi32>
      %parallel_loop3A_209 = arith.fptosi %parallel_loop3A_201 : vector<16xf32> to vector<16xi32>
      %parallel_loop3A_210 = arith.constant 54400 : i32
      %parallel_loop3A_211 = vector.broadcast %parallel_loop3A_210 : i32 to vector<16xi32>
      %parallel_loop3A_212 = arith.muli %parallel_loop3A_211, %parallel_loop3A_208 : vector<16xi32>
      %parallel_loop3A_213 = arith.subi %parallel_loop3A_209, %parallel_loop3A_212 : vector<16xi32>
      %parallel_loop3A_214 = arith.constant 8 : i32
      %parallel_loop3A_215 = vector.broadcast %parallel_loop3A_214 : i32 to vector<16xi32>
      %parallel_loop3A_216 = arith.muli %parallel_loop3A_215, %parallel_loop3A_213 : vector<16xi32>
      %parallel_loop3A_217 = arith.addi %parallel_loop3A_216, %parallel_loop3A_208 : vector<16xi32>
      %parallel_loop3A_218 = arith.constant 12 : i32
      %parallel_loop3A_219 = arith.addi %parallel_loop3A_173, %parallel_loop3A_218 : i32
      %parallel_loop3A_220 = arith.index_cast %parallel_loop3A_219 : i32 to index
      %parallel_loop3A_221 = tpu.vector_load %arg7[%parallel_loop3A_220] {strides = array<i32>} : memref<1792xi32, #tpu.memory_space<vmem>>, vector<16xi32>,
      tpu.vector_store %arg7[%parallel_loop3A_220], %parallel_loop3A_217 {strides = array<i32>} : memref<1792xi32, #tpu.memory_space<vmem>>, vector<16xi32>,
    } {sc.loop_unroll_factor = 2 : i64, sc.parallel_access}
    %dma_start3A_45 = arith.constant 0 : i32
    %dma_start3A_46 = arith.constant 0 : i32
    %dma_start3A_47 = tpu.memref_slice %arg2[%dma_start3A_45, %dma_start3A_46] : memref<435200x16xf32, #tpu.memory_space<hbm>> -> memref<435200x16xf32, #tpu.memory_space<hbm>>
    tpu.enqueue_indirect_dma source(%dma_start3A_47 : memref<435200x16xf32, #tpu.memory_space<hbm>>) target(%arg9 : memref<1792x16xf32, #tpu.memory_space<vmem>>) offsets(%arg7 : memref<1792xi32, #tpu.memory_space<vmem>>) semaphore(%arg14 : memref<!tpu.dma_semaphore, #tpu.memory_space<semaphore_mem>>)
    %add3A_48 = arith.constant 192 : i32
    %add3A_49 = arith.addi %mul3A_2, %add3A_48 : i32
    %mul3A_50 = arith.constant 128 : i32
    %mul3A_51 = arith.muli %add3A_49, %mul3A_50 : i32
    %dma_start3A_52 = tpu.memref_slice %arg3[%mul3A_51] : memref<2097152xf32, #tpu.memory_space<hbm>> -> memref<8192xf32, #tpu.memory_space<hbm>>
    %dma_start3A_53 = tpu.memref_slice %arg3[%mul3A_51] : memref<2097152xf32, #tpu.memory_space<hbm>> -> memref<8192xf32, #tpu.memory_space<hbm>>
    tpu.enqueue_dma source(%dma_start3A_53 : memref<8192xf32, #tpu.memory_space<hbm>>) target(%arg6 : memref<8192xf32, #tpu.memory_space<vmem>>) target_semaphore(%arg13 : memref<!tpu.dma_semaphore, #tpu.memory_space<semaphore_mem>>)
    %dma_wait3A_54 = arith.constant 0 : i32
    %dma_wait3A_55 = arith.constant 0 : i32
    %dma_wait3A_56 = tpu.memref_slice %arg2[%dma_wait3A_54, %dma_wait3A_55] : memref<435200x16xf32, #tpu.memory_space<hbm>> -> memref<435200x16xf32, #tpu.memory_space<hbm>>
    tpu.wait_indirect_dma semaphore(%arg15 : memref<!tpu.dma_semaphore, #tpu.memory_space<semaphore_mem>>) src(%dma_wait3A_56 : memref<435200x16xf32, #tpu.memory_space<hbm>>) dst(%arg10 : memref<1792x16xf32, #tpu.memory_space<vmem>>)
    %iota3A_57 = tpu.iota {dimensions = array<i32: 0>} : vector<16xi32>
    %parallel_loop3A_58 = arith.constant 0 : i32
    %parallel_loop3A_59 = arith.constant 64 : i32
    %parallel_loop3A_60 = arith.constant 1 : i32
    scf.for %parallel_loop3A_167 = %parallel_loop3A_58 to %parallel_loop3A_59 step %parallel_loop3A_60  : i32 {
      %parallel_loop3A_168 = arith.constant 28 : i32
      %parallel_loop3A_169 = arith.muli %parallel_loop3A_167, %parallel_loop3A_168 : i32
      %parallel_loop3A_170 = arith.constant 0 : i32
      %parallel_loop3A_171 = arith.addi %parallel_loop3A_169, %parallel_loop3A_170 : i32
      %parallel_loop3A_172 = arith.index_cast %parallel_loop3A_171 : i32 to index
      %parallel_loop3A_173 = arith.constant 0 : index
      %parallel_loop3A_174 = tpu.vector_load %arg10[%parallel_loop3A_172, %parallel_loop3A_173] {strides = array<i32>} : memref<1792x16xf32, #tpu.memory_space<vmem>>, vector<16xf32>,
      %parallel_loop3A_175 = arith.constant 1 : i32
      %parallel_loop3A_176 = arith.addi %parallel_loop3A_169, %parallel_loop3A_175 : i32
      %parallel_loop3A_177 = arith.index_cast %parallel_loop3A_176 : i32 to index
      %parallel_loop3A_178 = arith.constant 0 : index
      %parallel_loop3A_179 = tpu.vector_load %arg10[%parallel_loop3A_177, %parallel_loop3A_178] {strides = array<i32>} : memref<1792x16xf32, #tpu.memory_space<vmem>>, vector<16xf32>,
      %parallel_loop3A_180 = arith.constant 2 : i32
      %parallel_loop3A_181 = arith.addi %parallel_loop3A_169, %parallel_loop3A_180 : i32
      %parallel_loop3A_182 = arith.index_cast %parallel_loop3A_181 : i32 to index
      %parallel_loop3A_183 = arith.constant 0 : index
      %parallel_loop3A_184 = tpu.vector_load %arg10[%parallel_loop3A_182, %parallel_loop3A_183] {strides = array<i32>} : memref<1792x16xf32, #tpu.memory_space<vmem>>, vector<16xf32>,
      %parallel_loop3A_185 = arith.constant 3 : i32
      %parallel_loop3A_186 = arith.addi %parallel_loop3A_169, %parallel_loop3A_185 : i32
      %parallel_loop3A_187 = arith.index_cast %parallel_loop3A_186 : i32 to index
      %parallel_loop3A_188 = arith.constant 0 : index
      %parallel_loop3A_189 = tpu.vector_load %arg10[%parallel_loop3A_187, %parallel_loop3A_188] {strides = array<i32>} : memref<1792x16xf32, #tpu.memory_space<vmem>>, vector<16xf32>,
      %parallel_loop3A_190 = arith.constant 4 : i32
      %parallel_loop3A_191 = arith.addi %parallel_loop3A_169, %parallel_loop3A_190 : i32
      %parallel_loop3A_192 = arith.index_cast %parallel_loop3A_191 : i32 to index
      %parallel_loop3A_193 = arith.constant 0 : index
      %parallel_loop3A_194 = tpu.vector_load %arg10[%parallel_loop3A_192, %parallel_loop3A_193] {strides = array<i32>} : memref<1792x16xf32, #tpu.memory_space<vmem>>, vector<16xf32>,
      %parallel_loop3A_195 = arith.constant 5 : i32
      %parallel_loop3A_196 = arith.addi %parallel_loop3A_169, %parallel_loop3A_195 : i32
      %parallel_loop3A_197 = arith.index_cast %parallel_loop3A_196 : i32 to index
      %parallel_loop3A_198 = arith.constant 0 : index
      %parallel_loop3A_199 = tpu.vector_load %arg10[%parallel_loop3A_197, %parallel_loop3A_198] {strides = array<i32>} : memref<1792x16xf32, #tpu.memory_space<vmem>>, vector<16xf32>,
      %parallel_loop3A_200 = arith.constant 6 : i32
      %parallel_loop3A_201 = arith.addi %parallel_loop3A_169, %parallel_loop3A_200 : i32
      %parallel_loop3A_202 = arith.index_cast %parallel_loop3A_201 : i32 to index
      %parallel_loop3A_203 = arith.constant 0 : index
      %parallel_loop3A_204 = tpu.vector_load %arg10[%parallel_loop3A_202, %parallel_loop3A_203] {strides = array<i32>} : memref<1792x16xf32, #tpu.memory_space<vmem>>, vector<16xf32>,
      %parallel_loop3A_205 = arith.constant 7 : i32
      %parallel_loop3A_206 = arith.addi %parallel_loop3A_169, %parallel_loop3A_205 : i32
      %parallel_loop3A_207 = arith.index_cast %parallel_loop3A_206 : i32 to index
      %parallel_loop3A_208 = arith.constant 0 : index
      %parallel_loop3A_209 = tpu.vector_load %arg10[%parallel_loop3A_207, %parallel_loop3A_208] {strides = array<i32>} : memref<1792x16xf32, #tpu.memory_space<vmem>>, vector<16xf32>,
      %parallel_loop3A_210 = arith.constant 8 : i32
      %parallel_loop3A_211 = arith.addi %parallel_loop3A_169, %parallel_loop3A_210 : i32
      %parallel_loop3A_212 = arith.index_cast %parallel_loop3A_211 : i32 to index
      %parallel_loop3A_213 = arith.constant 0 : index
      %parallel_loop3A_214 = tpu.vector_load %arg10[%parallel_loop3A_212, %parallel_loop3A_213] {strides = array<i32>} : memref<1792x16xf32, #tpu.memory_space<vmem>>, vector<16xf32>,
      %parallel_loop3A_215 = arith.constant 9 : i32
      %parallel_loop3A_216 = arith.addi %parallel_loop3A_169, %parallel_loop3A_215 : i32
      %parallel_loop3A_217 = arith.index_cast %parallel_loop3A_216 : i32 to index
      %parallel_loop3A_218 = arith.constant 0 : index
      %parallel_loop3A_219 = tpu.vector_load %arg10[%parallel_loop3A_217, %parallel_loop3A_218] {strides = array<i32>} : memref<1792x16xf32, #tpu.memory_space<vmem>>, vector<16xf32>,
      %parallel_loop3A_220 = arith.constant 10 : i32
      %parallel_loop3A_221 = arith.addi %parallel_loop3A_169, %parallel_loop3A_220 : i32
      %parallel_loop3A_222 = arith.index_cast %parallel_loop3A_221 : i32 to index
      %parallel_loop3A_223 = arith.constant 0 : index
      %parallel_loop3A_224 = tpu.vector_load %arg10[%parallel_loop3A_222, %parallel_loop3A_223] {strides = array<i32>} : memref<1792x16xf32, #tpu.memory_space<vmem>>, vector<16xf32>,
      %parallel_loop3A_225 = arith.constant 11 : i32
      %parallel_loop3A_226 = arith.addi %parallel_loop3A_169, %parallel_loop3A_225 : i32
      %parallel_loop3A_227 = arith.index_cast %parallel_loop3A_226 : i32 to index
      %parallel_loop3A_228 = arith.constant 0 : index
      %parallel_loop3A_229 = tpu.vector_load %arg10[%parallel_loop3A_227, %parallel_loop3A_228] {strides = array<i32>} : memref<1792x16xf32, #tpu.memory_space<vmem>>, vector<16xf32>,
      %parallel_loop3A_230 = arith.constant 12 : i32
      %parallel_loop3A_231 = arith.addi %parallel_loop3A_169, %parallel_loop3A_230 : i32
      %parallel_loop3A_232 = arith.index_cast %parallel_loop3A_231 : i32 to index
      %parallel_loop3A_233 = arith.constant 0 : index
      %parallel_loop3A_234 = tpu.vector_load %arg10[%parallel_loop3A_232, %parallel_loop3A_233] {strides = array<i32>} : memref<1792x16xf32, #tpu.memory_space<vmem>>, vector<16xf32>,
      %parallel_loop3A_235 = arith.constant 13 : i32
      %parallel_loop3A_236 = arith.addi %parallel_loop3A_169, %parallel_loop3A_235 : i32
      %parallel_loop3A_237 = arith.index_cast %parallel_loop3A_236 : i32 to index
      %parallel_loop3A_238 = arith.constant 0 : index
      %parallel_loop3A_239 = tpu.vector_load %arg10[%parallel_loop3A_237, %parallel_loop3A_238] {strides = array<i32>} : memref<1792x16xf32, #tpu.memory_space<vmem>>, vector<16xf32>,
      %parallel_loop3A_240 = arith.constant 14 : i32
      %parallel_loop3A_241 = arith.addi %parallel_loop3A_169, %parallel_loop3A_240 : i32
      %parallel_loop3A_242 = arith.index_cast %parallel_loop3A_241 : i32 to index
      %parallel_loop3A_243 = arith.constant 0 : index
      %parallel_loop3A_244 = tpu.vector_load %arg10[%parallel_loop3A_242, %parallel_loop3A_243] {strides = array<i32>} : memref<1792x16xf32, #tpu.memory_space<vmem>>, vector<16xf32>,
      %parallel_loop3A_245 = arith.constant 15 : i32
      %parallel_loop3A_246 = arith.addi %parallel_loop3A_169, %parallel_loop3A_245 : i32
      %parallel_loop3A_247 = arith.index_cast %parallel_loop3A_246 : i32 to index
      %parallel_loop3A_248 = arith.constant 0 : index
      %parallel_loop3A_249 = tpu.vector_load %arg10[%parallel_loop3A_247, %parallel_loop3A_248] {strides = array<i32>} : memref<1792x16xf32, #tpu.memory_space<vmem>>, vector<16xf32>,
      %parallel_loop3A_250 = arith.constant 16 : i32
      %parallel_loop3A_251 = arith.addi %parallel_loop3A_169, %parallel_loop3A_250 : i32
      %parallel_loop3A_252 = arith.index_cast %parallel_loop3A_251 : i32 to index
      %parallel_loop3A_253 = arith.constant 0 : index
      %parallel_loop3A_254 = tpu.vector_load %arg10[%parallel_loop3A_252, %parallel_loop3A_253] {strides = array<i32>} : memref<1792x16xf32, #tpu.memory_space<vmem>>, vector<16xf32>,
      %parallel_loop3A_255 = arith.constant 17 : i32
      %parallel_loop3A_256 = arith.addi %parallel_loop3A_169, %parallel_loop3A_255 : i32
      %parallel_loop3A_257 = arith.index_cast %parallel_loop3A_256 : i32 to index
      %parallel_loop3A_258 = arith.constant 0 : index
      %parallel_loop3A_259 = tpu.vector_load %arg10[%parallel_loop3A_257, %parallel_loop3A_258] {strides = array<i32>} : memref<1792x16xf32, #tpu.memory_space<vmem>>, vector<16xf32>,
      %parallel_loop3A_260 = arith.constant 18 : i32
      %parallel_loop3A_261 = arith.addi %parallel_loop3A_169, %parallel_loop3A_260 : i32
      %parallel_loop3A_262 = arith.index_cast %parallel_loop3A_261 : i32 to index
      %parallel_loop3A_263 = arith.constant 0 : index
      %parallel_loop3A_264 = tpu.vector_load %arg10[%parallel_loop3A_262, %parallel_loop3A_263] {strides = array<i32>} : memref<1792x16xf32, #tpu.memory_space<vmem>>, vector<16xf32>,
      %parallel_loop3A_265 = arith.constant 19 : i32
      %parallel_loop3A_266 = arith.addi %parallel_loop3A_169, %parallel_loop3A_265 : i32
      %parallel_loop3A_267 = arith.index_cast %parallel_loop3A_266 : i32 to index
      %parallel_loop3A_268 = arith.constant 0 : index
      %parallel_loop3A_269 = tpu.vector_load %arg10[%parallel_loop3A_267, %parallel_loop3A_268] {strides = array<i32>} : memref<1792x16xf32, #tpu.memory_space<vmem>>, vector<16xf32>,
      %parallel_loop3A_270 = arith.constant 20 : i32
      %parallel_loop3A_271 = arith.addi %parallel_loop3A_169, %parallel_loop3A_270 : i32
      %parallel_loop3A_272 = arith.index_cast %parallel_loop3A_271 : i32 to index
      %parallel_loop3A_273 = arith.constant 0 : index
      %parallel_loop3A_274 = tpu.vector_load %arg10[%parallel_loop3A_272, %parallel_loop3A_273] {strides = array<i32>} : memref<1792x16xf32, #tpu.memory_space<vmem>>, vector<16xf32>,
      %parallel_loop3A_275 = arith.constant 21 : i32
      %parallel_loop3A_276 = arith.addi %parallel_loop3A_169, %parallel_loop3A_275 : i32
      %parallel_loop3A_277 = arith.index_cast %parallel_loop3A_276 : i32 to index
      %parallel_loop3A_278 = arith.constant 0 : index
      %parallel_loop3A_279 = tpu.vector_load %arg10[%parallel_loop3A_277, %parallel_loop3A_278] {strides = array<i32>} : memref<1792x16xf32, #tpu.memory_space<vmem>>, vector<16xf32>,
      %parallel_loop3A_280 = arith.constant 22 : i32
      %parallel_loop3A_281 = arith.addi %parallel_loop3A_169, %parallel_loop3A_280 : i32
      %parallel_loop3A_282 = arith.index_cast %parallel_loop3A_281 : i32 to index
      %parallel_loop3A_283 = arith.constant 0 : index
      %parallel_loop3A_284 = tpu.vector_load %arg10[%parallel_loop3A_282, %parallel_loop3A_283] {strides = array<i32>} : memref<1792x16xf32, #tpu.memory_space<vmem>>, vector<16xf32>,
      %parallel_loop3A_285 = arith.constant 23 : i32
      %parallel_loop3A_286 = arith.addi %parallel_loop3A_169, %parallel_loop3A_285 : i32
      %parallel_loop3A_287 = arith.index_cast %parallel_loop3A_286 : i32 to index
      %parallel_loop3A_288 = arith.constant 0 : index
      %parallel_loop3A_289 = tpu.vector_load %arg10[%parallel_loop3A_287, %parallel_loop3A_288] {strides = array<i32>} : memref<1792x16xf32, #tpu.memory_space<vmem>>, vector<16xf32>,
      %parallel_loop3A_290 = arith.constant 24 : i32
      %parallel_loop3A_291 = arith.addi %parallel_loop3A_169, %parallel_loop3A_290 : i32
      %parallel_loop3A_292 = arith.index_cast %parallel_loop3A_291 : i32 to index
      %parallel_loop3A_293 = arith.constant 0 : index
      %parallel_loop3A_294 = tpu.vector_load %arg10[%parallel_loop3A_292, %parallel_loop3A_293] {strides = array<i32>} : memref<1792x16xf32, #tpu.memory_space<vmem>>, vector<16xf32>,
      %parallel_loop3A_295 = arith.constant 25 : i32
      %parallel_loop3A_296 = arith.addi %parallel_loop3A_169, %parallel_loop3A_295 : i32
      %parallel_loop3A_297 = arith.index_cast %parallel_loop3A_296 : i32 to index
      %parallel_loop3A_298 = arith.constant 0 : index
      %parallel_loop3A_299 = tpu.vector_load %arg10[%parallel_loop3A_297, %parallel_loop3A_298] {strides = array<i32>} : memref<1792x16xf32, #tpu.memory_space<vmem>>, vector<16xf32>,
      %parallel_loop3A_300 = arith.constant 26 : i32
      %parallel_loop3A_301 = arith.addi %parallel_loop3A_169, %parallel_loop3A_300 : i32
      %parallel_loop3A_302 = arith.index_cast %parallel_loop3A_301 : i32 to index
      %parallel_loop3A_303 = arith.constant 0 : index
      %parallel_loop3A_304 = tpu.vector_load %arg10[%parallel_loop3A_302, %parallel_loop3A_303] {strides = array<i32>} : memref<1792x16xf32, #tpu.memory_space<vmem>>, vector<16xf32>,
      %parallel_loop3A_305 = arith.constant 27 : i32
      %parallel_loop3A_306 = arith.addi %parallel_loop3A_169, %parallel_loop3A_305 : i32
      %parallel_loop3A_307 = arith.index_cast %parallel_loop3A_306 : i32 to index
      %parallel_loop3A_308 = arith.constant 0 : index
      %parallel_loop3A_309 = tpu.vector_load %arg10[%parallel_loop3A_307, %parallel_loop3A_308] {strides = array<i32>} : memref<1792x16xf32, #tpu.memory_space<vmem>>, vector<16xf32>,
      %parallel_loop3A_310 = arith.addf %parallel_loop3A_174, %parallel_loop3A_179 : vector<16xf32>
      %parallel_loop3A_311 = arith.addf %parallel_loop3A_184, %parallel_loop3A_189 : vector<16xf32>
      %parallel_loop3A_312 = arith.addf %parallel_loop3A_194, %parallel_loop3A_199 : vector<16xf32>
      %parallel_loop3A_313 = arith.addf %parallel_loop3A_204, %parallel_loop3A_209 : vector<16xf32>
      %parallel_loop3A_314 = arith.addf %parallel_loop3A_214, %parallel_loop3A_219 : vector<16xf32>
      %parallel_loop3A_315 = arith.addf %parallel_loop3A_224, %parallel_loop3A_229 : vector<16xf32>
      %parallel_loop3A_316 = arith.addf %parallel_loop3A_234, %parallel_loop3A_239 : vector<16xf32>
      %parallel_loop3A_317 = arith.addf %parallel_loop3A_244, %parallel_loop3A_249 : vector<16xf32>
      %parallel_loop3A_318 = arith.addf %parallel_loop3A_254, %parallel_loop3A_259 : vector<16xf32>
      %parallel_loop3A_319 = arith.addf %parallel_loop3A_264, %parallel_loop3A_269 : vector<16xf32>
      %parallel_loop3A_320 = arith.addf %parallel_loop3A_274, %parallel_loop3A_279 : vector<16xf32>
      %parallel_loop3A_321 = arith.addf %parallel_loop3A_284, %parallel_loop3A_289 : vector<16xf32>
      %parallel_loop3A_322 = arith.addf %parallel_loop3A_294, %parallel_loop3A_299 : vector<16xf32>
      %parallel_loop3A_323 = arith.addf %parallel_loop3A_304, %parallel_loop3A_309 : vector<16xf32>
      %parallel_loop3A_324 = arith.addf %parallel_loop3A_310, %parallel_loop3A_311 : vector<16xf32>
      %parallel_loop3A_325 = arith.addf %parallel_loop3A_312, %parallel_loop3A_313 : vector<16xf32>
      %parallel_loop3A_326 = arith.addf %parallel_loop3A_314, %parallel_loop3A_315 : vector<16xf32>
      %parallel_loop3A_327 = arith.addf %parallel_loop3A_316, %parallel_loop3A_317 : vector<16xf32>
      %parallel_loop3A_328 = arith.addf %parallel_loop3A_318, %parallel_loop3A_319 : vector<16xf32>
      %parallel_loop3A_329 = arith.addf %parallel_loop3A_320, %parallel_loop3A_321 : vector<16xf32>
      %parallel_loop3A_330 = arith.addf %parallel_loop3A_322, %parallel_loop3A_323 : vector<16xf32>
      %parallel_loop3A_331 = arith.addf %parallel_loop3A_324, %parallel_loop3A_325 : vector<16xf32>
      %parallel_loop3A_332 = arith.addf %parallel_loop3A_326, %parallel_loop3A_327 : vector<16xf32>
      %parallel_loop3A_333 = arith.addf %parallel_loop3A_328, %parallel_loop3A_329 : vector<16xf32>
      %parallel_loop3A_334 = arith.addf %parallel_loop3A_331, %parallel_loop3A_332 : vector<16xf32>
      %parallel_loop3A_335 = arith.addf %parallel_loop3A_333, %parallel_loop3A_330 : vector<16xf32>
      %parallel_loop3A_336 = arith.addf %parallel_loop3A_334, %parallel_loop3A_335 : vector<16xf32>
      %parallel_loop3A_337 = arith.constant 64 : i32
      %parallel_loop3A_338 = vector.broadcast %parallel_loop3A_337 : i32 to vector<16xi32>
      %parallel_loop3A_339 = vector.broadcast %parallel_loop3A_167 : i32 to vector<16xi32>
      %parallel_loop3A_340 = arith.addi %parallel_loop3A_338, %parallel_loop3A_339 : vector<16xi32>
      tpu.vector_store_idx %arg11[%iota3A_57, %parallel_loop3A_340], %parallel_loop3A_336 : memref<16x512xf32, #tpu.memory_space<vmem>>[vector<16xi32>, vector<16xi32>], vector<16xf32>,
    } {sc.loop_unroll_factor = 2 : i64, sc.parallel_access}
    %dma_wait3A_61 = tpu.memref_slice %arg3[%mul3A_51] : memref<2097152xf32, #tpu.memory_space<hbm>> -> memref<8192xf32, #tpu.memory_space<hbm>>
    %dma_wait3A_62 = tpu.memref_slice %arg3[%mul3A_51] : memref<2097152xf32, #tpu.memory_space<hbm>> -> memref<8192xf32, #tpu.memory_space<hbm>>
    tpu.wait_dma2 semaphore(%arg13 : memref<!tpu.dma_semaphore, #tpu.memory_space<semaphore_mem>>) src(%dma_wait3A_62 : memref<8192xf32, #tpu.memory_space<hbm>>) dst(%arg6 : memref<8192xf32, #tpu.memory_space<vmem>>)
    %parallel_loop3A_63 = arith.constant 0 : i32
    %parallel_loop3A_64 = arith.constant 64 : i32
    %parallel_loop3A_65 = arith.constant 1 : i32
    scf.for %parallel_loop3A_167 = %parallel_loop3A_63 to %parallel_loop3A_64 step %parallel_loop3A_65  : i32 {
      %parallel_loop3A_168 = arith.constant 128 : i32
      %parallel_loop3A_169 = arith.muli %parallel_loop3A_167, %parallel_loop3A_168 : i32
      %parallel_loop3A_170 = arith.constant 100 : i32
      %parallel_loop3A_171 = arith.addi %parallel_loop3A_169, %parallel_loop3A_170 : i32
      %parallel_loop3A_172 = arith.constant 28 : i32
      %parallel_loop3A_173 = arith.muli %parallel_loop3A_167, %parallel_loop3A_172 : i32
      %parallel_loop3A_174 = arith.constant 0 : i32
      %parallel_loop3A_175 = arith.addi %parallel_loop3A_171, %parallel_loop3A_174 : i32
      %parallel_loop3A_176 = arith.index_cast %parallel_loop3A_175 : i32 to index
      %parallel_loop3A_177 = tpu.vector_load %arg6[%parallel_loop3A_176] {strides = array<i32>} : memref<8192xf32, #tpu.memory_space<vmem>>, vector<16xf32>,
      %parallel_loop3A_178 = arith.constant 5.000000e-01 : f32
      %parallel_loop3A_179 = vector.broadcast %parallel_loop3A_178 : f32 to vector<16xf32>
      %parallel_loop3A_180 = arith.addf %parallel_loop3A_177, %parallel_loop3A_179 : vector<16xf32>
      %parallel_loop3A_181 = arith.constant 1.83823522E-5 : f32
      %parallel_loop3A_182 = vector.broadcast %parallel_loop3A_181 : f32 to vector<16xf32>
      %parallel_loop3A_183 = arith.mulf %parallel_loop3A_180, %parallel_loop3A_182 : vector<16xf32>
      %parallel_loop3A_184 = arith.fptosi %parallel_loop3A_183 : vector<16xf32> to vector<16xi32>
      %parallel_loop3A_185 = arith.fptosi %parallel_loop3A_177 : vector<16xf32> to vector<16xi32>
      %parallel_loop3A_186 = arith.constant 54400 : i32
      %parallel_loop3A_187 = vector.broadcast %parallel_loop3A_186 : i32 to vector<16xi32>
      %parallel_loop3A_188 = arith.muli %parallel_loop3A_187, %parallel_loop3A_184 : vector<16xi32>
      %parallel_loop3A_189 = arith.subi %parallel_loop3A_185, %parallel_loop3A_188 : vector<16xi32>
      %parallel_loop3A_190 = arith.constant 8 : i32
      %parallel_loop3A_191 = vector.broadcast %parallel_loop3A_190 : i32 to vector<16xi32>
      %parallel_loop3A_192 = arith.muli %parallel_loop3A_191, %parallel_loop3A_189 : vector<16xi32>
      %parallel_loop3A_193 = arith.addi %parallel_loop3A_192, %parallel_loop3A_184 : vector<16xi32>
      %parallel_loop3A_194 = arith.constant 0 : i32
      %parallel_loop3A_195 = arith.addi %parallel_loop3A_173, %parallel_loop3A_194 : i32
      %parallel_loop3A_196 = arith.index_cast %parallel_loop3A_195 : i32 to index
      %parallel_loop3A_197 = tpu.vector_load %arg8[%parallel_loop3A_196] {strides = array<i32>} : memref<1792xi32, #tpu.memory_space<vmem>>, vector<16xi32>,
      tpu.vector_store %arg8[%parallel_loop3A_196], %parallel_loop3A_193 {strides = array<i32>} : memref<1792xi32, #tpu.memory_space<vmem>>, vector<16xi32>,
      %parallel_loop3A_198 = arith.constant 12 : i32
      %parallel_loop3A_199 = arith.addi %parallel_loop3A_171, %parallel_loop3A_198 : i32
      %parallel_loop3A_200 = arith.index_cast %parallel_loop3A_199 : i32 to index
      %parallel_loop3A_201 = tpu.vector_load %arg6[%parallel_loop3A_200] {strides = array<i32>} : memref<8192xf32, #tpu.memory_space<vmem>>, vector<16xf32>,
      %parallel_loop3A_202 = arith.constant 5.000000e-01 : f32
      %parallel_loop3A_203 = vector.broadcast %parallel_loop3A_202 : f32 to vector<16xf32>
      %parallel_loop3A_204 = arith.addf %parallel_loop3A_201, %parallel_loop3A_203 : vector<16xf32>
      %parallel_loop3A_205 = arith.constant 1.83823522E-5 : f32
      %parallel_loop3A_206 = vector.broadcast %parallel_loop3A_205 : f32 to vector<16xf32>
      %parallel_loop3A_207 = arith.mulf %parallel_loop3A_204, %parallel_loop3A_206 : vector<16xf32>
      %parallel_loop3A_208 = arith.fptosi %parallel_loop3A_207 : vector<16xf32> to vector<16xi32>
      %parallel_loop3A_209 = arith.fptosi %parallel_loop3A_201 : vector<16xf32> to vector<16xi32>
      %parallel_loop3A_210 = arith.constant 54400 : i32
      %parallel_loop3A_211 = vector.broadcast %parallel_loop3A_210 : i32 to vector<16xi32>
      %parallel_loop3A_212 = arith.muli %parallel_loop3A_211, %parallel_loop3A_208 : vector<16xi32>
      %parallel_loop3A_213 = arith.subi %parallel_loop3A_209, %parallel_loop3A_212 : vector<16xi32>
      %parallel_loop3A_214 = arith.constant 8 : i32
      %parallel_loop3A_215 = vector.broadcast %parallel_loop3A_214 : i32 to vector<16xi32>
      %parallel_loop3A_216 = arith.muli %parallel_loop3A_215, %parallel_loop3A_213 : vector<16xi32>
      %parallel_loop3A_217 = arith.addi %parallel_loop3A_216, %parallel_loop3A_208 : vector<16xi32>
      %parallel_loop3A_218 = arith.constant 12 : i32
      %parallel_loop3A_219 = arith.addi %parallel_loop3A_173, %parallel_loop3A_218 : i32
      %parallel_loop3A_220 = arith.index_cast %parallel_loop3A_219 : i32 to index
      %parallel_loop3A_221 = tpu.vector_load %arg8[%parallel_loop3A_220] {strides = array<i32>} : memref<1792xi32, #tpu.memory_space<vmem>>, vector<16xi32>,
      tpu.vector_store %arg8[%parallel_loop3A_220], %parallel_loop3A_217 {strides = array<i32>} : memref<1792xi32, #tpu.memory_space<vmem>>, vector<16xi32>,
    } {sc.loop_unroll_factor = 2 : i64, sc.parallel_access}
    %dma_start3A_66 = arith.constant 0 : i32
    %dma_start3A_67 = arith.constant 0 : i32
    %dma_start3A_68 = tpu.memref_slice %arg2[%dma_start3A_66, %dma_start3A_67] : memref<435200x16xf32, #tpu.memory_space<hbm>> -> memref<435200x16xf32, #tpu.memory_space<hbm>>
    tpu.enqueue_indirect_dma source(%dma_start3A_68 : memref<435200x16xf32, #tpu.memory_space<hbm>>) target(%arg10 : memref<1792x16xf32, #tpu.memory_space<vmem>>) offsets(%arg8 : memref<1792xi32, #tpu.memory_space<vmem>>) semaphore(%arg15 : memref<!tpu.dma_semaphore, #tpu.memory_space<semaphore_mem>>)
    %add3A_69 = arith.constant 256 : i32
    %add3A_70 = arith.addi %mul3A_2, %add3A_69 : i32
    %mul3A_71 = arith.constant 128 : i32
    %mul3A_72 = arith.muli %add3A_70, %mul3A_71 : i32
    %dma_start3A_73 = tpu.memref_slice %arg3[%mul3A_72] : memref<2097152xf32, #tpu.memory_space<hbm>> -> memref<8192xf32, #tpu.memory_space<hbm>>
    %dma_start3A_74 = tpu.memref_slice %arg3[%mul3A_72] : memref<2097152xf32, #tpu.memory_space<hbm>> -> memref<8192xf32, #tpu.memory_space<hbm>>
    tpu.enqueue_dma source(%dma_start3A_74 : memref<8192xf32, #tpu.memory_space<hbm>>) target(%arg5 : memref<8192xf32, #tpu.memory_space<vmem>>) target_semaphore(%arg12 : memref<!tpu.dma_semaphore, #tpu.memory_space<semaphore_mem>>)
    %dma_wait3A_75 = arith.constant 0 : i32
    %dma_wait3A_76 = arith.constant 0 : i32
    %dma_wait3A_77 = tpu.memref_slice %arg2[%dma_wait3A_75, %dma_wait3A_76] : memref<435200x16xf32, #tpu.memory_space<hbm>> -> memref<435200x16xf32, #tpu.memory_space<hbm>>
    tpu.wait_indirect_dma semaphore(%arg14 : memref<!tpu.dma_semaphore, #tpu.memory_space<semaphore_mem>>) src(%dma_wait3A_77 : memref<435200x16xf32, #tpu.memory_space<hbm>>) dst(%arg9 : memref<1792x16xf32, #tpu.memory_space<vmem>>)
    %iota3A_78 = tpu.iota {dimensions = array<i32: 0>} : vector<16xi32>
    %parallel_loop3A_79 = arith.constant 0 : i32
    %parallel_loop3A_80 = arith.constant 64 : i32
    %parallel_loop3A_81 = arith.constant 1 : i32
    scf.for %parallel_loop3A_167 = %parallel_loop3A_79 to %parallel_loop3A_80 step %parallel_loop3A_81  : i32 {
      %parallel_loop3A_168 = arith.constant 28 : i32
      %parallel_loop3A_169 = arith.muli %parallel_loop3A_167, %parallel_loop3A_168 : i32
      %parallel_loop3A_170 = arith.constant 0 : i32
      %parallel_loop3A_171 = arith.addi %parallel_loop3A_169, %parallel_loop3A_170 : i32
      %parallel_loop3A_172 = arith.index_cast %parallel_loop3A_171 : i32 to index
      %parallel_loop3A_173 = arith.constant 0 : index
      %parallel_loop3A_174 = tpu.vector_load %arg9[%parallel_loop3A_172, %parallel_loop3A_173] {strides = array<i32>} : memref<1792x16xf32, #tpu.memory_space<vmem>>, vector<16xf32>,
      %parallel_loop3A_175 = arith.constant 1 : i32
      %parallel_loop3A_176 = arith.addi %parallel_loop3A_169, %parallel_loop3A_175 : i32
      %parallel_loop3A_177 = arith.index_cast %parallel_loop3A_176 : i32 to index
      %parallel_loop3A_178 = arith.constant 0 : index
      %parallel_loop3A_179 = tpu.vector_load %arg9[%parallel_loop3A_177, %parallel_loop3A_178] {strides = array<i32>} : memref<1792x16xf32, #tpu.memory_space<vmem>>, vector<16xf32>,
      %parallel_loop3A_180 = arith.constant 2 : i32
      %parallel_loop3A_181 = arith.addi %parallel_loop3A_169, %parallel_loop3A_180 : i32
      %parallel_loop3A_182 = arith.index_cast %parallel_loop3A_181 : i32 to index
      %parallel_loop3A_183 = arith.constant 0 : index
      %parallel_loop3A_184 = tpu.vector_load %arg9[%parallel_loop3A_182, %parallel_loop3A_183] {strides = array<i32>} : memref<1792x16xf32, #tpu.memory_space<vmem>>, vector<16xf32>,
      %parallel_loop3A_185 = arith.constant 3 : i32
      %parallel_loop3A_186 = arith.addi %parallel_loop3A_169, %parallel_loop3A_185 : i32
      %parallel_loop3A_187 = arith.index_cast %parallel_loop3A_186 : i32 to index
      %parallel_loop3A_188 = arith.constant 0 : index
      %parallel_loop3A_189 = tpu.vector_load %arg9[%parallel_loop3A_187, %parallel_loop3A_188] {strides = array<i32>} : memref<1792x16xf32, #tpu.memory_space<vmem>>, vector<16xf32>,
      %parallel_loop3A_190 = arith.constant 4 : i32
      %parallel_loop3A_191 = arith.addi %parallel_loop3A_169, %parallel_loop3A_190 : i32
      %parallel_loop3A_192 = arith.index_cast %parallel_loop3A_191 : i32 to index
      %parallel_loop3A_193 = arith.constant 0 : index
      %parallel_loop3A_194 = tpu.vector_load %arg9[%parallel_loop3A_192, %parallel_loop3A_193] {strides = array<i32>} : memref<1792x16xf32, #tpu.memory_space<vmem>>, vector<16xf32>,
      %parallel_loop3A_195 = arith.constant 5 : i32
      %parallel_loop3A_196 = arith.addi %parallel_loop3A_169, %parallel_loop3A_195 : i32
      %parallel_loop3A_197 = arith.index_cast %parallel_loop3A_196 : i32 to index
      %parallel_loop3A_198 = arith.constant 0 : index
      %parallel_loop3A_199 = tpu.vector_load %arg9[%parallel_loop3A_197, %parallel_loop3A_198] {strides = array<i32>} : memref<1792x16xf32, #tpu.memory_space<vmem>>, vector<16xf32>,
      %parallel_loop3A_200 = arith.constant 6 : i32
      %parallel_loop3A_201 = arith.addi %parallel_loop3A_169, %parallel_loop3A_200 : i32
      %parallel_loop3A_202 = arith.index_cast %parallel_loop3A_201 : i32 to index
      %parallel_loop3A_203 = arith.constant 0 : index
      %parallel_loop3A_204 = tpu.vector_load %arg9[%parallel_loop3A_202, %parallel_loop3A_203] {strides = array<i32>} : memref<1792x16xf32, #tpu.memory_space<vmem>>, vector<16xf32>,
      %parallel_loop3A_205 = arith.constant 7 : i32
      %parallel_loop3A_206 = arith.addi %parallel_loop3A_169, %parallel_loop3A_205 : i32
      %parallel_loop3A_207 = arith.index_cast %parallel_loop3A_206 : i32 to index
      %parallel_loop3A_208 = arith.constant 0 : index
      %parallel_loop3A_209 = tpu.vector_load %arg9[%parallel_loop3A_207, %parallel_loop3A_208] {strides = array<i32>} : memref<1792x16xf32, #tpu.memory_space<vmem>>, vector<16xf32>,
      %parallel_loop3A_210 = arith.constant 8 : i32
      %parallel_loop3A_211 = arith.addi %parallel_loop3A_169, %parallel_loop3A_210 : i32
      %parallel_loop3A_212 = arith.index_cast %parallel_loop3A_211 : i32 to index
      %parallel_loop3A_213 = arith.constant 0 : index
      %parallel_loop3A_214 = tpu.vector_load %arg9[%parallel_loop3A_212, %parallel_loop3A_213] {strides = array<i32>} : memref<1792x16xf32, #tpu.memory_space<vmem>>, vector<16xf32>,
      %parallel_loop3A_215 = arith.constant 9 : i32
      %parallel_loop3A_216 = arith.addi %parallel_loop3A_169, %parallel_loop3A_215 : i32
      %parallel_loop3A_217 = arith.index_cast %parallel_loop3A_216 : i32 to index
      %parallel_loop3A_218 = arith.constant 0 : index
      %parallel_loop3A_219 = tpu.vector_load %arg9[%parallel_loop3A_217, %parallel_loop3A_218] {strides = array<i32>} : memref<1792x16xf32, #tpu.memory_space<vmem>>, vector<16xf32>,
      %parallel_loop3A_220 = arith.constant 10 : i32
      %parallel_loop3A_221 = arith.addi %parallel_loop3A_169, %parallel_loop3A_220 : i32
      %parallel_loop3A_222 = arith.index_cast %parallel_loop3A_221 : i32 to index
      %parallel_loop3A_223 = arith.constant 0 : index
      %parallel_loop3A_224 = tpu.vector_load %arg9[%parallel_loop3A_222, %parallel_loop3A_223] {strides = array<i32>} : memref<1792x16xf32, #tpu.memory_space<vmem>>, vector<16xf32>,
      %parallel_loop3A_225 = arith.constant 11 : i32
      %parallel_loop3A_226 = arith.addi %parallel_loop3A_169, %parallel_loop3A_225 : i32
      %parallel_loop3A_227 = arith.index_cast %parallel_loop3A_226 : i32 to index
      %parallel_loop3A_228 = arith.constant 0 : index
      %parallel_loop3A_229 = tpu.vector_load %arg9[%parallel_loop3A_227, %parallel_loop3A_228] {strides = array<i32>} : memref<1792x16xf32, #tpu.memory_space<vmem>>, vector<16xf32>,
      %parallel_loop3A_230 = arith.constant 12 : i32
      %parallel_loop3A_231 = arith.addi %parallel_loop3A_169, %parallel_loop3A_230 : i32
      %parallel_loop3A_232 = arith.index_cast %parallel_loop3A_231 : i32 to index
      %parallel_loop3A_233 = arith.constant 0 : index
      %parallel_loop3A_234 = tpu.vector_load %arg9[%parallel_loop3A_232, %parallel_loop3A_233] {strides = array<i32>} : memref<1792x16xf32, #tpu.memory_space<vmem>>, vector<16xf32>,
      %parallel_loop3A_235 = arith.constant 13 : i32
      %parallel_loop3A_236 = arith.addi %parallel_loop3A_169, %parallel_loop3A_235 : i32
      %parallel_loop3A_237 = arith.index_cast %parallel_loop3A_236 : i32 to index
      %parallel_loop3A_238 = arith.constant 0 : index
      %parallel_loop3A_239 = tpu.vector_load %arg9[%parallel_loop3A_237, %parallel_loop3A_238] {strides = array<i32>} : memref<1792x16xf32, #tpu.memory_space<vmem>>, vector<16xf32>,
      %parallel_loop3A_240 = arith.constant 14 : i32
      %parallel_loop3A_241 = arith.addi %parallel_loop3A_169, %parallel_loop3A_240 : i32
      %parallel_loop3A_242 = arith.index_cast %parallel_loop3A_241 : i32 to index
      %parallel_loop3A_243 = arith.constant 0 : index
      %parallel_loop3A_244 = tpu.vector_load %arg9[%parallel_loop3A_242, %parallel_loop3A_243] {strides = array<i32>} : memref<1792x16xf32, #tpu.memory_space<vmem>>, vector<16xf32>,
      %parallel_loop3A_245 = arith.constant 15 : i32
      %parallel_loop3A_246 = arith.addi %parallel_loop3A_169, %parallel_loop3A_245 : i32
      %parallel_loop3A_247 = arith.index_cast %parallel_loop3A_246 : i32 to index
      %parallel_loop3A_248 = arith.constant 0 : index
      %parallel_loop3A_249 = tpu.vector_load %arg9[%parallel_loop3A_247, %parallel_loop3A_248] {strides = array<i32>} : memref<1792x16xf32, #tpu.memory_space<vmem>>, vector<16xf32>,
      %parallel_loop3A_250 = arith.constant 16 : i32
      %parallel_loop3A_251 = arith.addi %parallel_loop3A_169, %parallel_loop3A_250 : i32
      %parallel_loop3A_252 = arith.index_cast %parallel_loop3A_251 : i32 to index
      %parallel_loop3A_253 = arith.constant 0 : index
      %parallel_loop3A_254 = tpu.vector_load %arg9[%parallel_loop3A_252, %parallel_loop3A_253] {strides = array<i32>} : memref<1792x16xf32, #tpu.memory_space<vmem>>, vector<16xf32>,
      %parallel_loop3A_255 = arith.constant 17 : i32
      %parallel_loop3A_256 = arith.addi %parallel_loop3A_169, %parallel_loop3A_255 : i32
      %parallel_loop3A_257 = arith.index_cast %parallel_loop3A_256 : i32 to index
      %parallel_loop3A_258 = arith.constant 0 : index
      %parallel_loop3A_259 = tpu.vector_load %arg9[%parallel_loop3A_257, %parallel_loop3A_258] {strides = array<i32>} : memref<1792x16xf32, #tpu.memory_space<vmem>>, vector<16xf32>,
      %parallel_loop3A_260 = arith.constant 18 : i32
      %parallel_loop3A_261 = arith.addi %parallel_loop3A_169, %parallel_loop3A_260 : i32
      %parallel_loop3A_262 = arith.index_cast %parallel_loop3A_261 : i32 to index
      %parallel_loop3A_263 = arith.constant 0 : index
      %parallel_loop3A_264 = tpu.vector_load %arg9[%parallel_loop3A_262, %parallel_loop3A_263] {strides = array<i32>} : memref<1792x16xf32, #tpu.memory_space<vmem>>, vector<16xf32>,
      %parallel_loop3A_265 = arith.constant 19 : i32
      %parallel_loop3A_266 = arith.addi %parallel_loop3A_169, %parallel_loop3A_265 : i32
      %parallel_loop3A_267 = arith.index_cast %parallel_loop3A_266 : i32 to index
      %parallel_loop3A_268 = arith.constant 0 : index
      %parallel_loop3A_269 = tpu.vector_load %arg9[%parallel_loop3A_267, %parallel_loop3A_268] {strides = array<i32>} : memref<1792x16xf32, #tpu.memory_space<vmem>>, vector<16xf32>,
      %parallel_loop3A_270 = arith.constant 20 : i32
      %parallel_loop3A_271 = arith.addi %parallel_loop3A_169, %parallel_loop3A_270 : i32
      %parallel_loop3A_272 = arith.index_cast %parallel_loop3A_271 : i32 to index
      %parallel_loop3A_273 = arith.constant 0 : index
      %parallel_loop3A_274 = tpu.vector_load %arg9[%parallel_loop3A_272, %parallel_loop3A_273] {strides = array<i32>} : memref<1792x16xf32, #tpu.memory_space<vmem>>, vector<16xf32>,
      %parallel_loop3A_275 = arith.constant 21 : i32
      %parallel_loop3A_276 = arith.addi %parallel_loop3A_169, %parallel_loop3A_275 : i32
      %parallel_loop3A_277 = arith.index_cast %parallel_loop3A_276 : i32 to index
      %parallel_loop3A_278 = arith.constant 0 : index
      %parallel_loop3A_279 = tpu.vector_load %arg9[%parallel_loop3A_277, %parallel_loop3A_278] {strides = array<i32>} : memref<1792x16xf32, #tpu.memory_space<vmem>>, vector<16xf32>,
      %parallel_loop3A_280 = arith.constant 22 : i32
      %parallel_loop3A_281 = arith.addi %parallel_loop3A_169, %parallel_loop3A_280 : i32
      %parallel_loop3A_282 = arith.index_cast %parallel_loop3A_281 : i32 to index
      %parallel_loop3A_283 = arith.constant 0 : index
      %parallel_loop3A_284 = tpu.vector_load %arg9[%parallel_loop3A_282, %parallel_loop3A_283] {strides = array<i32>} : memref<1792x16xf32, #tpu.memory_space<vmem>>, vector<16xf32>,
      %parallel_loop3A_285 = arith.constant 23 : i32
      %parallel_loop3A_286 = arith.addi %parallel_loop3A_169, %parallel_loop3A_285 : i32
      %parallel_loop3A_287 = arith.index_cast %parallel_loop3A_286 : i32 to index
      %parallel_loop3A_288 = arith.constant 0 : index
      %parallel_loop3A_289 = tpu.vector_load %arg9[%parallel_loop3A_287, %parallel_loop3A_288] {strides = array<i32>} : memref<1792x16xf32, #tpu.memory_space<vmem>>, vector<16xf32>,
      %parallel_loop3A_290 = arith.constant 24 : i32
      %parallel_loop3A_291 = arith.addi %parallel_loop3A_169, %parallel_loop3A_290 : i32
      %parallel_loop3A_292 = arith.index_cast %parallel_loop3A_291 : i32 to index
      %parallel_loop3A_293 = arith.constant 0 : index
      %parallel_loop3A_294 = tpu.vector_load %arg9[%parallel_loop3A_292, %parallel_loop3A_293] {strides = array<i32>} : memref<1792x16xf32, #tpu.memory_space<vmem>>, vector<16xf32>,
      %parallel_loop3A_295 = arith.constant 25 : i32
      %parallel_loop3A_296 = arith.addi %parallel_loop3A_169, %parallel_loop3A_295 : i32
      %parallel_loop3A_297 = arith.index_cast %parallel_loop3A_296 : i32 to index
      %parallel_loop3A_298 = arith.constant 0 : index
      %parallel_loop3A_299 = tpu.vector_load %arg9[%parallel_loop3A_297, %parallel_loop3A_298] {strides = array<i32>} : memref<1792x16xf32, #tpu.memory_space<vmem>>, vector<16xf32>,
      %parallel_loop3A_300 = arith.constant 26 : i32
      %parallel_loop3A_301 = arith.addi %parallel_loop3A_169, %parallel_loop3A_300 : i32
      %parallel_loop3A_302 = arith.index_cast %parallel_loop3A_301 : i32 to index
      %parallel_loop3A_303 = arith.constant 0 : index
      %parallel_loop3A_304 = tpu.vector_load %arg9[%parallel_loop3A_302, %parallel_loop3A_303] {strides = array<i32>} : memref<1792x16xf32, #tpu.memory_space<vmem>>, vector<16xf32>,
      %parallel_loop3A_305 = arith.constant 27 : i32
      %parallel_loop3A_306 = arith.addi %parallel_loop3A_169, %parallel_loop3A_305 : i32
      %parallel_loop3A_307 = arith.index_cast %parallel_loop3A_306 : i32 to index
      %parallel_loop3A_308 = arith.constant 0 : index
      %parallel_loop3A_309 = tpu.vector_load %arg9[%parallel_loop3A_307, %parallel_loop3A_308] {strides = array<i32>} : memref<1792x16xf32, #tpu.memory_space<vmem>>, vector<16xf32>,
      %parallel_loop3A_310 = arith.addf %parallel_loop3A_174, %parallel_loop3A_179 : vector<16xf32>
      %parallel_loop3A_311 = arith.addf %parallel_loop3A_184, %parallel_loop3A_189 : vector<16xf32>
      %parallel_loop3A_312 = arith.addf %parallel_loop3A_194, %parallel_loop3A_199 : vector<16xf32>
      %parallel_loop3A_313 = arith.addf %parallel_loop3A_204, %parallel_loop3A_209 : vector<16xf32>
      %parallel_loop3A_314 = arith.addf %parallel_loop3A_214, %parallel_loop3A_219 : vector<16xf32>
      %parallel_loop3A_315 = arith.addf %parallel_loop3A_224, %parallel_loop3A_229 : vector<16xf32>
      %parallel_loop3A_316 = arith.addf %parallel_loop3A_234, %parallel_loop3A_239 : vector<16xf32>
      %parallel_loop3A_317 = arith.addf %parallel_loop3A_244, %parallel_loop3A_249 : vector<16xf32>
      %parallel_loop3A_318 = arith.addf %parallel_loop3A_254, %parallel_loop3A_259 : vector<16xf32>
      %parallel_loop3A_319 = arith.addf %parallel_loop3A_264, %parallel_loop3A_269 : vector<16xf32>
      %parallel_loop3A_320 = arith.addf %parallel_loop3A_274, %parallel_loop3A_279 : vector<16xf32>
      %parallel_loop3A_321 = arith.addf %parallel_loop3A_284, %parallel_loop3A_289 : vector<16xf32>
      %parallel_loop3A_322 = arith.addf %parallel_loop3A_294, %parallel_loop3A_299 : vector<16xf32>
      %parallel_loop3A_323 = arith.addf %parallel_loop3A_304, %parallel_loop3A_309 : vector<16xf32>
      %parallel_loop3A_324 = arith.addf %parallel_loop3A_310, %parallel_loop3A_311 : vector<16xf32>
      %parallel_loop3A_325 = arith.addf %parallel_loop3A_312, %parallel_loop3A_313 : vector<16xf32>
      %parallel_loop3A_326 = arith.addf %parallel_loop3A_314, %parallel_loop3A_315 : vector<16xf32>
      %parallel_loop3A_327 = arith.addf %parallel_loop3A_316, %parallel_loop3A_317 : vector<16xf32>
      %parallel_loop3A_328 = arith.addf %parallel_loop3A_318, %parallel_loop3A_319 : vector<16xf32>
      %parallel_loop3A_329 = arith.addf %parallel_loop3A_320, %parallel_loop3A_321 : vector<16xf32>
      %parallel_loop3A_330 = arith.addf %parallel_loop3A_322, %parallel_loop3A_323 : vector<16xf32>
      %parallel_loop3A_331 = arith.addf %parallel_loop3A_324, %parallel_loop3A_325 : vector<16xf32>
      %parallel_loop3A_332 = arith.addf %parallel_loop3A_326, %parallel_loop3A_327 : vector<16xf32>
      %parallel_loop3A_333 = arith.addf %parallel_loop3A_328, %parallel_loop3A_329 : vector<16xf32>
      %parallel_loop3A_334 = arith.addf %parallel_loop3A_331, %parallel_loop3A_332 : vector<16xf32>
      %parallel_loop3A_335 = arith.addf %parallel_loop3A_333, %parallel_loop3A_330 : vector<16xf32>
      %parallel_loop3A_336 = arith.addf %parallel_loop3A_334, %parallel_loop3A_335 : vector<16xf32>
      %parallel_loop3A_337 = arith.constant 128 : i32
      %parallel_loop3A_338 = vector.broadcast %parallel_loop3A_337 : i32 to vector<16xi32>
      %parallel_loop3A_339 = vector.broadcast %parallel_loop3A_167 : i32 to vector<16xi32>
      %parallel_loop3A_340 = arith.addi %parallel_loop3A_338, %parallel_loop3A_339 : vector<16xi32>
      tpu.vector_store_idx %arg11[%iota3A_78, %parallel_loop3A_340], %parallel_loop3A_336 : memref<16x512xf32, #tpu.memory_space<vmem>>[vector<16xi32>, vector<16xi32>], vector<16xf32>,
    } {sc.loop_unroll_factor = 2 : i64, sc.parallel_access}
    %dma_wait3A_82 = tpu.memref_slice %arg3[%mul3A_72] : memref<2097152xf32, #tpu.memory_space<hbm>> -> memref<8192xf32, #tpu.memory_space<hbm>>
    %dma_wait3A_83 = tpu.memref_slice %arg3[%mul3A_72] : memref<2097152xf32, #tpu.memory_space<hbm>> -> memref<8192xf32, #tpu.memory_space<hbm>>
    tpu.wait_dma2 semaphore(%arg12 : memref<!tpu.dma_semaphore, #tpu.memory_space<semaphore_mem>>) src(%dma_wait3A_83 : memref<8192xf32, #tpu.memory_space<hbm>>) dst(%arg5 : memref<8192xf32, #tpu.memory_space<vmem>>)
    %parallel_loop3A_84 = arith.constant 0 : i32
    %parallel_loop3A_85 = arith.constant 64 : i32
    %parallel_loop3A_86 = arith.constant 1 : i32
    scf.for %parallel_loop3A_167 = %parallel_loop3A_84 to %parallel_loop3A_85 step %parallel_loop3A_86  : i32 {
      %parallel_loop3A_168 = arith.constant 128 : i32
      %parallel_loop3A_169 = arith.muli %parallel_loop3A_167, %parallel_loop3A_168 : i32
      %parallel_loop3A_170 = arith.constant 100 : i32
      %parallel_loop3A_171 = arith.addi %parallel_loop3A_169, %parallel_loop3A_170 : i32
      %parallel_loop3A_172 = arith.constant 28 : i32
      %parallel_loop3A_173 = arith.muli %parallel_loop3A_167, %parallel_loop3A_172 : i32
      %parallel_loop3A_174 = arith.constant 0 : i32
      %parallel_loop3A_175 = arith.addi %parallel_loop3A_171, %parallel_loop3A_174 : i32
      %parallel_loop3A_176 = arith.index_cast %parallel_loop3A_175 : i32 to index
      %parallel_loop3A_177 = tpu.vector_load %arg5[%parallel_loop3A_176] {strides = array<i32>} : memref<8192xf32, #tpu.memory_space<vmem>>, vector<16xf32>,
      %parallel_loop3A_178 = arith.constant 5.000000e-01 : f32
      %parallel_loop3A_179 = vector.broadcast %parallel_loop3A_178 : f32 to vector<16xf32>
      %parallel_loop3A_180 = arith.addf %parallel_loop3A_177, %parallel_loop3A_179 : vector<16xf32>
      %parallel_loop3A_181 = arith.constant 1.83823522E-5 : f32
      %parallel_loop3A_182 = vector.broadcast %parallel_loop3A_181 : f32 to vector<16xf32>
      %parallel_loop3A_183 = arith.mulf %parallel_loop3A_180, %parallel_loop3A_182 : vector<16xf32>
      %parallel_loop3A_184 = arith.fptosi %parallel_loop3A_183 : vector<16xf32> to vector<16xi32>
      %parallel_loop3A_185 = arith.fptosi %parallel_loop3A_177 : vector<16xf32> to vector<16xi32>
      %parallel_loop3A_186 = arith.constant 54400 : i32
      %parallel_loop3A_187 = vector.broadcast %parallel_loop3A_186 : i32 to vector<16xi32>
      %parallel_loop3A_188 = arith.muli %parallel_loop3A_187, %parallel_loop3A_184 : vector<16xi32>
      %parallel_loop3A_189 = arith.subi %parallel_loop3A_185, %parallel_loop3A_188 : vector<16xi32>
      %parallel_loop3A_190 = arith.constant 8 : i32
      %parallel_loop3A_191 = vector.broadcast %parallel_loop3A_190 : i32 to vector<16xi32>
      %parallel_loop3A_192 = arith.muli %parallel_loop3A_191, %parallel_loop3A_189 : vector<16xi32>
      %parallel_loop3A_193 = arith.addi %parallel_loop3A_192, %parallel_loop3A_184 : vector<16xi32>
      %parallel_loop3A_194 = arith.constant 0 : i32
      %parallel_loop3A_195 = arith.addi %parallel_loop3A_173, %parallel_loop3A_194 : i32
      %parallel_loop3A_196 = arith.index_cast %parallel_loop3A_195 : i32 to index
      %parallel_loop3A_197 = tpu.vector_load %arg7[%parallel_loop3A_196] {strides = array<i32>} : memref<1792xi32, #tpu.memory_space<vmem>>, vector<16xi32>,
      tpu.vector_store %arg7[%parallel_loop3A_196], %parallel_loop3A_193 {strides = array<i32>} : memref<1792xi32, #tpu.memory_space<vmem>>, vector<16xi32>,
      %parallel_loop3A_198 = arith.constant 12 : i32
      %parallel_loop3A_199 = arith.addi %parallel_loop3A_171, %parallel_loop3A_198 : i32
      %parallel_loop3A_200 = arith.index_cast %parallel_loop3A_199 : i32 to index
      %parallel_loop3A_201 = tpu.vector_load %arg5[%parallel_loop3A_200] {strides = array<i32>} : memref<8192xf32, #tpu.memory_space<vmem>>, vector<16xf32>,
      %parallel_loop3A_202 = arith.constant 5.000000e-01 : f32
      %parallel_loop3A_203 = vector.broadcast %parallel_loop3A_202 : f32 to vector<16xf32>
      %parallel_loop3A_204 = arith.addf %parallel_loop3A_201, %parallel_loop3A_203 : vector<16xf32>
      %parallel_loop3A_205 = arith.constant 1.83823522E-5 : f32
      %parallel_loop3A_206 = vector.broadcast %parallel_loop3A_205 : f32 to vector<16xf32>
      %parallel_loop3A_207 = arith.mulf %parallel_loop3A_204, %parallel_loop3A_206 : vector<16xf32>
      %parallel_loop3A_208 = arith.fptosi %parallel_loop3A_207 : vector<16xf32> to vector<16xi32>
      %parallel_loop3A_209 = arith.fptosi %parallel_loop3A_201 : vector<16xf32> to vector<16xi32>
      %parallel_loop3A_210 = arith.constant 54400 : i32
      %parallel_loop3A_211 = vector.broadcast %parallel_loop3A_210 : i32 to vector<16xi32>
      %parallel_loop3A_212 = arith.muli %parallel_loop3A_211, %parallel_loop3A_208 : vector<16xi32>
      %parallel_loop3A_213 = arith.subi %parallel_loop3A_209, %parallel_loop3A_212 : vector<16xi32>
      %parallel_loop3A_214 = arith.constant 8 : i32
      %parallel_loop3A_215 = vector.broadcast %parallel_loop3A_214 : i32 to vector<16xi32>
      %parallel_loop3A_216 = arith.muli %parallel_loop3A_215, %parallel_loop3A_213 : vector<16xi32>
      %parallel_loop3A_217 = arith.addi %parallel_loop3A_216, %parallel_loop3A_208 : vector<16xi32>
      %parallel_loop3A_218 = arith.constant 12 : i32
      %parallel_loop3A_219 = arith.addi %parallel_loop3A_173, %parallel_loop3A_218 : i32
      %parallel_loop3A_220 = arith.index_cast %parallel_loop3A_219 : i32 to index
      %parallel_loop3A_221 = tpu.vector_load %arg7[%parallel_loop3A_220] {strides = array<i32>} : memref<1792xi32, #tpu.memory_space<vmem>>, vector<16xi32>,
      tpu.vector_store %arg7[%parallel_loop3A_220], %parallel_loop3A_217 {strides = array<i32>} : memref<1792xi32, #tpu.memory_space<vmem>>, vector<16xi32>,
    } {sc.loop_unroll_factor = 2 : i64, sc.parallel_access}
    %dma_start3A_87 = arith.constant 0 : i32
    %dma_start3A_88 = arith.constant 0 : i32
    %dma_start3A_89 = tpu.memref_slice %arg2[%dma_start3A_87, %dma_start3A_88] : memref<435200x16xf32, #tpu.memory_space<hbm>> -> memref<435200x16xf32, #tpu.memory_space<hbm>>
    tpu.enqueue_indirect_dma source(%dma_start3A_89 : memref<435200x16xf32, #tpu.memory_space<hbm>>) target(%arg9 : memref<1792x16xf32, #tpu.memory_space<vmem>>) offsets(%arg7 : memref<1792xi32, #tpu.memory_space<vmem>>) semaphore(%arg14 : memref<!tpu.dma_semaphore, #tpu.memory_space<semaphore_mem>>)
    %add3A_90 = arith.constant 320 : i32
    %add3A_91 = arith.addi %mul3A_2, %add3A_90 : i32
    %mul3A_92 = arith.constant 128 : i32
    %mul3A_93 = arith.muli %add3A_91, %mul3A_92 : i32
    %dma_start3A_94 = tpu.memref_slice %arg3[%mul3A_93] : memref<2097152xf32, #tpu.memory_space<hbm>> -> memref<8192xf32, #tpu.memory_space<hbm>>
    %dma_start3A_95 = tpu.memref_slice %arg3[%mul3A_93] : memref<2097152xf32, #tpu.memory_space<hbm>> -> memref<8192xf32, #tpu.memory_space<hbm>>
    tpu.enqueue_dma source(%dma_start3A_95 : memref<8192xf32, #tpu.memory_space<hbm>>) target(%arg6 : memref<8192xf32, #tpu.memory_space<vmem>>) target_semaphore(%arg13 : memref<!tpu.dma_semaphore, #tpu.memory_space<semaphore_mem>>)
    %dma_wait3A_96 = arith.constant 0 : i32
    %dma_wait3A_97 = arith.constant 0 : i32
    %dma_wait3A_98 = tpu.memref_slice %arg2[%dma_wait3A_96, %dma_wait3A_97] : memref<435200x16xf32, #tpu.memory_space<hbm>> -> memref<435200x16xf32, #tpu.memory_space<hbm>>
    tpu.wait_indirect_dma semaphore(%arg15 : memref<!tpu.dma_semaphore, #tpu.memory_space<semaphore_mem>>) src(%dma_wait3A_98 : memref<435200x16xf32, #tpu.memory_space<hbm>>) dst(%arg10 : memref<1792x16xf32, #tpu.memory_space<vmem>>)
    %iota3A_99 = tpu.iota {dimensions = array<i32: 0>} : vector<16xi32>
    %parallel_loop3A_100 = arith.constant 0 : i32
    %parallel_loop3A_101 = arith.constant 64 : i32
    %parallel_loop3A_102 = arith.constant 1 : i32
    scf.for %parallel_loop3A_167 = %parallel_loop3A_100 to %parallel_loop3A_101 step %parallel_loop3A_102  : i32 {
      %parallel_loop3A_168 = arith.constant 28 : i32
      %parallel_loop3A_169 = arith.muli %parallel_loop3A_167, %parallel_loop3A_168 : i32
      %parallel_loop3A_170 = arith.constant 0 : i32
      %parallel_loop3A_171 = arith.addi %parallel_loop3A_169, %parallel_loop3A_170 : i32
      %parallel_loop3A_172 = arith.index_cast %parallel_loop3A_171 : i32 to index
      %parallel_loop3A_173 = arith.constant 0 : index
      %parallel_loop3A_174 = tpu.vector_load %arg10[%parallel_loop3A_172, %parallel_loop3A_173] {strides = array<i32>} : memref<1792x16xf32, #tpu.memory_space<vmem>>, vector<16xf32>,
      %parallel_loop3A_175 = arith.constant 1 : i32
      %parallel_loop3A_176 = arith.addi %parallel_loop3A_169, %parallel_loop3A_175 : i32
      %parallel_loop3A_177 = arith.index_cast %parallel_loop3A_176 : i32 to index
      %parallel_loop3A_178 = arith.constant 0 : index
      %parallel_loop3A_179 = tpu.vector_load %arg10[%parallel_loop3A_177, %parallel_loop3A_178] {strides = array<i32>} : memref<1792x16xf32, #tpu.memory_space<vmem>>, vector<16xf32>,
      %parallel_loop3A_180 = arith.constant 2 : i32
      %parallel_loop3A_181 = arith.addi %parallel_loop3A_169, %parallel_loop3A_180 : i32
      %parallel_loop3A_182 = arith.index_cast %parallel_loop3A_181 : i32 to index
      %parallel_loop3A_183 = arith.constant 0 : index
      %parallel_loop3A_184 = tpu.vector_load %arg10[%parallel_loop3A_182, %parallel_loop3A_183] {strides = array<i32>} : memref<1792x16xf32, #tpu.memory_space<vmem>>, vector<16xf32>,
      %parallel_loop3A_185 = arith.constant 3 : i32
      %parallel_loop3A_186 = arith.addi %parallel_loop3A_169, %parallel_loop3A_185 : i32
      %parallel_loop3A_187 = arith.index_cast %parallel_loop3A_186 : i32 to index
      %parallel_loop3A_188 = arith.constant 0 : index
      %parallel_loop3A_189 = tpu.vector_load %arg10[%parallel_loop3A_187, %parallel_loop3A_188] {strides = array<i32>} : memref<1792x16xf32, #tpu.memory_space<vmem>>, vector<16xf32>,
      %parallel_loop3A_190 = arith.constant 4 : i32
      %parallel_loop3A_191 = arith.addi %parallel_loop3A_169, %parallel_loop3A_190 : i32
      %parallel_loop3A_192 = arith.index_cast %parallel_loop3A_191 : i32 to index
      %parallel_loop3A_193 = arith.constant 0 : index
      %parallel_loop3A_194 = tpu.vector_load %arg10[%parallel_loop3A_192, %parallel_loop3A_193] {strides = array<i32>} : memref<1792x16xf32, #tpu.memory_space<vmem>>, vector<16xf32>,
      %parallel_loop3A_195 = arith.constant 5 : i32
      %parallel_loop3A_196 = arith.addi %parallel_loop3A_169, %parallel_loop3A_195 : i32
      %parallel_loop3A_197 = arith.index_cast %parallel_loop3A_196 : i32 to index
      %parallel_loop3A_198 = arith.constant 0 : index
      %parallel_loop3A_199 = tpu.vector_load %arg10[%parallel_loop3A_197, %parallel_loop3A_198] {strides = array<i32>} : memref<1792x16xf32, #tpu.memory_space<vmem>>, vector<16xf32>,
      %parallel_loop3A_200 = arith.constant 6 : i32
      %parallel_loop3A_201 = arith.addi %parallel_loop3A_169, %parallel_loop3A_200 : i32
      %parallel_loop3A_202 = arith.index_cast %parallel_loop3A_201 : i32 to index
      %parallel_loop3A_203 = arith.constant 0 : index
      %parallel_loop3A_204 = tpu.vector_load %arg10[%parallel_loop3A_202, %parallel_loop3A_203] {strides = array<i32>} : memref<1792x16xf32, #tpu.memory_space<vmem>>, vector<16xf32>,
      %parallel_loop3A_205 = arith.constant 7 : i32
      %parallel_loop3A_206 = arith.addi %parallel_loop3A_169, %parallel_loop3A_205 : i32
      %parallel_loop3A_207 = arith.index_cast %parallel_loop3A_206 : i32 to index
      %parallel_loop3A_208 = arith.constant 0 : index
      %parallel_loop3A_209 = tpu.vector_load %arg10[%parallel_loop3A_207, %parallel_loop3A_208] {strides = array<i32>} : memref<1792x16xf32, #tpu.memory_space<vmem>>, vector<16xf32>,
      %parallel_loop3A_210 = arith.constant 8 : i32
      %parallel_loop3A_211 = arith.addi %parallel_loop3A_169, %parallel_loop3A_210 : i32
      %parallel_loop3A_212 = arith.index_cast %parallel_loop3A_211 : i32 to index
      %parallel_loop3A_213 = arith.constant 0 : index
      %parallel_loop3A_214 = tpu.vector_load %arg10[%parallel_loop3A_212, %parallel_loop3A_213] {strides = array<i32>} : memref<1792x16xf32, #tpu.memory_space<vmem>>, vector<16xf32>,
      %parallel_loop3A_215 = arith.constant 9 : i32
      %parallel_loop3A_216 = arith.addi %parallel_loop3A_169, %parallel_loop3A_215 : i32
      %parallel_loop3A_217 = arith.index_cast %parallel_loop3A_216 : i32 to index
      %parallel_loop3A_218 = arith.constant 0 : index
      %parallel_loop3A_219 = tpu.vector_load %arg10[%parallel_loop3A_217, %parallel_loop3A_218] {strides = array<i32>} : memref<1792x16xf32, #tpu.memory_space<vmem>>, vector<16xf32>,
      %parallel_loop3A_220 = arith.constant 10 : i32
      %parallel_loop3A_221 = arith.addi %parallel_loop3A_169, %parallel_loop3A_220 : i32
      %parallel_loop3A_222 = arith.index_cast %parallel_loop3A_221 : i32 to index
      %parallel_loop3A_223 = arith.constant 0 : index
      %parallel_loop3A_224 = tpu.vector_load %arg10[%parallel_loop3A_222, %parallel_loop3A_223] {strides = array<i32>} : memref<1792x16xf32, #tpu.memory_space<vmem>>, vector<16xf32>,
      %parallel_loop3A_225 = arith.constant 11 : i32
      %parallel_loop3A_226 = arith.addi %parallel_loop3A_169, %parallel_loop3A_225 : i32
      %parallel_loop3A_227 = arith.index_cast %parallel_loop3A_226 : i32 to index
      %parallel_loop3A_228 = arith.constant 0 : index
      %parallel_loop3A_229 = tpu.vector_load %arg10[%parallel_loop3A_227, %parallel_loop3A_228] {strides = array<i32>} : memref<1792x16xf32, #tpu.memory_space<vmem>>, vector<16xf32>,
      %parallel_loop3A_230 = arith.constant 12 : i32
      %parallel_loop3A_231 = arith.addi %parallel_loop3A_169, %parallel_loop3A_230 : i32
      %parallel_loop3A_232 = arith.index_cast %parallel_loop3A_231 : i32 to index
      %parallel_loop3A_233 = arith.constant 0 : index
      %parallel_loop3A_234 = tpu.vector_load %arg10[%parallel_loop3A_232, %parallel_loop3A_233] {strides = array<i32>} : memref<1792x16xf32, #tpu.memory_space<vmem>>, vector<16xf32>,
      %parallel_loop3A_235 = arith.constant 13 : i32
      %parallel_loop3A_236 = arith.addi %parallel_loop3A_169, %parallel_loop3A_235 : i32
      %parallel_loop3A_237 = arith.index_cast %parallel_loop3A_236 : i32 to index
      %parallel_loop3A_238 = arith.constant 0 : index
      %parallel_loop3A_239 = tpu.vector_load %arg10[%parallel_loop3A_237, %parallel_loop3A_238] {strides = array<i32>} : memref<1792x16xf32, #tpu.memory_space<vmem>>, vector<16xf32>,
      %parallel_loop3A_240 = arith.constant 14 : i32
      %parallel_loop3A_241 = arith.addi %parallel_loop3A_169, %parallel_loop3A_240 : i32
      %parallel_loop3A_242 = arith.index_cast %parallel_loop3A_241 : i32 to index
      %parallel_loop3A_243 = arith.constant 0 : index
      %parallel_loop3A_244 = tpu.vector_load %arg10[%parallel_loop3A_242, %parallel_loop3A_243] {strides = array<i32>} : memref<1792x16xf32, #tpu.memory_space<vmem>>, vector<16xf32>,
      %parallel_loop3A_245 = arith.constant 15 : i32
      %parallel_loop3A_246 = arith.addi %parallel_loop3A_169, %parallel_loop3A_245 : i32
      %parallel_loop3A_247 = arith.index_cast %parallel_loop3A_246 : i32 to index
      %parallel_loop3A_248 = arith.constant 0 : index
      %parallel_loop3A_249 = tpu.vector_load %arg10[%parallel_loop3A_247, %parallel_loop3A_248] {strides = array<i32>} : memref<1792x16xf32, #tpu.memory_space<vmem>>, vector<16xf32>,
      %parallel_loop3A_250 = arith.constant 16 : i32
      %parallel_loop3A_251 = arith.addi %parallel_loop3A_169, %parallel_loop3A_250 : i32
      %parallel_loop3A_252 = arith.index_cast %parallel_loop3A_251 : i32 to index
      %parallel_loop3A_253 = arith.constant 0 : index
      %parallel_loop3A_254 = tpu.vector_load %arg10[%parallel_loop3A_252, %parallel_loop3A_253] {strides = array<i32>} : memref<1792x16xf32, #tpu.memory_space<vmem>>, vector<16xf32>,
      %parallel_loop3A_255 = arith.constant 17 : i32
      %parallel_loop3A_256 = arith.addi %parallel_loop3A_169, %parallel_loop3A_255 : i32
      %parallel_loop3A_257 = arith.index_cast %parallel_loop3A_256 : i32 to index
      %parallel_loop3A_258 = arith.constant 0 : index
      %parallel_loop3A_259 = tpu.vector_load %arg10[%parallel_loop3A_257, %parallel_loop3A_258] {strides = array<i32>} : memref<1792x16xf32, #tpu.memory_space<vmem>>, vector<16xf32>,
      %parallel_loop3A_260 = arith.constant 18 : i32
      %parallel_loop3A_261 = arith.addi %parallel_loop3A_169, %parallel_loop3A_260 : i32
      %parallel_loop3A_262 = arith.index_cast %parallel_loop3A_261 : i32 to index
      %parallel_loop3A_263 = arith.constant 0 : index
      %parallel_loop3A_264 = tpu.vector_load %arg10[%parallel_loop3A_262, %parallel_loop3A_263] {strides = array<i32>} : memref<1792x16xf32, #tpu.memory_space<vmem>>, vector<16xf32>,
      %parallel_loop3A_265 = arith.constant 19 : i32
      %parallel_loop3A_266 = arith.addi %parallel_loop3A_169, %parallel_loop3A_265 : i32
      %parallel_loop3A_267 = arith.index_cast %parallel_loop3A_266 : i32 to index
      %parallel_loop3A_268 = arith.constant 0 : index
      %parallel_loop3A_269 = tpu.vector_load %arg10[%parallel_loop3A_267, %parallel_loop3A_268] {strides = array<i32>} : memref<1792x16xf32, #tpu.memory_space<vmem>>, vector<16xf32>,
      %parallel_loop3A_270 = arith.constant 20 : i32
      %parallel_loop3A_271 = arith.addi %parallel_loop3A_169, %parallel_loop3A_270 : i32
      %parallel_loop3A_272 = arith.index_cast %parallel_loop3A_271 : i32 to index
      %parallel_loop3A_273 = arith.constant 0 : index
      %parallel_loop3A_274 = tpu.vector_load %arg10[%parallel_loop3A_272, %parallel_loop3A_273] {strides = array<i32>} : memref<1792x16xf32, #tpu.memory_space<vmem>>, vector<16xf32>,
      %parallel_loop3A_275 = arith.constant 21 : i32
      %parallel_loop3A_276 = arith.addi %parallel_loop3A_169, %parallel_loop3A_275 : i32
      %parallel_loop3A_277 = arith.index_cast %parallel_loop3A_276 : i32 to index
      %parallel_loop3A_278 = arith.constant 0 : index
      %parallel_loop3A_279 = tpu.vector_load %arg10[%parallel_loop3A_277, %parallel_loop3A_278] {strides = array<i32>} : memref<1792x16xf32, #tpu.memory_space<vmem>>, vector<16xf32>,
      %parallel_loop3A_280 = arith.constant 22 : i32
      %parallel_loop3A_281 = arith.addi %parallel_loop3A_169, %parallel_loop3A_280 : i32
      %parallel_loop3A_282 = arith.index_cast %parallel_loop3A_281 : i32 to index
      %parallel_loop3A_283 = arith.constant 0 : index
      %parallel_loop3A_284 = tpu.vector_load %arg10[%parallel_loop3A_282, %parallel_loop3A_283] {strides = array<i32>} : memref<1792x16xf32, #tpu.memory_space<vmem>>, vector<16xf32>,
      %parallel_loop3A_285 = arith.constant 23 : i32
      %parallel_loop3A_286 = arith.addi %parallel_loop3A_169, %parallel_loop3A_285 : i32
      %parallel_loop3A_287 = arith.index_cast %parallel_loop3A_286 : i32 to index
      %parallel_loop3A_288 = arith.constant 0 : index
      %parallel_loop3A_289 = tpu.vector_load %arg10[%parallel_loop3A_287, %parallel_loop3A_288] {strides = array<i32>} : memref<1792x16xf32, #tpu.memory_space<vmem>>, vector<16xf32>,
      %parallel_loop3A_290 = arith.constant 24 : i32
      %parallel_loop3A_291 = arith.addi %parallel_loop3A_169, %parallel_loop3A_290 : i32
      %parallel_loop3A_292 = arith.index_cast %parallel_loop3A_291 : i32 to index
      %parallel_loop3A_293 = arith.constant 0 : index
      %parallel_loop3A_294 = tpu.vector_load %arg10[%parallel_loop3A_292, %parallel_loop3A_293] {strides = array<i32>} : memref<1792x16xf32, #tpu.memory_space<vmem>>, vector<16xf32>,
      %parallel_loop3A_295 = arith.constant 25 : i32
      %parallel_loop3A_296 = arith.addi %parallel_loop3A_169, %parallel_loop3A_295 : i32
      %parallel_loop3A_297 = arith.index_cast %parallel_loop3A_296 : i32 to index
      %parallel_loop3A_298 = arith.constant 0 : index
      %parallel_loop3A_299 = tpu.vector_load %arg10[%parallel_loop3A_297, %parallel_loop3A_298] {strides = array<i32>} : memref<1792x16xf32, #tpu.memory_space<vmem>>, vector<16xf32>,
      %parallel_loop3A_300 = arith.constant 26 : i32
      %parallel_loop3A_301 = arith.addi %parallel_loop3A_169, %parallel_loop3A_300 : i32
      %parallel_loop3A_302 = arith.index_cast %parallel_loop3A_301 : i32 to index
      %parallel_loop3A_303 = arith.constant 0 : index
      %parallel_loop3A_304 = tpu.vector_load %arg10[%parallel_loop3A_302, %parallel_loop3A_303] {strides = array<i32>} : memref<1792x16xf32, #tpu.memory_space<vmem>>, vector<16xf32>,
      %parallel_loop3A_305 = arith.constant 27 : i32
      %parallel_loop3A_306 = arith.addi %parallel_loop3A_169, %parallel_loop3A_305 : i32
      %parallel_loop3A_307 = arith.index_cast %parallel_loop3A_306 : i32 to index
      %parallel_loop3A_308 = arith.constant 0 : index
      %parallel_loop3A_309 = tpu.vector_load %arg10[%parallel_loop3A_307, %parallel_loop3A_308] {strides = array<i32>} : memref<1792x16xf32, #tpu.memory_space<vmem>>, vector<16xf32>,
      %parallel_loop3A_310 = arith.addf %parallel_loop3A_174, %parallel_loop3A_179 : vector<16xf32>
      %parallel_loop3A_311 = arith.addf %parallel_loop3A_184, %parallel_loop3A_189 : vector<16xf32>
      %parallel_loop3A_312 = arith.addf %parallel_loop3A_194, %parallel_loop3A_199 : vector<16xf32>
      %parallel_loop3A_313 = arith.addf %parallel_loop3A_204, %parallel_loop3A_209 : vector<16xf32>
      %parallel_loop3A_314 = arith.addf %parallel_loop3A_214, %parallel_loop3A_219 : vector<16xf32>
      %parallel_loop3A_315 = arith.addf %parallel_loop3A_224, %parallel_loop3A_229 : vector<16xf32>
      %parallel_loop3A_316 = arith.addf %parallel_loop3A_234, %parallel_loop3A_239 : vector<16xf32>
      %parallel_loop3A_317 = arith.addf %parallel_loop3A_244, %parallel_loop3A_249 : vector<16xf32>
      %parallel_loop3A_318 = arith.addf %parallel_loop3A_254, %parallel_loop3A_259 : vector<16xf32>
      %parallel_loop3A_319 = arith.addf %parallel_loop3A_264, %parallel_loop3A_269 : vector<16xf32>
      %parallel_loop3A_320 = arith.addf %parallel_loop3A_274, %parallel_loop3A_279 : vector<16xf32>
      %parallel_loop3A_321 = arith.addf %parallel_loop3A_284, %parallel_loop3A_289 : vector<16xf32>
      %parallel_loop3A_322 = arith.addf %parallel_loop3A_294, %parallel_loop3A_299 : vector<16xf32>
      %parallel_loop3A_323 = arith.addf %parallel_loop3A_304, %parallel_loop3A_309 : vector<16xf32>
      %parallel_loop3A_324 = arith.addf %parallel_loop3A_310, %parallel_loop3A_311 : vector<16xf32>
      %parallel_loop3A_325 = arith.addf %parallel_loop3A_312, %parallel_loop3A_313 : vector<16xf32>
      %parallel_loop3A_326 = arith.addf %parallel_loop3A_314, %parallel_loop3A_315 : vector<16xf32>
      %parallel_loop3A_327 = arith.addf %parallel_loop3A_316, %parallel_loop3A_317 : vector<16xf32>
      %parallel_loop3A_328 = arith.addf %parallel_loop3A_318, %parallel_loop3A_319 : vector<16xf32>
      %parallel_loop3A_329 = arith.addf %parallel_loop3A_320, %parallel_loop3A_321 : vector<16xf32>
      %parallel_loop3A_330 = arith.addf %parallel_loop3A_322, %parallel_loop3A_323 : vector<16xf32>
      %parallel_loop3A_331 = arith.addf %parallel_loop3A_324, %parallel_loop3A_325 : vector<16xf32>
      %parallel_loop3A_332 = arith.addf %parallel_loop3A_326, %parallel_loop3A_327 : vector<16xf32>
      %parallel_loop3A_333 = arith.addf %parallel_loop3A_328, %parallel_loop3A_329 : vector<16xf32>
      %parallel_loop3A_334 = arith.addf %parallel_loop3A_331, %parallel_loop3A_332 : vector<16xf32>
      %parallel_loop3A_335 = arith.addf %parallel_loop3A_333, %parallel_loop3A_330 : vector<16xf32>
      %parallel_loop3A_336 = arith.addf %parallel_loop3A_334, %parallel_loop3A_335 : vector<16xf32>
      %parallel_loop3A_337 = arith.constant 192 : i32
      %parallel_loop3A_338 = vector.broadcast %parallel_loop3A_337 : i32 to vector<16xi32>
      %parallel_loop3A_339 = vector.broadcast %parallel_loop3A_167 : i32 to vector<16xi32>
      %parallel_loop3A_340 = arith.addi %parallel_loop3A_338, %parallel_loop3A_339 : vector<16xi32>
      tpu.vector_store_idx %arg11[%iota3A_99, %parallel_loop3A_340], %parallel_loop3A_336 : memref<16x512xf32, #tpu.memory_space<vmem>>[vector<16xi32>, vector<16xi32>], vector<16xf32>,
    } {sc.loop_unroll_factor = 2 : i64, sc.parallel_access}
    %dma_wait3A_103 = tpu.memref_slice %arg3[%mul3A_93] : memref<2097152xf32, #tpu.memory_space<hbm>> -> memref<8192xf32, #tpu.memory_space<hbm>>
    %dma_wait3A_104 = tpu.memref_slice %arg3[%mul3A_93] : memref<2097152xf32, #tpu.memory_space<hbm>> -> memref<8192xf32, #tpu.memory_space<hbm>>
    tpu.wait_dma2 semaphore(%arg13 : memref<!tpu.dma_semaphore, #tpu.memory_space<semaphore_mem>>) src(%dma_wait3A_104 : memref<8192xf32, #tpu.memory_space<hbm>>) dst(%arg6 : memref<8192xf32, #tpu.memory_space<vmem>>)
    %parallel_loop3A_105 = arith.constant 0 : i32
    %parallel_loop3A_106 = arith.constant 64 : i32
    %parallel_loop3A_107 = arith.constant 1 : i32
    scf.for %parallel_loop3A_167 = %parallel_loop3A_105 to %parallel_loop3A_106 step %parallel_loop3A_107  : i32 {
      %parallel_loop3A_168 = arith.constant 128 : i32
      %parallel_loop3A_169 = arith.muli %parallel_loop3A_167, %parallel_loop3A_168 : i32
      %parallel_loop3A_170 = arith.constant 100 : i32
      %parallel_loop3A_171 = arith.addi %parallel_loop3A_169, %parallel_loop3A_170 : i32
      %parallel_loop3A_172 = arith.constant 28 : i32
      %parallel_loop3A_173 = arith.muli %parallel_loop3A_167, %parallel_loop3A_172 : i32
      %parallel_loop3A_174 = arith.constant 0 : i32
      %parallel_loop3A_175 = arith.addi %parallel_loop3A_171, %parallel_loop3A_174 : i32
      %parallel_loop3A_176 = arith.index_cast %parallel_loop3A_175 : i32 to index
      %parallel_loop3A_177 = tpu.vector_load %arg6[%parallel_loop3A_176] {strides = array<i32>} : memref<8192xf32, #tpu.memory_space<vmem>>, vector<16xf32>,
      %parallel_loop3A_178 = arith.constant 5.000000e-01 : f32
      %parallel_loop3A_179 = vector.broadcast %parallel_loop3A_178 : f32 to vector<16xf32>
      %parallel_loop3A_180 = arith.addf %parallel_loop3A_177, %parallel_loop3A_179 : vector<16xf32>
      %parallel_loop3A_181 = arith.constant 1.83823522E-5 : f32
      %parallel_loop3A_182 = vector.broadcast %parallel_loop3A_181 : f32 to vector<16xf32>
      %parallel_loop3A_183 = arith.mulf %parallel_loop3A_180, %parallel_loop3A_182 : vector<16xf32>
      %parallel_loop3A_184 = arith.fptosi %parallel_loop3A_183 : vector<16xf32> to vector<16xi32>
      %parallel_loop3A_185 = arith.fptosi %parallel_loop3A_177 : vector<16xf32> to vector<16xi32>
      %parallel_loop3A_186 = arith.constant 54400 : i32
      %parallel_loop3A_187 = vector.broadcast %parallel_loop3A_186 : i32 to vector<16xi32>
      %parallel_loop3A_188 = arith.muli %parallel_loop3A_187, %parallel_loop3A_184 : vector<16xi32>
      %parallel_loop3A_189 = arith.subi %parallel_loop3A_185, %parallel_loop3A_188 : vector<16xi32>
      %parallel_loop3A_190 = arith.constant 8 : i32
      %parallel_loop3A_191 = vector.broadcast %parallel_loop3A_190 : i32 to vector<16xi32>
      %parallel_loop3A_192 = arith.muli %parallel_loop3A_191, %parallel_loop3A_189 : vector<16xi32>
      %parallel_loop3A_193 = arith.addi %parallel_loop3A_192, %parallel_loop3A_184 : vector<16xi32>
      %parallel_loop3A_194 = arith.constant 0 : i32
      %parallel_loop3A_195 = arith.addi %parallel_loop3A_173, %parallel_loop3A_194 : i32
      %parallel_loop3A_196 = arith.index_cast %parallel_loop3A_195 : i32 to index
      %parallel_loop3A_197 = tpu.vector_load %arg8[%parallel_loop3A_196] {strides = array<i32>} : memref<1792xi32, #tpu.memory_space<vmem>>, vector<16xi32>,
      tpu.vector_store %arg8[%parallel_loop3A_196], %parallel_loop3A_193 {strides = array<i32>} : memref<1792xi32, #tpu.memory_space<vmem>>, vector<16xi32>,
      %parallel_loop3A_198 = arith.constant 12 : i32
      %parallel_loop3A_199 = arith.addi %parallel_loop3A_171, %parallel_loop3A_198 : i32
      %parallel_loop3A_200 = arith.index_cast %parallel_loop3A_199 : i32 to index
      %parallel_loop3A_201 = tpu.vector_load %arg6[%parallel_loop3A_200] {strides = array<i32>} : memref<8192xf32, #tpu.memory_space<vmem>>, vector<16xf32>,
      %parallel_loop3A_202 = arith.constant 5.000000e-01 : f32
      %parallel_loop3A_203 = vector.broadcast %parallel_loop3A_202 : f32 to vector<16xf32>
      %parallel_loop3A_204 = arith.addf %parallel_loop3A_201, %parallel_loop3A_203 : vector<16xf32>
      %parallel_loop3A_205 = arith.constant 1.83823522E-5 : f32
      %parallel_loop3A_206 = vector.broadcast %parallel_loop3A_205 : f32 to vector<16xf32>
      %parallel_loop3A_207 = arith.mulf %parallel_loop3A_204, %parallel_loop3A_206 : vector<16xf32>
      %parallel_loop3A_208 = arith.fptosi %parallel_loop3A_207 : vector<16xf32> to vector<16xi32>
      %parallel_loop3A_209 = arith.fptosi %parallel_loop3A_201 : vector<16xf32> to vector<16xi32>
      %parallel_loop3A_210 = arith.constant 54400 : i32
      %parallel_loop3A_211 = vector.broadcast %parallel_loop3A_210 : i32 to vector<16xi32>
      %parallel_loop3A_212 = arith.muli %parallel_loop3A_211, %parallel_loop3A_208 : vector<16xi32>
      %parallel_loop3A_213 = arith.subi %parallel_loop3A_209, %parallel_loop3A_212 : vector<16xi32>
      %parallel_loop3A_214 = arith.constant 8 : i32
      %parallel_loop3A_215 = vector.broadcast %parallel_loop3A_214 : i32 to vector<16xi32>
      %parallel_loop3A_216 = arith.muli %parallel_loop3A_215, %parallel_loop3A_213 : vector<16xi32>
      %parallel_loop3A_217 = arith.addi %parallel_loop3A_216, %parallel_loop3A_208 : vector<16xi32>
      %parallel_loop3A_218 = arith.constant 12 : i32
      %parallel_loop3A_219 = arith.addi %parallel_loop3A_173, %parallel_loop3A_218 : i32
      %parallel_loop3A_220 = arith.index_cast %parallel_loop3A_219 : i32 to index
      %parallel_loop3A_221 = tpu.vector_load %arg8[%parallel_loop3A_220] {strides = array<i32>} : memref<1792xi32, #tpu.memory_space<vmem>>, vector<16xi32>,
      tpu.vector_store %arg8[%parallel_loop3A_220], %parallel_loop3A_217 {strides = array<i32>} : memref<1792xi32, #tpu.memory_space<vmem>>, vector<16xi32>,
    } {sc.loop_unroll_factor = 2 : i64, sc.parallel_access}
    %dma_start3A_108 = arith.constant 0 : i32
    %dma_start3A_109 = arith.constant 0 : i32
    %dma_start3A_110 = tpu.memref_slice %arg2[%dma_start3A_108, %dma_start3A_109] : memref<435200x16xf32, #tpu.memory_space<hbm>> -> memref<435200x16xf32, #tpu.memory_space<hbm>>
    tpu.enqueue_indirect_dma source(%dma_start3A_110 : memref<435200x16xf32, #tpu.memory_space<hbm>>) target(%arg10 : memref<1792x16xf32, #tpu.memory_space<vmem>>) offsets(%arg8 : memref<1792xi32, #tpu.memory_space<vmem>>) semaphore(%arg15 : memref<!tpu.dma_semaphore, #tpu.memory_space<semaphore_mem>>)
    %add3A_111 = arith.constant 384 : i32
    %add3A_112 = arith.addi %mul3A_2, %add3A_111 : i32
    %mul3A_113 = arith.constant 128 : i32
    %mul3A_114 = arith.muli %add3A_112, %mul3A_113 : i32
    %dma_start3A_115 = tpu.memref_slice %arg3[%mul3A_114] : memref<2097152xf32, #tpu.memory_space<hbm>> -> memref<8192xf32, #tpu.memory_space<hbm>>
    %dma_start3A_116 = tpu.memref_slice %arg3[%mul3A_114] : memref<2097152xf32, #tpu.memory_space<hbm>> -> memref<8192xf32, #tpu.memory_space<hbm>>
    tpu.enqueue_dma source(%dma_start3A_116 : memref<8192xf32, #tpu.memory_space<hbm>>) target(%arg5 : memref<8192xf32, #tpu.memory_space<vmem>>) target_semaphore(%arg12 : memref<!tpu.dma_semaphore, #tpu.memory_space<semaphore_mem>>)
    %dma_wait3A_117 = arith.constant 0 : i32
    %dma_wait3A_118 = arith.constant 0 : i32
    %dma_wait3A_119 = tpu.memref_slice %arg2[%dma_wait3A_117, %dma_wait3A_118] : memref<435200x16xf32, #tpu.memory_space<hbm>> -> memref<435200x16xf32, #tpu.memory_space<hbm>>
    tpu.wait_indirect_dma semaphore(%arg14 : memref<!tpu.dma_semaphore, #tpu.memory_space<semaphore_mem>>) src(%dma_wait3A_119 : memref<435200x16xf32, #tpu.memory_space<hbm>>) dst(%arg9 : memref<1792x16xf32, #tpu.memory_space<vmem>>)
    %iota3A_120 = tpu.iota {dimensions = array<i32: 0>} : vector<16xi32>
    %parallel_loop3A_121 = arith.constant 0 : i32
    %parallel_loop3A_122 = arith.constant 64 : i32
    %parallel_loop3A_123 = arith.constant 1 : i32
    scf.for %parallel_loop3A_167 = %parallel_loop3A_121 to %parallel_loop3A_122 step %parallel_loop3A_123  : i32 {
      %parallel_loop3A_168 = arith.constant 28 : i32
      %parallel_loop3A_169 = arith.muli %parallel_loop3A_167, %parallel_loop3A_168 : i32
      %parallel_loop3A_170 = arith.constant 0 : i32
      %parallel_loop3A_171 = arith.addi %parallel_loop3A_169, %parallel_loop3A_170 : i32
      %parallel_loop3A_172 = arith.index_cast %parallel_loop3A_171 : i32 to index
      %parallel_loop3A_173 = arith.constant 0 : index
      %parallel_loop3A_174 = tpu.vector_load %arg9[%parallel_loop3A_172, %parallel_loop3A_173] {strides = array<i32>} : memref<1792x16xf32, #tpu.memory_space<vmem>>, vector<16xf32>,
      %parallel_loop3A_175 = arith.constant 1 : i32
      %parallel_loop3A_176 = arith.addi %parallel_loop3A_169, %parallel_loop3A_175 : i32
      %parallel_loop3A_177 = arith.index_cast %parallel_loop3A_176 : i32 to index
      %parallel_loop3A_178 = arith.constant 0 : index
      %parallel_loop3A_179 = tpu.vector_load %arg9[%parallel_loop3A_177, %parallel_loop3A_178] {strides = array<i32>} : memref<1792x16xf32, #tpu.memory_space<vmem>>, vector<16xf32>,
      %parallel_loop3A_180 = arith.constant 2 : i32
      %parallel_loop3A_181 = arith.addi %parallel_loop3A_169, %parallel_loop3A_180 : i32
      %parallel_loop3A_182 = arith.index_cast %parallel_loop3A_181 : i32 to index
      %parallel_loop3A_183 = arith.constant 0 : index
      %parallel_loop3A_184 = tpu.vector_load %arg9[%parallel_loop3A_182, %parallel_loop3A_183] {strides = array<i32>} : memref<1792x16xf32, #tpu.memory_space<vmem>>, vector<16xf32>,
      %parallel_loop3A_185 = arith.constant 3 : i32
      %parallel_loop3A_186 = arith.addi %parallel_loop3A_169, %parallel_loop3A_185 : i32
      %parallel_loop3A_187 = arith.index_cast %parallel_loop3A_186 : i32 to index
      %parallel_loop3A_188 = arith.constant 0 : index
      %parallel_loop3A_189 = tpu.vector_load %arg9[%parallel_loop3A_187, %parallel_loop3A_188] {strides = array<i32>} : memref<1792x16xf32, #tpu.memory_space<vmem>>, vector<16xf32>,
      %parallel_loop3A_190 = arith.constant 4 : i32
      %parallel_loop3A_191 = arith.addi %parallel_loop3A_169, %parallel_loop3A_190 : i32
      %parallel_loop3A_192 = arith.index_cast %parallel_loop3A_191 : i32 to index
      %parallel_loop3A_193 = arith.constant 0 : index
      %parallel_loop3A_194 = tpu.vector_load %arg9[%parallel_loop3A_192, %parallel_loop3A_193] {strides = array<i32>} : memref<1792x16xf32, #tpu.memory_space<vmem>>, vector<16xf32>,
      %parallel_loop3A_195 = arith.constant 5 : i32
      %parallel_loop3A_196 = arith.addi %parallel_loop3A_169, %parallel_loop3A_195 : i32
      %parallel_loop3A_197 = arith.index_cast %parallel_loop3A_196 : i32 to index
      %parallel_loop3A_198 = arith.constant 0 : index
      %parallel_loop3A_199 = tpu.vector_load %arg9[%parallel_loop3A_197, %parallel_loop3A_198] {strides = array<i32>} : memref<1792x16xf32, #tpu.memory_space<vmem>>, vector<16xf32>,
      %parallel_loop3A_200 = arith.constant 6 : i32
      %parallel_loop3A_201 = arith.addi %parallel_loop3A_169, %parallel_loop3A_200 : i32
      %parallel_loop3A_202 = arith.index_cast %parallel_loop3A_201 : i32 to index
      %parallel_loop3A_203 = arith.constant 0 : index
      %parallel_loop3A_204 = tpu.vector_load %arg9[%parallel_loop3A_202, %parallel_loop3A_203] {strides = array<i32>} : memref<1792x16xf32, #tpu.memory_space<vmem>>, vector<16xf32>,
      %parallel_loop3A_205 = arith.constant 7 : i32
      %parallel_loop3A_206 = arith.addi %parallel_loop3A_169, %parallel_loop3A_205 : i32
      %parallel_loop3A_207 = arith.index_cast %parallel_loop3A_206 : i32 to index
      %parallel_loop3A_208 = arith.constant 0 : index
      %parallel_loop3A_209 = tpu.vector_load %arg9[%parallel_loop3A_207, %parallel_loop3A_208] {strides = array<i32>} : memref<1792x16xf32, #tpu.memory_space<vmem>>, vector<16xf32>,
      %parallel_loop3A_210 = arith.constant 8 : i32
      %parallel_loop3A_211 = arith.addi %parallel_loop3A_169, %parallel_loop3A_210 : i32
      %parallel_loop3A_212 = arith.index_cast %parallel_loop3A_211 : i32 to index
      %parallel_loop3A_213 = arith.constant 0 : index
      %parallel_loop3A_214 = tpu.vector_load %arg9[%parallel_loop3A_212, %parallel_loop3A_213] {strides = array<i32>} : memref<1792x16xf32, #tpu.memory_space<vmem>>, vector<16xf32>,
      %parallel_loop3A_215 = arith.constant 9 : i32
      %parallel_loop3A_216 = arith.addi %parallel_loop3A_169, %parallel_loop3A_215 : i32
      %parallel_loop3A_217 = arith.index_cast %parallel_loop3A_216 : i32 to index
      %parallel_loop3A_218 = arith.constant 0 : index
      %parallel_loop3A_219 = tpu.vector_load %arg9[%parallel_loop3A_217, %parallel_loop3A_218] {strides = array<i32>} : memref<1792x16xf32, #tpu.memory_space<vmem>>, vector<16xf32>,
      %parallel_loop3A_220 = arith.constant 10 : i32
      %parallel_loop3A_221 = arith.addi %parallel_loop3A_169, %parallel_loop3A_220 : i32
      %parallel_loop3A_222 = arith.index_cast %parallel_loop3A_221 : i32 to index
      %parallel_loop3A_223 = arith.constant 0 : index
      %parallel_loop3A_224 = tpu.vector_load %arg9[%parallel_loop3A_222, %parallel_loop3A_223] {strides = array<i32>} : memref<1792x16xf32, #tpu.memory_space<vmem>>, vector<16xf32>,
      %parallel_loop3A_225 = arith.constant 11 : i32
      %parallel_loop3A_226 = arith.addi %parallel_loop3A_169, %parallel_loop3A_225 : i32
      %parallel_loop3A_227 = arith.index_cast %parallel_loop3A_226 : i32 to index
      %parallel_loop3A_228 = arith.constant 0 : index
      %parallel_loop3A_229 = tpu.vector_load %arg9[%parallel_loop3A_227, %parallel_loop3A_228] {strides = array<i32>} : memref<1792x16xf32, #tpu.memory_space<vmem>>, vector<16xf32>,
      %parallel_loop3A_230 = arith.constant 12 : i32
      %parallel_loop3A_231 = arith.addi %parallel_loop3A_169, %parallel_loop3A_230 : i32
      %parallel_loop3A_232 = arith.index_cast %parallel_loop3A_231 : i32 to index
      %parallel_loop3A_233 = arith.constant 0 : index
      %parallel_loop3A_234 = tpu.vector_load %arg9[%parallel_loop3A_232, %parallel_loop3A_233] {strides = array<i32>} : memref<1792x16xf32, #tpu.memory_space<vmem>>, vector<16xf32>,
      %parallel_loop3A_235 = arith.constant 13 : i32
      %parallel_loop3A_236 = arith.addi %parallel_loop3A_169, %parallel_loop3A_235 : i32
      %parallel_loop3A_237 = arith.index_cast %parallel_loop3A_236 : i32 to index
      %parallel_loop3A_238 = arith.constant 0 : index
      %parallel_loop3A_239 = tpu.vector_load %arg9[%parallel_loop3A_237, %parallel_loop3A_238] {strides = array<i32>} : memref<1792x16xf32, #tpu.memory_space<vmem>>, vector<16xf32>,
      %parallel_loop3A_240 = arith.constant 14 : i32
      %parallel_loop3A_241 = arith.addi %parallel_loop3A_169, %parallel_loop3A_240 : i32
      %parallel_loop3A_242 = arith.index_cast %parallel_loop3A_241 : i32 to index
      %parallel_loop3A_243 = arith.constant 0 : index
      %parallel_loop3A_244 = tpu.vector_load %arg9[%parallel_loop3A_242, %parallel_loop3A_243] {strides = array<i32>} : memref<1792x16xf32, #tpu.memory_space<vmem>>, vector<16xf32>,
      %parallel_loop3A_245 = arith.constant 15 : i32
      %parallel_loop3A_246 = arith.addi %parallel_loop3A_169, %parallel_loop3A_245 : i32
      %parallel_loop3A_247 = arith.index_cast %parallel_loop3A_246 : i32 to index
      %parallel_loop3A_248 = arith.constant 0 : index
      %parallel_loop3A_249 = tpu.vector_load %arg9[%parallel_loop3A_247, %parallel_loop3A_248] {strides = array<i32>} : memref<1792x16xf32, #tpu.memory_space<vmem>>, vector<16xf32>,
      %parallel_loop3A_250 = arith.constant 16 : i32
      %parallel_loop3A_251 = arith.addi %parallel_loop3A_169, %parallel_loop3A_250 : i32
      %parallel_loop3A_252 = arith.index_cast %parallel_loop3A_251 : i32 to index
      %parallel_loop3A_253 = arith.constant 0 : index
      %parallel_loop3A_254 = tpu.vector_load %arg9[%parallel_loop3A_252, %parallel_loop3A_253] {strides = array<i32>} : memref<1792x16xf32, #tpu.memory_space<vmem>>, vector<16xf32>,
      %parallel_loop3A_255 = arith.constant 17 : i32
      %parallel_loop3A_256 = arith.addi %parallel_loop3A_169, %parallel_loop3A_255 : i32
      %parallel_loop3A_257 = arith.index_cast %parallel_loop3A_256 : i32 to index
      %parallel_loop3A_258 = arith.constant 0 : index
      %parallel_loop3A_259 = tpu.vector_load %arg9[%parallel_loop3A_257, %parallel_loop3A_258] {strides = array<i32>} : memref<1792x16xf32, #tpu.memory_space<vmem>>, vector<16xf32>,
      %parallel_loop3A_260 = arith.constant 18 : i32
      %parallel_loop3A_261 = arith.addi %parallel_loop3A_169, %parallel_loop3A_260 : i32
      %parallel_loop3A_262 = arith.index_cast %parallel_loop3A_261 : i32 to index
      %parallel_loop3A_263 = arith.constant 0 : index
      %parallel_loop3A_264 = tpu.vector_load %arg9[%parallel_loop3A_262, %parallel_loop3A_263] {strides = array<i32>} : memref<1792x16xf32, #tpu.memory_space<vmem>>, vector<16xf32>,
      %parallel_loop3A_265 = arith.constant 19 : i32
      %parallel_loop3A_266 = arith.addi %parallel_loop3A_169, %parallel_loop3A_265 : i32
      %parallel_loop3A_267 = arith.index_cast %parallel_loop3A_266 : i32 to index
      %parallel_loop3A_268 = arith.constant 0 : index
      %parallel_loop3A_269 = tpu.vector_load %arg9[%parallel_loop3A_267, %parallel_loop3A_268] {strides = array<i32>} : memref<1792x16xf32, #tpu.memory_space<vmem>>, vector<16xf32>,
      %parallel_loop3A_270 = arith.constant 20 : i32
      %parallel_loop3A_271 = arith.addi %parallel_loop3A_169, %parallel_loop3A_270 : i32
      %parallel_loop3A_272 = arith.index_cast %parallel_loop3A_271 : i32 to index
      %parallel_loop3A_273 = arith.constant 0 : index
      %parallel_loop3A_274 = tpu.vector_load %arg9[%parallel_loop3A_272, %parallel_loop3A_273] {strides = array<i32>} : memref<1792x16xf32, #tpu.memory_space<vmem>>, vector<16xf32>,
      %parallel_loop3A_275 = arith.constant 21 : i32
      %parallel_loop3A_276 = arith.addi %parallel_loop3A_169, %parallel_loop3A_275 : i32
      %parallel_loop3A_277 = arith.index_cast %parallel_loop3A_276 : i32 to index
      %parallel_loop3A_278 = arith.constant 0 : index
      %parallel_loop3A_279 = tpu.vector_load %arg9[%parallel_loop3A_277, %parallel_loop3A_278] {strides = array<i32>} : memref<1792x16xf32, #tpu.memory_space<vmem>>, vector<16xf32>,
      %parallel_loop3A_280 = arith.constant 22 : i32
      %parallel_loop3A_281 = arith.addi %parallel_loop3A_169, %parallel_loop3A_280 : i32
      %parallel_loop3A_282 = arith.index_cast %parallel_loop3A_281 : i32 to index
      %parallel_loop3A_283 = arith.constant 0 : index
      %parallel_loop3A_284 = tpu.vector_load %arg9[%parallel_loop3A_282, %parallel_loop3A_283] {strides = array<i32>} : memref<1792x16xf32, #tpu.memory_space<vmem>>, vector<16xf32>,
      %parallel_loop3A_285 = arith.constant 23 : i32
      %parallel_loop3A_286 = arith.addi %parallel_loop3A_169, %parallel_loop3A_285 : i32
      %parallel_loop3A_287 = arith.index_cast %parallel_loop3A_286 : i32 to index
      %parallel_loop3A_288 = arith.constant 0 : index
      %parallel_loop3A_289 = tpu.vector_load %arg9[%parallel_loop3A_287, %parallel_loop3A_288] {strides = array<i32>} : memref<1792x16xf32, #tpu.memory_space<vmem>>, vector<16xf32>,
      %parallel_loop3A_290 = arith.constant 24 : i32
      %parallel_loop3A_291 = arith.addi %parallel_loop3A_169, %parallel_loop3A_290 : i32
      %parallel_loop3A_292 = arith.index_cast %parallel_loop3A_291 : i32 to index
      %parallel_loop3A_293 = arith.constant 0 : index
      %parallel_loop3A_294 = tpu.vector_load %arg9[%parallel_loop3A_292, %parallel_loop3A_293] {strides = array<i32>} : memref<1792x16xf32, #tpu.memory_space<vmem>>, vector<16xf32>,
      %parallel_loop3A_295 = arith.constant 25 : i32
      %parallel_loop3A_296 = arith.addi %parallel_loop3A_169, %parallel_loop3A_295 : i32
      %parallel_loop3A_297 = arith.index_cast %parallel_loop3A_296 : i32 to index
      %parallel_loop3A_298 = arith.constant 0 : index
      %parallel_loop3A_299 = tpu.vector_load %arg9[%parallel_loop3A_297, %parallel_loop3A_298] {strides = array<i32>} : memref<1792x16xf32, #tpu.memory_space<vmem>>, vector<16xf32>,
      %parallel_loop3A_300 = arith.constant 26 : i32
      %parallel_loop3A_301 = arith.addi %parallel_loop3A_169, %parallel_loop3A_300 : i32
      %parallel_loop3A_302 = arith.index_cast %parallel_loop3A_301 : i32 to index
      %parallel_loop3A_303 = arith.constant 0 : index
      %parallel_loop3A_304 = tpu.vector_load %arg9[%parallel_loop3A_302, %parallel_loop3A_303] {strides = array<i32>} : memref<1792x16xf32, #tpu.memory_space<vmem>>, vector<16xf32>,
      %parallel_loop3A_305 = arith.constant 27 : i32
      %parallel_loop3A_306 = arith.addi %parallel_loop3A_169, %parallel_loop3A_305 : i32
      %parallel_loop3A_307 = arith.index_cast %parallel_loop3A_306 : i32 to index
      %parallel_loop3A_308 = arith.constant 0 : index
      %parallel_loop3A_309 = tpu.vector_load %arg9[%parallel_loop3A_307, %parallel_loop3A_308] {strides = array<i32>} : memref<1792x16xf32, #tpu.memory_space<vmem>>, vector<16xf32>,
      %parallel_loop3A_310 = arith.addf %parallel_loop3A_174, %parallel_loop3A_179 : vector<16xf32>
      %parallel_loop3A_311 = arith.addf %parallel_loop3A_184, %parallel_loop3A_189 : vector<16xf32>
      %parallel_loop3A_312 = arith.addf %parallel_loop3A_194, %parallel_loop3A_199 : vector<16xf32>
      %parallel_loop3A_313 = arith.addf %parallel_loop3A_204, %parallel_loop3A_209 : vector<16xf32>
      %parallel_loop3A_314 = arith.addf %parallel_loop3A_214, %parallel_loop3A_219 : vector<16xf32>
      %parallel_loop3A_315 = arith.addf %parallel_loop3A_224, %parallel_loop3A_229 : vector<16xf32>
      %parallel_loop3A_316 = arith.addf %parallel_loop3A_234, %parallel_loop3A_239 : vector<16xf32>
      %parallel_loop3A_317 = arith.addf %parallel_loop3A_244, %parallel_loop3A_249 : vector<16xf32>
      %parallel_loop3A_318 = arith.addf %parallel_loop3A_254, %parallel_loop3A_259 : vector<16xf32>
      %parallel_loop3A_319 = arith.addf %parallel_loop3A_264, %parallel_loop3A_269 : vector<16xf32>
      %parallel_loop3A_320 = arith.addf %parallel_loop3A_274, %parallel_loop3A_279 : vector<16xf32>
      %parallel_loop3A_321 = arith.addf %parallel_loop3A_284, %parallel_loop3A_289 : vector<16xf32>
      %parallel_loop3A_322 = arith.addf %parallel_loop3A_294, %parallel_loop3A_299 : vector<16xf32>
      %parallel_loop3A_323 = arith.addf %parallel_loop3A_304, %parallel_loop3A_309 : vector<16xf32>
      %parallel_loop3A_324 = arith.addf %parallel_loop3A_310, %parallel_loop3A_311 : vector<16xf32>
      %parallel_loop3A_325 = arith.addf %parallel_loop3A_312, %parallel_loop3A_313 : vector<16xf32>
      %parallel_loop3A_326 = arith.addf %parallel_loop3A_314, %parallel_loop3A_315 : vector<16xf32>
      %parallel_loop3A_327 = arith.addf %parallel_loop3A_316, %parallel_loop3A_317 : vector<16xf32>
      %parallel_loop3A_328 = arith.addf %parallel_loop3A_318, %parallel_loop3A_319 : vector<16xf32>
      %parallel_loop3A_329 = arith.addf %parallel_loop3A_320, %parallel_loop3A_321 : vector<16xf32>
      %parallel_loop3A_330 = arith.addf %parallel_loop3A_322, %parallel_loop3A_323 : vector<16xf32>
      %parallel_loop3A_331 = arith.addf %parallel_loop3A_324, %parallel_loop3A_325 : vector<16xf32>
      %parallel_loop3A_332 = arith.addf %parallel_loop3A_326, %parallel_loop3A_327 : vector<16xf32>
      %parallel_loop3A_333 = arith.addf %parallel_loop3A_328, %parallel_loop3A_329 : vector<16xf32>
      %parallel_loop3A_334 = arith.addf %parallel_loop3A_331, %parallel_loop3A_332 : vector<16xf32>
      %parallel_loop3A_335 = arith.addf %parallel_loop3A_333, %parallel_loop3A_330 : vector<16xf32>
      %parallel_loop3A_336 = arith.addf %parallel_loop3A_334, %parallel_loop3A_335 : vector<16xf32>
      %parallel_loop3A_337 = arith.constant 256 : i32
      %parallel_loop3A_338 = vector.broadcast %parallel_loop3A_337 : i32 to vector<16xi32>
      %parallel_loop3A_339 = vector.broadcast %parallel_loop3A_167 : i32 to vector<16xi32>
      %parallel_loop3A_340 = arith.addi %parallel_loop3A_338, %parallel_loop3A_339 : vector<16xi32>
      tpu.vector_store_idx %arg11[%iota3A_120, %parallel_loop3A_340], %parallel_loop3A_336 : memref<16x512xf32, #tpu.memory_space<vmem>>[vector<16xi32>, vector<16xi32>], vector<16xf32>,
    } {sc.loop_unroll_factor = 2 : i64, sc.parallel_access}
    %dma_wait3A_124 = tpu.memref_slice %arg3[%mul3A_114] : memref<2097152xf32, #tpu.memory_space<hbm>> -> memref<8192xf32, #tpu.memory_space<hbm>>
    %dma_wait3A_125 = tpu.memref_slice %arg3[%mul3A_114] : memref<2097152xf32, #tpu.memory_space<hbm>> -> memref<8192xf32, #tpu.memory_space<hbm>>
    tpu.wait_dma2 semaphore(%arg12 : memref<!tpu.dma_semaphore, #tpu.memory_space<semaphore_mem>>) src(%dma_wait3A_125 : memref<8192xf32, #tpu.memory_space<hbm>>) dst(%arg5 : memref<8192xf32, #tpu.memory_space<vmem>>)
    %parallel_loop3A_126 = arith.constant 0 : i32
    %parallel_loop3A_127 = arith.constant 64 : i32
    %parallel_loop3A_128 = arith.constant 1 : i32
    scf.for %parallel_loop3A_167 = %parallel_loop3A_126 to %parallel_loop3A_127 step %parallel_loop3A_128  : i32 {
      %parallel_loop3A_168 = arith.constant 128 : i32
      %parallel_loop3A_169 = arith.muli %parallel_loop3A_167, %parallel_loop3A_168 : i32
      %parallel_loop3A_170 = arith.constant 100 : i32
      %parallel_loop3A_171 = arith.addi %parallel_loop3A_169, %parallel_loop3A_170 : i32
      %parallel_loop3A_172 = arith.constant 28 : i32
      %parallel_loop3A_173 = arith.muli %parallel_loop3A_167, %parallel_loop3A_172 : i32
      %parallel_loop3A_174 = arith.constant 0 : i32
      %parallel_loop3A_175 = arith.addi %parallel_loop3A_171, %parallel_loop3A_174 : i32
      %parallel_loop3A_176 = arith.index_cast %parallel_loop3A_175 : i32 to index
      %parallel_loop3A_177 = tpu.vector_load %arg5[%parallel_loop3A_176] {strides = array<i32>} : memref<8192xf32, #tpu.memory_space<vmem>>, vector<16xf32>,
      %parallel_loop3A_178 = arith.constant 5.000000e-01 : f32
      %parallel_loop3A_179 = vector.broadcast %parallel_loop3A_178 : f32 to vector<16xf32>
      %parallel_loop3A_180 = arith.addf %parallel_loop3A_177, %parallel_loop3A_179 : vector<16xf32>
      %parallel_loop3A_181 = arith.constant 1.83823522E-5 : f32
      %parallel_loop3A_182 = vector.broadcast %parallel_loop3A_181 : f32 to vector<16xf32>
      %parallel_loop3A_183 = arith.mulf %parallel_loop3A_180, %parallel_loop3A_182 : vector<16xf32>
      %parallel_loop3A_184 = arith.fptosi %parallel_loop3A_183 : vector<16xf32> to vector<16xi32>
      %parallel_loop3A_185 = arith.fptosi %parallel_loop3A_177 : vector<16xf32> to vector<16xi32>
      %parallel_loop3A_186 = arith.constant 54400 : i32
      %parallel_loop3A_187 = vector.broadcast %parallel_loop3A_186 : i32 to vector<16xi32>
      %parallel_loop3A_188 = arith.muli %parallel_loop3A_187, %parallel_loop3A_184 : vector<16xi32>
      %parallel_loop3A_189 = arith.subi %parallel_loop3A_185, %parallel_loop3A_188 : vector<16xi32>
      %parallel_loop3A_190 = arith.constant 8 : i32
      %parallel_loop3A_191 = vector.broadcast %parallel_loop3A_190 : i32 to vector<16xi32>
      %parallel_loop3A_192 = arith.muli %parallel_loop3A_191, %parallel_loop3A_189 : vector<16xi32>
      %parallel_loop3A_193 = arith.addi %parallel_loop3A_192, %parallel_loop3A_184 : vector<16xi32>
      %parallel_loop3A_194 = arith.constant 0 : i32
      %parallel_loop3A_195 = arith.addi %parallel_loop3A_173, %parallel_loop3A_194 : i32
      %parallel_loop3A_196 = arith.index_cast %parallel_loop3A_195 : i32 to index
      %parallel_loop3A_197 = tpu.vector_load %arg7[%parallel_loop3A_196] {strides = array<i32>} : memref<1792xi32, #tpu.memory_space<vmem>>, vector<16xi32>,
      tpu.vector_store %arg7[%parallel_loop3A_196], %parallel_loop3A_193 {strides = array<i32>} : memref<1792xi32, #tpu.memory_space<vmem>>, vector<16xi32>,
      %parallel_loop3A_198 = arith.constant 12 : i32
      %parallel_loop3A_199 = arith.addi %parallel_loop3A_171, %parallel_loop3A_198 : i32
      %parallel_loop3A_200 = arith.index_cast %parallel_loop3A_199 : i32 to index
      %parallel_loop3A_201 = tpu.vector_load %arg5[%parallel_loop3A_200] {strides = array<i32>} : memref<8192xf32, #tpu.memory_space<vmem>>, vector<16xf32>,
      %parallel_loop3A_202 = arith.constant 5.000000e-01 : f32
      %parallel_loop3A_203 = vector.broadcast %parallel_loop3A_202 : f32 to vector<16xf32>
      %parallel_loop3A_204 = arith.addf %parallel_loop3A_201, %parallel_loop3A_203 : vector<16xf32>
      %parallel_loop3A_205 = arith.constant 1.83823522E-5 : f32
      %parallel_loop3A_206 = vector.broadcast %parallel_loop3A_205 : f32 to vector<16xf32>
      %parallel_loop3A_207 = arith.mulf %parallel_loop3A_204, %parallel_loop3A_206 : vector<16xf32>
      %parallel_loop3A_208 = arith.fptosi %parallel_loop3A_207 : vector<16xf32> to vector<16xi32>
      %parallel_loop3A_209 = arith.fptosi %parallel_loop3A_201 : vector<16xf32> to vector<16xi32>
      %parallel_loop3A_210 = arith.constant 54400 : i32
      %parallel_loop3A_211 = vector.broadcast %parallel_loop3A_210 : i32 to vector<16xi32>
      %parallel_loop3A_212 = arith.muli %parallel_loop3A_211, %parallel_loop3A_208 : vector<16xi32>
      %parallel_loop3A_213 = arith.subi %parallel_loop3A_209, %parallel_loop3A_212 : vector<16xi32>
      %parallel_loop3A_214 = arith.constant 8 : i32
      %parallel_loop3A_215 = vector.broadcast %parallel_loop3A_214 : i32 to vector<16xi32>
      %parallel_loop3A_216 = arith.muli %parallel_loop3A_215, %parallel_loop3A_213 : vector<16xi32>
      %parallel_loop3A_217 = arith.addi %parallel_loop3A_216, %parallel_loop3A_208 : vector<16xi32>
      %parallel_loop3A_218 = arith.constant 12 : i32
      %parallel_loop3A_219 = arith.addi %parallel_loop3A_173, %parallel_loop3A_218 : i32
      %parallel_loop3A_220 = arith.index_cast %parallel_loop3A_219 : i32 to index
      %parallel_loop3A_221 = tpu.vector_load %arg7[%parallel_loop3A_220] {strides = array<i32>} : memref<1792xi32, #tpu.memory_space<vmem>>, vector<16xi32>,
      tpu.vector_store %arg7[%parallel_loop3A_220], %parallel_loop3A_217 {strides = array<i32>} : memref<1792xi32, #tpu.memory_space<vmem>>, vector<16xi32>,
    } {sc.loop_unroll_factor = 2 : i64, sc.parallel_access}
    %dma_start3A_129 = arith.constant 0 : i32
    %dma_start3A_130 = arith.constant 0 : i32
    %dma_start3A_131 = tpu.memref_slice %arg2[%dma_start3A_129, %dma_start3A_130] : memref<435200x16xf32, #tpu.memory_space<hbm>> -> memref<435200x16xf32, #tpu.memory_space<hbm>>
    tpu.enqueue_indirect_dma source(%dma_start3A_131 : memref<435200x16xf32, #tpu.memory_space<hbm>>) target(%arg9 : memref<1792x16xf32, #tpu.memory_space<vmem>>) offsets(%arg7 : memref<1792xi32, #tpu.memory_space<vmem>>) semaphore(%arg14 : memref<!tpu.dma_semaphore, #tpu.memory_space<semaphore_mem>>)
    %add3A_132 = arith.constant 448 : i32
    %add3A_133 = arith.addi %mul3A_2, %add3A_132 : i32
    %mul3A_134 = arith.constant 128 : i32
    %mul3A_135 = arith.muli %add3A_133, %mul3A_134 : i32
    %dma_start3A_136 = tpu.memref_slice %arg3[%mul3A_135] : memref<2097152xf32, #tpu.memory_space<hbm>> -> memref<8192xf32, #tpu.memory_space<hbm>>
    %dma_start3A_137 = tpu.memref_slice %arg3[%mul3A_135] : memref<2097152xf32, #tpu.memory_space<hbm>> -> memref<8192xf32, #tpu.memory_space<hbm>>
    tpu.enqueue_dma source(%dma_start3A_137 : memref<8192xf32, #tpu.memory_space<hbm>>) target(%arg6 : memref<8192xf32, #tpu.memory_space<vmem>>) target_semaphore(%arg13 : memref<!tpu.dma_semaphore, #tpu.memory_space<semaphore_mem>>)
    %dma_wait3A_138 = arith.constant 0 : i32
    %dma_wait3A_139 = arith.constant 0 : i32
    %dma_wait3A_140 = tpu.memref_slice %arg2[%dma_wait3A_138, %dma_wait3A_139] : memref<435200x16xf32, #tpu.memory_space<hbm>> -> memref<435200x16xf32, #tpu.memory_space<hbm>>
    tpu.wait_indirect_dma semaphore(%arg15 : memref<!tpu.dma_semaphore, #tpu.memory_space<semaphore_mem>>) src(%dma_wait3A_140 : memref<435200x16xf32, #tpu.memory_space<hbm>>) dst(%arg10 : memref<1792x16xf32, #tpu.memory_space<vmem>>)
    %iota3A_141 = tpu.iota {dimensions = array<i32: 0>} : vector<16xi32>
    %parallel_loop3A_142 = arith.constant 0 : i32
    %parallel_loop3A_143 = arith.constant 64 : i32
    %parallel_loop3A_144 = arith.constant 1 : i32
    scf.for %parallel_loop3A_167 = %parallel_loop3A_142 to %parallel_loop3A_143 step %parallel_loop3A_144  : i32 {
      %parallel_loop3A_168 = arith.constant 28 : i32
      %parallel_loop3A_169 = arith.muli %parallel_loop3A_167, %parallel_loop3A_168 : i32
      %parallel_loop3A_170 = arith.constant 0 : i32
      %parallel_loop3A_171 = arith.addi %parallel_loop3A_169, %parallel_loop3A_170 : i32
      %parallel_loop3A_172 = arith.index_cast %parallel_loop3A_171 : i32 to index
      %parallel_loop3A_173 = arith.constant 0 : index
      %parallel_loop3A_174 = tpu.vector_load %arg10[%parallel_loop3A_172, %parallel_loop3A_173] {strides = array<i32>} : memref<1792x16xf32, #tpu.memory_space<vmem>>, vector<16xf32>,
      %parallel_loop3A_175 = arith.constant 1 : i32
      %parallel_loop3A_176 = arith.addi %parallel_loop3A_169, %parallel_loop3A_175 : i32
      %parallel_loop3A_177 = arith.index_cast %parallel_loop3A_176 : i32 to index
      %parallel_loop3A_178 = arith.constant 0 : index
      %parallel_loop3A_179 = tpu.vector_load %arg10[%parallel_loop3A_177, %parallel_loop3A_178] {strides = array<i32>} : memref<1792x16xf32, #tpu.memory_space<vmem>>, vector<16xf32>,
      %parallel_loop3A_180 = arith.constant 2 : i32
      %parallel_loop3A_181 = arith.addi %parallel_loop3A_169, %parallel_loop3A_180 : i32
      %parallel_loop3A_182 = arith.index_cast %parallel_loop3A_181 : i32 to index
      %parallel_loop3A_183 = arith.constant 0 : index
      %parallel_loop3A_184 = tpu.vector_load %arg10[%parallel_loop3A_182, %parallel_loop3A_183] {strides = array<i32>} : memref<1792x16xf32, #tpu.memory_space<vmem>>, vector<16xf32>,
      %parallel_loop3A_185 = arith.constant 3 : i32
      %parallel_loop3A_186 = arith.addi %parallel_loop3A_169, %parallel_loop3A_185 : i32
      %parallel_loop3A_187 = arith.index_cast %parallel_loop3A_186 : i32 to index
      %parallel_loop3A_188 = arith.constant 0 : index
      %parallel_loop3A_189 = tpu.vector_load %arg10[%parallel_loop3A_187, %parallel_loop3A_188] {strides = array<i32>} : memref<1792x16xf32, #tpu.memory_space<vmem>>, vector<16xf32>,
      %parallel_loop3A_190 = arith.constant 4 : i32
      %parallel_loop3A_191 = arith.addi %parallel_loop3A_169, %parallel_loop3A_190 : i32
      %parallel_loop3A_192 = arith.index_cast %parallel_loop3A_191 : i32 to index
      %parallel_loop3A_193 = arith.constant 0 : index
      %parallel_loop3A_194 = tpu.vector_load %arg10[%parallel_loop3A_192, %parallel_loop3A_193] {strides = array<i32>} : memref<1792x16xf32, #tpu.memory_space<vmem>>, vector<16xf32>,
      %parallel_loop3A_195 = arith.constant 5 : i32
      %parallel_loop3A_196 = arith.addi %parallel_loop3A_169, %parallel_loop3A_195 : i32
      %parallel_loop3A_197 = arith.index_cast %parallel_loop3A_196 : i32 to index
      %parallel_loop3A_198 = arith.constant 0 : index
      %parallel_loop3A_199 = tpu.vector_load %arg10[%parallel_loop3A_197, %parallel_loop3A_198] {strides = array<i32>} : memref<1792x16xf32, #tpu.memory_space<vmem>>, vector<16xf32>,
      %parallel_loop3A_200 = arith.constant 6 : i32
      %parallel_loop3A_201 = arith.addi %parallel_loop3A_169, %parallel_loop3A_200 : i32
      %parallel_loop3A_202 = arith.index_cast %parallel_loop3A_201 : i32 to index
      %parallel_loop3A_203 = arith.constant 0 : index
      %parallel_loop3A_204 = tpu.vector_load %arg10[%parallel_loop3A_202, %parallel_loop3A_203] {strides = array<i32>} : memref<1792x16xf32, #tpu.memory_space<vmem>>, vector<16xf32>,
      %parallel_loop3A_205 = arith.constant 7 : i32
      %parallel_loop3A_206 = arith.addi %parallel_loop3A_169, %parallel_loop3A_205 : i32
      %parallel_loop3A_207 = arith.index_cast %parallel_loop3A_206 : i32 to index
      %parallel_loop3A_208 = arith.constant 0 : index
      %parallel_loop3A_209 = tpu.vector_load %arg10[%parallel_loop3A_207, %parallel_loop3A_208] {strides = array<i32>} : memref<1792x16xf32, #tpu.memory_space<vmem>>, vector<16xf32>,
      %parallel_loop3A_210 = arith.constant 8 : i32
      %parallel_loop3A_211 = arith.addi %parallel_loop3A_169, %parallel_loop3A_210 : i32
      %parallel_loop3A_212 = arith.index_cast %parallel_loop3A_211 : i32 to index
      %parallel_loop3A_213 = arith.constant 0 : index
      %parallel_loop3A_214 = tpu.vector_load %arg10[%parallel_loop3A_212, %parallel_loop3A_213] {strides = array<i32>} : memref<1792x16xf32, #tpu.memory_space<vmem>>, vector<16xf32>,
      %parallel_loop3A_215 = arith.constant 9 : i32
      %parallel_loop3A_216 = arith.addi %parallel_loop3A_169, %parallel_loop3A_215 : i32
      %parallel_loop3A_217 = arith.index_cast %parallel_loop3A_216 : i32 to index
      %parallel_loop3A_218 = arith.constant 0 : index
      %parallel_loop3A_219 = tpu.vector_load %arg10[%parallel_loop3A_217, %parallel_loop3A_218] {strides = array<i32>} : memref<1792x16xf32, #tpu.memory_space<vmem>>, vector<16xf32>,
      %parallel_loop3A_220 = arith.constant 10 : i32
      %parallel_loop3A_221 = arith.addi %parallel_loop3A_169, %parallel_loop3A_220 : i32
      %parallel_loop3A_222 = arith.index_cast %parallel_loop3A_221 : i32 to index
      %parallel_loop3A_223 = arith.constant 0 : index
      %parallel_loop3A_224 = tpu.vector_load %arg10[%parallel_loop3A_222, %parallel_loop3A_223] {strides = array<i32>} : memref<1792x16xf32, #tpu.memory_space<vmem>>, vector<16xf32>,
      %parallel_loop3A_225 = arith.constant 11 : i32
      %parallel_loop3A_226 = arith.addi %parallel_loop3A_169, %parallel_loop3A_225 : i32
      %parallel_loop3A_227 = arith.index_cast %parallel_loop3A_226 : i32 to index
      %parallel_loop3A_228 = arith.constant 0 : index
      %parallel_loop3A_229 = tpu.vector_load %arg10[%parallel_loop3A_227, %parallel_loop3A_228] {strides = array<i32>} : memref<1792x16xf32, #tpu.memory_space<vmem>>, vector<16xf32>,
      %parallel_loop3A_230 = arith.constant 12 : i32
      %parallel_loop3A_231 = arith.addi %parallel_loop3A_169, %parallel_loop3A_230 : i32
      %parallel_loop3A_232 = arith.index_cast %parallel_loop3A_231 : i32 to index
      %parallel_loop3A_233 = arith.constant 0 : index
      %parallel_loop3A_234 = tpu.vector_load %arg10[%parallel_loop3A_232, %parallel_loop3A_233] {strides = array<i32>} : memref<1792x16xf32, #tpu.memory_space<vmem>>, vector<16xf32>,
      %parallel_loop3A_235 = arith.constant 13 : i32
      %parallel_loop3A_236 = arith.addi %parallel_loop3A_169, %parallel_loop3A_235 : i32
      %parallel_loop3A_237 = arith.index_cast %parallel_loop3A_236 : i32 to index
      %parallel_loop3A_238 = arith.constant 0 : index
      %parallel_loop3A_239 = tpu.vector_load %arg10[%parallel_loop3A_237, %parallel_loop3A_238] {strides = array<i32>} : memref<1792x16xf32, #tpu.memory_space<vmem>>, vector<16xf32>,
      %parallel_loop3A_240 = arith.constant 14 : i32
      %parallel_loop3A_241 = arith.addi %parallel_loop3A_169, %parallel_loop3A_240 : i32
      %parallel_loop3A_242 = arith.index_cast %parallel_loop3A_241 : i32 to index
      %parallel_loop3A_243 = arith.constant 0 : index
      %parallel_loop3A_244 = tpu.vector_load %arg10[%parallel_loop3A_242, %parallel_loop3A_243] {strides = array<i32>} : memref<1792x16xf32, #tpu.memory_space<vmem>>, vector<16xf32>,
      %parallel_loop3A_245 = arith.constant 15 : i32
      %parallel_loop3A_246 = arith.addi %parallel_loop3A_169, %parallel_loop3A_245 : i32
      %parallel_loop3A_247 = arith.index_cast %parallel_loop3A_246 : i32 to index
      %parallel_loop3A_248 = arith.constant 0 : index
      %parallel_loop3A_249 = tpu.vector_load %arg10[%parallel_loop3A_247, %parallel_loop3A_248] {strides = array<i32>} : memref<1792x16xf32, #tpu.memory_space<vmem>>, vector<16xf32>,
      %parallel_loop3A_250 = arith.constant 16 : i32
      %parallel_loop3A_251 = arith.addi %parallel_loop3A_169, %parallel_loop3A_250 : i32
      %parallel_loop3A_252 = arith.index_cast %parallel_loop3A_251 : i32 to index
      %parallel_loop3A_253 = arith.constant 0 : index
      %parallel_loop3A_254 = tpu.vector_load %arg10[%parallel_loop3A_252, %parallel_loop3A_253] {strides = array<i32>} : memref<1792x16xf32, #tpu.memory_space<vmem>>, vector<16xf32>,
      %parallel_loop3A_255 = arith.constant 17 : i32
      %parallel_loop3A_256 = arith.addi %parallel_loop3A_169, %parallel_loop3A_255 : i32
      %parallel_loop3A_257 = arith.index_cast %parallel_loop3A_256 : i32 to index
      %parallel_loop3A_258 = arith.constant 0 : index
      %parallel_loop3A_259 = tpu.vector_load %arg10[%parallel_loop3A_257, %parallel_loop3A_258] {strides = array<i32>} : memref<1792x16xf32, #tpu.memory_space<vmem>>, vector<16xf32>,
      %parallel_loop3A_260 = arith.constant 18 : i32
      %parallel_loop3A_261 = arith.addi %parallel_loop3A_169, %parallel_loop3A_260 : i32
      %parallel_loop3A_262 = arith.index_cast %parallel_loop3A_261 : i32 to index
      %parallel_loop3A_263 = arith.constant 0 : index
      %parallel_loop3A_264 = tpu.vector_load %arg10[%parallel_loop3A_262, %parallel_loop3A_263] {strides = array<i32>} : memref<1792x16xf32, #tpu.memory_space<vmem>>, vector<16xf32>,
      %parallel_loop3A_265 = arith.constant 19 : i32
      %parallel_loop3A_266 = arith.addi %parallel_loop3A_169, %parallel_loop3A_265 : i32
      %parallel_loop3A_267 = arith.index_cast %parallel_loop3A_266 : i32 to index
      %parallel_loop3A_268 = arith.constant 0 : index
      %parallel_loop3A_269 = tpu.vector_load %arg10[%parallel_loop3A_267, %parallel_loop3A_268] {strides = array<i32>} : memref<1792x16xf32, #tpu.memory_space<vmem>>, vector<16xf32>,
      %parallel_loop3A_270 = arith.constant 20 : i32
      %parallel_loop3A_271 = arith.addi %parallel_loop3A_169, %parallel_loop3A_270 : i32
      %parallel_loop3A_272 = arith.index_cast %parallel_loop3A_271 : i32 to index
      %parallel_loop3A_273 = arith.constant 0 : index
      %parallel_loop3A_274 = tpu.vector_load %arg10[%parallel_loop3A_272, %parallel_loop3A_273] {strides = array<i32>} : memref<1792x16xf32, #tpu.memory_space<vmem>>, vector<16xf32>,
      %parallel_loop3A_275 = arith.constant 21 : i32
      %parallel_loop3A_276 = arith.addi %parallel_loop3A_169, %parallel_loop3A_275 : i32
      %parallel_loop3A_277 = arith.index_cast %parallel_loop3A_276 : i32 to index
      %parallel_loop3A_278 = arith.constant 0 : index
      %parallel_loop3A_279 = tpu.vector_load %arg10[%parallel_loop3A_277, %parallel_loop3A_278] {strides = array<i32>} : memref<1792x16xf32, #tpu.memory_space<vmem>>, vector<16xf32>,
      %parallel_loop3A_280 = arith.constant 22 : i32
      %parallel_loop3A_281 = arith.addi %parallel_loop3A_169, %parallel_loop3A_280 : i32
      %parallel_loop3A_282 = arith.index_cast %parallel_loop3A_281 : i32 to index
      %parallel_loop3A_283 = arith.constant 0 : index
      %parallel_loop3A_284 = tpu.vector_load %arg10[%parallel_loop3A_282, %parallel_loop3A_283] {strides = array<i32>} : memref<1792x16xf32, #tpu.memory_space<vmem>>, vector<16xf32>,
      %parallel_loop3A_285 = arith.constant 23 : i32
      %parallel_loop3A_286 = arith.addi %parallel_loop3A_169, %parallel_loop3A_285 : i32
      %parallel_loop3A_287 = arith.index_cast %parallel_loop3A_286 : i32 to index
      %parallel_loop3A_288 = arith.constant 0 : index
      %parallel_loop3A_289 = tpu.vector_load %arg10[%parallel_loop3A_287, %parallel_loop3A_288] {strides = array<i32>} : memref<1792x16xf32, #tpu.memory_space<vmem>>, vector<16xf32>,
      %parallel_loop3A_290 = arith.constant 24 : i32
      %parallel_loop3A_291 = arith.addi %parallel_loop3A_169, %parallel_loop3A_290 : i32
      %parallel_loop3A_292 = arith.index_cast %parallel_loop3A_291 : i32 to index
      %parallel_loop3A_293 = arith.constant 0 : index
      %parallel_loop3A_294 = tpu.vector_load %arg10[%parallel_loop3A_292, %parallel_loop3A_293] {strides = array<i32>} : memref<1792x16xf32, #tpu.memory_space<vmem>>, vector<16xf32>,
      %parallel_loop3A_295 = arith.constant 25 : i32
      %parallel_loop3A_296 = arith.addi %parallel_loop3A_169, %parallel_loop3A_295 : i32
      %parallel_loop3A_297 = arith.index_cast %parallel_loop3A_296 : i32 to index
      %parallel_loop3A_298 = arith.constant 0 : index
      %parallel_loop3A_299 = tpu.vector_load %arg10[%parallel_loop3A_297, %parallel_loop3A_298] {strides = array<i32>} : memref<1792x16xf32, #tpu.memory_space<vmem>>, vector<16xf32>,
      %parallel_loop3A_300 = arith.constant 26 : i32
      %parallel_loop3A_301 = arith.addi %parallel_loop3A_169, %parallel_loop3A_300 : i32
      %parallel_loop3A_302 = arith.index_cast %parallel_loop3A_301 : i32 to index
      %parallel_loop3A_303 = arith.constant 0 : index
      %parallel_loop3A_304 = tpu.vector_load %arg10[%parallel_loop3A_302, %parallel_loop3A_303] {strides = array<i32>} : memref<1792x16xf32, #tpu.memory_space<vmem>>, vector<16xf32>,
      %parallel_loop3A_305 = arith.constant 27 : i32
      %parallel_loop3A_306 = arith.addi %parallel_loop3A_169, %parallel_loop3A_305 : i32
      %parallel_loop3A_307 = arith.index_cast %parallel_loop3A_306 : i32 to index
      %parallel_loop3A_308 = arith.constant 0 : index
      %parallel_loop3A_309 = tpu.vector_load %arg10[%parallel_loop3A_307, %parallel_loop3A_308] {strides = array<i32>} : memref<1792x16xf32, #tpu.memory_space<vmem>>, vector<16xf32>,
      %parallel_loop3A_310 = arith.addf %parallel_loop3A_174, %parallel_loop3A_179 : vector<16xf32>
      %parallel_loop3A_311 = arith.addf %parallel_loop3A_184, %parallel_loop3A_189 : vector<16xf32>
      %parallel_loop3A_312 = arith.addf %parallel_loop3A_194, %parallel_loop3A_199 : vector<16xf32>
      %parallel_loop3A_313 = arith.addf %parallel_loop3A_204, %parallel_loop3A_209 : vector<16xf32>
      %parallel_loop3A_314 = arith.addf %parallel_loop3A_214, %parallel_loop3A_219 : vector<16xf32>
      %parallel_loop3A_315 = arith.addf %parallel_loop3A_224, %parallel_loop3A_229 : vector<16xf32>
      %parallel_loop3A_316 = arith.addf %parallel_loop3A_234, %parallel_loop3A_239 : vector<16xf32>
      %parallel_loop3A_317 = arith.addf %parallel_loop3A_244, %parallel_loop3A_249 : vector<16xf32>
      %parallel_loop3A_318 = arith.addf %parallel_loop3A_254, %parallel_loop3A_259 : vector<16xf32>
      %parallel_loop3A_319 = arith.addf %parallel_loop3A_264, %parallel_loop3A_269 : vector<16xf32>
      %parallel_loop3A_320 = arith.addf %parallel_loop3A_274, %parallel_loop3A_279 : vector<16xf32>
      %parallel_loop3A_321 = arith.addf %parallel_loop3A_284, %parallel_loop3A_289 : vector<16xf32>
      %parallel_loop3A_322 = arith.addf %parallel_loop3A_294, %parallel_loop3A_299 : vector<16xf32>
      %parallel_loop3A_323 = arith.addf %parallel_loop3A_304, %parallel_loop3A_309 : vector<16xf32>
      %parallel_loop3A_324 = arith.addf %parallel_loop3A_310, %parallel_loop3A_311 : vector<16xf32>
      %parallel_loop3A_325 = arith.addf %parallel_loop3A_312, %parallel_loop3A_313 : vector<16xf32>
      %parallel_loop3A_326 = arith.addf %parallel_loop3A_314, %parallel_loop3A_315 : vector<16xf32>
      %parallel_loop3A_327 = arith.addf %parallel_loop3A_316, %parallel_loop3A_317 : vector<16xf32>
      %parallel_loop3A_328 = arith.addf %parallel_loop3A_318, %parallel_loop3A_319 : vector<16xf32>
      %parallel_loop3A_329 = arith.addf %parallel_loop3A_320, %parallel_loop3A_321 : vector<16xf32>
      %parallel_loop3A_330 = arith.addf %parallel_loop3A_322, %parallel_loop3A_323 : vector<16xf32>
      %parallel_loop3A_331 = arith.addf %parallel_loop3A_324, %parallel_loop3A_325 : vector<16xf32>
      %parallel_loop3A_332 = arith.addf %parallel_loop3A_326, %parallel_loop3A_327 : vector<16xf32>
      %parallel_loop3A_333 = arith.addf %parallel_loop3A_328, %parallel_loop3A_329 : vector<16xf32>
      %parallel_loop3A_334 = arith.addf %parallel_loop3A_331, %parallel_loop3A_332 : vector<16xf32>
      %parallel_loop3A_335 = arith.addf %parallel_loop3A_333, %parallel_loop3A_330 : vector<16xf32>
      %parallel_loop3A_336 = arith.addf %parallel_loop3A_334, %parallel_loop3A_335 : vector<16xf32>
      %parallel_loop3A_337 = arith.constant 320 : i32
      %parallel_loop3A_338 = vector.broadcast %parallel_loop3A_337 : i32 to vector<16xi32>
      %parallel_loop3A_339 = vector.broadcast %parallel_loop3A_167 : i32 to vector<16xi32>
      %parallel_loop3A_340 = arith.addi %parallel_loop3A_338, %parallel_loop3A_339 : vector<16xi32>
      tpu.vector_store_idx %arg11[%iota3A_141, %parallel_loop3A_340], %parallel_loop3A_336 : memref<16x512xf32, #tpu.memory_space<vmem>>[vector<16xi32>, vector<16xi32>], vector<16xf32>,
    } {sc.loop_unroll_factor = 2 : i64, sc.parallel_access}
    %dma_wait3A_145 = tpu.memref_slice %arg3[%mul3A_135] : memref<2097152xf32, #tpu.memory_space<hbm>> -> memref<8192xf32, #tpu.memory_space<hbm>>
    %dma_wait3A_146 = tpu.memref_slice %arg3[%mul3A_135] : memref<2097152xf32, #tpu.memory_space<hbm>> -> memref<8192xf32, #tpu.memory_space<hbm>>
    tpu.wait_dma2 semaphore(%arg13 : memref<!tpu.dma_semaphore, #tpu.memory_space<semaphore_mem>>) src(%dma_wait3A_146 : memref<8192xf32, #tpu.memory_space<hbm>>) dst(%arg6 : memref<8192xf32, #tpu.memory_space<vmem>>)
    %parallel_loop3A_147 = arith.constant 0 : i32
    %parallel_loop3A_148 = arith.constant 64 : i32
    %parallel_loop3A_149 = arith.constant 1 : i32
    scf.for %parallel_loop3A_167 = %parallel_loop3A_147 to %parallel_loop3A_148 step %parallel_loop3A_149  : i32 {
      %parallel_loop3A_168 = arith.constant 128 : i32
      %parallel_loop3A_169 = arith.muli %parallel_loop3A_167, %parallel_loop3A_168 : i32
      %parallel_loop3A_170 = arith.constant 100 : i32
      %parallel_loop3A_171 = arith.addi %parallel_loop3A_169, %parallel_loop3A_170 : i32
      %parallel_loop3A_172 = arith.constant 28 : i32
      %parallel_loop3A_173 = arith.muli %parallel_loop3A_167, %parallel_loop3A_172 : i32
      %parallel_loop3A_174 = arith.constant 0 : i32
      %parallel_loop3A_175 = arith.addi %parallel_loop3A_171, %parallel_loop3A_174 : i32
      %parallel_loop3A_176 = arith.index_cast %parallel_loop3A_175 : i32 to index
      %parallel_loop3A_177 = tpu.vector_load %arg6[%parallel_loop3A_176] {strides = array<i32>} : memref<8192xf32, #tpu.memory_space<vmem>>, vector<16xf32>,
      %parallel_loop3A_178 = arith.constant 5.000000e-01 : f32
      %parallel_loop3A_179 = vector.broadcast %parallel_loop3A_178 : f32 to vector<16xf32>
      %parallel_loop3A_180 = arith.addf %parallel_loop3A_177, %parallel_loop3A_179 : vector<16xf32>
      %parallel_loop3A_181 = arith.constant 1.83823522E-5 : f32
      %parallel_loop3A_182 = vector.broadcast %parallel_loop3A_181 : f32 to vector<16xf32>
      %parallel_loop3A_183 = arith.mulf %parallel_loop3A_180, %parallel_loop3A_182 : vector<16xf32>
      %parallel_loop3A_184 = arith.fptosi %parallel_loop3A_183 : vector<16xf32> to vector<16xi32>
      %parallel_loop3A_185 = arith.fptosi %parallel_loop3A_177 : vector<16xf32> to vector<16xi32>
      %parallel_loop3A_186 = arith.constant 54400 : i32
      %parallel_loop3A_187 = vector.broadcast %parallel_loop3A_186 : i32 to vector<16xi32>
      %parallel_loop3A_188 = arith.muli %parallel_loop3A_187, %parallel_loop3A_184 : vector<16xi32>
      %parallel_loop3A_189 = arith.subi %parallel_loop3A_185, %parallel_loop3A_188 : vector<16xi32>
      %parallel_loop3A_190 = arith.constant 8 : i32
      %parallel_loop3A_191 = vector.broadcast %parallel_loop3A_190 : i32 to vector<16xi32>
      %parallel_loop3A_192 = arith.muli %parallel_loop3A_191, %parallel_loop3A_189 : vector<16xi32>
      %parallel_loop3A_193 = arith.addi %parallel_loop3A_192, %parallel_loop3A_184 : vector<16xi32>
      %parallel_loop3A_194 = arith.constant 0 : i32
      %parallel_loop3A_195 = arith.addi %parallel_loop3A_173, %parallel_loop3A_194 : i32
      %parallel_loop3A_196 = arith.index_cast %parallel_loop3A_195 : i32 to index
      %parallel_loop3A_197 = tpu.vector_load %arg8[%parallel_loop3A_196] {strides = array<i32>} : memref<1792xi32, #tpu.memory_space<vmem>>, vector<16xi32>,
      tpu.vector_store %arg8[%parallel_loop3A_196], %parallel_loop3A_193 {strides = array<i32>} : memref<1792xi32, #tpu.memory_space<vmem>>, vector<16xi32>,
      %parallel_loop3A_198 = arith.constant 12 : i32
      %parallel_loop3A_199 = arith.addi %parallel_loop3A_171, %parallel_loop3A_198 : i32
      %parallel_loop3A_200 = arith.index_cast %parallel_loop3A_199 : i32 to index
      %parallel_loop3A_201 = tpu.vector_load %arg6[%parallel_loop3A_200] {strides = array<i32>} : memref<8192xf32, #tpu.memory_space<vmem>>, vector<16xf32>,
      %parallel_loop3A_202 = arith.constant 5.000000e-01 : f32
      %parallel_loop3A_203 = vector.broadcast %parallel_loop3A_202 : f32 to vector<16xf32>
      %parallel_loop3A_204 = arith.addf %parallel_loop3A_201, %parallel_loop3A_203 : vector<16xf32>
      %parallel_loop3A_205 = arith.constant 1.83823522E-5 : f32
      %parallel_loop3A_206 = vector.broadcast %parallel_loop3A_205 : f32 to vector<16xf32>
      %parallel_loop3A_207 = arith.mulf %parallel_loop3A_204, %parallel_loop3A_206 : vector<16xf32>
      %parallel_loop3A_208 = arith.fptosi %parallel_loop3A_207 : vector<16xf32> to vector<16xi32>
      %parallel_loop3A_209 = arith.fptosi %parallel_loop3A_201 : vector<16xf32> to vector<16xi32>
      %parallel_loop3A_210 = arith.constant 54400 : i32
      %parallel_loop3A_211 = vector.broadcast %parallel_loop3A_210 : i32 to vector<16xi32>
      %parallel_loop3A_212 = arith.muli %parallel_loop3A_211, %parallel_loop3A_208 : vector<16xi32>
      %parallel_loop3A_213 = arith.subi %parallel_loop3A_209, %parallel_loop3A_212 : vector<16xi32>
      %parallel_loop3A_214 = arith.constant 8 : i32
      %parallel_loop3A_215 = vector.broadcast %parallel_loop3A_214 : i32 to vector<16xi32>
      %parallel_loop3A_216 = arith.muli %parallel_loop3A_215, %parallel_loop3A_213 : vector<16xi32>
      %parallel_loop3A_217 = arith.addi %parallel_loop3A_216, %parallel_loop3A_208 : vector<16xi32>
      %parallel_loop3A_218 = arith.constant 12 : i32
      %parallel_loop3A_219 = arith.addi %parallel_loop3A_173, %parallel_loop3A_218 : i32
      %parallel_loop3A_220 = arith.index_cast %parallel_loop3A_219 : i32 to index
      %parallel_loop3A_221 = tpu.vector_load %arg8[%parallel_loop3A_220] {strides = array<i32>} : memref<1792xi32, #tpu.memory_space<vmem>>, vector<16xi32>,
      tpu.vector_store %arg8[%parallel_loop3A_220], %parallel_loop3A_217 {strides = array<i32>} : memref<1792xi32, #tpu.memory_space<vmem>>, vector<16xi32>,
    } {sc.loop_unroll_factor = 2 : i64, sc.parallel_access}
    %dma_start3A_150 = arith.constant 0 : i32
    %dma_start3A_151 = arith.constant 0 : i32
    %dma_start3A_152 = tpu.memref_slice %arg2[%dma_start3A_150, %dma_start3A_151] : memref<435200x16xf32, #tpu.memory_space<hbm>> -> memref<435200x16xf32, #tpu.memory_space<hbm>>
    tpu.enqueue_indirect_dma source(%dma_start3A_152 : memref<435200x16xf32, #tpu.memory_space<hbm>>) target(%arg10 : memref<1792x16xf32, #tpu.memory_space<vmem>>) offsets(%arg8 : memref<1792xi32, #tpu.memory_space<vmem>>) semaphore(%arg15 : memref<!tpu.dma_semaphore, #tpu.memory_space<semaphore_mem>>)
    %dma_wait3A_153 = arith.constant 0 : i32
    %dma_wait3A_154 = arith.constant 0 : i32
    %dma_wait3A_155 = tpu.memref_slice %arg2[%dma_wait3A_153, %dma_wait3A_154] : memref<435200x16xf32, #tpu.memory_space<hbm>> -> memref<435200x16xf32, #tpu.memory_space<hbm>>
    tpu.wait_indirect_dma semaphore(%arg14 : memref<!tpu.dma_semaphore, #tpu.memory_space<semaphore_mem>>) src(%dma_wait3A_155 : memref<435200x16xf32, #tpu.memory_space<hbm>>) dst(%arg9 : memref<1792x16xf32, #tpu.memory_space<vmem>>)
    %iota3A_156 = tpu.iota {dimensions = array<i32: 0>} : vector<16xi32>
    %parallel_loop3A_157 = arith.constant 0 : i32
    %parallel_loop3A_158 = arith.constant 64 : i32
    %parallel_loop3A_159 = arith.constant 1 : i32
    scf.for %parallel_loop3A_167 = %parallel_loop3A_157 to %parallel_loop3A_158 step %parallel_loop3A_159  : i32 {
      %parallel_loop3A_168 = arith.constant 28 : i32
      %parallel_loop3A_169 = arith.muli %parallel_loop3A_167, %parallel_loop3A_168 : i32
      %parallel_loop3A_170 = arith.constant 0 : i32
      %parallel_loop3A_171 = arith.addi %parallel_loop3A_169, %parallel_loop3A_170 : i32
      %parallel_loop3A_172 = arith.index_cast %parallel_loop3A_171 : i32 to index
      %parallel_loop3A_173 = arith.constant 0 : index
      %parallel_loop3A_174 = tpu.vector_load %arg9[%parallel_loop3A_172, %parallel_loop3A_173] {strides = array<i32>} : memref<1792x16xf32, #tpu.memory_space<vmem>>, vector<16xf32>,
      %parallel_loop3A_175 = arith.constant 1 : i32
      %parallel_loop3A_176 = arith.addi %parallel_loop3A_169, %parallel_loop3A_175 : i32
      %parallel_loop3A_177 = arith.index_cast %parallel_loop3A_176 : i32 to index
      %parallel_loop3A_178 = arith.constant 0 : index
      %parallel_loop3A_179 = tpu.vector_load %arg9[%parallel_loop3A_177, %parallel_loop3A_178] {strides = array<i32>} : memref<1792x16xf32, #tpu.memory_space<vmem>>, vector<16xf32>,
      %parallel_loop3A_180 = arith.constant 2 : i32
      %parallel_loop3A_181 = arith.addi %parallel_loop3A_169, %parallel_loop3A_180 : i32
      %parallel_loop3A_182 = arith.index_cast %parallel_loop3A_181 : i32 to index
      %parallel_loop3A_183 = arith.constant 0 : index
      %parallel_loop3A_184 = tpu.vector_load %arg9[%parallel_loop3A_182, %parallel_loop3A_183] {strides = array<i32>} : memref<1792x16xf32, #tpu.memory_space<vmem>>, vector<16xf32>,
      %parallel_loop3A_185 = arith.constant 3 : i32
      %parallel_loop3A_186 = arith.addi %parallel_loop3A_169, %parallel_loop3A_185 : i32
      %parallel_loop3A_187 = arith.index_cast %parallel_loop3A_186 : i32 to index
      %parallel_loop3A_188 = arith.constant 0 : index
      %parallel_loop3A_189 = tpu.vector_load %arg9[%parallel_loop3A_187, %parallel_loop3A_188] {strides = array<i32>} : memref<1792x16xf32, #tpu.memory_space<vmem>>, vector<16xf32>,
      %parallel_loop3A_190 = arith.constant 4 : i32
      %parallel_loop3A_191 = arith.addi %parallel_loop3A_169, %parallel_loop3A_190 : i32
      %parallel_loop3A_192 = arith.index_cast %parallel_loop3A_191 : i32 to index
      %parallel_loop3A_193 = arith.constant 0 : index
      %parallel_loop3A_194 = tpu.vector_load %arg9[%parallel_loop3A_192, %parallel_loop3A_193] {strides = array<i32>} : memref<1792x16xf32, #tpu.memory_space<vmem>>, vector<16xf32>,
      %parallel_loop3A_195 = arith.constant 5 : i32
      %parallel_loop3A_196 = arith.addi %parallel_loop3A_169, %parallel_loop3A_195 : i32
      %parallel_loop3A_197 = arith.index_cast %parallel_loop3A_196 : i32 to index
      %parallel_loop3A_198 = arith.constant 0 : index
      %parallel_loop3A_199 = tpu.vector_load %arg9[%parallel_loop3A_197, %parallel_loop3A_198] {strides = array<i32>} : memref<1792x16xf32, #tpu.memory_space<vmem>>, vector<16xf32>,
      %parallel_loop3A_200 = arith.constant 6 : i32
      %parallel_loop3A_201 = arith.addi %parallel_loop3A_169, %parallel_loop3A_200 : i32
      %parallel_loop3A_202 = arith.index_cast %parallel_loop3A_201 : i32 to index
      %parallel_loop3A_203 = arith.constant 0 : index
      %parallel_loop3A_204 = tpu.vector_load %arg9[%parallel_loop3A_202, %parallel_loop3A_203] {strides = array<i32>} : memref<1792x16xf32, #tpu.memory_space<vmem>>, vector<16xf32>,
      %parallel_loop3A_205 = arith.constant 7 : i32
      %parallel_loop3A_206 = arith.addi %parallel_loop3A_169, %parallel_loop3A_205 : i32
      %parallel_loop3A_207 = arith.index_cast %parallel_loop3A_206 : i32 to index
      %parallel_loop3A_208 = arith.constant 0 : index
      %parallel_loop3A_209 = tpu.vector_load %arg9[%parallel_loop3A_207, %parallel_loop3A_208] {strides = array<i32>} : memref<1792x16xf32, #tpu.memory_space<vmem>>, vector<16xf32>,
      %parallel_loop3A_210 = arith.constant 8 : i32
      %parallel_loop3A_211 = arith.addi %parallel_loop3A_169, %parallel_loop3A_210 : i32
      %parallel_loop3A_212 = arith.index_cast %parallel_loop3A_211 : i32 to index
      %parallel_loop3A_213 = arith.constant 0 : index
      %parallel_loop3A_214 = tpu.vector_load %arg9[%parallel_loop3A_212, %parallel_loop3A_213] {strides = array<i32>} : memref<1792x16xf32, #tpu.memory_space<vmem>>, vector<16xf32>,
      %parallel_loop3A_215 = arith.constant 9 : i32
      %parallel_loop3A_216 = arith.addi %parallel_loop3A_169, %parallel_loop3A_215 : i32
      %parallel_loop3A_217 = arith.index_cast %parallel_loop3A_216 : i32 to index
      %parallel_loop3A_218 = arith.constant 0 : index
      %parallel_loop3A_219 = tpu.vector_load %arg9[%parallel_loop3A_217, %parallel_loop3A_218] {strides = array<i32>} : memref<1792x16xf32, #tpu.memory_space<vmem>>, vector<16xf32>,
      %parallel_loop3A_220 = arith.constant 10 : i32
      %parallel_loop3A_221 = arith.addi %parallel_loop3A_169, %parallel_loop3A_220 : i32
      %parallel_loop3A_222 = arith.index_cast %parallel_loop3A_221 : i32 to index
      %parallel_loop3A_223 = arith.constant 0 : index
      %parallel_loop3A_224 = tpu.vector_load %arg9[%parallel_loop3A_222, %parallel_loop3A_223] {strides = array<i32>} : memref<1792x16xf32, #tpu.memory_space<vmem>>, vector<16xf32>,
      %parallel_loop3A_225 = arith.constant 11 : i32
      %parallel_loop3A_226 = arith.addi %parallel_loop3A_169, %parallel_loop3A_225 : i32
      %parallel_loop3A_227 = arith.index_cast %parallel_loop3A_226 : i32 to index
      %parallel_loop3A_228 = arith.constant 0 : index
      %parallel_loop3A_229 = tpu.vector_load %arg9[%parallel_loop3A_227, %parallel_loop3A_228] {strides = array<i32>} : memref<1792x16xf32, #tpu.memory_space<vmem>>, vector<16xf32>,
      %parallel_loop3A_230 = arith.constant 12 : i32
      %parallel_loop3A_231 = arith.addi %parallel_loop3A_169, %parallel_loop3A_230 : i32
      %parallel_loop3A_232 = arith.index_cast %parallel_loop3A_231 : i32 to index
      %parallel_loop3A_233 = arith.constant 0 : index
      %parallel_loop3A_234 = tpu.vector_load %arg9[%parallel_loop3A_232, %parallel_loop3A_233] {strides = array<i32>} : memref<1792x16xf32, #tpu.memory_space<vmem>>, vector<16xf32>,
      %parallel_loop3A_235 = arith.constant 13 : i32
      %parallel_loop3A_236 = arith.addi %parallel_loop3A_169, %parallel_loop3A_235 : i32
      %parallel_loop3A_237 = arith.index_cast %parallel_loop3A_236 : i32 to index
      %parallel_loop3A_238 = arith.constant 0 : index
      %parallel_loop3A_239 = tpu.vector_load %arg9[%parallel_loop3A_237, %parallel_loop3A_238] {strides = array<i32>} : memref<1792x16xf32, #tpu.memory_space<vmem>>, vector<16xf32>,
      %parallel_loop3A_240 = arith.constant 14 : i32
      %parallel_loop3A_241 = arith.addi %parallel_loop3A_169, %parallel_loop3A_240 : i32
      %parallel_loop3A_242 = arith.index_cast %parallel_loop3A_241 : i32 to index
      %parallel_loop3A_243 = arith.constant 0 : index
      %parallel_loop3A_244 = tpu.vector_load %arg9[%parallel_loop3A_242, %parallel_loop3A_243] {strides = array<i32>} : memref<1792x16xf32, #tpu.memory_space<vmem>>, vector<16xf32>,
      %parallel_loop3A_245 = arith.constant 15 : i32
      %parallel_loop3A_246 = arith.addi %parallel_loop3A_169, %parallel_loop3A_245 : i32
      %parallel_loop3A_247 = arith.index_cast %parallel_loop3A_246 : i32 to index
      %parallel_loop3A_248 = arith.constant 0 : index
      %parallel_loop3A_249 = tpu.vector_load %arg9[%parallel_loop3A_247, %parallel_loop3A_248] {strides = array<i32>} : memref<1792x16xf32, #tpu.memory_space<vmem>>, vector<16xf32>,
      %parallel_loop3A_250 = arith.constant 16 : i32
      %parallel_loop3A_251 = arith.addi %parallel_loop3A_169, %parallel_loop3A_250 : i32
      %parallel_loop3A_252 = arith.index_cast %parallel_loop3A_251 : i32 to index
      %parallel_loop3A_253 = arith.constant 0 : index
      %parallel_loop3A_254 = tpu.vector_load %arg9[%parallel_loop3A_252, %parallel_loop3A_253] {strides = array<i32>} : memref<1792x16xf32, #tpu.memory_space<vmem>>, vector<16xf32>,
      %parallel_loop3A_255 = arith.constant 17 : i32
      %parallel_loop3A_256 = arith.addi %parallel_loop3A_169, %parallel_loop3A_255 : i32
      %parallel_loop3A_257 = arith.index_cast %parallel_loop3A_256 : i32 to index
      %parallel_loop3A_258 = arith.constant 0 : index
      %parallel_loop3A_259 = tpu.vector_load %arg9[%parallel_loop3A_257, %parallel_loop3A_258] {strides = array<i32>} : memref<1792x16xf32, #tpu.memory_space<vmem>>, vector<16xf32>,
      %parallel_loop3A_260 = arith.constant 18 : i32
      %parallel_loop3A_261 = arith.addi %parallel_loop3A_169, %parallel_loop3A_260 : i32
      %parallel_loop3A_262 = arith.index_cast %parallel_loop3A_261 : i32 to index
      %parallel_loop3A_263 = arith.constant 0 : index
      %parallel_loop3A_264 = tpu.vector_load %arg9[%parallel_loop3A_262, %parallel_loop3A_263] {strides = array<i32>} : memref<1792x16xf32, #tpu.memory_space<vmem>>, vector<16xf32>,
      %parallel_loop3A_265 = arith.constant 19 : i32
      %parallel_loop3A_266 = arith.addi %parallel_loop3A_169, %parallel_loop3A_265 : i32
      %parallel_loop3A_267 = arith.index_cast %parallel_loop3A_266 : i32 to index
      %parallel_loop3A_268 = arith.constant 0 : index
      %parallel_loop3A_269 = tpu.vector_load %arg9[%parallel_loop3A_267, %parallel_loop3A_268] {strides = array<i32>} : memref<1792x16xf32, #tpu.memory_space<vmem>>, vector<16xf32>,
      %parallel_loop3A_270 = arith.constant 20 : i32
      %parallel_loop3A_271 = arith.addi %parallel_loop3A_169, %parallel_loop3A_270 : i32
      %parallel_loop3A_272 = arith.index_cast %parallel_loop3A_271 : i32 to index
      %parallel_loop3A_273 = arith.constant 0 : index
      %parallel_loop3A_274 = tpu.vector_load %arg9[%parallel_loop3A_272, %parallel_loop3A_273] {strides = array<i32>} : memref<1792x16xf32, #tpu.memory_space<vmem>>, vector<16xf32>,
      %parallel_loop3A_275 = arith.constant 21 : i32
      %parallel_loop3A_276 = arith.addi %parallel_loop3A_169, %parallel_loop3A_275 : i32
      %parallel_loop3A_277 = arith.index_cast %parallel_loop3A_276 : i32 to index
      %parallel_loop3A_278 = arith.constant 0 : index
      %parallel_loop3A_279 = tpu.vector_load %arg9[%parallel_loop3A_277, %parallel_loop3A_278] {strides = array<i32>} : memref<1792x16xf32, #tpu.memory_space<vmem>>, vector<16xf32>,
      %parallel_loop3A_280 = arith.constant 22 : i32
      %parallel_loop3A_281 = arith.addi %parallel_loop3A_169, %parallel_loop3A_280 : i32
      %parallel_loop3A_282 = arith.index_cast %parallel_loop3A_281 : i32 to index
      %parallel_loop3A_283 = arith.constant 0 : index
      %parallel_loop3A_284 = tpu.vector_load %arg9[%parallel_loop3A_282, %parallel_loop3A_283] {strides = array<i32>} : memref<1792x16xf32, #tpu.memory_space<vmem>>, vector<16xf32>,
      %parallel_loop3A_285 = arith.constant 23 : i32
      %parallel_loop3A_286 = arith.addi %parallel_loop3A_169, %parallel_loop3A_285 : i32
      %parallel_loop3A_287 = arith.index_cast %parallel_loop3A_286 : i32 to index
      %parallel_loop3A_288 = arith.constant 0 : index
      %parallel_loop3A_289 = tpu.vector_load %arg9[%parallel_loop3A_287, %parallel_loop3A_288] {strides = array<i32>} : memref<1792x16xf32, #tpu.memory_space<vmem>>, vector<16xf32>,
      %parallel_loop3A_290 = arith.constant 24 : i32
      %parallel_loop3A_291 = arith.addi %parallel_loop3A_169, %parallel_loop3A_290 : i32
      %parallel_loop3A_292 = arith.index_cast %parallel_loop3A_291 : i32 to index
      %parallel_loop3A_293 = arith.constant 0 : index
      %parallel_loop3A_294 = tpu.vector_load %arg9[%parallel_loop3A_292, %parallel_loop3A_293] {strides = array<i32>} : memref<1792x16xf32, #tpu.memory_space<vmem>>, vector<16xf32>,
      %parallel_loop3A_295 = arith.constant 25 : i32
      %parallel_loop3A_296 = arith.addi %parallel_loop3A_169, %parallel_loop3A_295 : i32
      %parallel_loop3A_297 = arith.index_cast %parallel_loop3A_296 : i32 to index
      %parallel_loop3A_298 = arith.constant 0 : index
      %parallel_loop3A_299 = tpu.vector_load %arg9[%parallel_loop3A_297, %parallel_loop3A_298] {strides = array<i32>} : memref<1792x16xf32, #tpu.memory_space<vmem>>, vector<16xf32>,
      %parallel_loop3A_300 = arith.constant 26 : i32
      %parallel_loop3A_301 = arith.addi %parallel_loop3A_169, %parallel_loop3A_300 : i32
      %parallel_loop3A_302 = arith.index_cast %parallel_loop3A_301 : i32 to index
      %parallel_loop3A_303 = arith.constant 0 : index
      %parallel_loop3A_304 = tpu.vector_load %arg9[%parallel_loop3A_302, %parallel_loop3A_303] {strides = array<i32>} : memref<1792x16xf32, #tpu.memory_space<vmem>>, vector<16xf32>,
      %parallel_loop3A_305 = arith.constant 27 : i32
      %parallel_loop3A_306 = arith.addi %parallel_loop3A_169, %parallel_loop3A_305 : i32
      %parallel_loop3A_307 = arith.index_cast %parallel_loop3A_306 : i32 to index
      %parallel_loop3A_308 = arith.constant 0 : index
      %parallel_loop3A_309 = tpu.vector_load %arg9[%parallel_loop3A_307, %parallel_loop3A_308] {strides = array<i32>} : memref<1792x16xf32, #tpu.memory_space<vmem>>, vector<16xf32>,
      %parallel_loop3A_310 = arith.addf %parallel_loop3A_174, %parallel_loop3A_179 : vector<16xf32>
      %parallel_loop3A_311 = arith.addf %parallel_loop3A_184, %parallel_loop3A_189 : vector<16xf32>
      %parallel_loop3A_312 = arith.addf %parallel_loop3A_194, %parallel_loop3A_199 : vector<16xf32>
      %parallel_loop3A_313 = arith.addf %parallel_loop3A_204, %parallel_loop3A_209 : vector<16xf32>
      %parallel_loop3A_314 = arith.addf %parallel_loop3A_214, %parallel_loop3A_219 : vector<16xf32>
      %parallel_loop3A_315 = arith.addf %parallel_loop3A_224, %parallel_loop3A_229 : vector<16xf32>
      %parallel_loop3A_316 = arith.addf %parallel_loop3A_234, %parallel_loop3A_239 : vector<16xf32>
      %parallel_loop3A_317 = arith.addf %parallel_loop3A_244, %parallel_loop3A_249 : vector<16xf32>
      %parallel_loop3A_318 = arith.addf %parallel_loop3A_254, %parallel_loop3A_259 : vector<16xf32>
      %parallel_loop3A_319 = arith.addf %parallel_loop3A_264, %parallel_loop3A_269 : vector<16xf32>
      %parallel_loop3A_320 = arith.addf %parallel_loop3A_274, %parallel_loop3A_279 : vector<16xf32>
      %parallel_loop3A_321 = arith.addf %parallel_loop3A_284, %parallel_loop3A_289 : vector<16xf32>
      %parallel_loop3A_322 = arith.addf %parallel_loop3A_294, %parallel_loop3A_299 : vector<16xf32>
      %parallel_loop3A_323 = arith.addf %parallel_loop3A_304, %parallel_loop3A_309 : vector<16xf32>
      %parallel_loop3A_324 = arith.addf %parallel_loop3A_310, %parallel_loop3A_311 : vector<16xf32>
      %parallel_loop3A_325 = arith.addf %parallel_loop3A_312, %parallel_loop3A_313 : vector<16xf32>
      %parallel_loop3A_326 = arith.addf %parallel_loop3A_314, %parallel_loop3A_315 : vector<16xf32>
      %parallel_loop3A_327 = arith.addf %parallel_loop3A_316, %parallel_loop3A_317 : vector<16xf32>
      %parallel_loop3A_328 = arith.addf %parallel_loop3A_318, %parallel_loop3A_319 : vector<16xf32>
      %parallel_loop3A_329 = arith.addf %parallel_loop3A_320, %parallel_loop3A_321 : vector<16xf32>
      %parallel_loop3A_330 = arith.addf %parallel_loop3A_322, %parallel_loop3A_323 : vector<16xf32>
      %parallel_loop3A_331 = arith.addf %parallel_loop3A_324, %parallel_loop3A_325 : vector<16xf32>
      %parallel_loop3A_332 = arith.addf %parallel_loop3A_326, %parallel_loop3A_327 : vector<16xf32>
      %parallel_loop3A_333 = arith.addf %parallel_loop3A_328, %parallel_loop3A_329 : vector<16xf32>
      %parallel_loop3A_334 = arith.addf %parallel_loop3A_331, %parallel_loop3A_332 : vector<16xf32>
      %parallel_loop3A_335 = arith.addf %parallel_loop3A_333, %parallel_loop3A_330 : vector<16xf32>
      %parallel_loop3A_336 = arith.addf %parallel_loop3A_334, %parallel_loop3A_335 : vector<16xf32>
      %parallel_loop3A_337 = arith.constant 384 : i32
      %parallel_loop3A_338 = vector.broadcast %parallel_loop3A_337 : i32 to vector<16xi32>
      %parallel_loop3A_339 = vector.broadcast %parallel_loop3A_167 : i32 to vector<16xi32>
      %parallel_loop3A_340 = arith.addi %parallel_loop3A_338, %parallel_loop3A_339 : vector<16xi32>
      tpu.vector_store_idx %arg11[%iota3A_156, %parallel_loop3A_340], %parallel_loop3A_336 : memref<16x512xf32, #tpu.memory_space<vmem>>[vector<16xi32>, vector<16xi32>], vector<16xf32>,
    } {sc.loop_unroll_factor = 2 : i64, sc.parallel_access}
    %dma_wait3A_160 = arith.constant 0 : i32
    %dma_wait3A_161 = arith.constant 0 : i32
    %dma_wait3A_162 = tpu.memref_slice %arg2[%dma_wait3A_160, %dma_wait3A_161] : memref<435200x16xf32, #tpu.memory_space<hbm>> -> memref<435200x16xf32, #tpu.memory_space<hbm>>
    tpu.wait_indirect_dma semaphore(%arg15 : memref<!tpu.dma_semaphore, #tpu.memory_space<semaphore_mem>>) src(%dma_wait3A_162 : memref<435200x16xf32, #tpu.memory_space<hbm>>) dst(%arg10 : memref<1792x16xf32, #tpu.memory_space<vmem>>)
    %iota3A_163 = tpu.iota {dimensions = array<i32: 0>} : vector<16xi32>
    %parallel_loop3A_164 = arith.constant 0 : i32
    %parallel_loop3A_165 = arith.constant 64 : i32
    %parallel_loop3A_166 = arith.constant 1 : i32
    scf.for %parallel_loop3A_167 = %parallel_loop3A_164 to %parallel_loop3A_165 step %parallel_loop3A_166  : i32 {
      %parallel_loop3A_168 = arith.constant 28 : i32
      %parallel_loop3A_169 = arith.muli %parallel_loop3A_167, %parallel_loop3A_168 : i32
      %parallel_loop3A_170 = arith.constant 0 : i32
      %parallel_loop3A_171 = arith.addi %parallel_loop3A_169, %parallel_loop3A_170 : i32
      %parallel_loop3A_172 = arith.index_cast %parallel_loop3A_171 : i32 to index
      %parallel_loop3A_173 = arith.constant 0 : index
      %parallel_loop3A_174 = tpu.vector_load %arg10[%parallel_loop3A_172, %parallel_loop3A_173] {strides = array<i32>} : memref<1792x16xf32, #tpu.memory_space<vmem>>, vector<16xf32>,
      %parallel_loop3A_175 = arith.constant 1 : i32
      %parallel_loop3A_176 = arith.addi %parallel_loop3A_169, %parallel_loop3A_175 : i32
      %parallel_loop3A_177 = arith.index_cast %parallel_loop3A_176 : i32 to index
      %parallel_loop3A_178 = arith.constant 0 : index
      %parallel_loop3A_179 = tpu.vector_load %arg10[%parallel_loop3A_177, %parallel_loop3A_178] {strides = array<i32>} : memref<1792x16xf32, #tpu.memory_space<vmem>>, vector<16xf32>,
      %parallel_loop3A_180 = arith.constant 2 : i32
      %parallel_loop3A_181 = arith.addi %parallel_loop3A_169, %parallel_loop3A_180 : i32
      %parallel_loop3A_182 = arith.index_cast %parallel_loop3A_181 : i32 to index
      %parallel_loop3A_183 = arith.constant 0 : index
      %parallel_loop3A_184 = tpu.vector_load %arg10[%parallel_loop3A_182, %parallel_loop3A_183] {strides = array<i32>} : memref<1792x16xf32, #tpu.memory_space<vmem>>, vector<16xf32>,
      %parallel_loop3A_185 = arith.constant 3 : i32
      %parallel_loop3A_186 = arith.addi %parallel_loop3A_169, %parallel_loop3A_185 : i32
      %parallel_loop3A_187 = arith.index_cast %parallel_loop3A_186 : i32 to index
      %parallel_loop3A_188 = arith.constant 0 : index
      %parallel_loop3A_189 = tpu.vector_load %arg10[%parallel_loop3A_187, %parallel_loop3A_188] {strides = array<i32>} : memref<1792x16xf32, #tpu.memory_space<vmem>>, vector<16xf32>,
      %parallel_loop3A_190 = arith.constant 4 : i32
      %parallel_loop3A_191 = arith.addi %parallel_loop3A_169, %parallel_loop3A_190 : i32
      %parallel_loop3A_192 = arith.index_cast %parallel_loop3A_191 : i32 to index
      %parallel_loop3A_193 = arith.constant 0 : index
      %parallel_loop3A_194 = tpu.vector_load %arg10[%parallel_loop3A_192, %parallel_loop3A_193] {strides = array<i32>} : memref<1792x16xf32, #tpu.memory_space<vmem>>, vector<16xf32>,
      %parallel_loop3A_195 = arith.constant 5 : i32
      %parallel_loop3A_196 = arith.addi %parallel_loop3A_169, %parallel_loop3A_195 : i32
      %parallel_loop3A_197 = arith.index_cast %parallel_loop3A_196 : i32 to index
      %parallel_loop3A_198 = arith.constant 0 : index
      %parallel_loop3A_199 = tpu.vector_load %arg10[%parallel_loop3A_197, %parallel_loop3A_198] {strides = array<i32>} : memref<1792x16xf32, #tpu.memory_space<vmem>>, vector<16xf32>,
      %parallel_loop3A_200 = arith.constant 6 : i32
      %parallel_loop3A_201 = arith.addi %parallel_loop3A_169, %parallel_loop3A_200 : i32
      %parallel_loop3A_202 = arith.index_cast %parallel_loop3A_201 : i32 to index
      %parallel_loop3A_203 = arith.constant 0 : index
      %parallel_loop3A_204 = tpu.vector_load %arg10[%parallel_loop3A_202, %parallel_loop3A_203] {strides = array<i32>} : memref<1792x16xf32, #tpu.memory_space<vmem>>, vector<16xf32>,
      %parallel_loop3A_205 = arith.constant 7 : i32
      %parallel_loop3A_206 = arith.addi %parallel_loop3A_169, %parallel_loop3A_205 : i32
      %parallel_loop3A_207 = arith.index_cast %parallel_loop3A_206 : i32 to index
      %parallel_loop3A_208 = arith.constant 0 : index
      %parallel_loop3A_209 = tpu.vector_load %arg10[%parallel_loop3A_207, %parallel_loop3A_208] {strides = array<i32>} : memref<1792x16xf32, #tpu.memory_space<vmem>>, vector<16xf32>,
      %parallel_loop3A_210 = arith.constant 8 : i32
      %parallel_loop3A_211 = arith.addi %parallel_loop3A_169, %parallel_loop3A_210 : i32
      %parallel_loop3A_212 = arith.index_cast %parallel_loop3A_211 : i32 to index
      %parallel_loop3A_213 = arith.constant 0 : index
      %parallel_loop3A_214 = tpu.vector_load %arg10[%parallel_loop3A_212, %parallel_loop3A_213] {strides = array<i32>} : memref<1792x16xf32, #tpu.memory_space<vmem>>, vector<16xf32>,
      %parallel_loop3A_215 = arith.constant 9 : i32
      %parallel_loop3A_216 = arith.addi %parallel_loop3A_169, %parallel_loop3A_215 : i32
      %parallel_loop3A_217 = arith.index_cast %parallel_loop3A_216 : i32 to index
      %parallel_loop3A_218 = arith.constant 0 : index
      %parallel_loop3A_219 = tpu.vector_load %arg10[%parallel_loop3A_217, %parallel_loop3A_218] {strides = array<i32>} : memref<1792x16xf32, #tpu.memory_space<vmem>>, vector<16xf32>,
      %parallel_loop3A_220 = arith.constant 10 : i32
      %parallel_loop3A_221 = arith.addi %parallel_loop3A_169, %parallel_loop3A_220 : i32
      %parallel_loop3A_222 = arith.index_cast %parallel_loop3A_221 : i32 to index
      %parallel_loop3A_223 = arith.constant 0 : index
      %parallel_loop3A_224 = tpu.vector_load %arg10[%parallel_loop3A_222, %parallel_loop3A_223] {strides = array<i32>} : memref<1792x16xf32, #tpu.memory_space<vmem>>, vector<16xf32>,
      %parallel_loop3A_225 = arith.constant 11 : i32
      %parallel_loop3A_226 = arith.addi %parallel_loop3A_169, %parallel_loop3A_225 : i32
      %parallel_loop3A_227 = arith.index_cast %parallel_loop3A_226 : i32 to index
      %parallel_loop3A_228 = arith.constant 0 : index
      %parallel_loop3A_229 = tpu.vector_load %arg10[%parallel_loop3A_227, %parallel_loop3A_228] {strides = array<i32>} : memref<1792x16xf32, #tpu.memory_space<vmem>>, vector<16xf32>,
      %parallel_loop3A_230 = arith.constant 12 : i32
      %parallel_loop3A_231 = arith.addi %parallel_loop3A_169, %parallel_loop3A_230 : i32
      %parallel_loop3A_232 = arith.index_cast %parallel_loop3A_231 : i32 to index
      %parallel_loop3A_233 = arith.constant 0 : index
      %parallel_loop3A_234 = tpu.vector_load %arg10[%parallel_loop3A_232, %parallel_loop3A_233] {strides = array<i32>} : memref<1792x16xf32, #tpu.memory_space<vmem>>, vector<16xf32>,
      %parallel_loop3A_235 = arith.constant 13 : i32
      %parallel_loop3A_236 = arith.addi %parallel_loop3A_169, %parallel_loop3A_235 : i32
      %parallel_loop3A_237 = arith.index_cast %parallel_loop3A_236 : i32 to index
      %parallel_loop3A_238 = arith.constant 0 : index
      %parallel_loop3A_239 = tpu.vector_load %arg10[%parallel_loop3A_237, %parallel_loop3A_238] {strides = array<i32>} : memref<1792x16xf32, #tpu.memory_space<vmem>>, vector<16xf32>,
      %parallel_loop3A_240 = arith.constant 14 : i32
      %parallel_loop3A_241 = arith.addi %parallel_loop3A_169, %parallel_loop3A_240 : i32
      %parallel_loop3A_242 = arith.index_cast %parallel_loop3A_241 : i32 to index
      %parallel_loop3A_243 = arith.constant 0 : index
      %parallel_loop3A_244 = tpu.vector_load %arg10[%parallel_loop3A_242, %parallel_loop3A_243] {strides = array<i32>} : memref<1792x16xf32, #tpu.memory_space<vmem>>, vector<16xf32>,
      %parallel_loop3A_245 = arith.constant 15 : i32
      %parallel_loop3A_246 = arith.addi %parallel_loop3A_169, %parallel_loop3A_245 : i32
      %parallel_loop3A_247 = arith.index_cast %parallel_loop3A_246 : i32 to index
      %parallel_loop3A_248 = arith.constant 0 : index
      %parallel_loop3A_249 = tpu.vector_load %arg10[%parallel_loop3A_247, %parallel_loop3A_248] {strides = array<i32>} : memref<1792x16xf32, #tpu.memory_space<vmem>>, vector<16xf32>,
      %parallel_loop3A_250 = arith.constant 16 : i32
      %parallel_loop3A_251 = arith.addi %parallel_loop3A_169, %parallel_loop3A_250 : i32
      %parallel_loop3A_252 = arith.index_cast %parallel_loop3A_251 : i32 to index
      %parallel_loop3A_253 = arith.constant 0 : index
      %parallel_loop3A_254 = tpu.vector_load %arg10[%parallel_loop3A_252, %parallel_loop3A_253] {strides = array<i32>} : memref<1792x16xf32, #tpu.memory_space<vmem>>, vector<16xf32>,
      %parallel_loop3A_255 = arith.constant 17 : i32
      %parallel_loop3A_256 = arith.addi %parallel_loop3A_169, %parallel_loop3A_255 : i32
      %parallel_loop3A_257 = arith.index_cast %parallel_loop3A_256 : i32 to index
      %parallel_loop3A_258 = arith.constant 0 : index
      %parallel_loop3A_259 = tpu.vector_load %arg10[%parallel_loop3A_257, %parallel_loop3A_258] {strides = array<i32>} : memref<1792x16xf32, #tpu.memory_space<vmem>>, vector<16xf32>,
      %parallel_loop3A_260 = arith.constant 18 : i32
      %parallel_loop3A_261 = arith.addi %parallel_loop3A_169, %parallel_loop3A_260 : i32
      %parallel_loop3A_262 = arith.index_cast %parallel_loop3A_261 : i32 to index
      %parallel_loop3A_263 = arith.constant 0 : index
      %parallel_loop3A_264 = tpu.vector_load %arg10[%parallel_loop3A_262, %parallel_loop3A_263] {strides = array<i32>} : memref<1792x16xf32, #tpu.memory_space<vmem>>, vector<16xf32>,
      %parallel_loop3A_265 = arith.constant 19 : i32
      %parallel_loop3A_266 = arith.addi %parallel_loop3A_169, %parallel_loop3A_265 : i32
      %parallel_loop3A_267 = arith.index_cast %parallel_loop3A_266 : i32 to index
      %parallel_loop3A_268 = arith.constant 0 : index
      %parallel_loop3A_269 = tpu.vector_load %arg10[%parallel_loop3A_267, %parallel_loop3A_268] {strides = array<i32>} : memref<1792x16xf32, #tpu.memory_space<vmem>>, vector<16xf32>,
      %parallel_loop3A_270 = arith.constant 20 : i32
      %parallel_loop3A_271 = arith.addi %parallel_loop3A_169, %parallel_loop3A_270 : i32
      %parallel_loop3A_272 = arith.index_cast %parallel_loop3A_271 : i32 to index
      %parallel_loop3A_273 = arith.constant 0 : index
      %parallel_loop3A_274 = tpu.vector_load %arg10[%parallel_loop3A_272, %parallel_loop3A_273] {strides = array<i32>} : memref<1792x16xf32, #tpu.memory_space<vmem>>, vector<16xf32>,
      %parallel_loop3A_275 = arith.constant 21 : i32
      %parallel_loop3A_276 = arith.addi %parallel_loop3A_169, %parallel_loop3A_275 : i32
      %parallel_loop3A_277 = arith.index_cast %parallel_loop3A_276 : i32 to index
      %parallel_loop3A_278 = arith.constant 0 : index
      %parallel_loop3A_279 = tpu.vector_load %arg10[%parallel_loop3A_277, %parallel_loop3A_278] {strides = array<i32>} : memref<1792x16xf32, #tpu.memory_space<vmem>>, vector<16xf32>,
      %parallel_loop3A_280 = arith.constant 22 : i32
      %parallel_loop3A_281 = arith.addi %parallel_loop3A_169, %parallel_loop3A_280 : i32
      %parallel_loop3A_282 = arith.index_cast %parallel_loop3A_281 : i32 to index
      %parallel_loop3A_283 = arith.constant 0 : index
      %parallel_loop3A_284 = tpu.vector_load %arg10[%parallel_loop3A_282, %parallel_loop3A_283] {strides = array<i32>} : memref<1792x16xf32, #tpu.memory_space<vmem>>, vector<16xf32>,
      %parallel_loop3A_285 = arith.constant 23 : i32
      %parallel_loop3A_286 = arith.addi %parallel_loop3A_169, %parallel_loop3A_285 : i32
      %parallel_loop3A_287 = arith.index_cast %parallel_loop3A_286 : i32 to index
      %parallel_loop3A_288 = arith.constant 0 : index
      %parallel_loop3A_289 = tpu.vector_load %arg10[%parallel_loop3A_287, %parallel_loop3A_288] {strides = array<i32>} : memref<1792x16xf32, #tpu.memory_space<vmem>>, vector<16xf32>,
      %parallel_loop3A_290 = arith.constant 24 : i32
      %parallel_loop3A_291 = arith.addi %parallel_loop3A_169, %parallel_loop3A_290 : i32
      %parallel_loop3A_292 = arith.index_cast %parallel_loop3A_291 : i32 to index
      %parallel_loop3A_293 = arith.constant 0 : index
      %parallel_loop3A_294 = tpu.vector_load %arg10[%parallel_loop3A_292, %parallel_loop3A_293] {strides = array<i32>} : memref<1792x16xf32, #tpu.memory_space<vmem>>, vector<16xf32>,
      %parallel_loop3A_295 = arith.constant 25 : i32
      %parallel_loop3A_296 = arith.addi %parallel_loop3A_169, %parallel_loop3A_295 : i32
      %parallel_loop3A_297 = arith.index_cast %parallel_loop3A_296 : i32 to index
      %parallel_loop3A_298 = arith.constant 0 : index
      %parallel_loop3A_299 = tpu.vector_load %arg10[%parallel_loop3A_297, %parallel_loop3A_298] {strides = array<i32>} : memref<1792x16xf32, #tpu.memory_space<vmem>>, vector<16xf32>,
      %parallel_loop3A_300 = arith.constant 26 : i32
      %parallel_loop3A_301 = arith.addi %parallel_loop3A_169, %parallel_loop3A_300 : i32
      %parallel_loop3A_302 = arith.index_cast %parallel_loop3A_301 : i32 to index
      %parallel_loop3A_303 = arith.constant 0 : index
      %parallel_loop3A_304 = tpu.vector_load %arg10[%parallel_loop3A_302, %parallel_loop3A_303] {strides = array<i32>} : memref<1792x16xf32, #tpu.memory_space<vmem>>, vector<16xf32>,
      %parallel_loop3A_305 = arith.constant 27 : i32
      %parallel_loop3A_306 = arith.addi %parallel_loop3A_169, %parallel_loop3A_305 : i32
      %parallel_loop3A_307 = arith.index_cast %parallel_loop3A_306 : i32 to index
      %parallel_loop3A_308 = arith.constant 0 : index
      %parallel_loop3A_309 = tpu.vector_load %arg10[%parallel_loop3A_307, %parallel_loop3A_308] {strides = array<i32>} : memref<1792x16xf32, #tpu.memory_space<vmem>>, vector<16xf32>,
      %parallel_loop3A_310 = arith.addf %parallel_loop3A_174, %parallel_loop3A_179 : vector<16xf32>
      %parallel_loop3A_311 = arith.addf %parallel_loop3A_184, %parallel_loop3A_189 : vector<16xf32>
      %parallel_loop3A_312 = arith.addf %parallel_loop3A_194, %parallel_loop3A_199 : vector<16xf32>
      %parallel_loop3A_313 = arith.addf %parallel_loop3A_204, %parallel_loop3A_209 : vector<16xf32>
      %parallel_loop3A_314 = arith.addf %parallel_loop3A_214, %parallel_loop3A_219 : vector<16xf32>
      %parallel_loop3A_315 = arith.addf %parallel_loop3A_224, %parallel_loop3A_229 : vector<16xf32>
      %parallel_loop3A_316 = arith.addf %parallel_loop3A_234, %parallel_loop3A_239 : vector<16xf32>
      %parallel_loop3A_317 = arith.addf %parallel_loop3A_244, %parallel_loop3A_249 : vector<16xf32>
      %parallel_loop3A_318 = arith.addf %parallel_loop3A_254, %parallel_loop3A_259 : vector<16xf32>
      %parallel_loop3A_319 = arith.addf %parallel_loop3A_264, %parallel_loop3A_269 : vector<16xf32>
      %parallel_loop3A_320 = arith.addf %parallel_loop3A_274, %parallel_loop3A_279 : vector<16xf32>
      %parallel_loop3A_321 = arith.addf %parallel_loop3A_284, %parallel_loop3A_289 : vector<16xf32>
      %parallel_loop3A_322 = arith.addf %parallel_loop3A_294, %parallel_loop3A_299 : vector<16xf32>
      %parallel_loop3A_323 = arith.addf %parallel_loop3A_304, %parallel_loop3A_309 : vector<16xf32>
      %parallel_loop3A_324 = arith.addf %parallel_loop3A_310, %parallel_loop3A_311 : vector<16xf32>
      %parallel_loop3A_325 = arith.addf %parallel_loop3A_312, %parallel_loop3A_313 : vector<16xf32>
      %parallel_loop3A_326 = arith.addf %parallel_loop3A_314, %parallel_loop3A_315 : vector<16xf32>
      %parallel_loop3A_327 = arith.addf %parallel_loop3A_316, %parallel_loop3A_317 : vector<16xf32>
      %parallel_loop3A_328 = arith.addf %parallel_loop3A_318, %parallel_loop3A_319 : vector<16xf32>
      %parallel_loop3A_329 = arith.addf %parallel_loop3A_320, %parallel_loop3A_321 : vector<16xf32>
      %parallel_loop3A_330 = arith.addf %parallel_loop3A_322, %parallel_loop3A_323 : vector<16xf32>
      %parallel_loop3A_331 = arith.addf %parallel_loop3A_324, %parallel_loop3A_325 : vector<16xf32>
      %parallel_loop3A_332 = arith.addf %parallel_loop3A_326, %parallel_loop3A_327 : vector<16xf32>
      %parallel_loop3A_333 = arith.addf %parallel_loop3A_328, %parallel_loop3A_329 : vector<16xf32>
      %parallel_loop3A_334 = arith.addf %parallel_loop3A_331, %parallel_loop3A_332 : vector<16xf32>
      %parallel_loop3A_335 = arith.addf %parallel_loop3A_333, %parallel_loop3A_330 : vector<16xf32>
      %parallel_loop3A_336 = arith.addf %parallel_loop3A_334, %parallel_loop3A_335 : vector<16xf32>
      %parallel_loop3A_337 = arith.constant 448 : i32
      %parallel_loop3A_338 = vector.broadcast %parallel_loop3A_337 : i32 to vector<16xi32>
      %parallel_loop3A_339 = vector.broadcast %parallel_loop3A_167 : i32 to vector<16xi32>
      %parallel_loop3A_340 = arith.addi %parallel_loop3A_338, %parallel_loop3A_339 : vector<16xi32>
      tpu.vector_store_idx %arg11[%iota3A_163, %parallel_loop3A_340], %parallel_loop3A_336 : memref<16x512xf32, #tpu.memory_space<vmem>>[vector<16xi32>, vector<16xi32>], vector<16xf32>,
    } {sc.loop_unroll_factor = 2 : i64, sc.parallel_access}
    "tpu.region"() ({
      %run_scoped3A = tpu.sem_alloc : memref<!tpu.dma_semaphore, #tpu.memory_space<semaphore_mem>>
      %dma_start3A_167 = arith.constant 0 : i32
      %dma_start3A_168 = tpu.memref_slice %arg4[%dma_start3A_167, %mul3A_2] : memref<16x16384xf32, #tpu.memory_space<hbm>> -> memref<16x512xf32, #tpu.memory_space<hbm>>
      %dma_start3A_169 = arith.constant 0 : i32
      %dma_start3A_170 = tpu.memref_slice %arg4[%dma_start3A_169, %mul3A_2] : memref<16x16384xf32, #tpu.memory_space<hbm>> -> memref<16x512xf32, #tpu.memory_space<hbm>>
      tpu.enqueue_dma source(%arg11 : memref<16x512xf32, #tpu.memory_space<vmem>>) target(%dma_start3A_170 : memref<16x512xf32, #tpu.memory_space<hbm>>) target_semaphore(%run_scoped3A : memref<!tpu.dma_semaphore, #tpu.memory_space<semaphore_mem>>)
      %dma_wait3A_171 = arith.constant 0 : i32
      %dma_wait3A_172 = tpu.memref_slice %arg4[%dma_wait3A_171, %mul3A_2] : memref<16x16384xf32, #tpu.memory_space<hbm>> -> memref<16x512xf32, #tpu.memory_space<hbm>>
      %dma_wait3A_173 = arith.constant 0 : i32
      %dma_wait3A_174 = tpu.memref_slice %arg4[%dma_wait3A_173, %mul3A_2] : memref<16x16384xf32, #tpu.memory_space<hbm>> -> memref<16x512xf32, #tpu.memory_space<hbm>>
      tpu.wait_dma2 semaphore(%run_scoped3A : memref<!tpu.dma_semaphore, #tpu.memory_space<semaphore_mem>>) src(%arg11 : memref<16x512xf32, #tpu.memory_space<vmem>>) dst(%dma_wait3A_174 : memref<16x512xf32, #tpu.memory_space<hbm>>)
      tpu.yield
    }) : () -> ()
    return
  }
}

module attributes {stable_mosaic.version = 14 : i64} {
  func.func @_repack_body(%arg0: i32, %arg1: memref<16x3200xf32, #tpu.memory_space<vmem>>, %arg2: memref<16x3200xf32, #tpu.memory_space<vmem>>, %arg3: memref<16x3200xf32, #tpu.memory_space<vmem>>, %arg4: memref<16x3200xf32, #tpu.memory_space<vmem>>, %arg5: memref<16x3200xf32, #tpu.memory_space<vmem>>, %arg6: memref<16x3200xf32, #tpu.memory_space<vmem>>, %arg7: memref<16x3200xf32, #tpu.memory_space<vmem>>, %arg8: memref<16x3200xf32, #tpu.memory_space<vmem>>, %arg9: memref<3200x128xf32, #tpu.memory_space<vmem>>) attributes {dimension_semantics = [#tpu.dimension_semantics<arbitrary>], iteration_bounds = array<i64: 17>, scalar_prefetch = 0 : i64, scratch_operands = 0 : i64, tpu.core_type = #tpu.core_type<tc>, window_params = [{transform_indices = @transform_0, window_bounds = array<i64: 16, 3200>}, {transform_indices = @transform_1, window_bounds = array<i64: 16, 3200>}, {transform_indices = @transform_2, window_bounds = array<i64: 16, 3200>}, {transform_indices = @transform_3, window_bounds = array<i64: 16, 3200>}, {transform_indices = @transform_4, window_bounds = array<i64: 16, 3200>}, {transform_indices = @transform_5, window_bounds = array<i64: 16, 3200>}, {transform_indices = @transform_6, window_bounds = array<i64: 16, 3200>}, {transform_indices = @transform_7, window_bounds = array<i64: 16, 3200>}, {transform_indices = @transform_8, window_bounds = array<i64: 3200, 128>}]} {
    %get3A = arith.constant 0 : index
    %get3A_0 = arith.constant 0 : index
    %get3A_1 = vector.load %arg1[%get3A, %get3A_0] : memref<16x3200xf32, #tpu.memory_space<vmem>>, vector<16x3200xf32>
    %get3A_2 = arith.constant 0 : index
    %get3A_3 = arith.constant 0 : index
    %get3A_4 = vector.load %arg2[%get3A_2, %get3A_3] : memref<16x3200xf32, #tpu.memory_space<vmem>>, vector<16x3200xf32>
    %get3A_5 = arith.constant 0 : index
    %get3A_6 = arith.constant 0 : index
    %get3A_7 = vector.load %arg3[%get3A_5, %get3A_6] : memref<16x3200xf32, #tpu.memory_space<vmem>>, vector<16x3200xf32>
    %get3A_8 = arith.constant 0 : index
    %get3A_9 = arith.constant 0 : index
    %get3A_10 = vector.load %arg4[%get3A_8, %get3A_9] : memref<16x3200xf32, #tpu.memory_space<vmem>>, vector<16x3200xf32>
    %get3A_11 = arith.constant 0 : index
    %get3A_12 = arith.constant 0 : index
    %get3A_13 = vector.load %arg5[%get3A_11, %get3A_12] : memref<16x3200xf32, #tpu.memory_space<vmem>>, vector<16x3200xf32>
    %get3A_14 = arith.constant 0 : index
    %get3A_15 = arith.constant 0 : index
    %get3A_16 = vector.load %arg6[%get3A_14, %get3A_15] : memref<16x3200xf32, #tpu.memory_space<vmem>>, vector<16x3200xf32>
    %get3A_17 = arith.constant 0 : index
    %get3A_18 = arith.constant 0 : index
    %get3A_19 = vector.load %arg7[%get3A_17, %get3A_18] : memref<16x3200xf32, #tpu.memory_space<vmem>>, vector<16x3200xf32>
    %get3A_20 = arith.constant 0 : index
    %get3A_21 = arith.constant 0 : index
    %get3A_22 = vector.load %arg8[%get3A_20, %get3A_21] : memref<16x3200xf32, #tpu.memory_space<vmem>>, vector<16x3200xf32>
    %concatenate3A = tpu.concatenate %get3A_1, %get3A_4, %get3A_7, %get3A_10, %get3A_13, %get3A_16, %get3A_19, %get3A_22 in 0 : vector<16x3200xf32>, vector<16x3200xf32>, vector<16x3200xf32>, vector<16x3200xf32>, vector<16x3200xf32>, vector<16x3200xf32>, vector<16x3200xf32>, vector<16x3200xf32> -> vector<128x3200xf32>
    %transpose3A = tpu.transpose %concatenate3A, [1, 0] : vector<128x3200xf32> -> vector<3200x128xf32>
    %swap3A = arith.constant 0 : index
    %swap3A_23 = arith.constant 0 : index
    %swap3A_24 = vector.load %arg9[%swap3A, %swap3A_23] : memref<3200x128xf32, #tpu.memory_space<vmem>>, vector<3200x128xf32>
    tpu.vector_store %arg9[%swap3A, %swap3A_23], %transpose3A {strides = array<i32>} : memref<3200x128xf32, #tpu.memory_space<vmem>>, vector<3200x128xf32>,
    return
  }
  func.func @transform_0(%arg0: i32) -> (i32, i32) {
    %add3A = arith.constant 0 : i32
    %add3A_0 = arith.addi %add3A, %arg0 : i32
    %c0_i32 = arith.constant 0 : i32
    %c0_i32_1 = arith.constant 0 : i32
    return %c0_i32, %add3A_0 : i32, i32
  }
  func.func @transform_1(%arg0: i32) -> (i32, i32) {
    %add3A = arith.constant 17 : i32
    %add3A_0 = arith.addi %add3A, %arg0 : i32
    %c0_i32 = arith.constant 0 : i32
    %c0_i32_1 = arith.constant 0 : i32
    return %c0_i32, %add3A_0 : i32, i32
  }
  func.func @transform_2(%arg0: i32) -> (i32, i32) {
    %add3A = arith.constant 34 : i32
    %add3A_0 = arith.addi %add3A, %arg0 : i32
    %c0_i32 = arith.constant 0 : i32
    %c0_i32_1 = arith.constant 0 : i32
    return %c0_i32, %add3A_0 : i32, i32
  }
  func.func @transform_3(%arg0: i32) -> (i32, i32) {
    %add3A = arith.constant 51 : i32
    %add3A_0 = arith.addi %add3A, %arg0 : i32
    %c0_i32 = arith.constant 0 : i32
    %c0_i32_1 = arith.constant 0 : i32
    return %c0_i32, %add3A_0 : i32, i32
  }
  func.func @transform_4(%arg0: i32) -> (i32, i32) {
    %add3A = arith.constant 68 : i32
    %add3A_0 = arith.addi %add3A, %arg0 : i32
    %c0_i32 = arith.constant 0 : i32
    %c0_i32_1 = arith.constant 0 : i32
    return %c0_i32, %add3A_0 : i32, i32
  }
  func.func @transform_5(%arg0: i32) -> (i32, i32) {
    %add3A = arith.constant 85 : i32
    %add3A_0 = arith.addi %add3A, %arg0 : i32
    %c0_i32 = arith.constant 0 : i32
    %c0_i32_1 = arith.constant 0 : i32
    return %c0_i32, %add3A_0 : i32, i32
  }
  func.func @transform_6(%arg0: i32) -> (i32, i32) {
    %add3A = arith.constant 102 : i32
    %add3A_0 = arith.addi %add3A, %arg0 : i32
    %c0_i32 = arith.constant 0 : i32
    %c0_i32_1 = arith.constant 0 : i32
    return %c0_i32, %add3A_0 : i32, i32
  }
  func.func @transform_7(%arg0: i32) -> (i32, i32) {
    %add3A = arith.constant 119 : i32
    %add3A_0 = arith.addi %add3A, %arg0 : i32
    %min3A = arith.constant 124 : i32
    %min3A_1 = arith.minsi %add3A_0, %min3A : i32
    %c0_i32 = arith.constant 0 : i32
    %c0_i32_2 = arith.constant 0 : i32
    return %c0_i32, %min3A_1 : i32, i32
  }
  func.func @transform_8(%arg0: i32) -> (i32, i32) {
    %c0_i32 = arith.constant 0 : i32
    %c0_i32_0 = arith.constant 0 : i32
    return %arg0, %c0_i32 : i32, i32
  }
}

module attributes {stable_mosaic.version = 14 : i64} {
  func.func @_mlp_body(%arg0: i32, %arg1: memref<2048x128xf32, #tpu.memory_space<vmem>>, %arg2: memref<16x128xf32, #tpu.memory_space<vmem>>, %arg3: memref<16x1xf32, #tpu.memory_space<vmem>>, %arg4: memref<16x16xf32, #tpu.memory_space<vmem>>, %arg5: memref<16x1xf32, #tpu.memory_space<vmem>>, %arg6: memref<16x2048xf32, #tpu.memory_space<vmem>>) attributes {dimension_semantics = [#tpu.dimension_semantics<arbitrary>], iteration_bounds = array<i64: 8>, scalar_prefetch = 0 : i64, scratch_operands = 0 : i64, tpu.core_type = #tpu.core_type<tc>, window_params = [{transform_indices = @transform_0, window_bounds = array<i64: 2048, 128>}, {pipeline_mode = #tpu.pipeline_mode<synchronous>, transform_indices = @transform_1, window_bounds = array<i64: 16, 128>}, {pipeline_mode = #tpu.pipeline_mode<synchronous>, transform_indices = @transform_2, window_bounds = array<i64: 16, 1>}, {pipeline_mode = #tpu.pipeline_mode<synchronous>, transform_indices = @transform_3, window_bounds = array<i64: 16, 16>}, {pipeline_mode = #tpu.pipeline_mode<synchronous>, transform_indices = @transform_4, window_bounds = array<i64: 16, 1>}, {transform_indices = @transform_5, window_bounds = array<i64: 16, 2048>}]} {
    %get3A = arith.constant 0 : index
    %get3A_0 = arith.constant 0 : index
    %get3A_1 = vector.load %arg2[%get3A, %get3A_0] : memref<16x128xf32, #tpu.memory_space<vmem>>, vector<16x128xf32>
    %get3A_2 = arith.constant 0 : index
    %get3A_3 = arith.constant 0 : index
    %get3A_4 = vector.load %arg1[%get3A_2, %get3A_3] : memref<2048x128xf32, #tpu.memory_space<vmem>>, vector<2048x128xf32>
    %dot_general3A = arith.constant dense<0.000000e+00> : vector<16x2048xf32>
    %dot_general3A_5 = tpu.matmul %get3A_1, %get3A_4, %dot_general3A {dimension_numbers = #tpu.dot_dimension_numbers<[1], [1], [0], [0], [0, 0, 1, 0], [], []>, transpose_lhs_hint = false} : vector<16x128xf32>, vector<2048x128xf32>, vector<16x2048xf32> -> vector<16x2048xf32>
    %get3A_6 = arith.constant 0 : index
    %get3A_7 = arith.constant 0 : index
    %get3A_8 = vector.load %arg3[%get3A_6, %get3A_7] : memref<16x1xf32, #tpu.memory_space<vmem>>, vector<16x1xf32>
    %add3A = vector.broadcast %get3A_8 : vector<16x1xf32> to vector<16x2048xf32>
    %add3A_9 = arith.addf %dot_general3A_5, %add3A : vector<16x2048xf32>
    %tanh3A = math.tanh %add3A_9 : vector<16x2048xf32>
    %get3A_10 = arith.constant 0 : index
    %get3A_11 = arith.constant 0 : index
    %get3A_12 = vector.load %arg4[%get3A_10, %get3A_11] : memref<16x16xf32, #tpu.memory_space<vmem>>, vector<16x16xf32>
    %dot_general3A_13 = arith.constant dense<0.000000e+00> : vector<16x2048xf32>
    %dot_general3A_14 = tpu.matmul %get3A_12, %tanh3A, %dot_general3A_13 {dimension_numbers = #tpu.dot_dimension_numbers<[0], [0], [1], [1], [0, 1, 1, 1], [], []>, transpose_lhs_hint = false} : vector<16x16xf32>, vector<16x2048xf32>, vector<16x2048xf32> -> vector<16x2048xf32>
    %get3A_15 = arith.constant 0 : index
    %get3A_16 = arith.constant 0 : index
    %get3A_17 = vector.load %arg5[%get3A_15, %get3A_16] : memref<16x1xf32, #tpu.memory_space<vmem>>, vector<16x1xf32>
    %add3A_18 = vector.broadcast %get3A_17 : vector<16x1xf32> to vector<16x2048xf32>
    %add3A_19 = arith.addf %dot_general3A_14, %add3A_18 : vector<16x2048xf32>
    %swap3A = arith.constant 0 : index
    %swap3A_20 = arith.constant 0 : index
    %swap3A_21 = vector.load %arg6[%swap3A, %swap3A_20] : memref<16x2048xf32, #tpu.memory_space<vmem>>, vector<16x2048xf32>
    tpu.vector_store %arg6[%swap3A, %swap3A_20], %add3A_19 {strides = array<i32>} : memref<16x2048xf32, #tpu.memory_space<vmem>>, vector<16x2048xf32>,
    return
  }
  func.func @transform_0(%arg0: i32) -> (i32, i32) {
    %c0_i32 = arith.constant 0 : i32
    %c0_i32_0 = arith.constant 0 : i32
    return %arg0, %c0_i32 : i32, i32
  }
  func.func @transform_1(%arg0: i32) -> (i32, i32) {
    %c0_i32 = arith.constant 0 : i32
    %c0_i32_0 = arith.constant 0 : i32
    %c0_i32_1 = arith.constant 0 : i32
    return %c0_i32, %c0_i32_0 : i32, i32
  }
  func.func @transform_2(%arg0: i32) -> (i32, i32) {
    %c0_i32 = arith.constant 0 : i32
    %c0_i32_0 = arith.constant 0 : i32
    %c0_i32_1 = arith.constant 0 : i32
    return %c0_i32, %c0_i32_0 : i32, i32
  }
  func.func @transform_3(%arg0: i32) -> (i32, i32) {
    %c0_i32 = arith.constant 0 : i32
    %c0_i32_0 = arith.constant 0 : i32
    %c0_i32_1 = arith.constant 0 : i32
    return %c0_i32, %c0_i32_0 : i32, i32
  }
  func.func @transform_4(%arg0: i32) -> (i32, i32) {
    %c0_i32 = arith.constant 0 : i32
    %c0_i32_0 = arith.constant 0 : i32
    %c0_i32_1 = arith.constant 0 : i32
    return %c0_i32, %c0_i32_0 : i32, i32
  }
  func.func @transform_5(%arg0: i32) -> (i32, i32) {
    %c0_i32 = arith.constant 0 : i32
    %c0_i32_0 = arith.constant 0 : i32
    return %c0_i32, %arg0 : i32, i32
  }
}

module attributes {stable_mosaic.version = 14 : i64} {
  func.func @_combine_body(%arg0: i32, %arg1: memref<16x4096xf32, #tpu.memory_space<vmem>>, %arg2: memref<16x4096xf32, #tpu.memory_space<vmem>>, %arg3: memref<16x16xf32, #tpu.memory_space<vmem>>, %arg4: memref<16x4096xf32, #tpu.memory_space<vmem>>) attributes {dimension_semantics = [#tpu.dimension_semantics<arbitrary>], iteration_bounds = array<i64: 4>, scalar_prefetch = 0 : i64, scratch_operands = 0 : i64, tpu.core_type = #tpu.core_type<tc>, window_params = [{transform_indices = @transform_0, window_bounds = array<i64: 16, 4096>}, {transform_indices = @transform_1, window_bounds = array<i64: 16, 4096>}, {pipeline_mode = #tpu.pipeline_mode<synchronous>, transform_indices = @transform_2, window_bounds = array<i64: 16, 16>}, {transform_indices = @transform_3, window_bounds = array<i64: 16, 4096>}]} {
    %get3A = arith.constant 0 : index
    %get3A_0 = arith.constant 0 : index
    %get3A_1 = vector.load %arg1[%get3A, %get3A_0] : memref<16x4096xf32, #tpu.memory_space<vmem>>, vector<16x4096xf32>
    %get3A_2 = arith.constant 0 : index
    %get3A_3 = arith.constant 0 : index
    %get3A_4 = vector.load %arg3[%get3A_2, %get3A_3] : memref<16x16xf32, #tpu.memory_space<vmem>>, vector<16x16xf32>
    %get3A_5 = arith.constant 0 : index
    %get3A_6 = arith.constant 0 : index
    %get3A_7 = vector.load %arg2[%get3A_5, %get3A_6] : memref<16x4096xf32, #tpu.memory_space<vmem>>, vector<16x4096xf32>
    %dot_general3A = arith.constant dense<0.000000e+00> : vector<16x4096xf32>
    %dot_general3A_8 = tpu.matmul %get3A_4, %get3A_7, %dot_general3A {dimension_numbers = #tpu.dot_dimension_numbers<[0], [0], [1], [1], [0, 1, 1, 1], [], []>, transpose_lhs_hint = false} : vector<16x16xf32>, vector<16x4096xf32>, vector<16x4096xf32> -> vector<16x4096xf32>
    %add3A = arith.addf %get3A_1, %dot_general3A_8 : vector<16x4096xf32>
    %swap3A = arith.constant 0 : index
    %swap3A_9 = arith.constant 0 : index
    %swap3A_10 = vector.load %arg4[%swap3A, %swap3A_9] : memref<16x4096xf32, #tpu.memory_space<vmem>>, vector<16x4096xf32>
    tpu.vector_store %arg4[%swap3A, %swap3A_9], %add3A {strides = array<i32>} : memref<16x4096xf32, #tpu.memory_space<vmem>>, vector<16x4096xf32>,
    return
  }
  func.func @transform_0(%arg0: i32) -> (i32, i32) {
    %c0_i32 = arith.constant 0 : i32
    %c0_i32_0 = arith.constant 0 : i32
    return %c0_i32, %arg0 : i32, i32
  }
  func.func @transform_1(%arg0: i32) -> (i32, i32) {
    %c0_i32 = arith.constant 0 : i32
    %c0_i32_0 = arith.constant 0 : i32
    return %c0_i32, %arg0 : i32, i32
  }
  func.func @transform_2(%arg0: i32) -> (i32, i32) {
    %c0_i32 = arith.constant 0 : i32
    %c0_i32_0 = arith.constant 0 : i32
    %c0_i32_1 = arith.constant 0 : i32
    return %c0_i32, %c0_i32_0 : i32, i32
  }
  func.func @transform_3(%arg0: i32) -> (i32, i32) {
    %c0_i32 = arith.constant 0 : i32
    %c0_i32_0 = arith.constant 0 : i32
    return %c0_i32, %arg0 : i32, i32
  }
}

</mosaic_0001>

<sc_bundles>
// kernel: kernel.6.cloned.1.call-start
scs
__scs_entry_jumppad:
0x0: {  	(pc) =	sbr.rel $0x88, $3  }
0x1: {  	(tag) =	ssettag $0x0;
	lr =	simm.s32 $0x1  }
0x2: {  	[smem:$0x3F97] =	sst lr;
	_ =	strace $0xD0000000  }
0x3: {  	_ = 	snop  }
0x4: {  	_ = 	snop  }
0x5: {  	_ = 	snop  }
0x6: {  	_ = 	snop  }
0x7: {  	_ = 	snop  }
__scs_overlays_trampoline_lowered:
0x8: {  	[smem:$0x3FA6] =	sst s0  }
0x9: {  	[smem:$0x3FA7] =	sst s1  }
0xa: {  	[smem:$0x3FA8] =	sst s2  }
0xb: {  	[smem:$0x3FA9] =	sst s3  }
0xc: {  	[smem:$0x3FAA] =	sst s4  }
0xd: {  	[smem:$0x3FAB] =	sst s5  }
0xe: {  	[smem:$0x3FAC] =	sst s6  }
0xf: {  	[smem:$0x3FAD] =	sst s7  }
0x10: {  	[smem:$0x3FAE] =	sst s8  }
0x11: {  	[smem:$0x3FAF] =	sst s9;
	s0 =	simm.s32 @!p0 $0x0  }
0x12: {  	s1 =	sld [smem:$0x3F95];
	s0 =	simm.s32 @p0 $0x1  }
0x13: {  	[smem:$0x3FB0] =	sst s0;
	s0 =	simm.s32 @!p1 $0x0  }
0x14: {  	s2 =	sld [smem:$0x3F94];
	s0 =	simm.s32 @p1 $0x1  }
0x15: {  	[smem:$0x3FB1] =	sst s0;
	s0 =	simm.s32 @!p2 $0x0  }
0x16: {  	s3 =	sld [smem:$0x3FDB];
	s0 =	simm.s32 @p2 $0x1  }
0x17: {  	s4 =	simm.s32 $0x1BF5;
	[smem:$0x3FB3] =	sst s0  }
0x18: {  	s0 =	sld [smem:$0x3F96];
	_ =	swait.ge [sflag:s4], $0x0  }
0x19: {  	s7 =	sld [smem:$0x3F97]  }
0x1a: {  	s8 =	sadd.s32 $0xFFFFE003, lr  }
0x1b: {  	s9 =	sadd.s32 $0xFFFFFEF7, lr;
	s5 =	simm.s32 $0xFFFFFFFF;
	p2 =	slt.u32 s8, $0xFFFFF086  }
0x1c: {  	p1 =	slt.u32 s9, $0xF7A;
	s5 =	simm.s32 @!p2 $0x0  }
0x1d: {  	s5 =	simm.s32 @p1 $0x1;
	p0 =	seq.s32 s7, s2  }
0x1e: {  	s7 =	smul.u32 @!p0 $0xF7A, s2;
	p2 =	seq.s32 @!p0 s5, $0x0  }
0x1f: {  	s9 =	smul.u32 $0xF7A, s1;
	s8 =	simm.s32 @!p0 $0x1BF5;
	p2 =	por !p2, p0  }
0x20: {  	[sflag:s8] =	ssyncset.s32 @!p0 $0xFFFFF086;
	s6 =	sadd.s32 @!p0 s3, s7;
	s7 =	simm.s32 @!p0 $0x108  }
0x21: {  	s3 =	sadd.s32 s3, s9;
	s6 =	sadd.s32 @!p0 $0x88, s6;
	s7 =	simm.s32 @p2 $0x1082  }
0x22: {  	[simem:s7], [sflag:s8] =	dma.local @!p0 [hbm:s6], $0xF7A  }
0x23: {  	s9 =	sor.u32 $0xD0000000, s2;
	s6 =	simm.s32 $0x108;
	_ =	swait.ge @!p0 [sflag:s8], $0x0  }
0x24: {  	s3 =	sadd.s32 $0x88, s3;
	s6 =	simm.s32 @!p1 $0x1082;
	[sflag:s4] =	ssyncset.s32 $0xFFFFF086  }
0x25: {  	[simem:s6], [sflag:s4] =	dma.local [hbm:s3], $0xF7A  }
0x26: {  	[smem:$0x3F97] =	sst s1;
	(tag) =	ssettag s2;
	_ =	strace s9  }
0x27: {  	s1 =	sld [smem:$0x3FA7]  }
0x28: {  	s2 =	sld [smem:$0x3FA8]  }
0x29: {  	s4 =	sld [smem:$0x3FAA]  }
0x2a: {  	p0 =	seq.s32 s5, $0x0;
	s5 =	sld [smem:$0x3FAB]  }
0x2b: {  	s6 =	sld [smem:$0x3FAC]  }
0x2c: {  	s7 =	sld [smem:$0x3FAD]  }
0x2d: {  	s3 =	simm.s32 $0x108;
	s8 =	sld [smem:$0x3FAE]  }
0x2e: {  	s3 =	simm.s32 @!p0 $0x1082;
	s9 =	sld [smem:$0x3FAF]  }
0x2f: {  	lr =	sadd.s32 s0, s3;
	s0 =	sld [smem:$0x3FA6]  }
0x30: {  	s3 =	sld [smem:$0x3FA9]  }
0x31: {  	[smem:$0x3FB2] =	sst s10  }
0x32: {  	s10 =	sld [smem:$0x3FB0];
	_ =	sdelay $0x3  }
0x33: {  	p0 =	seq.s32 s10, $0x1;
	s10 =	sld [smem:$0x3FB2];
	_ =	sdelay $0x3  }
0x34: {  	[smem:$0x3FB2] =	sst s10  }
0x35: {  	s10 =	sld [smem:$0x3FB1];
	_ =	sdelay $0x3  }
0x36: {  	p1 =	seq.s32 s10, $0x1;
	s10 =	sld [smem:$0x3FB2];
	_ =	sdelay $0x3  }
0x37: {  	[smem:$0x3FB2] =	sst s10  }
0x38: {  	s10 =	sld [smem:$0x3FB3]  }
0x39: {  	_ = 	snop;
	(pc) =	sbr.ind lr, $3  }
0x3a: {  	_ = 	snop  }
0x3b: {  	_ = 	snop  }
0x3c: {  	p2 =	seq.s32 s10, $0x1;
	s10 =	sld [smem:$0x3FB2]  }
0x3d: {  	_ =	shalt  }
0x3e: {  	_ =	shalt  }
0x3f: {  	_ =	shalt  }
0x40: {  	_ =	shalt  }
0x41: {  	_ =	shalt  }
0x42: {  	_ =	shalt  }
0x43: {  	_ =	shalt  }
0x44: {  	_ =	shalt  }
0x45: {  	_ =	shalt  }
0x46: {  	_ =	shalt  }
0x47: {  	_ =	shalt  }
0x48: {  	_ =	shalt  }
0x49: {  	_ =	shalt  }
0x4a: {  	_ =	shalt  }
0x4b: {  	_ =	shalt  }
0x4c: {  	_ =	shalt  }
0x4d: {  	_ =	shalt  }
0x4e: {  	_ =	shalt  }
0x4f: {  	_ =	shalt  }
0x50: {  	_ =	shalt  }
0x51: {  	_ =	shalt  }
0x52: {  	_ =	shalt  }
0x53: {  	_ =	shalt  }
0x54: {  	_ =	shalt  }
0x55: {  	_ =	shalt  }
0x56: {  	_ =	shalt  }
0x57: {  	_ =	shalt  }
0x58: {  	_ =	shalt  }
0x59: {  	_ =	shalt  }
0x5a: {  	_ =	shalt  }
0x5b: {  	_ =	shalt  }
0x5c: {  	_ =	shalt  }
0x5d: {  	_ =	shalt  }
0x5e: {  	_ =	shalt  }
0x5f: {  	_ =	shalt  }
0x60: {  	_ =	shalt  }
0x61: {  	_ =	shalt  }
0x62: {  	_ =	shalt  }
0x63: {  	_ =	shalt  }
0x64: {  	_ =	shalt  }
0x65: {  	_ =	shalt  }
0x66: {  	_ =	shalt  }
0x67: {  	_ =	shalt  }
0x68: {  	_ =	shalt  }
0x69: {  	_ =	shalt  }
0x6a: {  	_ =	shalt  }
0x6b: {  	_ =	shalt  }
0x6c: {  	_ =	shalt  }
0x6d: {  	_ =	shalt  }
0x6e: {  	_ =	shalt  }
0x6f: {  	_ =	shalt  }
0x70: {  	_ =	shalt  }
0x71: {  	_ =	shalt  }
0x72: {  	_ =	shalt  }
0x73: {  	_ =	shalt  }
0x74: {  	_ =	shalt  }
0x75: {  	_ =	shalt  }
0x76: {  	_ =	shalt  }
0x77: {  	_ =	shalt  }
0x78: {  	_ =	shalt  }
0x79: {  	_ =	shalt  }
0x7a: {  	_ =	shalt  }
0x7b: {  	_ =	shalt  }
0x7c: {  	_ =	shalt  }
0x7d: {  	_ =	shalt  }
0x7e: {  	_ =	shalt  }
0x7f: {  	_ =	shalt  }
0x80: {  	_ =	shalt  }
0x81: {  	_ =	shalt  }
0x82: {  	_ =	shalt  }
0x83: {  	_ =	shalt  }
0x84: {  	_ =	shalt  }
0x85: {  	_ =	shalt  }
0x86: {  	_ =	shalt  }
0x87: {  	_ =	shalt  }
.Lfunc_end0:
.L_simem_size_0:
called_computation_lowered:
.L_overlay_start_0:
0x88: {  	s2 =	sld [smem:$0x3FD9]  }
0x89: {  	s3 =	sld [smem:$0x3FFE];
	_ =	sdelay $0x1  }
0x8a: {  	s1 =	srdreg.scid  }
0x8b: {  	s0 =	sand.u32 $0x1, s1  }
0x8c: {  	s17 =	sshll.u32 s0, $0xA;
	s2 =	sadd.s32 s3, s2  }
0x8d: {  	s2 =	sadd.s32 s2, s17  }
0x8e: {  	[smem:$0x3FBE] =	sst s2  }
0x8f: {  	_ = 	snop  }
0x90: {  	s2 =	sld [smem:$0x3FC9]  }
0x91: {  	s18 =	sld [smem:$0x3FD0];
	(tm) =	ssettm $0x1  }
0x92: {  	s4 =	sld [smem:$0x3FFB];
	_ =	sdelay $0x3  }
0x93: {  	_ =	strace s4  }
0x94: {  	s4 =	sld [smem:$0x3FFC];
	_ =	sdelay $0x3  }
0x95: {  	_ =	strace s4  }
0x96: {  	s4 =	sld [smem:$0x3FFD];
	_ =	sdelay $0x3  }
0x97: {  	_ =	strace s4  }
0x98: {  	_ =	strace $0x8FFFFFFF  }
0x99: {  	s19 =	sld [smem:$0x3FDB];
	_ =	sdelay $0x1  }
0x9a: {  	s5 =	simm.s32 $_scs_section_size  }
0x9b: {  	s6 =	simm.s32 $_size__tile_overlayer_lowered;
	s7 =	simm.s32 $_tile_overlayer_lowered  }
0x9c: {  	s22 =	simm.s32 $0x1BFF;
	s21 =	sshll.u32 s7, $0x1;
	s4 =	sadd.s32 s5, s19  }
0x9d: {  	s8 =	simm.s32 $0x0;
	s20 =	sshll.u32 s6, $0x1;
	s6 =	sadd.s32 s21, s4  }
0x9e: {  	[timem:s8], [sflag:s22] =	dma.local [hbm:s6], s20  }
0x9f: {  	_ =	swait.ge [sflag:s22], s20  }
0xa0: {  	s5 =	ssub.s32 $0x0, s20;
	[sflag:s22] =	ssyncset.done $0x0  }
0xa1: {  	[sflag:s22] =	ssyncadd.s32 s5;
	_ =	sdelay $0x1  }
0xa2: {  	s23 =	simm.s32 $0x1B8B  }
0xa3: {  	_ =	swait.ge [sflag:s23], $0x1  }
0xa4: {  	[sflag:s23] =	ssyncset.done $0x0  }
0xa5: {  	s25 =	simm.s32 $0x1B8E;
	s24 =	sld [smem:$0x3FFE];
	[sflag:s23] =	ssyncadd.s32 $0xFFFFFFFF  }
0xa6: {  	s26 =	simm.s32 $execute0_lowered;
	[smem:$0x3FD2] =	sst s25  }
0xa7: {  	s6 =	sshll.u32 s26, $0x1;
	_ =	strace $0x80000046;
	[dreg:$0x1] =	wrdreg $0xFFFFFFFF  }
0xa8: {  	s28 =	simm.s32 $_size_execute0_lowered;
	s4 =	sadd.s32 s4, s6;
	[dreg:$0x0] =	wrdreg $0x0  }
0xa9: {  	s6 =	sshll.u32 s28, $0x1;
	[dreg:$0x2] =	wrdreg s4  }
0xaa: {  	[dreg:$0x3] =	wrdreg s6  }
0xab: {  	[dreg:$0x4] =	wrdreg $0xC0  }
0xac: {  	_ =	task [dreg:s8], $0x5FFFF  }
0xad: {  	[dreg:$0x1] =	wrdreg $0xFFFFFFFF  }
0xae: {  	[dreg:$0x0] =	wrdreg $0x60  }
0xaf: {  	[dreg:$0x2] =	wrdreg s24  }
0xb0: {  	[dreg:$0x3] =	wrdreg s2  }
0xb1: {  	[dreg:$0x4] =	wrdreg s18  }
0xb2: {  	[dreg:$0x5] =	wrdreg $0x9  }
0xb3: {  	_ =	task.clear_ibuf [dreg:s8], $0x6FFFF;
	_ =	strace $0x90000046  }
0xb4: {  	s29 =	simm.s32 $0x9;
	_ =	strace $0x80000048  }
0xb5: {  	_ =	swait.ge [sflag:s29], $0x1  }
0xb6: {  	[sflag:s29] =	ssyncadd.s32 $0xFFFFFFFF  }
0xb7: {  	_ =	strace $0x90000048  }
0xb8: {  	_ =	sfence  }
0xb9: {  	s30 =	sld [smem:$0x0];
	_ =	sdelay $0x2  }
0xba: {  	s31 =	sshll.u32 s1, $0xD;
	s1 =	sshrl.u32 s1, $0x2  }
0xbb: {  	s3 =	sand.u32 $0x4000, s31;
	s1 =	sadd.s32 s1, s30  }
0xbc: {  	s0 =	sor.u32 s3, s0;
	s1 =	sshll.u32 s1, $0x11  }
0xbd: {  	s0 =	sor.u32 s1, s0  }
0xbe: {  	s0 =	sadd.s32 $0x8F2B, s0  }
0xbf: {  	[sflag:s0] =	ssyncadd.remote.s32 $0x1  }
0xc0: {  	_ =	sfence.sel $0xFFFF  }
0xc1: {  	[dreg:$0x0] =	wrdreg $0xFFFFFFFF;
	(pc) =	sbr.abs _section_cstart, $3  }
0xc2: {  	[dreg:$0x1] =	wrdreg $0xFFFFFFFF  }
0xc3: {  	_ =	task.clear_ibuf [dreg:s8], $0x2FFFF;
	_ =	strace $0x9FFFFFFF  }
0xc4: {  	(tm) =	ssettm $0x7FFFFFFF  }
0xc5: {  	_ =	shalt  }
tec
execute0_lowered:
.L_overlay_start_1:
0x0: {  	(tag) =	ssettag $0x1  }
0x1: {  	s0 =	rddreg [dreg:$0x0]  }
0x2: {  	s1 =	rddreg [dreg:$0x1]  }
0x3: {  	s12 =	rddreg [dreg:$0x2]  }
0x4: {  	s3 =	srdreg.scid;
	s4 =	stileid.u32  }
0x5: {  	s2 =	simm.s32 $0x0;
	s14 =	simm.s32 $0x1;
	s15 =	simm.s32 $0x700  }
0x6: {  	s16 =	simm.s32 $0x4000;
	s17 =	simm.s32 $0x4E00;
	s18 =	simm.s32 $0x2000  }
0x7: {  	s19 =	simm.s32 $0x2;
	s20 =	simm.s32 $0x4700;
	s21 =	simm.s32 $0xBE00  }
0x8: {  	s22 =	simm.s32 $0x3;
	s23 =	simm.s32 $0x12E00;
	s24 =	simm.s32 $0x4  }
0x9: {  	s25 =	simm.s32 $0x200;
	s26 =	simm.s32 $0x5;
	s28 =	simm.s32 $0x0  }
0xa: {  	s3 =	sand.u32 $0x1, s3;
	s4 =	sshll.u32 s4, $0x1;
	[smem:$0x7FF] =	sst s2  }
0xb: {  	s5 =	ssub.s32 $0x2, s3;
	s10 =	sor.u32 s3, s4;
	_ =	strace $0x80000047  }
0xc: {  	s3 =	sadd.s32 $0x1600, s0;
	s29 =	sshrl.u32 s5, $0x1;
	s6 =	sshll.u32 s10, $0xD  }
0xd: {  	s31 =	sshll.u32 s10, $0x6;
	s30 =	ssub.s32 s5, s29;
	s4 =	sadd.s32 s1, s6  }
0xe: {  	s12 =	sadd.s32 s12, s31;
	s5 =	sadd.s32 $0x400, s4;
	s6 =	sadd.s32 $0x800, s4  }
0xf: {  	v0 =	vlaneseq.u32;
	s7 =	sadd.s32 $0xC00, s4;
	s8 =	sadd.s32 $0x1000, s4;
	s9 =	sadd.s32 $0x1400, s4  }
0x10: {  	v0 =	vmul.u32 $0x200, v0;
	s10 =	sadd.s32 $0x1800, s4;
	s11 =	sadd.s32 $0x1C00, s4;
	s13 =	smax.u32 s30, $0x1  }
.LBB2_1:
0x11: {  	[tilespmem:s2], [sflag:$0x1] =	stream.linear.gather [hbm4b:s4+s2], $0x2000, $0x38;
	[tilespmem:$0x14E00] =	vst v63  }
0x12: {  	_ =	swait.ge [sflag:s14], $0x2000  }
0x13: {  	[sflag:s14] =	ssyncset.done $0x0  }
0x14: {  	s0 =	simm.s32 $0xE4;
	[sflag:s14] =	ssyncadd.s32 $0xFFFFE000  }
0x15: {  	v1 =	vld [tilespmem:s0+$0x0];
	_ =	sdelay $0x3  }
0x16: {  	v2 =	vld [tilespmem:s0+$0xFFFFFF80]  }
0x17: {  	v3 =	vadd.f32 $5.000000000e-01, v1;
	_ =	sdelay $0x1  }
0x18: {  	v3 =	vmul.f32 $1.838235220e-05, v3;
	_ =	sdelay $0x1  }
0x19: {  	v4 =	vadd.f32 $5.000000000e-01, v2;
	v3 =	vtrunc.f32 v3  }
0x1a: {  	v3 =	vcvt.f32.s32 v3  }
0x1b: {  	v1 =	vtrunc.f32 v1;
	v4 =	vmul.f32 $1.838235220e-05, v4  }
0x1c: {  	v1 =	vcvt.f32.s32 v1;
	v5 =	vmul.u32 $0x1FFF2B80, v3  }
0x1d: {  	s29 =	simm.s32 $0x1E4;
	v4 =	vtrunc.f32 v4  }
0x1e: {  	v6 =	vld [tilespmem:s29+$0x0];
	v4 =	vcvt.f32.s32 v4;
	v1 =	vadd.s32 v1, v5  }
0x1f: {  	v2 =	vtrunc.f32 v2;
	v1 =	vshll.u32 v1, $0x3  }
0x20: {  	s31 =	simm.s32 $0x401C;
	v2 =	vcvt.f32.s32 v2;
	v7 =	vmul.u32 $0x1FFF2B80, v4;
	v5 =	vld [tilespmem:s29+$0xFFFFFF80];
	v1 =	vadd.s32 v3, v1  }
0x21: {  	[tilespmem:s31+$0x0] =	vst v1  }
0x22: {  	v2 =	vadd.s32 v2, v7;
	v1 =	vld [tilespmem:s0+$0xC]  }
0x23: {  	v2 =	vshll.u32 v2, $0x3;
	v3 =	vadd.f32 $5.000000000e-01, v6  }
0x24: {  	v2 =	vadd.s32 v4, v2  }
0x25: {  	[tilespmem:s31+$0xFFFFFFE4] =	vst v2;
	v3 =	vmul.f32 $1.838235220e-05, v3;
	v4 =	vadd.f32 $5.000000000e-01, v5  }
0x26: {  	v6 =	vtrunc.f32 v6;
	v9 =	vld [tilespmem:s0+$0xFFFFFF8C];
	v2 =	vtrunc.f32 v5  }
0x27: {  	v3 =	vtrunc.f32 v3;
	v4 =	vmul.f32 $1.838235220e-05, v4;
	v7 =	vadd.f32 $5.000000000e-01, v1  }
0x28: {  	v2 =	vcvt.f32.s32 v2;
	v5 =	vcvt.f32.s32 v3  }
0x29: {  	v4 =	vtrunc.f32 v4;
	v10 =	vmul.f32 $1.838235220e-05, v7  }
0x2a: {  	v8 =	vmul.u32 $0x1FFF2B80, v5;
	v3 =	vcvt.f32.s32 v4;
	v7 =	vcvt.f32.s32 v6  }
0x2b: {  	s1 =	simm.s32 $0x2E4;
	s30 =	simm.s32 $0x401C;
	s0 =	simm.s32 $0x2;
	v4 =	vtrunc.f32 v9;
	v6 =	vadd.f32 $5.000000000e-01, v9;
	v9 =	vtrunc.f32 v10  }
.LBB2_2:
0x2c: {  	v10 =	vld [tilespmem:s1+$0x0];
	s0 =	sadd.s32 $0x2, s0;
	v11 =	vmul.u32 $0x1FFF2B80, v3;
	v7 =	vadd.s32 v7, v8;
	v8 =	vcvt.f32.s32 v9  }
0x2d: {  	v1 =	vtrunc.f32 v1;
	v9 =	vld [tilespmem:s1+$0xFFFFFF80];
	p0 =	slt.u32 s0, $0x3E;
	v7 =	vshll.u32 v7, $0x3;
	v6 =	vmul.f32 $1.838235220e-05, v6  }
0x2e: {  	s31 =	sadd.s32 $0x38, s31;
	v5 =	vadd.s32 v5, v7;
	v7 =	vcvt.f32.s32 v1;
	v12 =	vmul.u32 $0x1FFF2B80, v8  }
0x2f: {  	v4 =	vcvt.f32.s32 v4;
	v1 =	vadd.s32 v2, v11;
	[tilespmem:s31+$0x0] =	vst v5;
	v2 =	vtrunc.f32 v6  }
0x30: {  	v5 =	vshll.u32 v1, $0x3;
	v1 =	vld [tilespmem:s29+$0xC];
	v6 =	vcvt.f32.s32 v2;
	v2 =	vadd.s32 v7, v12  }
0x31: {  	v3 =	vadd.s32 v3, v5;
	v7 =	vadd.f32 $5.000000000e-01, v10;
	v2 =	vshll.u32 v2, $0x3  }
0x32: {  	v5 =	vadd.f32 $5.000000000e-01, v9;
	v9 =	vtrunc.f32 v9;
	[tilespmem:s31+$0xFFFFFFE4] =	vst v3;
	v3 =	vadd.s32 v8, v2  }
0x33: {  	v8 =	vmul.u32 $0x1FFF2B80, v6;
	v2 =	vcvt.f32.s32 v9;
	v7 =	vmul.f32 $1.838235220e-05, v7;
	v9 =	vld [tilespmem:s29+$0xFFFFFF8C];
	[tilespmem:s30+$0xC] =	vst v3;
	s29 =	smov.u32 s1  }
0x34: {  	v3 =	vmul.f32 $1.838235220e-05, v5  }
.Ltmp0:
0x35: {  	v4 =	vadd.s32 v4, v8;
	v5 =	vtrunc.f32 v7;
	v7 =	vadd.f32 $5.000000000e-01, v1;
	(pc) =	sbr.rel @p0 .LBB2_2-.Ltmp0, $4  }
0x36: {  	v4 =	vshll.u32 v4, $0x3;
	v3 =	vtrunc.f32 v3;
	v5 =	vcvt.f32.s32 v5  }
0x37: {  	v8 =	vtrunc.f32 v10;
	v4 =	vadd.s32 v6, v4;
	v10 =	vmul.f32 $1.838235220e-05, v7  }
0x38: {  	v3 =	vcvt.f32.s32 v3;
	v7 =	vcvt.f32.s32 v8;
	v8 =	vmul.u32 $0x1FFF2B80, v5;
	[tilespmem:s30+$0xFFFFFFF0] =	vst v4;
	s30 =	smov.u32 s31  }
0x39: {  	s1 =	sadd.s32 $0x100, s1;
	v6 =	vadd.f32 $5.000000000e-01, v9;
	v4 =	vtrunc.f32 v9;
	v9 =	vtrunc.f32 v10  }
0x3a: {  	v10 =	vmul.u32 $0x1FFF2B80, v3  }
0x3b: {  	v7 =	vadd.s32 v7, v8  }
0x3c: {  	v7 =	vshll.u32 v7, $0x3;
	v2 =	vadd.s32 v2, v10  }
0x3d: {  	s0 =	sadd.s32 $0x38, s31;
	v5 =	vadd.s32 v5, v7;
	v2 =	vshll.u32 v2, $0x3  }
0x3e: {  	[tilespmem:s0+$0x0] =	vst v5;
	v2 =	vadd.s32 v3, v2  }
0x3f: {  	v3 =	vld [tilespmem:s29+$0xC];
	[tilespmem:s0+$0xFFFFFFE4] =	vst v2  }
0x40: {  	v2 =	vld [tilespmem:s29+$0xFFFFFF8C];
	_ =	sdelay $0x2  }
0x41: {  	v1 =	vtrunc.f32 v1  }
0x42: {  	v6 =	vmul.f32 $1.838235220e-05, v6;
	v5 =	vcvt.f32.s32 v9;
	v7 =	vadd.f32 $5.000000000e-01, v3  }
0x43: {  	v1 =	vcvt.f32.s32 v1;
	v8 =	vadd.f32 $5.000000000e-01, v2  }
0x44: {  	v6 =	vtrunc.f32 v6;
	v9 =	vmul.u32 $0x1FFF2B80, v5;
	v7 =	vmul.f32 $1.838235220e-05, v7  }
0x45: {  	v6 =	vcvt.f32.s32 v6;
	v8 =	vmul.f32 $1.838235220e-05, v8  }
0x46: {  	v4 =	vcvt.f32.s32 v4;
	v1 =	vadd.s32 v1, v9;
	v7 =	vtrunc.f32 v7  }
0x47: {  	v9 =	vmul.u32 $0x1FFF2B80, v6;
	v7 =	vcvt.f32.s32 v7;
	v8 =	vtrunc.f32 v8  }
0x48: {  	v1 =	vshll.u32 v1, $0x3;
	v3 =	vtrunc.f32 v3;
	v8 =	vcvt.f32.s32 v8  }
0x49: {  	v3 =	vcvt.f32.s32 v3;
	v2 =	vtrunc.f32 v2;
	v10 =	vmul.u32 $0x1FFF2B80, v7  }
0x4a: {  	v4 =	vadd.s32 v4, v9;
	v2 =	vcvt.f32.s32 v2;
	v9 =	vmul.u32 $0x1FFF2B80, v8  }
0x4b: {  	v1 =	vadd.s32 v5, v1;
	v4 =	vshll.u32 v4, $0x3;
	v3 =	vadd.s32 v3, v10  }
0x4c: {  	[tilespmem:s30+$0xC] =	vst v1;
	v1 =	vadd.s32 v6, v4;
	v3 =	vshll.u32 v3, $0x3;
	v2 =	vadd.s32 v2, v9  }
0x4d: {  	[tilespmem:s30+$0xFFFFFFF0] =	vst v1;
	v1 =	vadd.s32 v7, v3;
	v2 =	vshll.u32 v2, $0x3  }
0x4e: {  	[tilespmem:s0+$0xC] =	vst v1;
	v1 =	vadd.s32 v8, v2  }
0x4f: {  	[tilespmem:s0+$0xFFFFFFF0] =	vst v1  }
0x50: {  	[tilespmem:s17], [sflag:$0x3] =	stream.indirect.gather [hbm4b:s3+s15], $0x10, s16, s15, $0xb8;
	[tilespmem:$0x14E00] =	vst v63  }
0x51: {  	_ = 	snop  }
0x52: {  	[tilespmem:s18], [sflag:$0x2] =	stream.linear.gather [hbm4b:s5+s2], $0x2000, $0x38;
	[tilespmem:$0x14E00] =	vst v63  }
0x53: {  	_ =	swait.ge [sflag:s19], $0x2000  }
0x54: {  	[sflag:s19] =	ssyncset.done $0x0  }
0x55: {  	s1 =	simm.s32 $0x20E4;
	[sflag:s19] =	ssyncadd.s32 $0xFFFFE000  }
0x56: {  	v1 =	vld [tilespmem:s1+$0x0];
	_ =	sdelay $0x3  }
0x57: {  	v2 =	vld [tilespmem:s1+$0xFFFFFF80]  }
0x58: {  	v3 =	vadd.f32 $5.000000000e-01, v1;
	_ =	sdelay $0x1  }
0x59: {  	v3 =	vmul.f32 $1.838235220e-05, v3;
	_ =	sdelay $0x1  }
0x5a: {  	v4 =	vadd.f32 $5.000000000e-01, v2;
	v3 =	vtrunc.f32 v3  }
0x5b: {  	v3 =	vcvt.f32.s32 v3  }
0x5c: {  	v1 =	vtrunc.f32 v1;
	v4 =	vmul.f32 $1.838235220e-05, v4  }
0x5d: {  	v1 =	vcvt.f32.s32 v1;
	v5 =	vmul.u32 $0x1FFF2B80, v3  }
0x5e: {  	s29 =	simm.s32 $0x21E4;
	v4 =	vtrunc.f32 v4  }
0x5f: {  	v6 =	vld [tilespmem:s29+$0x0];
	v4 =	vcvt.f32.s32 v4;
	v1 =	vadd.s32 v1, v5  }
0x60: {  	v2 =	vtrunc.f32 v2;
	v1 =	vshll.u32 v1, $0x3  }
0x61: {  	s31 =	simm.s32 $0x471C;
	v2 =	vcvt.f32.s32 v2;
	v7 =	vmul.u32 $0x1FFF2B80, v4;
	v5 =	vld [tilespmem:s29+$0xFFFFFF80];
	v1 =	vadd.s32 v3, v1  }
0x62: {  	[tilespmem:s31+$0x0] =	vst v1  }
0x63: {  	v2 =	vadd.s32 v2, v7;
	v1 =	vld [tilespmem:s1+$0xC]  }
0x64: {  	v2 =	vshll.u32 v2, $0x3;
	v3 =	vadd.f32 $5.000000000e-01, v6  }
0x65: {  	v2 =	vadd.s32 v4, v2  }
0x66: {  	[tilespmem:s31+$0xFFFFFFE4] =	vst v2;
	v3 =	vmul.f32 $1.838235220e-05, v3;
	v4 =	vadd.f32 $5.000000000e-01, v5  }
0x67: {  	v6 =	vtrunc.f32 v6;
	v9 =	vld [tilespmem:s1+$0xFFFFFF8C];
	v2 =	vtrunc.f32 v5  }
0x68: {  	v3 =	vtrunc.f32 v3;
	v4 =	vmul.f32 $1.838235220e-05, v4;
	v7 =	vadd.f32 $5.000000000e-01, v1  }
0x69: {  	v2 =	vcvt.f32.s32 v2;
	v5 =	vcvt.f32.s32 v3  }
0x6a: {  	v4 =	vtrunc.f32 v4;
	v10 =	vmul.f32 $1.838235220e-05, v7  }
0x6b: {  	v8 =	vmul.u32 $0x1FFF2B80, v5;
	v3 =	vcvt.f32.s32 v4;
	v7 =	vcvt.f32.s32 v6  }
0x6c: {  	s30 =	simm.s32 $0x471C;
	s0 =	simm.s32 $0x2;
	s1 =	simm.s32 $0x22E4;
	v4 =	vtrunc.f32 v9;
	v6 =	vadd.f32 $5.000000000e-01, v9;
	v9 =	vtrunc.f32 v10  }
.LBB2_4:
0x6d: {  	v10 =	vld [tilespmem:s1+$0x0];
	s0 =	sadd.s32 $0x2, s0;
	v11 =	vmul.u32 $0x1FFF2B80, v3;
	v7 =	vadd.s32 v7, v8;
	v8 =	vcvt.f32.s32 v9  }
0x6e: {  	v1 =	vtrunc.f32 v1;
	v9 =	vld [tilespmem:s1+$0xFFFFFF80];
	p0 =	slt.u32 s0, $0x3E;
	v7 =	vshll.u32 v7, $0x3;
	v6 =	vmul.f32 $1.838235220e-05, v6  }
0x6f: {  	s31 =	sadd.s32 $0x38, s31;
	v5 =	vadd.s32 v5, v7;
	v7 =	vcvt.f32.s32 v1;
	v12 =	vmul.u32 $0x1FFF2B80, v8  }
0x70: {  	v4 =	vcvt.f32.s32 v4;
	v1 =	vadd.s32 v2, v11;
	[tilespmem:s31+$0x0] =	vst v5;
	v2 =	vtrunc.f32 v6  }
0x71: {  	v5 =	vshll.u32 v1, $0x3;
	v1 =	vld [tilespmem:s29+$0xC];
	v6 =	vcvt.f32.s32 v2;
	v2 =	vadd.s32 v7, v12  }
0x72: {  	v3 =	vadd.s32 v3, v5;
	v7 =	vadd.f32 $5.000000000e-01, v10;
	v2 =	vshll.u32 v2, $0x3  }
0x73: {  	v5 =	vadd.f32 $5.000000000e-01, v9;
	v9 =	vtrunc.f32 v9;
	[tilespmem:s31+$0xFFFFFFE4] =	vst v3;
	v3 =	vadd.s32 v8, v2  }
0x74: {  	v8 =	vmul.u32 $0x1FFF2B80, v6;
	v2 =	vcvt.f32.s32 v9;
	v7 =	vmul.f32 $1.838235220e-05, v7;
	v9 =	vld [tilespmem:s29+$0xFFFFFF8C];
	[tilespmem:s30+$0xC] =	vst v3;
	s29 =	smov.u32 s1  }
0x75: {  	v3 =	vmul.f32 $1.838235220e-05, v5  }
.Ltmp1:
0x76: {  	v4 =	vadd.s32 v4, v8;
	v5 =	vtrunc.f32 v7;
	v7 =	vadd.f32 $5.000000000e-01, v1;
	(pc) =	sbr.rel @p0 .LBB2_4-.Ltmp1, $4  }
0x77: {  	v4 =	vshll.u32 v4, $0x3;
	v3 =	vtrunc.f32 v3;
	v5 =	vcvt.f32.s32 v5  }
0x78: {  	v8 =	vtrunc.f32 v10;
	v4 =	vadd.s32 v6, v4;
	v10 =	vmul.f32 $1.838235220e-05, v7  }
0x79: {  	v3 =	vcvt.f32.s32 v3;
	v7 =	vcvt.f32.s32 v8;
	v8 =	vmul.u32 $0x1FFF2B80, v5;
	[tilespmem:s30+$0xFFFFFFF0] =	vst v4;
	s30 =	smov.u32 s31  }
0x7a: {  	s1 =	sadd.s32 $0x100, s1;
	v6 =	vadd.f32 $5.000000000e-01, v9;
	v4 =	vtrunc.f32 v9;
	v9 =	vtrunc.f32 v10  }
0x7b: {  	v10 =	vmul.u32 $0x1FFF2B80, v3  }
0x7c: {  	v7 =	vadd.s32 v7, v8  }
0x7d: {  	v7 =	vshll.u32 v7, $0x3;
	v2 =	vadd.s32 v2, v10  }
0x7e: {  	s0 =	sadd.s32 $0x38, s31;
	v5 =	vadd.s32 v5, v7;
	v2 =	vshll.u32 v2, $0x3  }
0x7f: {  	[tilespmem:s0+$0x0] =	vst v5;
	v2 =	vadd.s32 v3, v2  }
0x80: {  	v3 =	vld [tilespmem:s29+$0xC];
	[tilespmem:s0+$0xFFFFFFE4] =	vst v2  }
0x81: {  	v2 =	vld [tilespmem:s29+$0xFFFFFF8C];
	_ =	sdelay $0x2  }
0x82: {  	v1 =	vtrunc.f32 v1  }
0x83: {  	v6 =	vmul.f32 $1.838235220e-05, v6;
	v5 =	vcvt.f32.s32 v9;
	v7 =	vadd.f32 $5.000000000e-01, v3  }
0x84: {  	v1 =	vcvt.f32.s32 v1;
	v8 =	vadd.f32 $5.000000000e-01, v2  }
0x85: {  	v6 =	vtrunc.f32 v6;
	v9 =	vmul.u32 $0x1FFF2B80, v5;
	v7 =	vmul.f32 $1.838235220e-05, v7  }
0x86: {  	v6 =	vcvt.f32.s32 v6;
	v8 =	vmul.f32 $1.838235220e-05, v8  }
0x87: {  	v4 =	vcvt.f32.s32 v4;
	v1 =	vadd.s32 v1, v9;
	v7 =	vtrunc.f32 v7  }
0x88: {  	v9 =	vmul.u32 $0x1FFF2B80, v6;
	v7 =	vcvt.f32.s32 v7;
	v8 =	vtrunc.f32 v8  }
0x89: {  	v1 =	vshll.u32 v1, $0x3;
	v3 =	vtrunc.f32 v3;
	v8 =	vcvt.f32.s32 v8  }
0x8a: {  	v3 =	vcvt.f32.s32 v3;
	v2 =	vtrunc.f32 v2;
	v10 =	vmul.u32 $0x1FFF2B80, v7  }
0x8b: {  	v4 =	vadd.s32 v4, v9;
	v2 =	vcvt.f32.s32 v2;
	v9 =	vmul.u32 $0x1FFF2B80, v8  }
0x8c: {  	v1 =	vadd.s32 v5, v1;
	v4 =	vshll.u32 v4, $0x3;
	v3 =	vadd.s32 v3, v10  }
0x8d: {  	[tilespmem:s30+$0xC] =	vst v1;
	v1 =	vadd.s32 v6, v4;
	v3 =	vshll.u32 v3, $0x3;
	v2 =	vadd.s32 v2, v9  }
0x8e: {  	[tilespmem:s30+$0xFFFFFFF0] =	vst v1;
	v1 =	vadd.s32 v7, v3;
	v2 =	vshll.u32 v2, $0x3  }
0x8f: {  	[tilespmem:s0+$0xC] =	vst v1;
	v1 =	vadd.s32 v8, v2  }
0x90: {  	[tilespmem:s0+$0xFFFFFFF0] =	vst v1  }
0x91: {  	[tilespmem:s21], [sflag:$0x4] =	stream.indirect.gather [hbm4b:s3+s15], $0x10, s20, s15, $0xb8;
	[tilespmem:$0x14E00] =	vst v63  }
0x92: {  	s29 =	simm.s32 $0x0  }
0x93: {  	[tilespmem:s29], [sflag:$0x1] =	stream.linear.gather [hbm4b:s6+s29], $0x2000, $0x38;
	[tilespmem:$0x14E00] =	vst v63  }
0x94: {  	_ =	swait.ge [sflag:s22], $0x7000  }
0x95: {  	[sflag:s22] =	ssyncset.done $0x0  }
0x96: {  	s30 =	simm.s32 $0x4FC0;
	[sflag:s22] =	ssyncadd.s32 $0xFFFF9000  }
0x97: {  	v1 =	vld [tilespmem:s30+$0x180]  }
0x98: {  	v2 =	vld [tilespmem:s30+$0x190]  }
0x99: {  	v3 =	vld [tilespmem:s30+$0x1A0]  }
0x9a: {  	v19 =	vld [tilespmem:s30+$0x1B0]  }
0x9b: {  	v20 =	vld [tilespmem:s30+$0x0]  }
0x9c: {  	v22 =	vld [tilespmem:s30+$0x10]  }
0x9d: {  	v23 =	vld [tilespmem:s30+$0x20]  }
0x9e: {  	v24 =	vld [tilespmem:s30+$0x30]  }
0x9f: {  	v25 =	vld [tilespmem:s30+$0x40]  }
0xa0: {  	v26 =	vld [tilespmem:s30+$0x50]  }
0xa1: {  	v27 =	vld [tilespmem:s30+$0x60]  }
0xa2: {  	v28 =	vld [tilespmem:s30+$0x70]  }
0xa3: {  	v4 =	vld [tilespmem:s30+$0x80]  }
0xa4: {  	v5 =	vld [tilespmem:s30+$0x90]  }
0xa5: {  	v6 =	vld [tilespmem:s30+$0xA0]  }
0xa6: {  	v8 =	vld [tilespmem:s30+$0xB0]  }
0xa7: {  	v7 =	vld [tilespmem:s30+$0xC0]  }
0xa8: {  	v9 =	vld [tilespmem:s30+$0xD0]  }
0xa9: {  	v10 =	vld [tilespmem:s30+$0xE0]  }
0xaa: {  	v12 =	vld [tilespmem:s30+$0xF0]  }
0xab: {  	v11 =	vld [tilespmem:s30+$0x100]  }
0xac: {  	v13 =	vld [tilespmem:s30+$0x110]  }
0xad: {  	v14 =	vld [tilespmem:s30+$0x120]  }
0xae: {  	v16 =	vld [tilespmem:s30+$0x130]  }
0xaf: {  	v15 =	vld [tilespmem:s30+$0x140]  }
0xb0: {  	v17 =	vld [tilespmem:s30+$0x150]  }
0xb1: {  	v18 =	vld [tilespmem:s30+$0x160];
	v2 =	vadd.f32 v2, v1;
	v3 =	vadd.f32 v19, v3  }
0xb2: {  	v21 =	vld [tilespmem:s30+$0x170];
	v19 =	vadd.f32 v22, v20;
	v20 =	vadd.f32 v24, v23  }
0xb3: {  	s31 =	simm.s32 $0x2;
	v1 =	vld [tilespmem:s30+$0xFFFFFE50];
	v22 =	vadd.f32 v26, v25;
	v23 =	vadd.f32 v28, v27  }
.LBB2_6:
0xb4: {  	p0 =	slt.u32 s31, $0x3E;
	v24 =	vld [tilespmem:s30+$0xFFFFFE60];
	v4 =	vadd.f32 v5, v4;
	v5 =	vadd.f32 v8, v6  }
0xb5: {  	v7 =	vadd.f32 v9, v7;
	v8 =	vadd.f32 v12, v10;
	v6 =	vld [tilespmem:s30+$0xFFFFFE70]  }
0xb6: {  	v10 =	vadd.f32 v13, v11;
	v11 =	vadd.f32 v16, v14;
	v9 =	vld [tilespmem:s30+$0xFFFFFE80]  }
0xb7: {  	v13 =	vadd.f32 v17, v15;
	v12 =	vld [tilespmem:s30+$0xFFFFFE90];
	v14 =	vadd.f32 v21, v18  }
0xb8: {  	v16 =	vadd.f32 v20, v19;
	s0 =	sadd.s32 $0x1, s29;
	v17 =	vadd.f32 v23, v22;
	v15 =	vld [tilespmem:s30+$0xFFFFFEA0]  }
0xb9: {  	v4 =	vadd.f32 v5, v4;
	v5 =	vadd.f32 v8, v7;
	v7 =	vmov s0;
	v18 =	vld [tilespmem:s30+$0xFFFFFEB0]  }
0xba: {  	v10 =	vadd.f32 v11, v10;
	v7 =	vand.u32 $0x3F, v7;
	v11 =	vadd.f32 v14, v13;
	v8 =	vld [tilespmem:s30+$0xFFFFFEC0]  }
0xbb: {  	v2 =	vadd.f32 v3, v2;
	v3 =	vadd.f32 v17, v16;
	v7 =	vbroadcast v7, $0x0;
	v13 =	vld [tilespmem:s30+$0xFFFFFED0]  }
0xbc: {  	v4 =	vadd.f32 v5, v4;
	v5 =	vadd.f32 v11, v10;
	v14 =	vld [tilespmem:s30+$0xFFFFFEE0]  }
0xbd: {  	v6 =	vadd.f32 v6, v24;
	v7 =	vor.u32 v0, v7;
	v9 =	vadd.f32 v12, v9;
	v10 =	vld [tilespmem:s30+$0xFFFFFEF0]  }
0xbe: {  	v3 =	vadd.f32 v4, v3;
	v2 =	vadd.f32 v2, v5;
	v11 =	vld [tilespmem:s30+$0xFFFFFF00]  }
0xbf: {  	v5 =	vadd.f32 v18, v15;
	v4 =	vld [tilespmem:s30+$0xFFFFFF10]  }
0xc0: {  	v2 =	vadd.f32 v2, v3;
	v12 =	vld [tilespmem:s30+$0xFFFFFF20];
	v8 =	vadd.f32 v13, v8  }
0xc1: {  	v5 =	vadd.f32 v5, v9;
	v3 =	vld [tilespmem:s30+$0xFFFFFF30]  }
0xc2: {  	v9 =	vld [tilespmem:s30+$0xFFFFFF40];
	v10 =	vadd.f32 v10, v14;
	[tilespmem:v7+s23+$0x0] =	vst.idx.msk $0xffff, v2  }
0xc3: {  	v2 =	vld [tilespmem:s30+$0xFFFFFF50]  }
0xc4: {  	v7 =	vld [tilespmem:s30+$0xFFFFFF60];
	v4 =	vadd.f32 v4, v11;
	v8 =	vadd.f32 v10, v8  }
0xc5: {  	v10 =	vld [tilespmem:s30+$0xFFFFFF70]  }
0xc6: {  	v11 =	vld [tilespmem:s30+$0xFFFFFF80];
	v3 =	vadd.f32 v3, v12  }
0xc7: {  	v12 =	vld [tilespmem:s30+$0xFFFFFF90]  }
0xc8: {  	v13 =	vld [tilespmem:s30+$0xFFFFFFA0];
	v2 =	vadd.f32 v2, v9;
	v3 =	vadd.f32 v3, v4  }
0xc9: {  	v4 =	vld [tilespmem:s30+$0xFFFFFFB0]  }
0xca: {  	v9 =	vld [tilespmem:s30+$0xFFFFFE40];
	v7 =	vadd.f32 v10, v7;
	v3 =	vadd.f32 v3, v8  }
0xcb: {  	v8 =	vld [tilespmem:s30+$0xFFFFFFC0]  }
0xcc: {  	v10 =	vld [tilespmem:s30+$0xFFFFFFD0];
	v11 =	vadd.f32 v12, v11;
	v2 =	vadd.f32 v7, v2  }
0xcd: {  	v7 =	vld [tilespmem:s30+$0xFFFFFFE0]  }
0xce: {  	v12 =	vld [tilespmem:s30+$0xFFFFFFF0];
	v4 =	vadd.f32 v4, v13;
	s30 =	sadd.s32 $0x380, s30  }
0xcf: {  	v19 =	vld [tilespmem:s30+$0x180];
	v1 =	vadd.f32 v1, v9  }
0xd0: {  	v20 =	vld [tilespmem:s30+$0x190];
	v4 =	vadd.f32 v4, v11  }
0xd1: {  	v21 =	vld [tilespmem:s30+$0x1A0];
	v8 =	vadd.f32 v10, v8;
	v1 =	vadd.f32 v6, v1  }
0xd2: {  	v22 =	vld [tilespmem:s30+$0x1B0];
	v2 =	vadd.f32 v4, v2;
	v4 =	vmov s29;
	s29 =	smov.u32 s31  }
0xd3: {  	v23 =	vld [tilespmem:s30+$0x0];
	v6 =	vadd.f32 v12, v7;
	v1 =	vadd.f32 v5, v1;
	v4 =	vand.u32 $0x3E, v4  }
0xd4: {  	v24 =	vld [tilespmem:s30+$0x10];
	v4 =	vbroadcast v4, $0x0  }
0xd5: {  	v25 =	vld [tilespmem:s30+$0x20];
	v5 =	vadd.f32 v6, v8;
	v1 =	vadd.f32 v3, v1  }
0xd6: {  	v26 =	vld [tilespmem:s30+$0x30];
	v3 =	vor.u32 v0, v4  }
0xd7: {  	v27 =	vld [tilespmem:s30+$0x40];
	v2 =	vadd.f32 v5, v2  }
0xd8: {  	v28 =	vld [tilespmem:s30+$0x50]  }
0xd9: {  	v29 =	vld [tilespmem:s30+$0x60];
	v1 =	vadd.f32 v2, v1  }
0xda: {  	v30 =	vld [tilespmem:s30+$0x70]  }
0xdb: {  	v4 =	vld [tilespmem:s30+$0x80];
	[tilespmem:v3+s23+$0x0] =	vst.idx.msk $0xffff, v1  }
0xdc: {  	v5 =	vld [tilespmem:s30+$0x90]  }
0xdd: {  	v6 =	vld [tilespmem:s30+$0xA0]  }
0xde: {  	v8 =	vld [tilespmem:s30+$0xB0]  }
0xdf: {  	v7 =	vld [tilespmem:s30+$0xC0]  }
0xe0: {  	v9 =	vld [tilespmem:s30+$0xD0]  }
0xe1: {  	v10 =	vld [tilespmem:s30+$0xE0]  }
0xe2: {  	v12 =	vld [tilespmem:s30+$0xF0]  }
0xe3: {  	v11 =	vld [tilespmem:s30+$0x100]  }
0xe4: {  	v13 =	vld [tilespmem:s30+$0x110]  }
0xe5: {  	v14 =	vld [tilespmem:s30+$0x120]  }
0xe6: {  	v16 =	vld [tilespmem:s30+$0x130]  }
.Ltmp2:
0xe7: {  	v15 =	vld [tilespmem:s30+$0x140];
	(pc) =	sbr.rel @p0 .LBB2_6-.Ltmp2, $4  }
0xe8: {  	v17 =	vld [tilespmem:s30+$0x150]  }
0xe9: {  	v2 =	vadd.f32 v20, v19;
	v3 =	vadd.f32 v22, v21;
	v18 =	vld [tilespmem:s30+$0x160]  }
0xea: {  	v19 =	vadd.f32 v24, v23;
	v20 =	vadd.f32 v26, v25;
	v21 =	vld [tilespmem:s30+$0x170]  }
0xeb: {  	s31 =	sadd.s32 $0x2, s31;
	v22 =	vadd.f32 v28, v27;
	v23 =	vadd.f32 v30, v29;
	v1 =	vld [tilespmem:s30+$0xFFFFFE50]  }
0xec: {  	v24 =	vld [tilespmem:s30+$0xFFFFFE60]  }
0xed: {  	v25 =	vld [tilespmem:s30+$0xFFFFFE70]  }
0xee: {  	v26 =	vld [tilespmem:s30+$0xFFFFFE80]  }
0xef: {  	v27 =	vld [tilespmem:s30+$0xFFFFFE90]  }
0xf0: {  	v28 =	vld [tilespmem:s30+$0xFFFFFEA0]  }
0xf1: {  	v29 =	vld [tilespmem:s30+$0xFFFFFEB0]  }
0xf2: {  	v30 =	vld [tilespmem:s30+$0xFFFFFEC0]  }
0xf3: {  	v31 =	vld [tilespmem:s30+$0xFFFFFED0]  }
0xf4: {  	v32 =	vld [tilespmem:s30+$0xFFFFFEE0]  }
0xf5: {  	v33 =	vld [tilespmem:s30+$0xFFFFFEF0]  }
0xf6: {  	v34 =	vld [tilespmem:s30+$0xFFFFFF00]  }
0xf7: {  	v35 =	vld [tilespmem:s30+$0xFFFFFF10]  }
0xf8: {  	v36 =	vld [tilespmem:s30+$0xFFFFFF20]  }
0xf9: {  	v4 =	vadd.f32 v5, v4;
	v5 =	vadd.f32 v8, v6;
	v6 =	vld [tilespmem:s30+$0xFFFFFF30]  }
0xfa: {  	v7 =	vadd.f32 v9, v7;
	v9 =	vld [tilespmem:s30+$0xFFFFFF40]  }
0xfb: {  	v8 =	vadd.f32 v12, v10;
	v43 =	vld [tilespmem:s30+$0xFFFFFF50]  }
0xfc: {  	v10 =	vadd.f32 v13, v11;
	v11 =	vadd.f32 v16, v14;
	v46 =	vld [tilespmem:s30+$0xFFFFFF60]  }
0xfd: {  	v47 =	vadd.f32 v20, v19;
	v49 =	vld [tilespmem:s30+$0xFFFFFF70];
	v2 =	vadd.f32 v3, v2  }
0xfe: {  	v50 =	vld [tilespmem:s30+$0xFFFFFFA0];
	v44 =	vadd.f32 v17, v15;
	v48 =	vadd.f32 v23, v22  }
0xff: {  	v52 =	vld [tilespmem:s30+$0xFFFFFE40];
	v4 =	vadd.f32 v5, v4;
	v5 =	vadd.f32 v8, v7  }
0x100: {  	v59 =	vld [tilespmem:s30+$0xFFFFFFE0];
	v8 =	vadd.f32 v11, v10;
	v45 =	vadd.f32 v21, v18  }
0x101: {  	v60 =	vld [tilespmem:s30+$0xFFFFFFF0];
	v3 =	vadd.f32 v48, v47;
	v4 =	vadd.f32 v5, v4  }
0x102: {  	v7 =	vld [tilespmem:s30+$0xFFFFFF80];
	v10 =	vadd.f32 v45, v44;
	v51 =	vadd.f32 v29, v28  }
0x103: {  	v11 =	vld [tilespmem:s30+$0xFFFFFF90];
	v53 =	vadd.f32 v25, v24;
	v54 =	vadd.f32 v31, v30  }
0x104: {  	v56 =	vadd.f32 v33, v32;
	v5 =	vadd.f32 v10, v8;
	v8 =	vld [tilespmem:s30+$0xFFFFFFB0]  }
0x105: {  	v58 =	vadd.f32 v35, v34;
	v6 =	vadd.f32 v6, v36  }
0x106: {  	v55 =	vld [tilespmem:s30+$0xFFFFFFC0];
	v9 =	vadd.f32 v43, v9;
	v15 =	vadd.f32 v49, v46  }
0x107: {  	v57 =	vld [tilespmem:s30+$0xFFFFFFD0];
	v1 =	vadd.f32 v1, v52;
	v12 =	vadd.f32 v60, v59  }
0x108: {  	s0 =	sadd.s32 $0x1, s29;
	v63 =	vmov s29;
	v10 =	vadd.f32 v27, v26;
	v14 =	vadd.f32 v56, v54  }
0x109: {  	v61 =	vmov s0;
	v7 =	vadd.f32 v11, v7;
	v8 =	vadd.f32 v8, v50  }
0x10a: {  	v13 =	vand.u32 $0x3E, v63;
	v6 =	vadd.f32 v6, v58;
	v9 =	vadd.f32 v15, v9  }
0x10b: {  	v62 =	vand.u32 $0x3F, v61;
	v1 =	vadd.f32 v53, v1;
	v7 =	vadd.f32 v8, v7  }
0x10c: {  	v11 =	vbroadcast v62, $0x0;
	v10 =	vadd.f32 v51, v10;
	v8 =	vadd.f32 v57, v55  }
0x10d: {  	v6 =	vadd.f32 v6, v14;
	v7 =	vadd.f32 v7, v9;
	v9 =	vbroadcast v13, $0x0  }
0x10e: {  	v11 =	vor.u32 v0, v11;
	v1 =	vadd.f32 v10, v1;
	v8 =	vadd.f32 v12, v8  }
0x10f: {  	v3 =	vadd.f32 v4, v3;
	v2 =	vadd.f32 v2, v5;
	v4 =	vor.u32 v0, v9  }
0x110: {  	v1 =	vadd.f32 v6, v1;
	v5 =	vadd.f32 v8, v7  }
0x111: {  	v2 =	vadd.f32 v2, v3  }
0x112: {  	v1 =	vadd.f32 v5, v1  }
0x113: {  	[tilespmem:v11+s23+$0x0] =	vst.idx.msk $0xffff, v2  }
0x114: {  	[tilespmem:v4+s23+$0x0] =	vst.idx.msk $0xffff, v1  }
0x115: {  	_ =	swait.ge [sflag:s14], $0x2000  }
0x116: {  	[sflag:s14] =	ssyncset.done $0x0  }
0x117: {  	s1 =	simm.s32 $0xE4;
	[sflag:s14] =	ssyncadd.s32 $0xFFFFE000  }
0x118: {  	v1 =	vld [tilespmem:s1+$0x0];
	_ =	sdelay $0x3  }
0x119: {  	v2 =	vld [tilespmem:s1+$0xFFFFFF80]  }
0x11a: {  	v3 =	vadd.f32 $5.000000000e-01, v1;
	_ =	sdelay $0x1  }
0x11b: {  	v3 =	vmul.f32 $1.838235220e-05, v3;
	_ =	sdelay $0x1  }
0x11c: {  	v4 =	vadd.f32 $5.000000000e-01, v2;
	v3 =	vtrunc.f32 v3  }
0x11d: {  	v3 =	vcvt.f32.s32 v3  }
0x11e: {  	v1 =	vtrunc.f32 v1;
	v4 =	vmul.f32 $1.838235220e-05, v4  }
0x11f: {  	v1 =	vcvt.f32.s32 v1;
	v5 =	vmul.u32 $0x1FFF2B80, v3  }
0x120: {  	s29 =	simm.s32 $0x1E4;
	v4 =	vtrunc.f32 v4  }
0x121: {  	v6 =	vld [tilespmem:s29+$0x0];
	v4 =	vcvt.f32.s32 v4;
	v1 =	vadd.s32 v1, v5  }
0x122: {  	v2 =	vtrunc.f32 v2;
	v1 =	vshll.u32 v1, $0x3  }
0x123: {  	s31 =	simm.s32 $0x401C;
	v2 =	vcvt.f32.s32 v2;
	v7 =	vmul.u32 $0x1FFF2B80, v4;
	v5 =	vld [tilespmem:s29+$0xFFFFFF80];
	v1 =	vadd.s32 v3, v1  }
0x124: {  	[tilespmem:s31+$0x0] =	vst v1  }
0x125: {  	v2 =	vadd.s32 v2, v7;
	v1 =	vld [tilespmem:s1+$0xC]  }
0x126: {  	v2 =	vshll.u32 v2, $0x3;
	v3 =	vadd.f32 $5.000000000e-01, v6  }
0x127: {  	v2 =	vadd.s32 v4, v2  }
0x128: {  	[tilespmem:s31+$0xFFFFFFE4] =	vst v2;
	v3 =	vmul.f32 $1.838235220e-05, v3;
	v4 =	vadd.f32 $5.000000000e-01, v5  }
0x129: {  	v6 =	vtrunc.f32 v6;
	v9 =	vld [tilespmem:s1+$0xFFFFFF8C];
	v2 =	vtrunc.f32 v5  }
0x12a: {  	v3 =	vtrunc.f32 v3;
	v4 =	vmul.f32 $1.838235220e-05, v4;
	v7 =	vadd.f32 $5.000000000e-01, v1  }
0x12b: {  	v2 =	vcvt.f32.s32 v2;
	v5 =	vcvt.f32.s32 v3  }
0x12c: {  	v4 =	vtrunc.f32 v4;
	v10 =	vmul.f32 $1.838235220e-05, v7  }
0x12d: {  	v8 =	vmul.u32 $0x1FFF2B80, v5;
	v3 =	vcvt.f32.s32 v4;
	v7 =	vcvt.f32.s32 v6  }
0x12e: {  	s0 =	simm.s32 $0x2;
	s30 =	simm.s32 $0x401C;
	s1 =	simm.s32 $0x2E4;
	v4 =	vtrunc.f32 v9;
	v6 =	vadd.f32 $5.000000000e-01, v9;
	v9 =	vtrunc.f32 v10  }
.LBB2_8:
0x12f: {  	v10 =	vld [tilespmem:s1+$0x0];
	s0 =	sadd.s32 $0x2, s0;
	v11 =	vmul.u32 $0x1FFF2B80, v3;
	v7 =	vadd.s32 v7, v8;
	v8 =	vcvt.f32.s32 v9  }
0x130: {  	v1 =	vtrunc.f32 v1;
	v9 =	vld [tilespmem:s1+$0xFFFFFF80];
	p0 =	slt.u32 s0, $0x3E;
	v7 =	vshll.u32 v7, $0x3;
	v6 =	vmul.f32 $1.838235220e-05, v6  }
0x131: {  	s31 =	sadd.s32 $0x38, s31;
	v5 =	vadd.s32 v5, v7;
	v7 =	vcvt.f32.s32 v1;
	v12 =	vmul.u32 $0x1FFF2B80, v8  }
0x132: {  	v4 =	vcvt.f32.s32 v4;
	v1 =	vadd.s32 v2, v11;
	[tilespmem:s31+$0x0] =	vst v5;
	v2 =	vtrunc.f32 v6  }
0x133: {  	v5 =	vshll.u32 v1, $0x3;
	v1 =	vld [tilespmem:s29+$0xC];
	v6 =	vcvt.f32.s32 v2;
	v2 =	vadd.s32 v7, v12  }
0x134: {  	v3 =	vadd.s32 v3, v5;
	v7 =	vadd.f32 $5.000000000e-01, v10;
	v2 =	vshll.u32 v2, $0x3  }
0x135: {  	v5 =	vadd.f32 $5.000000000e-01, v9;
	v9 =	vtrunc.f32 v9;
	[tilespmem:s31+$0xFFFFFFE4] =	vst v3;
	v3 =	vadd.s32 v8, v2  }
0x136: {  	v8 =	vmul.u32 $0x1FFF2B80, v6;
	v2 =	vcvt.f32.s32 v9;
	v7 =	vmul.f32 $1.838235220e-05, v7;
	v9 =	vld [tilespmem:s29+$0xFFFFFF8C];
	[tilespmem:s30+$0xC] =	vst v3;
	s29 =	smov.u32 s1  }
0x137: {  	v3 =	vmul.f32 $1.838235220e-05, v5  }
.Ltmp3:
0x138: {  	v4 =	vadd.s32 v4, v8;
	v5 =	vtrunc.f32 v7;
	v7 =	vadd.f32 $5.000000000e-01, v1;
	(pc) =	sbr.rel @p0 .LBB2_8-.Ltmp3, $4  }
0x139: {  	v4 =	vshll.u32 v4, $0x3;
	v3 =	vtrunc.f32 v3;
	v5 =	vcvt.f32.s32 v5  }
0x13a: {  	v8 =	vtrunc.f32 v10;
	v4 =	vadd.s32 v6, v4;
	v10 =	vmul.f32 $1.838235220e-05, v7  }
0x13b: {  	v3 =	vcvt.f32.s32 v3;
	v7 =	vcvt.f32.s32 v8;
	v8 =	vmul.u32 $0x1FFF2B80, v5;
	[tilespmem:s30+$0xFFFFFFF0] =	vst v4;
	s30 =	smov.u32 s31  }
0x13c: {  	s1 =	sadd.s32 $0x100, s1;
	v6 =	vadd.f32 $5.000000000e-01, v9;
	v4 =	vtrunc.f32 v9;
	v9 =	vtrunc.f32 v10  }
0x13d: {  	v10 =	vmul.u32 $0x1FFF2B80, v3  }
0x13e: {  	v7 =	vadd.s32 v7, v8  }
0x13f: {  	v7 =	vshll.u32 v7, $0x3;
	v2 =	vadd.s32 v2, v10  }
0x140: {  	s0 =	sadd.s32 $0x38, s31;
	v5 =	vadd.s32 v5, v7;
	v2 =	vshll.u32 v2, $0x3  }
0x141: {  	[tilespmem:s0+$0x0] =	vst v5;
	v2 =	vadd.s32 v3, v2  }
0x142: {  	v3 =	vld [tilespmem:s29+$0xC];
	[tilespmem:s0+$0xFFFFFFE4] =	vst v2  }
0x143: {  	v2 =	vld [tilespmem:s29+$0xFFFFFF8C];
	_ =	sdelay $0x2  }
0x144: {  	v1 =	vtrunc.f32 v1  }
0x145: {  	v6 =	vmul.f32 $1.838235220e-05, v6;
	v5 =	vcvt.f32.s32 v9;
	v7 =	vadd.f32 $5.000000000e-01, v3  }
0x146: {  	v1 =	vcvt.f32.s32 v1;
	v8 =	vadd.f32 $5.000000000e-01, v2  }
0x147: {  	v6 =	vtrunc.f32 v6;
	v9 =	vmul.u32 $0x1FFF2B80, v5;
	v7 =	vmul.f32 $1.838235220e-05, v7  }
0x148: {  	v6 =	vcvt.f32.s32 v6;
	v8 =	vmul.f32 $1.838235220e-05, v8  }
0x149: {  	v4 =	vcvt.f32.s32 v4;
	v1 =	vadd.s32 v1, v9;
	v7 =	vtrunc.f32 v7  }
0x14a: {  	v9 =	vmul.u32 $0x1FFF2B80, v6;
	v7 =	vcvt.f32.s32 v7;
	v8 =	vtrunc.f32 v8  }
0x14b: {  	v1 =	vshll.u32 v1, $0x3;
	v3 =	vtrunc.f32 v3;
	v8 =	vcvt.f32.s32 v8  }
0x14c: {  	v3 =	vcvt.f32.s32 v3;
	v2 =	vtrunc.f32 v2;
	v10 =	vmul.u32 $0x1FFF2B80, v7  }
0x14d: {  	v4 =	vadd.s32 v4, v9;
	v2 =	vcvt.f32.s32 v2;
	v9 =	vmul.u32 $0x1FFF2B80, v8  }
0x14e: {  	v1 =	vadd.s32 v5, v1;
	v4 =	vshll.u32 v4, $0x3;
	v3 =	vadd.s32 v3, v10  }
0x14f: {  	[tilespmem:s30+$0xC] =	vst v1;
	v1 =	vadd.s32 v6, v4;
	v3 =	vshll.u32 v3, $0x3;
	v2 =	vadd.s32 v2, v9  }
0x150: {  	[tilespmem:s30+$0xFFFFFFF0] =	vst v1;
	v1 =	vadd.s32 v7, v3;
	v2 =	vshll.u32 v2, $0x3  }
0x151: {  	[tilespmem:s0+$0xC] =	vst v1;
	v1 =	vadd.s32 v8, v2  }
0x152: {  	[tilespmem:s0+$0xFFFFFFF0] =	vst v1  }
0x153: {  	[tilespmem:s17], [sflag:$0x3] =	stream.indirect.gather [hbm4b:s3+s15], $0x10, s16, s15, $0xb8;
	[tilespmem:$0x14E00] =	vst v63  }
0x154: {  	s29 =	simm.s32 $0x0  }
0x155: {  	[tilespmem:s18], [sflag:$0x2] =	stream.linear.gather [hbm4b:s7+s29], $0x2000, $0x38;
	[tilespmem:$0x14E00] =	vst v63  }
0x156: {  	_ =	swait.ge [sflag:s24], $0x7000  }
0x157: {  	[sflag:s24] =	ssyncset.done $0x0  }
0x158: {  	s30 =	simm.s32 $0xBFC0;
	[sflag:s24] =	ssyncadd.s32 $0xFFFF9000  }
0x159: {  	v1 =	vld [tilespmem:s30+$0x180]  }
0x15a: {  	v2 =	vld [tilespmem:s30+$0x190]  }
0x15b: {  	v3 =	vld [tilespmem:s30+$0x1A0]  }
0x15c: {  	v19 =	vld [tilespmem:s30+$0x1B0]  }
0x15d: {  	v20 =	vld [tilespmem:s30+$0x0]  }
0x15e: {  	v22 =	vld [tilespmem:s30+$0x10]  }
0x15f: {  	v23 =	vld [tilespmem:s30+$0x20]  }
0x160: {  	v24 =	vld [tilespmem:s30+$0x30]  }
0x161: {  	v25 =	vld [tilespmem:s30+$0x40]  }
0x162: {  	v26 =	vld [tilespmem:s30+$0x50]  }
0x163: {  	v27 =	vld [tilespmem:s30+$0x60]  }
0x164: {  	v28 =	vld [tilespmem:s30+$0x70]  }
0x165: {  	v4 =	vld [tilespmem:s30+$0x80]  }
0x166: {  	v5 =	vld [tilespmem:s30+$0x90]  }
0x167: {  	v6 =	vld [tilespmem:s30+$0xA0]  }
0x168: {  	v8 =	vld [tilespmem:s30+$0xB0]  }
0x169: {  	v7 =	vld [tilespmem:s30+$0xC0]  }
0x16a: {  	v9 =	vld [tilespmem:s30+$0xD0]  }
0x16b: {  	v10 =	vld [tilespmem:s30+$0xE0]  }
0x16c: {  	v12 =	vld [tilespmem:s30+$0xF0]  }
0x16d: {  	v11 =	vld [tilespmem:s30+$0x100]  }
0x16e: {  	v13 =	vld [tilespmem:s30+$0x110]  }
0x16f: {  	v14 =	vld [tilespmem:s30+$0x120]  }
0x170: {  	v16 =	vld [tilespmem:s30+$0x130]  }
0x171: {  	v15 =	vld [tilespmem:s30+$0x140]  }
0x172: {  	v17 =	vld [tilespmem:s30+$0x150]  }
0x173: {  	v18 =	vld [tilespmem:s30+$0x160];
	v2 =	vadd.f32 v2, v1;
	v3 =	vadd.f32 v19, v3  }
0x174: {  	v21 =	vld [tilespmem:s30+$0x170];
	v19 =	vadd.f32 v22, v20;
	v20 =	vadd.f32 v24, v23  }
0x175: {  	s31 =	simm.s32 $0x2;
	v1 =	vld [tilespmem:s30+$0xFFFFFE50];
	v22 =	vadd.f32 v26, v25;
	v23 =	vadd.f32 v28, v27  }
.LBB2_10:
0x176: {  	p0 =	slt.u32 s31, $0x3E;
	v24 =	vld [tilespmem:s30+$0xFFFFFE60];
	v4 =	vadd.f32 v5, v4;
	v5 =	vadd.f32 v8, v6  }
0x177: {  	v7 =	vadd.f32 v9, v7;
	v8 =	vadd.f32 v12, v10;
	v6 =	vld [tilespmem:s30+$0xFFFFFE70]  }
0x178: {  	v10 =	vadd.f32 v13, v11;
	v11 =	vadd.f32 v16, v14;
	v9 =	vld [tilespmem:s30+$0xFFFFFE80]  }
0x179: {  	s0 =	sadd.s32 $0x1, s29;
	v13 =	vadd.f32 v17, v15;
	v12 =	vld [tilespmem:s30+$0xFFFFFE90];
	v14 =	vadd.f32 v21, v18  }
0x17a: {  	v16 =	vadd.f32 v20, v19;
	v17 =	vadd.f32 v23, v22;
	v18 =	vmov s0;
	v15 =	vld [tilespmem:s30+$0xFFFFFEA0]  }
0x17b: {  	v4 =	vadd.f32 v5, v4;
	v5 =	vadd.f32 v8, v7;
	v7 =	vadd.s32 $0x40, v18;
	v19 =	vld [tilespmem:s30+$0xFFFFFEB0]  }
0x17c: {  	v10 =	vadd.f32 v11, v10;
	v11 =	vadd.f32 v14, v13;
	v7 =	vand.u32 $0x7F, v7;
	v8 =	vld [tilespmem:s30+$0xFFFFFEC0]  }
0x17d: {  	v2 =	vadd.f32 v3, v2;
	v3 =	vadd.f32 v17, v16;
	v7 =	vbroadcast v7, $0x0;
	v13 =	vld [tilespmem:s30+$0xFFFFFED0]  }
0x17e: {  	v4 =	vadd.f32 v5, v4;
	v5 =	vadd.f32 v11, v10;
	v14 =	vld [tilespmem:s30+$0xFFFFFEE0]  }
0x17f: {  	v6 =	vadd.f32 v6, v24;
	v9 =	vadd.f32 v12, v9;
	v7 =	vor.u32 v0, v7;
	v10 =	vld [tilespmem:s30+$0xFFFFFEF0]  }
0x180: {  	v3 =	vadd.f32 v4, v3;
	v2 =	vadd.f32 v2, v5;
	v11 =	vld [tilespmem:s30+$0xFFFFFF00]  }
0x181: {  	v5 =	vadd.f32 v19, v15;
	v4 =	vld [tilespmem:s30+$0xFFFFFF10]  }
0x182: {  	v2 =	vadd.f32 v2, v3;
	v12 =	vld [tilespmem:s30+$0xFFFFFF20];
	v8 =	vadd.f32 v13, v8  }
0x183: {  	v5 =	vadd.f32 v5, v9;
	v3 =	vld [tilespmem:s30+$0xFFFFFF30]  }
0x184: {  	v9 =	vld [tilespmem:s30+$0xFFFFFF40];
	v10 =	vadd.f32 v10, v14;
	[tilespmem:v7+s23+$0x0] =	vst.idx.msk $0xffff, v2  }
0x185: {  	v2 =	vld [tilespmem:s30+$0xFFFFFF50]  }
0x186: {  	v7 =	vld [tilespmem:s30+$0xFFFFFF60];
	v4 =	vadd.f32 v4, v11;
	v8 =	vadd.f32 v10, v8  }
0x187: {  	v10 =	vld [tilespmem:s30+$0xFFFFFF70]  }
0x188: {  	v11 =	vld [tilespmem:s30+$0xFFFFFF80];
	v3 =	vadd.f32 v3, v12  }
0x189: {  	v12 =	vld [tilespmem:s30+$0xFFFFFF90]  }
0x18a: {  	v13 =	vld [tilespmem:s30+$0xFFFFFFA0];
	v2 =	vadd.f32 v2, v9;
	v3 =	vadd.f32 v3, v4  }
0x18b: {  	v4 =	vld [tilespmem:s30+$0xFFFFFFB0]  }
0x18c: {  	v9 =	vld [tilespmem:s30+$0xFFFFFE40];
	v7 =	vadd.f32 v10, v7;
	v3 =	vadd.f32 v3, v8  }
0x18d: {  	v8 =	vld [tilespmem:s30+$0xFFFFFFC0]  }
0x18e: {  	v10 =	vld [tilespmem:s30+$0xFFFFFFD0];
	v11 =	vadd.f32 v12, v11;
	v2 =	vadd.f32 v7, v2  }
0x18f: {  	v7 =	vld [tilespmem:s30+$0xFFFFFFE0]  }
0x190: {  	v12 =	vld [tilespmem:s30+$0xFFFFFFF0];
	v4 =	vadd.f32 v4, v13;
	s30 =	sadd.s32 $0x380, s30  }
0x191: {  	v19 =	vld [tilespmem:s30+$0x180];
	v1 =	vadd.f32 v1, v9  }
0x192: {  	v20 =	vld [tilespmem:s30+$0x190];
	v4 =	vadd.f32 v4, v11  }
0x193: {  	v21 =	vld [tilespmem:s30+$0x1A0];
	v8 =	vadd.f32 v10, v8;
	v1 =	vadd.f32 v6, v1;
	v6 =	vmov s29;
	s29 =	smov.u32 s31  }
0x194: {  	v22 =	vld [tilespmem:s30+$0x1B0];
	v2 =	vadd.f32 v4, v2;
	v4 =	vadd.s32 $0x40, v6  }
0x195: {  	v23 =	vld [tilespmem:s30+$0x0];
	v6 =	vadd.f32 v12, v7;
	v1 =	vadd.f32 v5, v1;
	v4 =	vand.u32 $0x7E, v4  }
0x196: {  	v24 =	vld [tilespmem:s30+$0x10];
	v4 =	vbroadcast v4, $0x0  }
0x197: {  	v25 =	vld [tilespmem:s30+$0x20];
	v5 =	vadd.f32 v6, v8;
	v1 =	vadd.f32 v3, v1  }
0x198: {  	v26 =	vld [tilespmem:s30+$0x30];
	v3 =	vor.u32 v0, v4  }
0x199: {  	v27 =	vld [tilespmem:s30+$0x40];
	v2 =	vadd.f32 v5, v2  }
0x19a: {  	v28 =	vld [tilespmem:s30+$0x50]  }
0x19b: {  	v29 =	vld [tilespmem:s30+$0x60];
	v1 =	vadd.f32 v2, v1  }
0x19c: {  	v30 =	vld [tilespmem:s30+$0x70]  }
0x19d: {  	v4 =	vld [tilespmem:s30+$0x80];
	[tilespmem:v3+s23+$0x0] =	vst.idx.msk $0xffff, v1  }
0x19e: {  	v5 =	vld [tilespmem:s30+$0x90]  }
0x19f: {  	v6 =	vld [tilespmem:s30+$0xA0]  }
0x1a0: {  	v8 =	vld [tilespmem:s30+$0xB0]  }
0x1a1: {  	v7 =	vld [tilespmem:s30+$0xC0]  }
0x1a2: {  	v9 =	vld [tilespmem:s30+$0xD0]  }
0x1a3: {  	v10 =	vld [tilespmem:s30+$0xE0]  }
0x1a4: {  	v12 =	vld [tilespmem:s30+$0xF0]  }
0x1a5: {  	v11 =	vld [tilespmem:s30+$0x100]  }
0x1a6: {  	v13 =	vld [tilespmem:s30+$0x110]  }
0x1a7: {  	v14 =	vld [tilespmem:s30+$0x120]  }
0x1a8: {  	v16 =	vld [tilespmem:s30+$0x130]  }
.Ltmp4:
0x1a9: {  	v15 =	vld [tilespmem:s30+$0x140];
	(pc) =	sbr.rel @p0 .LBB2_10-.Ltmp4, $4  }
0x1aa: {  	v17 =	vld [tilespmem:s30+$0x150]  }
0x1ab: {  	v2 =	vadd.f32 v20, v19;
	v3 =	vadd.f32 v22, v21;
	v18 =	vld [tilespmem:s30+$0x160]  }
0x1ac: {  	v19 =	vadd.f32 v24, v23;
	v20 =	vadd.f32 v26, v25;
	v21 =	vld [tilespmem:s30+$0x170]  }
0x1ad: {  	s31 =	sadd.s32 $0x2, s31;
	v22 =	vadd.f32 v28, v27;
	v23 =	vadd.f32 v30, v29;
	v1 =	vld [tilespmem:s30+$0xFFFFFE50]  }
0x1ae: {  	v24 =	vld [tilespmem:s30+$0xFFFFFE60]  }
0x1af: {  	v25 =	vld [tilespmem:s30+$0xFFFFFE70]  }
0x1b0: {  	v26 =	vld [tilespmem:s30+$0xFFFFFE80]  }
0x1b1: {  	v27 =	vld [tilespmem:s30+$0xFFFFFE90]  }
0x1b2: {  	v28 =	vld [tilespmem:s30+$0xFFFFFEA0]  }
0x1b3: {  	v29 =	vld [tilespmem:s30+$0xFFFFFEB0]  }
0x1b4: {  	v30 =	vld [tilespmem:s30+$0xFFFFFEC0]  }
0x1b5: {  	v31 =	vld [tilespmem:s30+$0xFFFFFED0]  }
0x1b6: {  	v32 =	vld [tilespmem:s30+$0xFFFFFEE0]  }
0x1b7: {  	v33 =	vld [tilespmem:s30+$0xFFFFFEF0]  }
0x1b8: {  	v34 =	vld [tilespmem:s30+$0xFFFFFF00]  }
0x1b9: {  	v35 =	vld [tilespmem:s30+$0xFFFFFF10]  }
0x1ba: {  	v36 =	vld [tilespmem:s30+$0xFFFFFF20]  }
0x1bb: {  	v4 =	vadd.f32 v5, v4;
	v5 =	vadd.f32 v8, v6;
	v6 =	vld [tilespmem:s30+$0xFFFFFF30]  }
0x1bc: {  	v7 =	vadd.f32 v9, v7;
	v9 =	vld [tilespmem:s30+$0xFFFFFF40]  }
0x1bd: {  	v8 =	vadd.f32 v12, v10;
	v43 =	vld [tilespmem:s30+$0xFFFFFF50]  }
0x1be: {  	v10 =	vadd.f32 v13, v11;
	v11 =	vadd.f32 v16, v14;
	v46 =	vld [tilespmem:s30+$0xFFFFFF60]  }
0x1bf: {  	v47 =	vadd.f32 v20, v19;
	v49 =	vld [tilespmem:s30+$0xFFFFFF70];
	v2 =	vadd.f32 v3, v2  }
0x1c0: {  	v50 =	vld [tilespmem:s30+$0xFFFFFFA0];
	v44 =	vadd.f32 v17, v15;
	v48 =	vadd.f32 v23, v22  }
0x1c1: {  	v52 =	vld [tilespmem:s30+$0xFFFFFE40];
	v4 =	vadd.f32 v5, v4;
	v5 =	vadd.f32 v8, v7  }
0x1c2: {  	v60 =	vld [tilespmem:s30+$0xFFFFFFE0];
	v8 =	vadd.f32 v11, v10;
	v45 =	vadd.f32 v21, v18  }
0x1c3: {  	v61 =	vld [tilespmem:s30+$0xFFFFFFF0];
	v3 =	vadd.f32 v48, v47;
	v4 =	vadd.f32 v5, v4  }
0x1c4: {  	v7 =	vld [tilespmem:s30+$0xFFFFFF80];
	v10 =	vadd.f32 v45, v44;
	v51 =	vadd.f32 v29, v28  }
0x1c5: {  	v11 =	vld [tilespmem:s30+$0xFFFFFF90];
	v53 =	vadd.f32 v25, v24;
	v54 =	vadd.f32 v31, v30  }
0x1c6: {  	v56 =	vadd.f32 v33, v32;
	v5 =	vadd.f32 v10, v8;
	v8 =	vld [tilespmem:s30+$0xFFFFFFB0]  }
0x1c7: {  	s0 =	sadd.s32 $0x1, s29;
	v58 =	vadd.f32 v35, v34;
	v6 =	vadd.f32 v6, v36  }
0x1c8: {  	v55 =	vld [tilespmem:s30+$0xFFFFFFC0];
	v59 =	vmov s0;
	v9 =	vadd.f32 v43, v9;
	v15 =	vadd.f32 v49, v46  }
0x1c9: {  	v57 =	vld [tilespmem:s30+$0xFFFFFFD0];
	v23 =	vadd.s32 $0x40, v59;
	v1 =	vadd.f32 v1, v52;
	v12 =	vadd.f32 v61, v60  }
0x1ca: {  	v62 =	vand.u32 $0x7F, v23;
	v10 =	vadd.f32 v27, v26;
	v14 =	vadd.f32 v56, v54  }
0x1cb: {  	v63 =	vbroadcast v62, $0x0;
	v7 =	vadd.f32 v11, v7;
	v8 =	vadd.f32 v8, v50  }
0x1cc: {  	v6 =	vadd.f32 v6, v58;
	v9 =	vadd.f32 v15, v9;
	v11 =	vmov s29  }
0x1cd: {  	v1 =	vadd.f32 v53, v1;
	v11 =	vadd.s32 $0x40, v11;
	v7 =	vadd.f32 v8, v7  }
0x1ce: {  	v10 =	vadd.f32 v51, v10;
	v11 =	vand.u32 $0x7E, v11;
	v8 =	vadd.f32 v57, v55  }
0x1cf: {  	v6 =	vadd.f32 v6, v14;
	v7 =	vadd.f32 v7, v9;
	v9 =	vbroadcast v11, $0x0  }
0x1d0: {  	v1 =	vadd.f32 v10, v1;
	v11 =	vor.u32 v0, v63;
	v8 =	vadd.f32 v12, v8  }
0x1d1: {  	v3 =	vadd.f32 v4, v3;
	v2 =	vadd.f32 v2, v5;
	v4 =	vor.u32 v0, v9  }
0x1d2: {  	v1 =	vadd.f32 v6, v1;
	v5 =	vadd.f32 v8, v7  }
0x1d3: {  	v2 =	vadd.f32 v2, v3  }
0x1d4: {  	v1 =	vadd.f32 v5, v1  }
0x1d5: {  	[tilespmem:v11+s23+$0x0] =	vst.idx.msk $0xffff, v2  }
0x1d6: {  	[tilespmem:v4+s23+$0x0] =	vst.idx.msk $0xffff, v1  }
0x1d7: {  	_ =	swait.ge [sflag:s19], $0x2000  }
0x1d8: {  	[sflag:s19] =	ssyncset.done $0x0  }
0x1d9: {  	s1 =	simm.s32 $0x20E4;
	[sflag:s19] =	ssyncadd.s32 $0xFFFFE000  }
0x1da: {  	v1 =	vld [tilespmem:s1+$0x0];
	_ =	sdelay $0x3  }
0x1db: {  	v2 =	vld [tilespmem:s1+$0xFFFFFF80]  }
0x1dc: {  	v3 =	vadd.f32 $5.000000000e-01, v1;
	_ =	sdelay $0x1  }
0x1dd: {  	v3 =	vmul.f32 $1.838235220e-05, v3;
	_ =	sdelay $0x1  }
0x1de: {  	v4 =	vadd.f32 $5.000000000e-01, v2;
	v3 =	vtrunc.f32 v3  }
0x1df: {  	v3 =	vcvt.f32.s32 v3  }
0x1e0: {  	v1 =	vtrunc.f32 v1;
	v4 =	vmul.f32 $1.838235220e-05, v4  }
0x1e1: {  	v1 =	vcvt.f32.s32 v1;
	v5 =	vmul.u32 $0x1FFF2B80, v3  }
0x1e2: {  	s29 =	simm.s32 $0x21E4;
	v4 =	vtrunc.f32 v4  }
0x1e3: {  	v6 =	vld [tilespmem:s29+$0x0];
	v4 =	vcvt.f32.s32 v4;
	v1 =	vadd.s32 v1, v5  }
0x1e4: {  	v2 =	vtrunc.f32 v2;
	v1 =	vshll.u32 v1, $0x3  }
0x1e5: {  	s31 =	simm.s32 $0x471C;
	v2 =	vcvt.f32.s32 v2;
	v7 =	vmul.u32 $0x1FFF2B80, v4;
	v5 =	vld [tilespmem:s29+$0xFFFFFF80];
	v1 =	vadd.s32 v3, v1  }
0x1e6: {  	[tilespmem:s31+$0x0] =	vst v1  }
0x1e7: {  	v2 =	vadd.s32 v2, v7;
	v1 =	vld [tilespmem:s1+$0xC]  }
0x1e8: {  	v2 =	vshll.u32 v2, $0x3;
	v3 =	vadd.f32 $5.000000000e-01, v6  }
0x1e9: {  	v2 =	vadd.s32 v4, v2  }
0x1ea: {  	[tilespmem:s31+$0xFFFFFFE4] =	vst v2;
	v3 =	vmul.f32 $1.838235220e-05, v3;
	v4 =	vadd.f32 $5.000000000e-01, v5  }
0x1eb: {  	v6 =	vtrunc.f32 v6;
	v9 =	vld [tilespmem:s1+$0xFFFFFF8C];
	v2 =	vtrunc.f32 v5  }
0x1ec: {  	v3 =	vtrunc.f32 v3;
	v4 =	vmul.f32 $1.838235220e-05, v4;
	v7 =	vadd.f32 $5.000000000e-01, v1  }
0x1ed: {  	v2 =	vcvt.f32.s32 v2;
	v5 =	vcvt.f32.s32 v3  }
0x1ee: {  	v4 =	vtrunc.f32 v4;
	v10 =	vmul.f32 $1.838235220e-05, v7  }
0x1ef: {  	v8 =	vmul.u32 $0x1FFF2B80, v5;
	v3 =	vcvt.f32.s32 v4;
	v7 =	vcvt.f32.s32 v6  }
0x1f0: {  	s0 =	simm.s32 $0x2;
	s30 =	simm.s32 $0x471C;
	s1 =	simm.s32 $0x22E4;
	v4 =	vtrunc.f32 v9;
	v6 =	vadd.f32 $5.000000000e-01, v9;
	v9 =	vtrunc.f32 v10  }
.LBB2_12:
0x1f1: {  	v10 =	vld [tilespmem:s1+$0x0];
	s0 =	sadd.s32 $0x2, s0;
	v11 =	vmul.u32 $0x1FFF2B80, v3;
	v7 =	vadd.s32 v7, v8;
	v8 =	vcvt.f32.s32 v9  }
0x1f2: {  	v1 =	vtrunc.f32 v1;
	v9 =	vld [tilespmem:s1+$0xFFFFFF80];
	p0 =	slt.u32 s0, $0x3E;
	v7 =	vshll.u32 v7, $0x3;
	v6 =	vmul.f32 $1.838235220e-05, v6  }
0x1f3: {  	s31 =	sadd.s32 $0x38, s31;
	v5 =	vadd.s32 v5, v7;
	v7 =	vcvt.f32.s32 v1;
	v12 =	vmul.u32 $0x1FFF2B80, v8  }
0x1f4: {  	v4 =	vcvt.f32.s32 v4;
	v1 =	vadd.s32 v2, v11;
	[tilespmem:s31+$0x0] =	vst v5;
	v2 =	vtrunc.f32 v6  }
0x1f5: {  	v5 =	vshll.u32 v1, $0x3;
	v1 =	vld [tilespmem:s29+$0xC];
	v6 =	vcvt.f32.s32 v2;
	v2 =	vadd.s32 v7, v12  }
0x1f6: {  	v3 =	vadd.s32 v3, v5;
	v7 =	vadd.f32 $5.000000000e-01, v10;
	v2 =	vshll.u32 v2, $0x3  }
0x1f7: {  	v5 =	vadd.f32 $5.000000000e-01, v9;
	v9 =	vtrunc.f32 v9;
	[tilespmem:s31+$0xFFFFFFE4] =	vst v3;
	v3 =	vadd.s32 v8, v2  }
0x1f8: {  	v8 =	vmul.u32 $0x1FFF2B80, v6;
	v2 =	vcvt.f32.s32 v9;
	v7 =	vmul.f32 $1.838235220e-05, v7;
	v9 =	vld [tilespmem:s29+$0xFFFFFF8C];
	[tilespmem:s30+$0xC] =	vst v3;
	s29 =	smov.u32 s1  }
0x1f9: {  	v3 =	vmul.f32 $1.838235220e-05, v5  }
.Ltmp5:
0x1fa: {  	v4 =	vadd.s32 v4, v8;
	v5 =	vtrunc.f32 v7;
	v7 =	vadd.f32 $5.000000000e-01, v1;
	(pc) =	sbr.rel @p0 .LBB2_12-.Ltmp5, $4  }
0x1fb: {  	v4 =	vshll.u32 v4, $0x3;
	v3 =	vtrunc.f32 v3;
	v5 =	vcvt.f32.s32 v5  }
0x1fc: {  	v8 =	vtrunc.f32 v10;
	v4 =	vadd.s32 v6, v4;
	v10 =	vmul.f32 $1.838235220e-05, v7  }
0x1fd: {  	v3 =	vcvt.f32.s32 v3;
	v7 =	vcvt.f32.s32 v8;
	v8 =	vmul.u32 $0x1FFF2B80, v5;
	[tilespmem:s30+$0xFFFFFFF0] =	vst v4;
	s30 =	smov.u32 s31  }
0x1fe: {  	s1 =	sadd.s32 $0x100, s1;
	v6 =	vadd.f32 $5.000000000e-01, v9;
	v4 =	vtrunc.f32 v9;
	v9 =	vtrunc.f32 v10  }
0x1ff: {  	v10 =	vmul.u32 $0x1FFF2B80, v3  }
0x200: {  	v7 =	vadd.s32 v7, v8  }
0x201: {  	v7 =	vshll.u32 v7, $0x3;
	v2 =	vadd.s32 v2, v10  }
0x202: {  	s0 =	sadd.s32 $0x38, s31;
	v5 =	vadd.s32 v5, v7;
	v2 =	vshll.u32 v2, $0x3  }
0x203: {  	[tilespmem:s0+$0x0] =	vst v5;
	v2 =	vadd.s32 v3, v2  }
0x204: {  	v3 =	vld [tilespmem:s29+$0xC];
	[tilespmem:s0+$0xFFFFFFE4] =	vst v2  }
0x205: {  	v2 =	vld [tilespmem:s29+$0xFFFFFF8C];
	_ =	sdelay $0x2  }
0x206: {  	v1 =	vtrunc.f32 v1  }
0x207: {  	v6 =	vmul.f32 $1.838235220e-05, v6;
	v5 =	vcvt.f32.s32 v9;
	v7 =	vadd.f32 $5.000000000e-01, v3  }
0x208: {  	v1 =	vcvt.f32.s32 v1;
	v8 =	vadd.f32 $5.000000000e-01, v2  }
0x209: {  	v6 =	vtrunc.f32 v6;
	v9 =	vmul.u32 $0x1FFF2B80, v5;
	v7 =	vmul.f32 $1.838235220e-05, v7  }
0x20a: {  	v6 =	vcvt.f32.s32 v6;
	v8 =	vmul.f32 $1.838235220e-05, v8  }
0x20b: {  	v4 =	vcvt.f32.s32 v4;
	v1 =	vadd.s32 v1, v9;
	v7 =	vtrunc.f32 v7  }
0x20c: {  	v9 =	vmul.u32 $0x1FFF2B80, v6;
	v7 =	vcvt.f32.s32 v7;
	v8 =	vtrunc.f32 v8  }
0x20d: {  	v1 =	vshll.u32 v1, $0x3;
	v3 =	vtrunc.f32 v3;
	v8 =	vcvt.f32.s32 v8  }
0x20e: {  	v3 =	vcvt.f32.s32 v3;
	v2 =	vtrunc.f32 v2;
	v10 =	vmul.u32 $0x1FFF2B80, v7  }
0x20f: {  	v4 =	vadd.s32 v4, v9;
	v2 =	vcvt.f32.s32 v2;
	v9 =	vmul.u32 $0x1FFF2B80, v8  }
0x210: {  	v1 =	vadd.s32 v5, v1;
	v4 =	vshll.u32 v4, $0x3;
	v3 =	vadd.s32 v3, v10  }
0x211: {  	[tilespmem:s30+$0xC] =	vst v1;
	v1 =	vadd.s32 v6, v4;
	v3 =	vshll.u32 v3, $0x3;
	v2 =	vadd.s32 v2, v9  }
0x212: {  	[tilespmem:s30+$0xFFFFFFF0] =	vst v1;
	v1 =	vadd.s32 v7, v3;
	v2 =	vshll.u32 v2, $0x3  }
0x213: {  	[tilespmem:s0+$0xC] =	vst v1;
	v1 =	vadd.s32 v8, v2  }
0x214: {  	[tilespmem:s0+$0xFFFFFFF0] =	vst v1  }
0x215: {  	[tilespmem:s21], [sflag:$0x4] =	stream.indirect.gather [hbm4b:s3+s15], $0x10, s20, s15, $0xb8;
	[tilespmem:$0x14E00] =	vst v63  }
0x216: {  	s29 =	simm.s32 $0x0  }
0x217: {  	[tilespmem:s29], [sflag:$0x1] =	stream.linear.gather [hbm4b:s8+s29], $0x2000, $0x38;
	[tilespmem:$0x14E00] =	vst v63  }
0x218: {  	_ =	swait.ge [sflag:s22], $0x7000  }
0x219: {  	[sflag:s22] =	ssyncset.done $0x0  }
0x21a: {  	s30 =	simm.s32 $0x4FC0;
	[sflag:s22] =	ssyncadd.s32 $0xFFFF9000  }
0x21b: {  	v1 =	vld [tilespmem:s30+$0x180]  }
0x21c: {  	v2 =	vld [tilespmem:s30+$0x190]  }
0x21d: {  	v3 =	vld [tilespmem:s30+$0x1A0]  }
0x21e: {  	v19 =	vld [tilespmem:s30+$0x1B0]  }
0x21f: {  	v20 =	vld [tilespmem:s30+$0x0]  }
0x220: {  	v22 =	vld [tilespmem:s30+$0x10]  }
0x221: {  	v23 =	vld [tilespmem:s30+$0x20]  }
0x222: {  	v24 =	vld [tilespmem:s30+$0x30]  }
0x223: {  	v25 =	vld [tilespmem:s30+$0x40]  }
0x224: {  	v26 =	vld [tilespmem:s30+$0x50]  }
0x225: {  	v27 =	vld [tilespmem:s30+$0x60]  }
0x226: {  	v28 =	vld [tilespmem:s30+$0x70]  }
0x227: {  	v4 =	vld [tilespmem:s30+$0x80]  }
0x228: {  	v5 =	vld [tilespmem:s30+$0x90]  }
0x229: {  	v6 =	vld [tilespmem:s30+$0xA0]  }
0x22a: {  	v8 =	vld [tilespmem:s30+$0xB0]  }
0x22b: {  	v7 =	vld [tilespmem:s30+$0xC0]  }
0x22c: {  	v9 =	vld [tilespmem:s30+$0xD0]  }
0x22d: {  	v10 =	vld [tilespmem:s30+$0xE0]  }
0x22e: {  	v12 =	vld [tilespmem:s30+$0xF0]  }
0x22f: {  	v11 =	vld [tilespmem:s30+$0x100]  }
0x230: {  	v13 =	vld [tilespmem:s30+$0x110]  }
0x231: {  	v14 =	vld [tilespmem:s30+$0x120]  }
0x232: {  	v16 =	vld [tilespmem:s30+$0x130]  }
0x233: {  	v15 =	vld [tilespmem:s30+$0x140]  }
0x234: {  	v17 =	vld [tilespmem:s30+$0x150]  }
0x235: {  	v18 =	vld [tilespmem:s30+$0x160];
	v2 =	vadd.f32 v2, v1;
	v3 =	vadd.f32 v19, v3  }
0x236: {  	v21 =	vld [tilespmem:s30+$0x170];
	v19 =	vadd.f32 v22, v20;
	v20 =	vadd.f32 v24, v23  }
0x237: {  	s31 =	simm.s32 $0x2;
	v1 =	vld [tilespmem:s30+$0xFFFFFE50];
	v22 =	vadd.f32 v26, v25;
	v23 =	vadd.f32 v28, v27  }
.LBB2_14:
0x238: {  	p0 =	slt.u32 s31, $0x3E;
	v24 =	vld [tilespmem:s30+$0xFFFFFE60];
	v4 =	vadd.f32 v5, v4;
	v5 =	vadd.f32 v8, v6  }
0x239: {  	v7 =	vadd.f32 v9, v7;
	v8 =	vadd.f32 v12, v10;
	v6 =	vld [tilespmem:s30+$0xFFFFFE70]  }
0x23a: {  	v10 =	vadd.f32 v13, v11;
	v11 =	vadd.f32 v16, v14;
	v9 =	vld [tilespmem:s30+$0xFFFFFE80]  }
0x23b: {  	s0 =	sadd.s32 $0x1, s29;
	v13 =	vadd.f32 v17, v15;
	v12 =	vld [tilespmem:s30+$0xFFFFFE90];
	v14 =	vadd.f32 v21, v18  }
0x23c: {  	v16 =	vadd.f32 v20, v19;
	v17 =	vadd.f32 v23, v22;
	v18 =	vmov s0;
	v15 =	vld [tilespmem:s30+$0xFFFFFEA0]  }
0x23d: {  	v4 =	vadd.f32 v5, v4;
	v5 =	vadd.f32 v8, v7;
	v7 =	vadd.s32 $0x80, v18;
	v19 =	vld [tilespmem:s30+$0xFFFFFEB0]  }
0x23e: {  	v10 =	vadd.f32 v11, v10;
	v11 =	vadd.f32 v14, v13;
	v7 =	vand.u32 $0xBF, v7;
	v8 =	vld [tilespmem:s30+$0xFFFFFEC0]  }
0x23f: {  	v2 =	vadd.f32 v3, v2;
	v3 =	vadd.f32 v17, v16;
	v7 =	vbroadcast v7, $0x0;
	v13 =	vld [tilespmem:s30+$0xFFFFFED0]  }
0x240: {  	v4 =	vadd.f32 v5, v4;
	v5 =	vadd.f32 v11, v10;
	v14 =	vld [tilespmem:s30+$0xFFFFFEE0]  }
0x241: {  	v6 =	vadd.f32 v6, v24;
	v9 =	vadd.f32 v12, v9;
	v7 =	vor.u32 v0, v7;
	v10 =	vld [tilespmem:s30+$0xFFFFFEF0]  }
0x242: {  	v3 =	vadd.f32 v4, v3;
	v2 =	vadd.f32 v2, v5;
	v11 =	vld [tilespmem:s30+$0xFFFFFF00]  }
0x243: {  	v5 =	vadd.f32 v19, v15;
	v4 =	vld [tilespmem:s30+$0xFFFFFF10]  }
0x244: {  	v2 =	vadd.f32 v2, v3;
	v12 =	vld [tilespmem:s30+$0xFFFFFF20];
	v8 =	vadd.f32 v13, v8  }
0x245: {  	v5 =	vadd.f32 v5, v9;
	v3 =	vld [tilespmem:s30+$0xFFFFFF30]  }
0x246: {  	v9 =	vld [tilespmem:s30+$0xFFFFFF40];
	v10 =	vadd.f32 v10, v14;
	[tilespmem:v7+s23+$0x0] =	vst.idx.msk $0xffff, v2  }
0x247: {  	v2 =	vld [tilespmem:s30+$0xFFFFFF50]  }
0x248: {  	v7 =	vld [tilespmem:s30+$0xFFFFFF60];
	v4 =	vadd.f32 v4, v11;
	v8 =	vadd.f32 v10, v8  }
0x249: {  	v10 =	vld [tilespmem:s30+$0xFFFFFF70]  }
0x24a: {  	v11 =	vld [tilespmem:s30+$0xFFFFFF80];
	v3 =	vadd.f32 v3, v12  }
0x24b: {  	v12 =	vld [tilespmem:s30+$0xFFFFFF90]  }
0x24c: {  	v13 =	vld [tilespmem:s30+$0xFFFFFFA0];
	v2 =	vadd.f32 v2, v9;
	v3 =	vadd.f32 v3, v4  }
0x24d: {  	v4 =	vld [tilespmem:s30+$0xFFFFFFB0]  }
0x24e: {  	v9 =	vld [tilespmem:s30+$0xFFFFFE40];
	v7 =	vadd.f32 v10, v7;
	v3 =	vadd.f32 v3, v8  }
0x24f: {  	v8 =	vld [tilespmem:s30+$0xFFFFFFC0]  }
0x250: {  	v10 =	vld [tilespmem:s30+$0xFFFFFFD0];
	v11 =	vadd.f32 v12, v11;
	v2 =	vadd.f32 v7, v2  }
0x251: {  	v7 =	vld [tilespmem:s30+$0xFFFFFFE0]  }
0x252: {  	v12 =	vld [tilespmem:s30+$0xFFFFFFF0];
	v4 =	vadd.f32 v4, v13;
	s30 =	sadd.s32 $0x380, s30  }
0x253: {  	v19 =	vld [tilespmem:s30+$0x180];
	v1 =	vadd.f32 v1, v9  }
0x254: {  	v20 =	vld [tilespmem:s30+$0x190];
	v4 =	vadd.f32 v4, v11  }
0x255: {  	v21 =	vld [tilespmem:s30+$0x1A0];
	v8 =	vadd.f32 v10, v8;
	v1 =	vadd.f32 v6, v1;
	v6 =	vmov s29;
	s29 =	smov.u32 s31  }
0x256: {  	v22 =	vld [tilespmem:s30+$0x1B0];
	v2 =	vadd.f32 v4, v2;
	v4 =	vadd.s32 $0x80, v6  }
0x257: {  	v23 =	vld [tilespmem:s30+$0x0];
	v6 =	vadd.f32 v12, v7;
	v1 =	vadd.f32 v5, v1;
	v4 =	vand.u32 $0xBE, v4  }
0x258: {  	v24 =	vld [tilespmem:s30+$0x10];
	v4 =	vbroadcast v4, $0x0  }
0x259: {  	v25 =	vld [tilespmem:s30+$0x20];
	v5 =	vadd.f32 v6, v8;
	v1 =	vadd.f32 v3, v1  }
0x25a: {  	v26 =	vld [tilespmem:s30+$0x30];
	v3 =	vor.u32 v0, v4  }
0x25b: {  	v27 =	vld [tilespmem:s30+$0x40];
	v2 =	vadd.f32 v5, v2  }
0x25c: {  	v28 =	vld [tilespmem:s30+$0x50]  }
0x25d: {  	v29 =	vld [tilespmem:s30+$0x60];
	v1 =	vadd.f32 v2, v1  }
0x25e: {  	v30 =	vld [tilespmem:s30+$0x70]  }
0x25f: {  	v4 =	vld [tilespmem:s30+$0x80];
	[tilespmem:v3+s23+$0x0] =	vst.idx.msk $0xffff, v1  }
0x260: {  	v5 =	vld [tilespmem:s30+$0x90]  }
0x261: {  	v6 =	vld [tilespmem:s30+$0xA0]  }
0x262: {  	v8 =	vld [tilespmem:s30+$0xB0]  }
0x263: {  	v7 =	vld [tilespmem:s30+$0xC0]  }
0x264: {  	v9 =	vld [tilespmem:s30+$0xD0]  }
0x265: {  	v10 =	vld [tilespmem:s30+$0xE0]  }
0x266: {  	v12 =	vld [tilespmem:s30+$0xF0]  }
0x267: {  	v11 =	vld [tilespmem:s30+$0x100]  }
0x268: {  	v13 =	vld [tilespmem:s30+$0x110]  }
0x269: {  	v14 =	vld [tilespmem:s30+$0x120]  }
0x26a: {  	v16 =	vld [tilespmem:s30+$0x130]  }
.Ltmp6:
0x26b: {  	v15 =	vld [tilespmem:s30+$0x140];
	(pc) =	sbr.rel @p0 .LBB2_14-.Ltmp6, $4  }
0x26c: {  	v17 =	vld [tilespmem:s30+$0x150]  }
0x26d: {  	v2 =	vadd.f32 v20, v19;
	v3 =	vadd.f32 v22, v21;
	v18 =	vld [tilespmem:s30+$0x160]  }
0x26e: {  	v19 =	vadd.f32 v24, v23;
	v20 =	vadd.f32 v26, v25;
	v21 =	vld [tilespmem:s30+$0x170]  }
0x26f: {  	s31 =	sadd.s32 $0x2, s31;
	v22 =	vadd.f32 v28, v27;
	v23 =	vadd.f32 v30, v29;
	v1 =	vld [tilespmem:s30+$0xFFFFFE50]  }
0x270: {  	v24 =	vld [tilespmem:s30+$0xFFFFFE60]  }
0x271: {  	v25 =	vld [tilespmem:s30+$0xFFFFFE70]  }
0x272: {  	v26 =	vld [tilespmem:s30+$0xFFFFFE80]  }
0x273: {  	v27 =	vld [tilespmem:s30+$0xFFFFFE90]  }
0x274: {  	v28 =	vld [tilespmem:s30+$0xFFFFFEA0]  }
0x275: {  	v29 =	vld [tilespmem:s30+$0xFFFFFEB0]  }
0x276: {  	v30 =	vld [tilespmem:s30+$0xFFFFFEC0]  }
0x277: {  	v31 =	vld [tilespmem:s30+$0xFFFFFED0]  }
0x278: {  	v32 =	vld [tilespmem:s30+$0xFFFFFEE0]  }
0x279: {  	v33 =	vld [tilespmem:s30+$0xFFFFFEF0]  }
0x27a: {  	v34 =	vld [tilespmem:s30+$0xFFFFFF00]  }
0x27b: {  	v35 =	vld [tilespmem:s30+$0xFFFFFF10]  }
0x27c: {  	v36 =	vld [tilespmem:s30+$0xFFFFFF20]  }
0x27d: {  	v4 =	vadd.f32 v5, v4;
	v5 =	vadd.f32 v8, v6;
	v6 =	vld [tilespmem:s30+$0xFFFFFF30]  }
0x27e: {  	v7 =	vadd.f32 v9, v7;
	v9 =	vld [tilespmem:s30+$0xFFFFFF40]  }
0x27f: {  	v8 =	vadd.f32 v12, v10;
	v43 =	vld [tilespmem:s30+$0xFFFFFF50]  }
0x280: {  	v10 =	vadd.f32 v13, v11;
	v11 =	vadd.f32 v16, v14;
	v46 =	vld [tilespmem:s30+$0xFFFFFF60]  }
0x281: {  	v47 =	vadd.f32 v20, v19;
	v49 =	vld [tilespmem:s30+$0xFFFFFF70];
	v2 =	vadd.f32 v3, v2  }
0x282: {  	v50 =	vld [tilespmem:s30+$0xFFFFFFA0];
	v44 =	vadd.f32 v17, v15;
	v48 =	vadd.f32 v23, v22  }
0x283: {  	v52 =	vld [tilespmem:s30+$0xFFFFFE40];
	v4 =	vadd.f32 v5, v4;
	v5 =	vadd.f32 v8, v7  }
0x284: {  	v60 =	vld [tilespmem:s30+$0xFFFFFFE0];
	v8 =	vadd.f32 v11, v10;
	v45 =	vadd.f32 v21, v18  }
0x285: {  	v61 =	vld [tilespmem:s30+$0xFFFFFFF0];
	v3 =	vadd.f32 v48, v47;
	v4 =	vadd.f32 v5, v4  }
0x286: {  	v7 =	vld [tilespmem:s30+$0xFFFFFF80];
	v10 =	vadd.f32 v45, v44;
	v51 =	vadd.f32 v29, v28  }
0x287: {  	v11 =	vld [tilespmem:s30+$0xFFFFFF90];
	v53 =	vadd.f32 v25, v24;
	v54 =	vadd.f32 v31, v30  }
0x288: {  	v56 =	vadd.f32 v33, v32;
	v5 =	vadd.f32 v10, v8;
	v8 =	vld [tilespmem:s30+$0xFFFFFFB0]  }
0x289: {  	s0 =	sadd.s32 $0x1, s29;
	v58 =	vadd.f32 v35, v34;
	v6 =	vadd.f32 v6, v36  }
0x28a: {  	v55 =	vld [tilespmem:s30+$0xFFFFFFC0];
	v59 =	vmov s0;
	v9 =	vadd.f32 v43, v9;
	v15 =	vadd.f32 v49, v46  }
0x28b: {  	v57 =	vld [tilespmem:s30+$0xFFFFFFD0];
	v23 =	vadd.s32 $0x80, v59;
	v1 =	vadd.f32 v1, v52;
	v12 =	vadd.f32 v61, v60  }
0x28c: {  	v62 =	vand.u32 $0xBF, v23;
	v10 =	vadd.f32 v27, v26;
	v14 =	vadd.f32 v56, v54  }
0x28d: {  	v63 =	vbroadcast v62, $0x0;
	v7 =	vadd.f32 v11, v7;
	v8 =	vadd.f32 v8, v50  }
0x28e: {  	v6 =	vadd.f32 v6, v58;
	v9 =	vadd.f32 v15, v9;
	v11 =	vmov s29  }
0x28f: {  	v1 =	vadd.f32 v53, v1;
	v11 =	vadd.s32 $0x80, v11;
	v7 =	vadd.f32 v8, v7  }
0x290: {  	v10 =	vadd.f32 v51, v10;
	v11 =	vand.u32 $0xBE, v11;
	v8 =	vadd.f32 v57, v55  }
0x291: {  	v6 =	vadd.f32 v6, v14;
	v7 =	vadd.f32 v7, v9;
	v9 =	vbroadcast v11, $0x0  }
0x292: {  	v1 =	vadd.f32 v10, v1;
	v11 =	vor.u32 v0, v63;
	v8 =	vadd.f32 v12, v8  }
0x293: {  	v3 =	vadd.f32 v4, v3;
	v2 =	vadd.f32 v2, v5;
	v4 =	vor.u32 v0, v9  }
0x294: {  	v1 =	vadd.f32 v6, v1;
	v5 =	vadd.f32 v8, v7  }
0x295: {  	v2 =	vadd.f32 v2, v3  }
0x296: {  	v1 =	vadd.f32 v5, v1  }
0x297: {  	[tilespmem:v11+s23+$0x0] =	vst.idx.msk $0xffff, v2  }
0x298: {  	[tilespmem:v4+s23+$0x0] =	vst.idx.msk $0xffff, v1  }
0x299: {  	_ =	swait.ge [sflag:s14], $0x2000  }
0x29a: {  	[sflag:s14] =	ssyncset.done $0x0  }
0x29b: {  	s1 =	simm.s32 $0xE4;
	[sflag:s14] =	ssyncadd.s32 $0xFFFFE000  }
0x29c: {  	v1 =	vld [tilespmem:s1+$0x0];
	_ =	sdelay $0x3  }
0x29d: {  	v2 =	vld [tilespmem:s1+$0xFFFFFF80]  }
0x29e: {  	v3 =	vadd.f32 $5.000000000e-01, v1;
	_ =	sdelay $0x1  }
0x29f: {  	v3 =	vmul.f32 $1.838235220e-05, v3;
	_ =	sdelay $0x1  }
0x2a0: {  	v4 =	vadd.f32 $5.000000000e-01, v2;
	v3 =	vtrunc.f32 v3  }
0x2a1: {  	v3 =	vcvt.f32.s32 v3  }
0x2a2: {  	v1 =	vtrunc.f32 v1;
	v4 =	vmul.f32 $1.838235220e-05, v4  }
0x2a3: {  	v1 =	vcvt.f32.s32 v1;
	v5 =	vmul.u32 $0x1FFF2B80, v3  }
0x2a4: {  	s29 =	simm.s32 $0x1E4;
	v4 =	vtrunc.f32 v4  }
0x2a5: {  	v6 =	vld [tilespmem:s29+$0x0];
	v4 =	vcvt.f32.s32 v4;
	v1 =	vadd.s32 v1, v5  }
0x2a6: {  	v2 =	vtrunc.f32 v2;
	v1 =	vshll.u32 v1, $0x3  }
0x2a7: {  	s31 =	simm.s32 $0x401C;
	v2 =	vcvt.f32.s32 v2;
	v7 =	vmul.u32 $0x1FFF2B80, v4;
	v5 =	vld [tilespmem:s29+$0xFFFFFF80];
	v1 =	vadd.s32 v3, v1  }
0x2a8: {  	[tilespmem:s31+$0x0] =	vst v1  }
0x2a9: {  	v2 =	vadd.s32 v2, v7;
	v1 =	vld [tilespmem:s1+$0xC]  }
0x2aa: {  	v2 =	vshll.u32 v2, $0x3;
	v3 =	vadd.f32 $5.000000000e-01, v6  }
0x2ab: {  	v2 =	vadd.s32 v4, v2  }
0x2ac: {  	[tilespmem:s31+$0xFFFFFFE4] =	vst v2;
	v3 =	vmul.f32 $1.838235220e-05, v3;
	v4 =	vadd.f32 $5.000000000e-01, v5  }
0x2ad: {  	v6 =	vtrunc.f32 v6;
	v9 =	vld [tilespmem:s1+$0xFFFFFF8C];
	v2 =	vtrunc.f32 v5  }
0x2ae: {  	v3 =	vtrunc.f32 v3;
	v4 =	vmul.f32 $1.838235220e-05, v4;
	v7 =	vadd.f32 $5.000000000e-01, v1  }
0x2af: {  	v2 =	vcvt.f32.s32 v2;
	v5 =	vcvt.f32.s32 v3  }
0x2b0: {  	v4 =	vtrunc.f32 v4;
	v10 =	vmul.f32 $1.838235220e-05, v7  }
0x2b1: {  	v8 =	vmul.u32 $0x1FFF2B80, v5;
	v3 =	vcvt.f32.s32 v4;
	v7 =	vcvt.f32.s32 v6  }
0x2b2: {  	s0 =	simm.s32 $0x2;
	s30 =	simm.s32 $0x401C;
	s1 =	simm.s32 $0x2E4;
	v4 =	vtrunc.f32 v9;
	v6 =	vadd.f32 $5.000000000e-01, v9;
	v9 =	vtrunc.f32 v10  }
.LBB2_16:
0x2b3: {  	v10 =	vld [tilespmem:s1+$0x0];
	s0 =	sadd.s32 $0x2, s0;
	v11 =	vmul.u32 $0x1FFF2B80, v3;
	v7 =	vadd.s32 v7, v8;
	v8 =	vcvt.f32.s32 v9  }
0x2b4: {  	v1 =	vtrunc.f32 v1;
	v9 =	vld [tilespmem:s1+$0xFFFFFF80];
	p0 =	slt.u32 s0, $0x3E;
	v7 =	vshll.u32 v7, $0x3;
	v6 =	vmul.f32 $1.838235220e-05, v6  }
0x2b5: {  	s31 =	sadd.s32 $0x38, s31;
	v5 =	vadd.s32 v5, v7;
	v7 =	vcvt.f32.s32 v1;
	v12 =	vmul.u32 $0x1FFF2B80, v8  }
0x2b6: {  	v4 =	vcvt.f32.s32 v4;
	v1 =	vadd.s32 v2, v11;
	[tilespmem:s31+$0x0] =	vst v5;
	v2 =	vtrunc.f32 v6  }
0x2b7: {  	v5 =	vshll.u32 v1, $0x3;
	v1 =	vld [tilespmem:s29+$0xC];
	v6 =	vcvt.f32.s32 v2;
	v2 =	vadd.s32 v7, v12  }
0x2b8: {  	v3 =	vadd.s32 v3, v5;
	v7 =	vadd.f32 $5.000000000e-01, v10;
	v2 =	vshll.u32 v2, $0x3  }
0x2b9: {  	v5 =	vadd.f32 $5.000000000e-01, v9;
	v9 =	vtrunc.f32 v9;
	[tilespmem:s31+$0xFFFFFFE4] =	vst v3;
	v3 =	vadd.s32 v8, v2  }
0x2ba: {  	v8 =	vmul.u32 $0x1FFF2B80, v6;
	v2 =	vcvt.f32.s32 v9;
	v7 =	vmul.f32 $1.838235220e-05, v7;
	v9 =	vld [tilespmem:s29+$0xFFFFFF8C];
	[tilespmem:s30+$0xC] =	vst v3;
	s29 =	smov.u32 s1  }
0x2bb: {  	v3 =	vmul.f32 $1.838235220e-05, v5  }
.Ltmp7:
0x2bc: {  	v4 =	vadd.s32 v4, v8;
	v5 =	vtrunc.f32 v7;
	v7 =	vadd.f32 $5.000000000e-01, v1;
	(pc) =	sbr.rel @p0 .LBB2_16-.Ltmp7, $4  }
0x2bd: {  	v4 =	vshll.u32 v4, $0x3;
	v3 =	vtrunc.f32 v3;
	v5 =	vcvt.f32.s32 v5  }
0x2be: {  	v8 =	vtrunc.f32 v10;
	v4 =	vadd.s32 v6, v4;
	v10 =	vmul.f32 $1.838235220e-05, v7  }
0x2bf: {  	v3 =	vcvt.f32.s32 v3;
	v7 =	vcvt.f32.s32 v8;
	v8 =	vmul.u32 $0x1FFF2B80, v5;
	[tilespmem:s30+$0xFFFFFFF0] =	vst v4;
	s30 =	smov.u32 s31  }
0x2c0: {  	s1 =	sadd.s32 $0x100, s1;
	v6 =	vadd.f32 $5.000000000e-01, v9;
	v4 =	vtrunc.f32 v9;
	v9 =	vtrunc.f32 v10  }
0x2c1: {  	v10 =	vmul.u32 $0x1FFF2B80, v3  }
0x2c2: {  	v7 =	vadd.s32 v7, v8  }
0x2c3: {  	v7 =	vshll.u32 v7, $0x3;
	v2 =	vadd.s32 v2, v10  }
0x2c4: {  	s0 =	sadd.s32 $0x38, s31;
	v5 =	vadd.s32 v5, v7;
	v2 =	vshll.u32 v2, $0x3  }
0x2c5: {  	[tilespmem:s0+$0x0] =	vst v5;
	v2 =	vadd.s32 v3, v2  }
0x2c6: {  	v3 =	vld [tilespmem:s29+$0xC];
	[tilespmem:s0+$0xFFFFFFE4] =	vst v2  }
0x2c7: {  	v2 =	vld [tilespmem:s29+$0xFFFFFF8C];
	_ =	sdelay $0x2  }
0x2c8: {  	v1 =	vtrunc.f32 v1  }
0x2c9: {  	v6 =	vmul.f32 $1.838235220e-05, v6;
	v5 =	vcvt.f32.s32 v9;
	v7 =	vadd.f32 $5.000000000e-01, v3  }
0x2ca: {  	v1 =	vcvt.f32.s32 v1;
	v8 =	vadd.f32 $5.000000000e-01, v2  }
0x2cb: {  	v6 =	vtrunc.f32 v6;
	v9 =	vmul.u32 $0x1FFF2B80, v5;
	v7 =	vmul.f32 $1.838235220e-05, v7  }
0x2cc: {  	v6 =	vcvt.f32.s32 v6;
	v8 =	vmul.f32 $1.838235220e-05, v8  }
0x2cd: {  	v4 =	vcvt.f32.s32 v4;
	v1 =	vadd.s32 v1, v9;
	v7 =	vtrunc.f32 v7  }
0x2ce: {  	v9 =	vmul.u32 $0x1FFF2B80, v6;
	v7 =	vcvt.f32.s32 v7;
	v8 =	vtrunc.f32 v8  }
0x2cf: {  	v1 =	vshll.u32 v1, $0x3;
	v3 =	vtrunc.f32 v3;
	v8 =	vcvt.f32.s32 v8  }
0x2d0: {  	v3 =	vcvt.f32.s32 v3;
	v2 =	vtrunc.f32 v2;
	v10 =	vmul.u32 $0x1FFF2B80, v7  }
0x2d1: {  	v4 =	vadd.s32 v4, v9;
	v2 =	vcvt.f32.s32 v2;
	v9 =	vmul.u32 $0x1FFF2B80, v8  }
0x2d2: {  	v1 =	vadd.s32 v5, v1;
	v4 =	vshll.u32 v4, $0x3;
	v3 =	vadd.s32 v3, v10  }
0x2d3: {  	[tilespmem:s30+$0xC] =	vst v1;
	v1 =	vadd.s32 v6, v4;
	v3 =	vshll.u32 v3, $0x3;
	v2 =	vadd.s32 v2, v9  }
0x2d4: {  	[tilespmem:s30+$0xFFFFFFF0] =	vst v1;
	v1 =	vadd.s32 v7, v3;
	v2 =	vshll.u32 v2, $0x3  }
0x2d5: {  	[tilespmem:s0+$0xC] =	vst v1;
	v1 =	vadd.s32 v8, v2  }
0x2d6: {  	[tilespmem:s0+$0xFFFFFFF0] =	vst v1  }
0x2d7: {  	[tilespmem:s17], [sflag:$0x3] =	stream.indirect.gather [hbm4b:s3+s15], $0x10, s16, s15, $0xb8;
	[tilespmem:$0x14E00] =	vst v63  }
0x2d8: {  	s29 =	simm.s32 $0x0  }
0x2d9: {  	[tilespmem:s18], [sflag:$0x2] =	stream.linear.gather [hbm4b:s9+s29], $0x2000, $0x38;
	[tilespmem:$0x14E00] =	vst v63  }
0x2da: {  	_ =	swait.ge [sflag:s24], $0x7000  }
0x2db: {  	[sflag:s24] =	ssyncset.done $0x0  }
0x2dc: {  	s30 =	simm.s32 $0xBFC0;
	[sflag:s24] =	ssyncadd.s32 $0xFFFF9000  }
0x2dd: {  	v1 =	vld [tilespmem:s30+$0x180]  }
0x2de: {  	v2 =	vld [tilespmem:s30+$0x190]  }
0x2df: {  	v3 =	vld [tilespmem:s30+$0x1A0]  }
0x2e0: {  	v19 =	vld [tilespmem:s30+$0x1B0]  }
0x2e1: {  	v20 =	vld [tilespmem:s30+$0x0]  }
0x2e2: {  	v22 =	vld [tilespmem:s30+$0x10]  }
0x2e3: {  	v23 =	vld [tilespmem:s30+$0x20]  }
0x2e4: {  	v24 =	vld [tilespmem:s30+$0x30]  }
0x2e5: {  	v25 =	vld [tilespmem:s30+$0x40]  }
0x2e6: {  	v26 =	vld [tilespmem:s30+$0x50]  }
0x2e7: {  	v27 =	vld [tilespmem:s30+$0x60]  }
0x2e8: {  	v28 =	vld [tilespmem:s30+$0x70]  }
0x2e9: {  	v4 =	vld [tilespmem:s30+$0x80]  }
0x2ea: {  	v5 =	vld [tilespmem:s30+$0x90]  }
0x2eb: {  	v6 =	vld [tilespmem:s30+$0xA0]  }
0x2ec: {  	v8 =	vld [tilespmem:s30+$0xB0]  }
0x2ed: {  	v7 =	vld [tilespmem:s30+$0xC0]  }
0x2ee: {  	v9 =	vld [tilespmem:s30+$0xD0]  }
0x2ef: {  	v10 =	vld [tilespmem:s30+$0xE0]  }
0x2f0: {  	v12 =	vld [tilespmem:s30+$0xF0]  }
0x2f1: {  	v11 =	vld [tilespmem:s30+$0x100]  }
0x2f2: {  	v13 =	vld [tilespmem:s30+$0x110]  }
0x2f3: {  	v14 =	vld [tilespmem:s30+$0x120]  }
0x2f4: {  	v16 =	vld [tilespmem:s30+$0x130]  }
0x2f5: {  	v15 =	vld [tilespmem:s30+$0x140]  }
0x2f6: {  	v17 =	vld [tilespmem:s30+$0x150]  }
0x2f7: {  	v18 =	vld [tilespmem:s30+$0x160];
	v2 =	vadd.f32 v2, v1;
	v3 =	vadd.f32 v19, v3  }
0x2f8: {  	v21 =	vld [tilespmem:s30+$0x170];
	v19 =	vadd.f32 v22, v20;
	v20 =	vadd.f32 v24, v23  }
0x2f9: {  	s31 =	simm.s32 $0x2;
	v1 =	vld [tilespmem:s30+$0xFFFFFE50];
	v22 =	vadd.f32 v26, v25;
	v23 =	vadd.f32 v28, v27  }
.LBB2_18:
0x2fa: {  	p0 =	slt.u32 s31, $0x3E;
	v24 =	vld [tilespmem:s30+$0xFFFFFE60];
	v4 =	vadd.f32 v5, v4;
	v5 =	vadd.f32 v8, v6  }
0x2fb: {  	v7 =	vadd.f32 v9, v7;
	v8 =	vadd.f32 v12, v10;
	v6 =	vld [tilespmem:s30+$0xFFFFFE70]  }
0x2fc: {  	v10 =	vadd.f32 v13, v11;
	v11 =	vadd.f32 v16, v14;
	v9 =	vld [tilespmem:s30+$0xFFFFFE80]  }
0x2fd: {  	s0 =	sadd.s32 $0x1, s29;
	v13 =	vadd.f32 v17, v15;
	v12 =	vld [tilespmem:s30+$0xFFFFFE90];
	v14 =	vadd.f32 v21, v18  }
0x2fe: {  	v16 =	vadd.f32 v20, v19;
	v17 =	vadd.f32 v23, v22;
	v18 =	vmov s0;
	v15 =	vld [tilespmem:s30+$0xFFFFFEA0]  }
0x2ff: {  	v4 =	vadd.f32 v5, v4;
	v5 =	vadd.f32 v8, v7;
	v7 =	vadd.s32 $0xC0, v18;
	v19 =	vld [tilespmem:s30+$0xFFFFFEB0]  }
0x300: {  	v10 =	vadd.f32 v11, v10;
	v11 =	vadd.f32 v14, v13;
	v7 =	vand.u32 $0xFF, v7;
	v8 =	vld [tilespmem:s30+$0xFFFFFEC0]  }
0x301: {  	v2 =	vadd.f32 v3, v2;
	v3 =	vadd.f32 v17, v16;
	v7 =	vbroadcast v7, $0x0;
	v13 =	vld [tilespmem:s30+$0xFFFFFED0]  }
0x302: {  	v4 =	vadd.f32 v5, v4;
	v5 =	vadd.f32 v11, v10;
	v14 =	vld [tilespmem:s30+$0xFFFFFEE0]  }
0x303: {  	v6 =	vadd.f32 v6, v24;
	v9 =	vadd.f32 v12, v9;
	v7 =	vor.u32 v0, v7;
	v10 =	vld [tilespmem:s30+$0xFFFFFEF0]  }
0x304: {  	v3 =	vadd.f32 v4, v3;
	v2 =	vadd.f32 v2, v5;
	v11 =	vld [tilespmem:s30+$0xFFFFFF00]  }
0x305: {  	v5 =	vadd.f32 v19, v15;
	v4 =	vld [tilespmem:s30+$0xFFFFFF10]  }
0x306: {  	v2 =	vadd.f32 v2, v3;
	v12 =	vld [tilespmem:s30+$0xFFFFFF20];
	v8 =	vadd.f32 v13, v8  }
0x307: {  	v5 =	vadd.f32 v5, v9;
	v3 =	vld [tilespmem:s30+$0xFFFFFF30]  }
0x308: {  	v9 =	vld [tilespmem:s30+$0xFFFFFF40];
	v10 =	vadd.f32 v10, v14;
	[tilespmem:v7+s23+$0x0] =	vst.idx.msk $0xffff, v2  }
0x309: {  	v2 =	vld [tilespmem:s30+$0xFFFFFF50]  }
0x30a: {  	v7 =	vld [tilespmem:s30+$0xFFFFFF60];
	v4 =	vadd.f32 v4, v11;
	v8 =	vadd.f32 v10, v8  }
0x30b: {  	v10 =	vld [tilespmem:s30+$0xFFFFFF70]  }
0x30c: {  	v11 =	vld [tilespmem:s30+$0xFFFFFF80];
	v3 =	vadd.f32 v3, v12  }
0x30d: {  	v12 =	vld [tilespmem:s30+$0xFFFFFF90]  }
0x30e: {  	v13 =	vld [tilespmem:s30+$0xFFFFFFA0];
	v2 =	vadd.f32 v2, v9;
	v3 =	vadd.f32 v3, v4  }
0x30f: {  	v4 =	vld [tilespmem:s30+$0xFFFFFFB0]  }
0x310: {  	v9 =	vld [tilespmem:s30+$0xFFFFFE40];
	v7 =	vadd.f32 v10, v7;
	v3 =	vadd.f32 v3, v8  }
0x311: {  	v8 =	vld [tilespmem:s30+$0xFFFFFFC0]  }
0x312: {  	v10 =	vld [tilespmem:s30+$0xFFFFFFD0];
	v11 =	vadd.f32 v12, v11;
	v2 =	vadd.f32 v7, v2  }
0x313: {  	v7 =	vld [tilespmem:s30+$0xFFFFFFE0]  }
0x314: {  	v12 =	vld [tilespmem:s30+$0xFFFFFFF0];
	v4 =	vadd.f32 v4, v13;
	s30 =	sadd.s32 $0x380, s30  }
0x315: {  	v19 =	vld [tilespmem:s30+$0x180];
	v1 =	vadd.f32 v1, v9  }
0x316: {  	v20 =	vld [tilespmem:s30+$0x190];
	v4 =	vadd.f32 v4, v11  }
0x317: {  	v21 =	vld [tilespmem:s30+$0x1A0];
	v8 =	vadd.f32 v10, v8;
	v1 =	vadd.f32 v6, v1;
	v6 =	vmov s29;
	s29 =	smov.u32 s31  }
0x318: {  	v22 =	vld [tilespmem:s30+$0x1B0];
	v2 =	vadd.f32 v4, v2;
	v4 =	vadd.s32 $0xC0, v6  }
0x319: {  	v23 =	vld [tilespmem:s30+$0x0];
	v6 =	vadd.f32 v12, v7;
	v1 =	vadd.f32 v5, v1;
	v4 =	vand.u32 $0xFE, v4  }
0x31a: {  	v24 =	vld [tilespmem:s30+$0x10];
	v4 =	vbroadcast v4, $0x0  }
0x31b: {  	v25 =	vld [tilespmem:s30+$0x20];
	v5 =	vadd.f32 v6, v8;
	v1 =	vadd.f32 v3, v1  }
0x31c: {  	v26 =	vld [tilespmem:s30+$0x30];
	v3 =	vor.u32 v0, v4  }
0x31d: {  	v27 =	vld [tilespmem:s30+$0x40];
	v2 =	vadd.f32 v5, v2  }
0x31e: {  	v28 =	vld [tilespmem:s30+$0x50]  }
0x31f: {  	v29 =	vld [tilespmem:s30+$0x60];
	v1 =	vadd.f32 v2, v1  }
0x320: {  	v30 =	vld [tilespmem:s30+$0x70]  }
0x321: {  	v4 =	vld [tilespmem:s30+$0x80];
	[tilespmem:v3+s23+$0x0] =	vst.idx.msk $0xffff, v1  }
0x322: {  	v5 =	vld [tilespmem:s30+$0x90]  }
0x323: {  	v6 =	vld [tilespmem:s30+$0xA0]  }
0x324: {  	v8 =	vld [tilespmem:s30+$0xB0]  }
0x325: {  	v7 =	vld [tilespmem:s30+$0xC0]  }
0x326: {  	v9 =	vld [tilespmem:s30+$0xD0]  }
0x327: {  	v10 =	vld [tilespmem:s30+$0xE0]  }
0x328: {  	v12 =	vld [tilespmem:s30+$0xF0]  }
0x329: {  	v11 =	vld [tilespmem:s30+$0x100]  }
0x32a: {  	v13 =	vld [tilespmem:s30+$0x110]  }
0x32b: {  	v14 =	vld [tilespmem:s30+$0x120]  }
0x32c: {  	v16 =	vld [tilespmem:s30+$0x130]  }
.Ltmp8:
0x32d: {  	v15 =	vld [tilespmem:s30+$0x140];
	(pc) =	sbr.rel @p0 .LBB2_18-.Ltmp8, $4  }
0x32e: {  	v17 =	vld [tilespmem:s30+$0x150]  }
0x32f: {  	v2 =	vadd.f32 v20, v19;
	v3 =	vadd.f32 v22, v21;
	v18 =	vld [tilespmem:s30+$0x160]  }
0x330: {  	v19 =	vadd.f32 v24, v23;
	v20 =	vadd.f32 v26, v25;
	v21 =	vld [tilespmem:s30+$0x170]  }
0x331: {  	s31 =	sadd.s32 $0x2, s31;
	v22 =	vadd.f32 v28, v27;
	v23 =	vadd.f32 v30, v29;
	v1 =	vld [tilespmem:s30+$0xFFFFFE50]  }
0x332: {  	v24 =	vld [tilespmem:s30+$0xFFFFFE60]  }
0x333: {  	v25 =	vld [tilespmem:s30+$0xFFFFFE70]  }
0x334: {  	v26 =	vld [tilespmem:s30+$0xFFFFFE80]  }
0x335: {  	v27 =	vld [tilespmem:s30+$0xFFFFFE90]  }
0x336: {  	v28 =	vld [tilespmem:s30+$0xFFFFFEA0]  }
0x337: {  	v29 =	vld [tilespmem:s30+$0xFFFFFEB0]  }
0x338: {  	v30 =	vld [tilespmem:s30+$0xFFFFFEC0]  }
0x339: {  	v31 =	vld [tilespmem:s30+$0xFFFFFED0]  }
0x33a: {  	v32 =	vld [tilespmem:s30+$0xFFFFFEE0]  }
0x33b: {  	v33 =	vld [tilespmem:s30+$0xFFFFFEF0]  }
0x33c: {  	v34 =	vld [tilespmem:s30+$0xFFFFFF00]  }
0x33d: {  	v35 =	vld [tilespmem:s30+$0xFFFFFF10]  }
0x33e: {  	v36 =	vld [tilespmem:s30+$0xFFFFFF20]  }
0x33f: {  	v4 =	vadd.f32 v5, v4;
	v5 =	vadd.f32 v8, v6;
	v6 =	vld [tilespmem:s30+$0xFFFFFF30]  }
0x340: {  	v7 =	vadd.f32 v9, v7;
	v9 =	vld [tilespmem:s30+$0xFFFFFF40]  }
0x341: {  	v8 =	vadd.f32 v12, v10;
	v43 =	vld [tilespmem:s30+$0xFFFFFF50]  }
0x342: {  	v10 =	vadd.f32 v13, v11;
	v11 =	vadd.f32 v16, v14;
	v46 =	vld [tilespmem:s30+$0xFFFFFF60]  }
0x343: {  	v47 =	vadd.f32 v20, v19;
	v49 =	vld [tilespmem:s30+$0xFFFFFF70];
	v2 =	vadd.f32 v3, v2  }
0x344: {  	v50 =	vld [tilespmem:s30+$0xFFFFFFA0];
	v44 =	vadd.f32 v17, v15;
	v48 =	vadd.f32 v23, v22  }
0x345: {  	v52 =	vld [tilespmem:s30+$0xFFFFFE40];
	v4 =	vadd.f32 v5, v4;
	v5 =	vadd.f32 v8, v7  }
0x346: {  	v60 =	vld [tilespmem:s30+$0xFFFFFFE0];
	v8 =	vadd.f32 v11, v10;
	v45 =	vadd.f32 v21, v18  }
0x347: {  	v61 =	vld [tilespmem:s30+$0xFFFFFFF0];
	v3 =	vadd.f32 v48, v47;
	v4 =	vadd.f32 v5, v4  }
0x348: {  	v7 =	vld [tilespmem:s30+$0xFFFFFF80];
	v10 =	vadd.f32 v45, v44;
	v51 =	vadd.f32 v29, v28  }
0x349: {  	v11 =	vld [tilespmem:s30+$0xFFFFFF90];
	v53 =	vadd.f32 v25, v24;
	v54 =	vadd.f32 v31, v30  }
0x34a: {  	v56 =	vadd.f32 v33, v32;
	v5 =	vadd.f32 v10, v8;
	v8 =	vld [tilespmem:s30+$0xFFFFFFB0]  }
0x34b: {  	s0 =	sadd.s32 $0x1, s29;
	v58 =	vadd.f32 v35, v34;
	v6 =	vadd.f32 v6, v36  }
0x34c: {  	v55 =	vld [tilespmem:s30+$0xFFFFFFC0];
	v59 =	vmov s0;
	v9 =	vadd.f32 v43, v9;
	v15 =	vadd.f32 v49, v46  }
0x34d: {  	v57 =	vld [tilespmem:s30+$0xFFFFFFD0];
	v23 =	vadd.s32 $0xC0, v59;
	v1 =	vadd.f32 v1, v52;
	v12 =	vadd.f32 v61, v60  }
0x34e: {  	v62 =	vand.u32 $0xFF, v23;
	v10 =	vadd.f32 v27, v26;
	v14 =	vadd.f32 v56, v54  }
0x34f: {  	v63 =	vbroadcast v62, $0x0;
	v7 =	vadd.f32 v11, v7;
	v8 =	vadd.f32 v8, v50  }
0x350: {  	v6 =	vadd.f32 v6, v58;
	v9 =	vadd.f32 v15, v9;
	v11 =	vmov s29  }
0x351: {  	v1 =	vadd.f32 v53, v1;
	v11 =	vadd.s32 $0xC0, v11;
	v7 =	vadd.f32 v8, v7  }
0x352: {  	v10 =	vadd.f32 v51, v10;
	v11 =	vand.u32 $0xFE, v11;
	v8 =	vadd.f32 v57, v55  }
0x353: {  	v6 =	vadd.f32 v6, v14;
	v7 =	vadd.f32 v7, v9;
	v9 =	vbroadcast v11, $0x0  }
0x354: {  	v1 =	vadd.f32 v10, v1;
	v11 =	vor.u32 v0, v63;
	v8 =	vadd.f32 v12, v8  }
0x355: {  	v3 =	vadd.f32 v4, v3;
	v2 =	vadd.f32 v2, v5;
	v4 =	vor.u32 v0, v9  }
0x356: {  	v1 =	vadd.f32 v6, v1;
	v5 =	vadd.f32 v8, v7  }
0x357: {  	v2 =	vadd.f32 v2, v3  }
0x358: {  	v1 =	vadd.f32 v5, v1  }
0x359: {  	[tilespmem:v11+s23+$0x0] =	vst.idx.msk $0xffff, v2  }
0x35a: {  	[tilespmem:v4+s23+$0x0] =	vst.idx.msk $0xffff, v1  }
0x35b: {  	_ =	swait.ge [sflag:s19], $0x2000  }
0x35c: {  	[sflag:s19] =	ssyncset.done $0x0  }
0x35d: {  	s1 =	simm.s32 $0x20E4;
	[sflag:s19] =	ssyncadd.s32 $0xFFFFE000  }
0x35e: {  	v1 =	vld [tilespmem:s1+$0x0];
	_ =	sdelay $0x3  }
0x35f: {  	v2 =	vld [tilespmem:s1+$0xFFFFFF80]  }
0x360: {  	v3 =	vadd.f32 $5.000000000e-01, v1;
	_ =	sdelay $0x1  }
0x361: {  	v3 =	vmul.f32 $1.838235220e-05, v3;
	_ =	sdelay $0x1  }
0x362: {  	v4 =	vadd.f32 $5.000000000e-01, v2;
	v3 =	vtrunc.f32 v3  }
0x363: {  	v3 =	vcvt.f32.s32 v3  }
0x364: {  	v1 =	vtrunc.f32 v1;
	v4 =	vmul.f32 $1.838235220e-05, v4  }
0x365: {  	v1 =	vcvt.f32.s32 v1;
	v5 =	vmul.u32 $0x1FFF2B80, v3  }
0x366: {  	s29 =	simm.s32 $0x21E4;
	v4 =	vtrunc.f32 v4  }
0x367: {  	v6 =	vld [tilespmem:s29+$0x0];
	v4 =	vcvt.f32.s32 v4;
	v1 =	vadd.s32 v1, v5  }
0x368: {  	v2 =	vtrunc.f32 v2;
	v1 =	vshll.u32 v1, $0x3  }
0x369: {  	s31 =	simm.s32 $0x471C;
	v2 =	vcvt.f32.s32 v2;
	v7 =	vmul.u32 $0x1FFF2B80, v4;
	v5 =	vld [tilespmem:s29+$0xFFFFFF80];
	v1 =	vadd.s32 v3, v1  }
0x36a: {  	[tilespmem:s31+$0x0] =	vst v1  }
0x36b: {  	v2 =	vadd.s32 v2, v7;
	v1 =	vld [tilespmem:s1+$0xC]  }
0x36c: {  	v2 =	vshll.u32 v2, $0x3;
	v3 =	vadd.f32 $5.000000000e-01, v6  }
0x36d: {  	v2 =	vadd.s32 v4, v2  }
0x36e: {  	[tilespmem:s31+$0xFFFFFFE4] =	vst v2;
	v3 =	vmul.f32 $1.838235220e-05, v3;
	v4 =	vadd.f32 $5.000000000e-01, v5  }
0x36f: {  	v6 =	vtrunc.f32 v6;
	v9 =	vld [tilespmem:s1+$0xFFFFFF8C];
	v2 =	vtrunc.f32 v5  }
0x370: {  	v3 =	vtrunc.f32 v3;
	v4 =	vmul.f32 $1.838235220e-05, v4;
	v7 =	vadd.f32 $5.000000000e-01, v1  }
0x371: {  	v2 =	vcvt.f32.s32 v2;
	v5 =	vcvt.f32.s32 v3  }
0x372: {  	v4 =	vtrunc.f32 v4;
	v10 =	vmul.f32 $1.838235220e-05, v7  }
0x373: {  	v8 =	vmul.u32 $0x1FFF2B80, v5;
	v3 =	vcvt.f32.s32 v4;
	v7 =	vcvt.f32.s32 v6  }
0x374: {  	s0 =	simm.s32 $0x2;
	s30 =	simm.s32 $0x471C;
	s1 =	simm.s32 $0x22E4;
	v4 =	vtrunc.f32 v9;
	v6 =	vadd.f32 $5.000000000e-01, v9;
	v9 =	vtrunc.f32 v10  }
.LBB2_20:
0x375: {  	v10 =	vld [tilespmem:s1+$0x0];
	s0 =	sadd.s32 $0x2, s0;
	v11 =	vmul.u32 $0x1FFF2B80, v3;
	v7 =	vadd.s32 v7, v8;
	v8 =	vcvt.f32.s32 v9  }
0x376: {  	v1 =	vtrunc.f32 v1;
	v9 =	vld [tilespmem:s1+$0xFFFFFF80];
	p0 =	slt.u32 s0, $0x3E;
	v7 =	vshll.u32 v7, $0x3;
	v6 =	vmul.f32 $1.838235220e-05, v6  }
0x377: {  	s31 =	sadd.s32 $0x38, s31;
	v5 =	vadd.s32 v5, v7;
	v7 =	vcvt.f32.s32 v1;
	v12 =	vmul.u32 $0x1FFF2B80, v8  }
0x378: {  	v4 =	vcvt.f32.s32 v4;
	v1 =	vadd.s32 v2, v11;
	[tilespmem:s31+$0x0] =	vst v5;
	v2 =	vtrunc.f32 v6  }
0x379: {  	v5 =	vshll.u32 v1, $0x3;
	v1 =	vld [tilespmem:s29+$0xC];
	v6 =	vcvt.f32.s32 v2;
	v2 =	vadd.s32 v7, v12  }
0x37a: {  	v3 =	vadd.s32 v3, v5;
	v7 =	vadd.f32 $5.000000000e-01, v10;
	v2 =	vshll.u32 v2, $0x3  }
0x37b: {  	v5 =	vadd.f32 $5.000000000e-01, v9;
	v9 =	vtrunc.f32 v9;
	[tilespmem:s31+$0xFFFFFFE4] =	vst v3;
	v3 =	vadd.s32 v8, v2  }
0x37c: {  	v8 =	vmul.u32 $0x1FFF2B80, v6;
	v2 =	vcvt.f32.s32 v9;
	v7 =	vmul.f32 $1.838235220e-05, v7;
	v9 =	vld [tilespmem:s29+$0xFFFFFF8C];
	[tilespmem:s30+$0xC] =	vst v3;
	s29 =	smov.u32 s1  }
0x37d: {  	v3 =	vmul.f32 $1.838235220e-05, v5  }
.Ltmp9:
0x37e: {  	v4 =	vadd.s32 v4, v8;
	v5 =	vtrunc.f32 v7;
	v7 =	vadd.f32 $5.000000000e-01, v1;
	(pc) =	sbr.rel @p0 .LBB2_20-.Ltmp9, $4  }
0x37f: {  	v4 =	vshll.u32 v4, $0x3;
	v3 =	vtrunc.f32 v3;
	v5 =	vcvt.f32.s32 v5  }
0x380: {  	v8 =	vtrunc.f32 v10;
	v4 =	vadd.s32 v6, v4;
	v10 =	vmul.f32 $1.838235220e-05, v7  }
0x381: {  	v3 =	vcvt.f32.s32 v3;
	v7 =	vcvt.f32.s32 v8;
	v8 =	vmul.u32 $0x1FFF2B80, v5;
	[tilespmem:s30+$0xFFFFFFF0] =	vst v4;
	s30 =	smov.u32 s31  }
0x382: {  	s1 =	sadd.s32 $0x100, s1;
	v6 =	vadd.f32 $5.000000000e-01, v9;
	v4 =	vtrunc.f32 v9;
	v9 =	vtrunc.f32 v10  }
0x383: {  	v10 =	vmul.u32 $0x1FFF2B80, v3  }
0x384: {  	v7 =	vadd.s32 v7, v8  }
0x385: {  	v7 =	vshll.u32 v7, $0x3;
	v2 =	vadd.s32 v2, v10  }
0x386: {  	s0 =	sadd.s32 $0x38, s31;
	v5 =	vadd.s32 v5, v7;
	v2 =	vshll.u32 v2, $0x3  }
0x387: {  	[tilespmem:s0+$0x0] =	vst v5;
	v2 =	vadd.s32 v3, v2  }
0x388: {  	v3 =	vld [tilespmem:s29+$0xC];
	[tilespmem:s0+$0xFFFFFFE4] =	vst v2  }
0x389: {  	v2 =	vld [tilespmem:s29+$0xFFFFFF8C];
	_ =	sdelay $0x2  }
0x38a: {  	v1 =	vtrunc.f32 v1  }
0x38b: {  	v6 =	vmul.f32 $1.838235220e-05, v6;
	v5 =	vcvt.f32.s32 v9;
	v7 =	vadd.f32 $5.000000000e-01, v3  }
0x38c: {  	v1 =	vcvt.f32.s32 v1;
	v8 =	vadd.f32 $5.000000000e-01, v2  }
0x38d: {  	v6 =	vtrunc.f32 v6;
	v9 =	vmul.u32 $0x1FFF2B80, v5;
	v7 =	vmul.f32 $1.838235220e-05, v7  }
0x38e: {  	v6 =	vcvt.f32.s32 v6;
	v8 =	vmul.f32 $1.838235220e-05, v8  }
0x38f: {  	v4 =	vcvt.f32.s32 v4;
	v1 =	vadd.s32 v1, v9;
	v7 =	vtrunc.f32 v7  }
0x390: {  	v9 =	vmul.u32 $0x1FFF2B80, v6;
	v7 =	vcvt.f32.s32 v7;
	v8 =	vtrunc.f32 v8  }
0x391: {  	v1 =	vshll.u32 v1, $0x3;
	v3 =	vtrunc.f32 v3;
	v8 =	vcvt.f32.s32 v8  }
0x392: {  	v3 =	vcvt.f32.s32 v3;
	v2 =	vtrunc.f32 v2;
	v10 =	vmul.u32 $0x1FFF2B80, v7  }
0x393: {  	v4 =	vadd.s32 v4, v9;
	v2 =	vcvt.f32.s32 v2;
	v9 =	vmul.u32 $0x1FFF2B80, v8  }
0x394: {  	v1 =	vadd.s32 v5, v1;
	v4 =	vshll.u32 v4, $0x3;
	v3 =	vadd.s32 v3, v10  }
0x395: {  	[tilespmem:s30+$0xC] =	vst v1;
	v1 =	vadd.s32 v6, v4;
	v3 =	vshll.u32 v3, $0x3;
	v2 =	vadd.s32 v2, v9  }
0x396: {  	[tilespmem:s30+$0xFFFFFFF0] =	vst v1;
	v1 =	vadd.s32 v7, v3;
	v2 =	vshll.u32 v2, $0x3  }
0x397: {  	[tilespmem:s0+$0xC] =	vst v1;
	v1 =	vadd.s32 v8, v2  }
0x398: {  	[tilespmem:s0+$0xFFFFFFF0] =	vst v1  }
0x399: {  	[tilespmem:s21], [sflag:$0x4] =	stream.indirect.gather [hbm4b:s3+s15], $0x10, s20, s15, $0xb8;
	[tilespmem:$0x14E00] =	vst v63  }
0x39a: {  	s29 =	simm.s32 $0x0  }
0x39b: {  	[tilespmem:s29], [sflag:$0x1] =	stream.linear.gather [hbm4b:s10+s29], $0x2000, $0x38;
	[tilespmem:$0x14E00] =	vst v63  }
0x39c: {  	_ =	swait.ge [sflag:s22], $0x7000  }
0x39d: {  	[sflag:s22] =	ssyncset.done $0x0  }
0x39e: {  	s30 =	simm.s32 $0x4FC0;
	[sflag:s22] =	ssyncadd.s32 $0xFFFF9000  }
0x39f: {  	v1 =	vld [tilespmem:s30+$0x180]  }
0x3a0: {  	v2 =	vld [tilespmem:s30+$0x190]  }
0x3a1: {  	v3 =	vld [tilespmem:s30+$0x1A0]  }
0x3a2: {  	v19 =	vld [tilespmem:s30+$0x1B0]  }
0x3a3: {  	v20 =	vld [tilespmem:s30+$0x0]  }
0x3a4: {  	v22 =	vld [tilespmem:s30+$0x10]  }
0x3a5: {  	v23 =	vld [tilespmem:s30+$0x20]  }
0x3a6: {  	v24 =	vld [tilespmem:s30+$0x30]  }
0x3a7: {  	v25 =	vld [tilespmem:s30+$0x40]  }
0x3a8: {  	v26 =	vld [tilespmem:s30+$0x50]  }
0x3a9: {  	v27 =	vld [tilespmem:s30+$0x60]  }
0x3aa: {  	v28 =	vld [tilespmem:s30+$0x70]  }
0x3ab: {  	v4 =	vld [tilespmem:s30+$0x80]  }
0x3ac: {  	v5 =	vld [tilespmem:s30+$0x90]  }
0x3ad: {  	v6 =	vld [tilespmem:s30+$0xA0]  }
0x3ae: {  	v8 =	vld [tilespmem:s30+$0xB0]  }
0x3af: {  	v7 =	vld [tilespmem:s30+$0xC0]  }
0x3b0: {  	v9 =	vld [tilespmem:s30+$0xD0]  }
0x3b1: {  	v10 =	vld [tilespmem:s30+$0xE0]  }
0x3b2: {  	v12 =	vld [tilespmem:s30+$0xF0]  }
0x3b3: {  	v11 =	vld [tilespmem:s30+$0x100]  }
0x3b4: {  	v13 =	vld [tilespmem:s30+$0x110]  }
0x3b5: {  	v14 =	vld [tilespmem:s30+$0x120]  }
0x3b6: {  	v16 =	vld [tilespmem:s30+$0x130]  }
0x3b7: {  	v15 =	vld [tilespmem:s30+$0x140]  }
0x3b8: {  	v17 =	vld [tilespmem:s30+$0x150]  }
0x3b9: {  	v18 =	vld [tilespmem:s30+$0x160];
	v2 =	vadd.f32 v2, v1;
	v3 =	vadd.f32 v19, v3  }
0x3ba: {  	v21 =	vld [tilespmem:s30+$0x170];
	v19 =	vadd.f32 v22, v20;
	v20 =	vadd.f32 v24, v23  }
0x3bb: {  	s31 =	simm.s32 $0x2;
	v1 =	vld [tilespmem:s30+$0xFFFFFE50];
	v22 =	vadd.f32 v26, v25;
	v23 =	vadd.f32 v28, v27  }
.LBB2_22:
0x3bc: {  	p0 =	slt.u32 s31, $0x3E;
	v24 =	vld [tilespmem:s30+$0xFFFFFE60];
	v4 =	vadd.f32 v5, v4;
	v5 =	vadd.f32 v8, v6  }
0x3bd: {  	v7 =	vadd.f32 v9, v7;
	v8 =	vadd.f32 v12, v10;
	v6 =	vld [tilespmem:s30+$0xFFFFFE70]  }
0x3be: {  	v10 =	vadd.f32 v13, v11;
	v11 =	vadd.f32 v16, v14;
	v9 =	vld [tilespmem:s30+$0xFFFFFE80]  }
0x3bf: {  	s0 =	sadd.s32 $0x1, s29;
	v13 =	vadd.f32 v17, v15;
	v12 =	vld [tilespmem:s30+$0xFFFFFE90];
	v14 =	vadd.f32 v21, v18  }
0x3c0: {  	v16 =	vadd.f32 v20, v19;
	v17 =	vadd.f32 v23, v22;
	v18 =	vmov s0;
	v15 =	vld [tilespmem:s30+$0xFFFFFEA0]  }
0x3c1: {  	v4 =	vadd.f32 v5, v4;
	v5 =	vadd.f32 v8, v7;
	v7 =	vadd.s32 $0x100, v18;
	v19 =	vld [tilespmem:s30+$0xFFFFFEB0]  }
0x3c2: {  	v10 =	vadd.f32 v11, v10;
	v11 =	vadd.f32 v14, v13;
	v7 =	vand.u32 $0x13F, v7;
	v8 =	vld [tilespmem:s30+$0xFFFFFEC0]  }
0x3c3: {  	v2 =	vadd.f32 v3, v2;
	v3 =	vadd.f32 v17, v16;
	v7 =	vbroadcast v7, $0x0;
	v13 =	vld [tilespmem:s30+$0xFFFFFED0]  }
0x3c4: {  	v4 =	vadd.f32 v5, v4;
	v5 =	vadd.f32 v11, v10;
	v14 =	vld [tilespmem:s30+$0xFFFFFEE0]  }
0x3c5: {  	v6 =	vadd.f32 v6, v24;
	v9 =	vadd.f32 v12, v9;
	v7 =	vor.u32 v0, v7;
	v10 =	vld [tilespmem:s30+$0xFFFFFEF0]  }
0x3c6: {  	v3 =	vadd.f32 v4, v3;
	v2 =	vadd.f32 v2, v5;
	v11 =	vld [tilespmem:s30+$0xFFFFFF00]  }
0x3c7: {  	v5 =	vadd.f32 v19, v15;
	v4 =	vld [tilespmem:s30+$0xFFFFFF10]  }
0x3c8: {  	v2 =	vadd.f32 v2, v3;
	v12 =	vld [tilespmem:s30+$0xFFFFFF20];
	v8 =	vadd.f32 v13, v8  }
0x3c9: {  	v5 =	vadd.f32 v5, v9;
	v3 =	vld [tilespmem:s30+$0xFFFFFF30]  }
0x3ca: {  	v9 =	vld [tilespmem:s30+$0xFFFFFF40];
	v10 =	vadd.f32 v10, v14;
	[tilespmem:v7+s23+$0x0] =	vst.idx.msk $0xffff, v2  }
0x3cb: {  	v2 =	vld [tilespmem:s30+$0xFFFFFF50]  }
0x3cc: {  	v7 =	vld [tilespmem:s30+$0xFFFFFF60];
	v4 =	vadd.f32 v4, v11;
	v8 =	vadd.f32 v10, v8  }
0x3cd: {  	v10 =	vld [tilespmem:s30+$0xFFFFFF70]  }
0x3ce: {  	v11 =	vld [tilespmem:s30+$0xFFFFFF80];
	v3 =	vadd.f32 v3, v12  }
0x3cf: {  	v12 =	vld [tilespmem:s30+$0xFFFFFF90]  }
0x3d0: {  	v13 =	vld [tilespmem:s30+$0xFFFFFFA0];
	v2 =	vadd.f32 v2, v9;
	v3 =	vadd.f32 v3, v4  }
0x3d1: {  	v4 =	vld [tilespmem:s30+$0xFFFFFFB0]  }
0x3d2: {  	v9 =	vld [tilespmem:s30+$0xFFFFFE40];
	v7 =	vadd.f32 v10, v7;
	v3 =	vadd.f32 v3, v8  }
0x3d3: {  	v8 =	vld [tilespmem:s30+$0xFFFFFFC0]  }
0x3d4: {  	v10 =	vld [tilespmem:s30+$0xFFFFFFD0];
	v11 =	vadd.f32 v12, v11;
	v2 =	vadd.f32 v7, v2  }
0x3d5: {  	v7 =	vld [tilespmem:s30+$0xFFFFFFE0]  }
0x3d6: {  	v12 =	vld [tilespmem:s30+$0xFFFFFFF0];
	v4 =	vadd.f32 v4, v13;
	s30 =	sadd.s32 $0x380, s30  }
0x3d7: {  	v19 =	vld [tilespmem:s30+$0x180];
	v1 =	vadd.f32 v1, v9  }
0x3d8: {  	v20 =	vld [tilespmem:s30+$0x190];
	v4 =	vadd.f32 v4, v11  }
0x3d9: {  	v21 =	vld [tilespmem:s30+$0x1A0];
	v8 =	vadd.f32 v10, v8;
	v1 =	vadd.f32 v6, v1;
	v6 =	vmov s29;
	s29 =	smov.u32 s31  }
0x3da: {  	v22 =	vld [tilespmem:s30+$0x1B0];
	v2 =	vadd.f32 v4, v2;
	v4 =	vadd.s32 $0x100, v6  }
0x3db: {  	v23 =	vld [tilespmem:s30+$0x0];
	v6 =	vadd.f32 v12, v7;
	v1 =	vadd.f32 v5, v1;
	v4 =	vand.u32 $0x13E, v4  }
0x3dc: {  	v24 =	vld [tilespmem:s30+$0x10];
	v4 =	vbroadcast v4, $0x0  }
0x3dd: {  	v25 =	vld [tilespmem:s30+$0x20];
	v5 =	vadd.f32 v6, v8;
	v1 =	vadd.f32 v3, v1  }
0x3de: {  	v26 =	vld [tilespmem:s30+$0x30];
	v3 =	vor.u32 v0, v4  }
0x3df: {  	v27 =	vld [tilespmem:s30+$0x40];
	v2 =	vadd.f32 v5, v2  }
0x3e0: {  	v28 =	vld [tilespmem:s30+$0x50]  }
0x3e1: {  	v29 =	vld [tilespmem:s30+$0x60];
	v1 =	vadd.f32 v2, v1  }
0x3e2: {  	v30 =	vld [tilespmem:s30+$0x70]  }
0x3e3: {  	v4 =	vld [tilespmem:s30+$0x80];
	[tilespmem:v3+s23+$0x0] =	vst.idx.msk $0xffff, v1  }
0x3e4: {  	v5 =	vld [tilespmem:s30+$0x90]  }
0x3e5: {  	v6 =	vld [tilespmem:s30+$0xA0]  }
0x3e6: {  	v8 =	vld [tilespmem:s30+$0xB0]  }
0x3e7: {  	v7 =	vld [tilespmem:s30+$0xC0]  }
0x3e8: {  	v9 =	vld [tilespmem:s30+$0xD0]  }
0x3e9: {  	v10 =	vld [tilespmem:s30+$0xE0]  }
0x3ea: {  	v12 =	vld [tilespmem:s30+$0xF0]  }
0x3eb: {  	v11 =	vld [tilespmem:s30+$0x100]  }
0x3ec: {  	v13 =	vld [tilespmem:s30+$0x110]  }
0x3ed: {  	v14 =	vld [tilespmem:s30+$0x120]  }
0x3ee: {  	v16 =	vld [tilespmem:s30+$0x130]  }
.Ltmp10:
0x3ef: {  	v15 =	vld [tilespmem:s30+$0x140];
	(pc) =	sbr.rel @p0 .LBB2_22-.Ltmp10, $4  }
0x3f0: {  	v17 =	vld [tilespmem:s30+$0x150]  }
0x3f1: {  	v2 =	vadd.f32 v20, v19;
	v3 =	vadd.f32 v22, v21;
	v18 =	vld [tilespmem:s30+$0x160]  }
0x3f2: {  	v19 =	vadd.f32 v24, v23;
	v20 =	vadd.f32 v26, v25;
	v21 =	vld [tilespmem:s30+$0x170]  }
0x3f3: {  	s31 =	sadd.s32 $0x2, s31;
	v22 =	vadd.f32 v28, v27;
	v23 =	vadd.f32 v30, v29;
	v1 =	vld [tilespmem:s30+$0xFFFFFE50]  }
0x3f4: {  	v24 =	vld [tilespmem:s30+$0xFFFFFE60]  }
0x3f5: {  	v25 =	vld [tilespmem:s30+$0xFFFFFE70]  }
0x3f6: {  	v26 =	vld [tilespmem:s30+$0xFFFFFE80]  }
0x3f7: {  	v27 =	vld [tilespmem:s30+$0xFFFFFE90]  }
0x3f8: {  	v28 =	vld [tilespmem:s30+$0xFFFFFEA0]  }
0x3f9: {  	v29 =	vld [tilespmem:s30+$0xFFFFFEB0]  }
0x3fa: {  	v30 =	vld [tilespmem:s30+$0xFFFFFEC0]  }
0x3fb: {  	v31 =	vld [tilespmem:s30+$0xFFFFFED0]  }
0x3fc: {  	v32 =	vld [tilespmem:s30+$0xFFFFFEE0]  }
0x3fd: {  	v33 =	vld [tilespmem:s30+$0xFFFFFEF0]  }
0x3fe: {  	v34 =	vld [tilespmem:s30+$0xFFFFFF00]  }
0x3ff: {  	v35 =	vld [tilespmem:s30+$0xFFFFFF10]  }
0x400: {  	v36 =	vld [tilespmem:s30+$0xFFFFFF20]  }
0x401: {  	v4 =	vadd.f32 v5, v4;
	v5 =	vadd.f32 v8, v6;
	v6 =	vld [tilespmem:s30+$0xFFFFFF30]  }
0x402: {  	v7 =	vadd.f32 v9, v7;
	v9 =	vld [tilespmem:s30+$0xFFFFFF40]  }
0x403: {  	v8 =	vadd.f32 v12, v10;
	v43 =	vld [tilespmem:s30+$0xFFFFFF50]  }
0x404: {  	v10 =	vadd.f32 v13, v11;
	v11 =	vadd.f32 v16, v14;
	v46 =	vld [tilespmem:s30+$0xFFFFFF60]  }
0x405: {  	v47 =	vadd.f32 v20, v19;
	v49 =	vld [tilespmem:s30+$0xFFFFFF70];
	v2 =	vadd.f32 v3, v2  }
0x406: {  	v50 =	vld [tilespmem:s30+$0xFFFFFFA0];
	v44 =	vadd.f32 v17, v15;
	v48 =	vadd.f32 v23, v22  }
0x407: {  	v52 =	vld [tilespmem:s30+$0xFFFFFE40];
	v4 =	vadd.f32 v5, v4;
	v5 =	vadd.f32 v8, v7  }
0x408: {  	v60 =	vld [tilespmem:s30+$0xFFFFFFE0];
	v8 =	vadd.f32 v11, v10;
	v45 =	vadd.f32 v21, v18  }
0x409: {  	v61 =	vld [tilespmem:s30+$0xFFFFFFF0];
	v3 =	vadd.f32 v48, v47;
	v4 =	vadd.f32 v5, v4  }
0x40a: {  	v7 =	vld [tilespmem:s30+$0xFFFFFF80];
	v10 =	vadd.f32 v45, v44;
	v51 =	vadd.f32 v29, v28  }
0x40b: {  	v11 =	vld [tilespmem:s30+$0xFFFFFF90];
	v53 =	vadd.f32 v25, v24;
	v54 =	vadd.f32 v31, v30  }
0x40c: {  	v56 =	vadd.f32 v33, v32;
	v5 =	vadd.f32 v10, v8;
	v8 =	vld [tilespmem:s30+$0xFFFFFFB0]  }
0x40d: {  	s0 =	sadd.s32 $0x1, s29;
	v58 =	vadd.f32 v35, v34;
	v6 =	vadd.f32 v6, v36  }
0x40e: {  	v55 =	vld [tilespmem:s30+$0xFFFFFFC0];
	v59 =	vmov s0;
	v9 =	vadd.f32 v43, v9;
	v15 =	vadd.f32 v49, v46  }
0x40f: {  	v57 =	vld [tilespmem:s30+$0xFFFFFFD0];
	v23 =	vadd.s32 $0x100, v59;
	v1 =	vadd.f32 v1, v52;
	v12 =	vadd.f32 v61, v60  }
0x410: {  	v62 =	vand.u32 $0x13F, v23;
	v10 =	vadd.f32 v27, v26;
	v14 =	vadd.f32 v56, v54  }
0x411: {  	v63 =	vbroadcast v62, $0x0;
	v7 =	vadd.f32 v11, v7;
	v8 =	vadd.f32 v8, v50  }
0x412: {  	v6 =	vadd.f32 v6, v58;
	v9 =	vadd.f32 v15, v9;
	v11 =	vmov s29  }
0x413: {  	v1 =	vadd.f32 v53, v1;
	v11 =	vadd.s32 $0x100, v11;
	v7 =	vadd.f32 v8, v7  }
0x414: {  	v10 =	vadd.f32 v51, v10;
	v11 =	vand.u32 $0x13E, v11;
	v8 =	vadd.f32 v57, v55  }
0x415: {  	v6 =	vadd.f32 v6, v14;
	v7 =	vadd.f32 v7, v9;
	v9 =	vbroadcast v11, $0x0  }
0x416: {  	v1 =	vadd.f32 v10, v1;
	v11 =	vor.u32 v0, v63;
	v8 =	vadd.f32 v12, v8  }
0x417: {  	v3 =	vadd.f32 v4, v3;
	v2 =	vadd.f32 v2, v5;
	v4 =	vor.u32 v0, v9  }
0x418: {  	v1 =	vadd.f32 v6, v1;
	v5 =	vadd.f32 v8, v7  }
0x419: {  	v2 =	vadd.f32 v2, v3  }
0x41a: {  	v1 =	vadd.f32 v5, v1  }
0x41b: {  	[tilespmem:v11+s23+$0x0] =	vst.idx.msk $0xffff, v2  }
0x41c: {  	[tilespmem:v4+s23+$0x0] =	vst.idx.msk $0xffff, v1  }
0x41d: {  	_ =	swait.ge [sflag:s14], $0x2000  }
0x41e: {  	[sflag:s14] =	ssyncset.done $0x0  }
0x41f: {  	s1 =	simm.s32 $0xE4;
	[sflag:s14] =	ssyncadd.s32 $0xFFFFE000  }
0x420: {  	v1 =	vld [tilespmem:s1+$0x0];
	_ =	sdelay $0x3  }
0x421: {  	v2 =	vld [tilespmem:s1+$0xFFFFFF80]  }
0x422: {  	v3 =	vadd.f32 $5.000000000e-01, v1;
	_ =	sdelay $0x1  }
0x423: {  	v3 =	vmul.f32 $1.838235220e-05, v3;
	_ =	sdelay $0x1  }
0x424: {  	v4 =	vadd.f32 $5.000000000e-01, v2;
	v3 =	vtrunc.f32 v3  }
0x425: {  	v3 =	vcvt.f32.s32 v3  }
0x426: {  	v1 =	vtrunc.f32 v1;
	v4 =	vmul.f32 $1.838235220e-05, v4  }
0x427: {  	v1 =	vcvt.f32.s32 v1;
	v5 =	vmul.u32 $0x1FFF2B80, v3  }
0x428: {  	s29 =	simm.s32 $0x1E4;
	v4 =	vtrunc.f32 v4  }
0x429: {  	v6 =	vld [tilespmem:s29+$0x0];
	v4 =	vcvt.f32.s32 v4;
	v1 =	vadd.s32 v1, v5  }
0x42a: {  	v2 =	vtrunc.f32 v2;
	v1 =	vshll.u32 v1, $0x3  }
0x42b: {  	s31 =	simm.s32 $0x401C;
	v2 =	vcvt.f32.s32 v2;
	v7 =	vmul.u32 $0x1FFF2B80, v4;
	v5 =	vld [tilespmem:s29+$0xFFFFFF80];
	v1 =	vadd.s32 v3, v1  }
0x42c: {  	[tilespmem:s31+$0x0] =	vst v1  }
0x42d: {  	v2 =	vadd.s32 v2, v7;
	v1 =	vld [tilespmem:s1+$0xC]  }
0x42e: {  	v2 =	vshll.u32 v2, $0x3;
	v3 =	vadd.f32 $5.000000000e-01, v6  }
0x42f: {  	v2 =	vadd.s32 v4, v2  }
0x430: {  	[tilespmem:s31+$0xFFFFFFE4] =	vst v2;
	v3 =	vmul.f32 $1.838235220e-05, v3;
	v4 =	vadd.f32 $5.000000000e-01, v5  }
0x431: {  	v6 =	vtrunc.f32 v6;
	v9 =	vld [tilespmem:s1+$0xFFFFFF8C];
	v2 =	vtrunc.f32 v5  }
0x432: {  	v3 =	vtrunc.f32 v3;
	v4 =	vmul.f32 $1.838235220e-05, v4;
	v7 =	vadd.f32 $5.000000000e-01, v1  }
0x433: {  	v2 =	vcvt.f32.s32 v2;
	v5 =	vcvt.f32.s32 v3  }
0x434: {  	v4 =	vtrunc.f32 v4;
	v10 =	vmul.f32 $1.838235220e-05, v7  }
0x435: {  	v8 =	vmul.u32 $0x1FFF2B80, v5;
	v3 =	vcvt.f32.s32 v4;
	v7 =	vcvt.f32.s32 v6  }
0x436: {  	s0 =	simm.s32 $0x2;
	s30 =	simm.s32 $0x401C;
	s1 =	simm.s32 $0x2E4;
	v4 =	vtrunc.f32 v9;
	v6 =	vadd.f32 $5.000000000e-01, v9;
	v9 =	vtrunc.f32 v10  }
.LBB2_24:
0x437: {  	v10 =	vld [tilespmem:s1+$0x0];
	s0 =	sadd.s32 $0x2, s0;
	v11 =	vmul.u32 $0x1FFF2B80, v3;
	v7 =	vadd.s32 v7, v8;
	v8 =	vcvt.f32.s32 v9  }
0x438: {  	v1 =	vtrunc.f32 v1;
	v9 =	vld [tilespmem:s1+$0xFFFFFF80];
	p0 =	slt.u32 s0, $0x3E;
	v7 =	vshll.u32 v7, $0x3;
	v6 =	vmul.f32 $1.838235220e-05, v6  }
0x439: {  	s31 =	sadd.s32 $0x38, s31;
	v5 =	vadd.s32 v5, v7;
	v7 =	vcvt.f32.s32 v1;
	v12 =	vmul.u32 $0x1FFF2B80, v8  }
0x43a: {  	v4 =	vcvt.f32.s32 v4;
	v1 =	vadd.s32 v2, v11;
	[tilespmem:s31+$0x0] =	vst v5;
	v2 =	vtrunc.f32 v6  }
0x43b: {  	v5 =	vshll.u32 v1, $0x3;
	v1 =	vld [tilespmem:s29+$0xC];
	v6 =	vcvt.f32.s32 v2;
	v2 =	vadd.s32 v7, v12  }
0x43c: {  	v3 =	vadd.s32 v3, v5;
	v7 =	vadd.f32 $5.000000000e-01, v10;
	v2 =	vshll.u32 v2, $0x3  }
0x43d: {  	v5 =	vadd.f32 $5.000000000e-01, v9;
	v9 =	vtrunc.f32 v9;
	[tilespmem:s31+$0xFFFFFFE4] =	vst v3;
	v3 =	vadd.s32 v8, v2  }
0x43e: {  	v8 =	vmul.u32 $0x1FFF2B80, v6;
	v2 =	vcvt.f32.s32 v9;
	v7 =	vmul.f32 $1.838235220e-05, v7;
	v9 =	vld [tilespmem:s29+$0xFFFFFF8C];
	[tilespmem:s30+$0xC] =	vst v3;
	s29 =	smov.u32 s1  }
0x43f: {  	v3 =	vmul.f32 $1.838235220e-05, v5  }
.Ltmp11:
0x440: {  	v4 =	vadd.s32 v4, v8;
	v5 =	vtrunc.f32 v7;
	v7 =	vadd.f32 $5.000000000e-01, v1;
	(pc) =	sbr.rel @p0 .LBB2_24-.Ltmp11, $4  }
0x441: {  	v4 =	vshll.u32 v4, $0x3;
	v3 =	vtrunc.f32 v3;
	v5 =	vcvt.f32.s32 v5  }
0x442: {  	v8 =	vtrunc.f32 v10;
	v4 =	vadd.s32 v6, v4;
	v10 =	vmul.f32 $1.838235220e-05, v7  }
0x443: {  	v3 =	vcvt.f32.s32 v3;
	v7 =	vcvt.f32.s32 v8;
	v8 =	vmul.u32 $0x1FFF2B80, v5;
	[tilespmem:s30+$0xFFFFFFF0] =	vst v4;
	s30 =	smov.u32 s31  }
0x444: {  	s1 =	sadd.s32 $0x100, s1;
	v6 =	vadd.f32 $5.000000000e-01, v9;
	v4 =	vtrunc.f32 v9;
	v9 =	vtrunc.f32 v10  }
0x445: {  	v10 =	vmul.u32 $0x1FFF2B80, v3  }
0x446: {  	v7 =	vadd.s32 v7, v8  }
0x447: {  	v7 =	vshll.u32 v7, $0x3;
	v2 =	vadd.s32 v2, v10  }
0x448: {  	s0 =	sadd.s32 $0x38, s31;
	v5 =	vadd.s32 v5, v7;
	v2 =	vshll.u32 v2, $0x3  }
0x449: {  	[tilespmem:s0+$0x0] =	vst v5;
	v2 =	vadd.s32 v3, v2  }
0x44a: {  	v3 =	vld [tilespmem:s29+$0xC];
	[tilespmem:s0+$0xFFFFFFE4] =	vst v2  }
0x44b: {  	v2 =	vld [tilespmem:s29+$0xFFFFFF8C];
	_ =	sdelay $0x2  }
0x44c: {  	v1 =	vtrunc.f32 v1  }
0x44d: {  	v6 =	vmul.f32 $1.838235220e-05, v6;
	v5 =	vcvt.f32.s32 v9;
	v7 =	vadd.f32 $5.000000000e-01, v3  }
0x44e: {  	v1 =	vcvt.f32.s32 v1;
	v8 =	vadd.f32 $5.000000000e-01, v2  }
0x44f: {  	v6 =	vtrunc.f32 v6;
	v9 =	vmul.u32 $0x1FFF2B80, v5;
	v7 =	vmul.f32 $1.838235220e-05, v7  }
0x450: {  	v6 =	vcvt.f32.s32 v6;
	v8 =	vmul.f32 $1.838235220e-05, v8  }
0x451: {  	v4 =	vcvt.f32.s32 v4;
	v1 =	vadd.s32 v1, v9;
	v7 =	vtrunc.f32 v7  }
0x452: {  	v9 =	vmul.u32 $0x1FFF2B80, v6;
	v7 =	vcvt.f32.s32 v7;
	v8 =	vtrunc.f32 v8  }
0x453: {  	v1 =	vshll.u32 v1, $0x3;
	v3 =	vtrunc.f32 v3;
	v8 =	vcvt.f32.s32 v8  }
0x454: {  	v3 =	vcvt.f32.s32 v3;
	v2 =	vtrunc.f32 v2;
	v10 =	vmul.u32 $0x1FFF2B80, v7  }
0x455: {  	v4 =	vadd.s32 v4, v9;
	v2 =	vcvt.f32.s32 v2;
	v9 =	vmul.u32 $0x1FFF2B80, v8  }
0x456: {  	v1 =	vadd.s32 v5, v1;
	v4 =	vshll.u32 v4, $0x3;
	v3 =	vadd.s32 v3, v10  }
0x457: {  	[tilespmem:s30+$0xC] =	vst v1;
	v1 =	vadd.s32 v6, v4;
	v3 =	vshll.u32 v3, $0x3;
	v2 =	vadd.s32 v2, v9  }
0x458: {  	[tilespmem:s30+$0xFFFFFFF0] =	vst v1;
	v1 =	vadd.s32 v7, v3;
	v2 =	vshll.u32 v2, $0x3  }
0x459: {  	[tilespmem:s0+$0xC] =	vst v1;
	v1 =	vadd.s32 v8, v2  }
0x45a: {  	[tilespmem:s0+$0xFFFFFFF0] =	vst v1  }
0x45b: {  	[tilespmem:s17], [sflag:$0x3] =	stream.indirect.gather [hbm4b:s3+s15], $0x10, s16, s15, $0xb8;
	[tilespmem:$0x14E00] =	vst v63  }
0x45c: {  	s29 =	simm.s32 $0x0  }
0x45d: {  	[tilespmem:s18], [sflag:$0x2] =	stream.linear.gather [hbm4b:s11+s29], $0x2000, $0x38;
	[tilespmem:$0x14E00] =	vst v63  }
0x45e: {  	_ =	swait.ge [sflag:s24], $0x7000  }
0x45f: {  	[sflag:s24] =	ssyncset.done $0x0  }
0x460: {  	s30 =	simm.s32 $0xBFC0;
	[sflag:s24] =	ssyncadd.s32 $0xFFFF9000  }
0x461: {  	v1 =	vld [tilespmem:s30+$0x180]  }
0x462: {  	v2 =	vld [tilespmem:s30+$0x190]  }
0x463: {  	v3 =	vld [tilespmem:s30+$0x1A0]  }
0x464: {  	v19 =	vld [tilespmem:s30+$0x1B0]  }
0x465: {  	v20 =	vld [tilespmem:s30+$0x0]  }
0x466: {  	v22 =	vld [tilespmem:s30+$0x10]  }
0x467: {  	v23 =	vld [tilespmem:s30+$0x20]  }
0x468: {  	v24 =	vld [tilespmem:s30+$0x30]  }
0x469: {  	v25 =	vld [tilespmem:s30+$0x40]  }
0x46a: {  	v26 =	vld [tilespmem:s30+$0x50]  }
0x46b: {  	v27 =	vld [tilespmem:s30+$0x60]  }
0x46c: {  	v28 =	vld [tilespmem:s30+$0x70]  }
0x46d: {  	v4 =	vld [tilespmem:s30+$0x80]  }
0x46e: {  	v5 =	vld [tilespmem:s30+$0x90]  }
0x46f: {  	v6 =	vld [tilespmem:s30+$0xA0]  }
0x470: {  	v8 =	vld [tilespmem:s30+$0xB0]  }
0x471: {  	v7 =	vld [tilespmem:s30+$0xC0]  }
0x472: {  	v9 =	vld [tilespmem:s30+$0xD0]  }
0x473: {  	v10 =	vld [tilespmem:s30+$0xE0]  }
0x474: {  	v12 =	vld [tilespmem:s30+$0xF0]  }
0x475: {  	v11 =	vld [tilespmem:s30+$0x100]  }
0x476: {  	v13 =	vld [tilespmem:s30+$0x110]  }
0x477: {  	v14 =	vld [tilespmem:s30+$0x120]  }
0x478: {  	v16 =	vld [tilespmem:s30+$0x130]  }
0x479: {  	v15 =	vld [tilespmem:s30+$0x140]  }
0x47a: {  	v17 =	vld [tilespmem:s30+$0x150]  }
0x47b: {  	v18 =	vld [tilespmem:s30+$0x160];
	v2 =	vadd.f32 v2, v1;
	v3 =	vadd.f32 v19, v3  }
0x47c: {  	v21 =	vld [tilespmem:s30+$0x170];
	v19 =	vadd.f32 v22, v20;
	v20 =	vadd.f32 v24, v23  }
0x47d: {  	s31 =	simm.s32 $0x2;
	v1 =	vld [tilespmem:s30+$0xFFFFFE50];
	v22 =	vadd.f32 v26, v25;
	v23 =	vadd.f32 v28, v27  }
.LBB2_26:
0x47e: {  	p0 =	slt.u32 s31, $0x3E;
	v24 =	vld [tilespmem:s30+$0xFFFFFE60];
	v4 =	vadd.f32 v5, v4;
	v5 =	vadd.f32 v8, v6  }
0x47f: {  	v7 =	vadd.f32 v9, v7;
	v8 =	vadd.f32 v12, v10;
	v6 =	vld [tilespmem:s30+$0xFFFFFE70]  }
0x480: {  	v10 =	vadd.f32 v13, v11;
	v11 =	vadd.f32 v16, v14;
	v9 =	vld [tilespmem:s30+$0xFFFFFE80]  }
0x481: {  	s0 =	sadd.s32 $0x1, s29;
	v13 =	vadd.f32 v17, v15;
	v12 =	vld [tilespmem:s30+$0xFFFFFE90];
	v14 =	vadd.f32 v21, v18  }
0x482: {  	v16 =	vadd.f32 v20, v19;
	v17 =	vadd.f32 v23, v22;
	v18 =	vmov s0;
	v15 =	vld [tilespmem:s30+$0xFFFFFEA0]  }
0x483: {  	v4 =	vadd.f32 v5, v4;
	v5 =	vadd.f32 v8, v7;
	v7 =	vadd.s32 $0x140, v18;
	v19 =	vld [tilespmem:s30+$0xFFFFFEB0]  }
0x484: {  	v10 =	vadd.f32 v11, v10;
	v11 =	vadd.f32 v14, v13;
	v7 =	vand.u32 $0x17F, v7;
	v8 =	vld [tilespmem:s30+$0xFFFFFEC0]  }
0x485: {  	v2 =	vadd.f32 v3, v2;
	v3 =	vadd.f32 v17, v16;
	v7 =	vbroadcast v7, $0x0;
	v13 =	vld [tilespmem:s30+$0xFFFFFED0]  }
0x486: {  	v4 =	vadd.f32 v5, v4;
	v5 =	vadd.f32 v11, v10;
	v14 =	vld [tilespmem:s30+$0xFFFFFEE0]  }
0x487: {  	v6 =	vadd.f32 v6, v24;
	v9 =	vadd.f32 v12, v9;
	v7 =	vor.u32 v0, v7;
	v10 =	vld [tilespmem:s30+$0xFFFFFEF0]  }
0x488: {  	v3 =	vadd.f32 v4, v3;
	v2 =	vadd.f32 v2, v5;
	v11 =	vld [tilespmem:s30+$0xFFFFFF00]  }
0x489: {  	v5 =	vadd.f32 v19, v15;
	v4 =	vld [tilespmem:s30+$0xFFFFFF10]  }
0x48a: {  	v2 =	vadd.f32 v2, v3;
	v12 =	vld [tilespmem:s30+$0xFFFFFF20];
	v8 =	vadd.f32 v13, v8  }
0x48b: {  	v5 =	vadd.f32 v5, v9;
	v3 =	vld [tilespmem:s30+$0xFFFFFF30]  }
0x48c: {  	v9 =	vld [tilespmem:s30+$0xFFFFFF40];
	v10 =	vadd.f32 v10, v14;
	[tilespmem:v7+s23+$0x0] =	vst.idx.msk $0xffff, v2  }
0x48d: {  	v2 =	vld [tilespmem:s30+$0xFFFFFF50]  }
0x48e: {  	v7 =	vld [tilespmem:s30+$0xFFFFFF60];
	v4 =	vadd.f32 v4, v11;
	v8 =	vadd.f32 v10, v8  }
0x48f: {  	v10 =	vld [tilespmem:s30+$0xFFFFFF70]  }
0x490: {  	v11 =	vld [tilespmem:s30+$0xFFFFFF80];
	v3 =	vadd.f32 v3, v12  }
0x491: {  	v12 =	vld [tilespmem:s30+$0xFFFFFF90]  }
0x492: {  	v13 =	vld [tilespmem:s30+$0xFFFFFFA0];
	v2 =	vadd.f32 v2, v9;
	v3 =	vadd.f32 v3, v4  }
0x493: {  	v4 =	vld [tilespmem:s30+$0xFFFFFFB0]  }
0x494: {  	v9 =	vld [tilespmem:s30+$0xFFFFFE40];
	v7 =	vadd.f32 v10, v7;
	v3 =	vadd.f32 v3, v8  }
0x495: {  	v8 =	vld [tilespmem:s30+$0xFFFFFFC0]  }
0x496: {  	v10 =	vld [tilespmem:s30+$0xFFFFFFD0];
	v11 =	vadd.f32 v12, v11;
	v2 =	vadd.f32 v7, v2  }
0x497: {  	v7 =	vld [tilespmem:s30+$0xFFFFFFE0]  }
0x498: {  	v12 =	vld [tilespmem:s30+$0xFFFFFFF0];
	v4 =	vadd.f32 v4, v13;
	s30 =	sadd.s32 $0x380, s30  }
0x499: {  	v19 =	vld [tilespmem:s30+$0x180];
	v1 =	vadd.f32 v1, v9  }
0x49a: {  	v20 =	vld [tilespmem:s30+$0x190];
	v4 =	vadd.f32 v4, v11  }
0x49b: {  	v21 =	vld [tilespmem:s30+$0x1A0];
	v8 =	vadd.f32 v10, v8;
	v1 =	vadd.f32 v6, v1;
	v6 =	vmov s29;
	s29 =	smov.u32 s31  }
0x49c: {  	v22 =	vld [tilespmem:s30+$0x1B0];
	v2 =	vadd.f32 v4, v2;
	v4 =	vadd.s32 $0x140, v6  }
0x49d: {  	v23 =	vld [tilespmem:s30+$0x0];
	v6 =	vadd.f32 v12, v7;
	v1 =	vadd.f32 v5, v1;
	v4 =	vand.u32 $0x17E, v4  }
0x49e: {  	v24 =	vld [tilespmem:s30+$0x10];
	v4 =	vbroadcast v4, $0x0  }
0x49f: {  	v25 =	vld [tilespmem:s30+$0x20];
	v5 =	vadd.f32 v6, v8;
	v1 =	vadd.f32 v3, v1  }
0x4a0: {  	v26 =	vld [tilespmem:s30+$0x30];
	v3 =	vor.u32 v0, v4  }
0x4a1: {  	v27 =	vld [tilespmem:s30+$0x40];
	v2 =	vadd.f32 v5, v2  }
0x4a2: {  	v28 =	vld [tilespmem:s30+$0x50]  }
0x4a3: {  	v29 =	vld [tilespmem:s30+$0x60];
	v1 =	vadd.f32 v2, v1  }
0x4a4: {  	v30 =	vld [tilespmem:s30+$0x70]  }
0x4a5: {  	v4 =	vld [tilespmem:s30+$0x80];
	[tilespmem:v3+s23+$0x0] =	vst.idx.msk $0xffff, v1  }
0x4a6: {  	v5 =	vld [tilespmem:s30+$0x90]  }
0x4a7: {  	v6 =	vld [tilespmem:s30+$0xA0]  }
0x4a8: {  	v8 =	vld [tilespmem:s30+$0xB0]  }
0x4a9: {  	v7 =	vld [tilespmem:s30+$0xC0]  }
0x4aa: {  	v9 =	vld [tilespmem:s30+$0xD0]  }
0x4ab: {  	v10 =	vld [tilespmem:s30+$0xE0]  }
0x4ac: {  	v12 =	vld [tilespmem:s30+$0xF0]  }
0x4ad: {  	v11 =	vld [tilespmem:s30+$0x100]  }
0x4ae: {  	v13 =	vld [tilespmem:s30+$0x110]  }
0x4af: {  	v14 =	vld [tilespmem:s30+$0x120]  }
0x4b0: {  	v16 =	vld [tilespmem:s30+$0x130]  }
.Ltmp12:
0x4b1: {  	v15 =	vld [tilespmem:s30+$0x140];
	(pc) =	sbr.rel @p0 .LBB2_26-.Ltmp12, $4  }
0x4b2: {  	v17 =	vld [tilespmem:s30+$0x150]  }
0x4b3: {  	v2 =	vadd.f32 v20, v19;
	v3 =	vadd.f32 v22, v21;
	v18 =	vld [tilespmem:s30+$0x160]  }
0x4b4: {  	v19 =	vadd.f32 v24, v23;
	v20 =	vadd.f32 v26, v25;
	v21 =	vld [tilespmem:s30+$0x170]  }
0x4b5: {  	s31 =	sadd.s32 $0x2, s31;
	v22 =	vadd.f32 v28, v27;
	v23 =	vadd.f32 v30, v29;
	v1 =	vld [tilespmem:s30+$0xFFFFFE50]  }
0x4b6: {  	v24 =	vld [tilespmem:s30+$0xFFFFFE60]  }
0x4b7: {  	v25 =	vld [tilespmem:s30+$0xFFFFFE70]  }
0x4b8: {  	v26 =	vld [tilespmem:s30+$0xFFFFFE80]  }
0x4b9: {  	v27 =	vld [tilespmem:s30+$0xFFFFFE90]  }
0x4ba: {  	v28 =	vld [tilespmem:s30+$0xFFFFFEA0]  }
0x4bb: {  	v29 =	vld [tilespmem:s30+$0xFFFFFEB0]  }
0x4bc: {  	v30 =	vld [tilespmem:s30+$0xFFFFFEC0]  }
0x4bd: {  	v31 =	vld [tilespmem:s30+$0xFFFFFED0]  }
0x4be: {  	v32 =	vld [tilespmem:s30+$0xFFFFFEE0]  }
0x4bf: {  	v33 =	vld [tilespmem:s30+$0xFFFFFEF0]  }
0x4c0: {  	v34 =	vld [tilespmem:s30+$0xFFFFFF00]  }
0x4c1: {  	v35 =	vld [tilespmem:s30+$0xFFFFFF10]  }
0x4c2: {  	v36 =	vld [tilespmem:s30+$0xFFFFFF20]  }
0x4c3: {  	v4 =	vadd.f32 v5, v4;
	v5 =	vadd.f32 v8, v6;
	v6 =	vld [tilespmem:s30+$0xFFFFFF30]  }
0x4c4: {  	v7 =	vadd.f32 v9, v7;
	v9 =	vld [tilespmem:s30+$0xFFFFFF40]  }
0x4c5: {  	v8 =	vadd.f32 v12, v10;
	v43 =	vld [tilespmem:s30+$0xFFFFFF50]  }
0x4c6: {  	v10 =	vadd.f32 v13, v11;
	v11 =	vadd.f32 v16, v14;
	v46 =	vld [tilespmem:s30+$0xFFFFFF60]  }
0x4c7: {  	v47 =	vadd.f32 v20, v19;
	v49 =	vld [tilespmem:s30+$0xFFFFFF70];
	v2 =	vadd.f32 v3, v2  }
0x4c8: {  	v50 =	vld [tilespmem:s30+$0xFFFFFFA0];
	v44 =	vadd.f32 v17, v15;
	v48 =	vadd.f32 v23, v22  }
0x4c9: {  	v52 =	vld [tilespmem:s30+$0xFFFFFE40];
	v4 =	vadd.f32 v5, v4;
	v5 =	vadd.f32 v8, v7  }
0x4ca: {  	v60 =	vld [tilespmem:s30+$0xFFFFFFE0];
	v8 =	vadd.f32 v11, v10;
	v45 =	vadd.f32 v21, v18  }
0x4cb: {  	v61 =	vld [tilespmem:s30+$0xFFFFFFF0];
	v3 =	vadd.f32 v48, v47;
	v4 =	vadd.f32 v5, v4  }
0x4cc: {  	v7 =	vld [tilespmem:s30+$0xFFFFFF80];
	v10 =	vadd.f32 v45, v44;
	v51 =	vadd.f32 v29, v28  }
0x4cd: {  	v11 =	vld [tilespmem:s30+$0xFFFFFF90];
	v53 =	vadd.f32 v25, v24;
	v54 =	vadd.f32 v31, v30  }
0x4ce: {  	v56 =	vadd.f32 v33, v32;
	v5 =	vadd.f32 v10, v8;
	v8 =	vld [tilespmem:s30+$0xFFFFFFB0]  }
0x4cf: {  	s0 =	sadd.s32 $0x1, s29;
	v58 =	vadd.f32 v35, v34;
	v6 =	vadd.f32 v6, v36  }
0x4d0: {  	v55 =	vld [tilespmem:s30+$0xFFFFFFC0];
	v59 =	vmov s0;
	v9 =	vadd.f32 v43, v9;
	v15 =	vadd.f32 v49, v46  }
0x4d1: {  	v57 =	vld [tilespmem:s30+$0xFFFFFFD0];
	v23 =	vadd.s32 $0x140, v59;
	v1 =	vadd.f32 v1, v52;
	v12 =	vadd.f32 v61, v60  }
0x4d2: {  	v62 =	vand.u32 $0x17F, v23;
	v10 =	vadd.f32 v27, v26;
	v14 =	vadd.f32 v56, v54  }
0x4d3: {  	v63 =	vbroadcast v62, $0x0;
	v7 =	vadd.f32 v11, v7;
	v8 =	vadd.f32 v8, v50  }
0x4d4: {  	v6 =	vadd.f32 v6, v58;
	v9 =	vadd.f32 v15, v9;
	v11 =	vmov s29  }
0x4d5: {  	v1 =	vadd.f32 v53, v1;
	v11 =	vadd.s32 $0x140, v11;
	v7 =	vadd.f32 v8, v7  }
0x4d6: {  	v10 =	vadd.f32 v51, v10;
	v11 =	vand.u32 $0x17E, v11;
	v8 =	vadd.f32 v57, v55  }
0x4d7: {  	v6 =	vadd.f32 v6, v14;
	v7 =	vadd.f32 v7, v9;
	v9 =	vbroadcast v11, $0x0  }
0x4d8: {  	v1 =	vadd.f32 v10, v1;
	v11 =	vor.u32 v0, v63;
	v8 =	vadd.f32 v12, v8  }
0x4d9: {  	v3 =	vadd.f32 v4, v3;
	v2 =	vadd.f32 v2, v5;
	v4 =	vor.u32 v0, v9  }
0x4da: {  	v1 =	vadd.f32 v6, v1;
	v5 =	vadd.f32 v8, v7  }
0x4db: {  	v2 =	vadd.f32 v2, v3  }
0x4dc: {  	v1 =	vadd.f32 v5, v1  }
0x4dd: {  	[tilespmem:v11+s23+$0x0] =	vst.idx.msk $0xffff, v2  }
0x4de: {  	[tilespmem:v4+s23+$0x0] =	vst.idx.msk $0xffff, v1  }
0x4df: {  	_ =	swait.ge [sflag:s19], $0x2000  }
0x4e0: {  	[sflag:s19] =	ssyncset.done $0x0  }
0x4e1: {  	s1 =	simm.s32 $0x20E4;
	[sflag:s19] =	ssyncadd.s32 $0xFFFFE000  }
0x4e2: {  	v1 =	vld [tilespmem:s1+$0x0];
	_ =	sdelay $0x3  }
0x4e3: {  	v2 =	vld [tilespmem:s1+$0xFFFFFF80]  }
0x4e4: {  	v3 =	vadd.f32 $5.000000000e-01, v1;
	_ =	sdelay $0x1  }
0x4e5: {  	v3 =	vmul.f32 $1.838235220e-05, v3;
	_ =	sdelay $0x1  }
0x4e6: {  	v4 =	vadd.f32 $5.000000000e-01, v2;
	v3 =	vtrunc.f32 v3  }
0x4e7: {  	v3 =	vcvt.f32.s32 v3  }
0x4e8: {  	v1 =	vtrunc.f32 v1;
	v4 =	vmul.f32 $1.838235220e-05, v4  }
0x4e9: {  	v1 =	vcvt.f32.s32 v1;
	v5 =	vmul.u32 $0x1FFF2B80, v3  }
0x4ea: {  	s29 =	simm.s32 $0x21E4;
	v4 =	vtrunc.f32 v4  }
0x4eb: {  	v6 =	vld [tilespmem:s29+$0x0];
	v4 =	vcvt.f32.s32 v4;
	v1 =	vadd.s32 v1, v5  }
0x4ec: {  	v2 =	vtrunc.f32 v2;
	v1 =	vshll.u32 v1, $0x3  }
0x4ed: {  	s31 =	simm.s32 $0x471C;
	v2 =	vcvt.f32.s32 v2;
	v7 =	vmul.u32 $0x1FFF2B80, v4;
	v5 =	vld [tilespmem:s29+$0xFFFFFF80];
	v1 =	vadd.s32 v3, v1  }
0x4ee: {  	[tilespmem:s31+$0x0] =	vst v1  }
0x4ef: {  	v2 =	vadd.s32 v2, v7;
	v1 =	vld [tilespmem:s1+$0xC]  }
0x4f0: {  	v2 =	vshll.u32 v2, $0x3;
	v3 =	vadd.f32 $5.000000000e-01, v6  }
0x4f1: {  	v2 =	vadd.s32 v4, v2  }
0x4f2: {  	[tilespmem:s31+$0xFFFFFFE4] =	vst v2;
	v3 =	vmul.f32 $1.838235220e-05, v3;
	v4 =	vadd.f32 $5.000000000e-01, v5  }
0x4f3: {  	v6 =	vtrunc.f32 v6;
	v9 =	vld [tilespmem:s1+$0xFFFFFF8C];
	v2 =	vtrunc.f32 v5  }
0x4f4: {  	v3 =	vtrunc.f32 v3;
	v4 =	vmul.f32 $1.838235220e-05, v4;
	v7 =	vadd.f32 $5.000000000e-01, v1  }
0x4f5: {  	v2 =	vcvt.f32.s32 v2;
	v5 =	vcvt.f32.s32 v3  }
0x4f6: {  	v4 =	vtrunc.f32 v4;
	v10 =	vmul.f32 $1.838235220e-05, v7  }
0x4f7: {  	v8 =	vmul.u32 $0x1FFF2B80, v5;
	v3 =	vcvt.f32.s32 v4;
	v7 =	vcvt.f32.s32 v6  }
0x4f8: {  	s0 =	simm.s32 $0x2;
	s30 =	simm.s32 $0x471C;
	s1 =	simm.s32 $0x22E4;
	v4 =	vtrunc.f32 v9;
	v6 =	vadd.f32 $5.000000000e-01, v9;
	v9 =	vtrunc.f32 v10  }
.LBB2_28:
0x4f9: {  	v10 =	vld [tilespmem:s1+$0x0];
	s0 =	sadd.s32 $0x2, s0;
	v11 =	vmul.u32 $0x1FFF2B80, v3;
	v7 =	vadd.s32 v7, v8;
	v8 =	vcvt.f32.s32 v9  }
0x4fa: {  	v1 =	vtrunc.f32 v1;
	v9 =	vld [tilespmem:s1+$0xFFFFFF80];
	p0 =	slt.u32 s0, $0x3E;
	v7 =	vshll.u32 v7, $0x3;
	v6 =	vmul.f32 $1.838235220e-05, v6  }
0x4fb: {  	s31 =	sadd.s32 $0x38, s31;
	v5 =	vadd.s32 v5, v7;
	v7 =	vcvt.f32.s32 v1;
	v12 =	vmul.u32 $0x1FFF2B80, v8  }
0x4fc: {  	v4 =	vcvt.f32.s32 v4;
	v1 =	vadd.s32 v2, v11;
	[tilespmem:s31+$0x0] =	vst v5;
	v2 =	vtrunc.f32 v6  }
0x4fd: {  	v5 =	vshll.u32 v1, $0x3;
	v1 =	vld [tilespmem:s29+$0xC];
	v6 =	vcvt.f32.s32 v2;
	v2 =	vadd.s32 v7, v12  }
0x4fe: {  	v3 =	vadd.s32 v3, v5;
	v7 =	vadd.f32 $5.000000000e-01, v10;
	v2 =	vshll.u32 v2, $0x3  }
0x4ff: {  	v5 =	vadd.f32 $5.000000000e-01, v9;
	v9 =	vtrunc.f32 v9;
	[tilespmem:s31+$0xFFFFFFE4] =	vst v3;
	v3 =	vadd.s32 v8, v2  }
0x500: {  	v8 =	vmul.u32 $0x1FFF2B80, v6;
	v2 =	vcvt.f32.s32 v9;
	v7 =	vmul.f32 $1.838235220e-05, v7;
	v9 =	vld [tilespmem:s29+$0xFFFFFF8C];
	[tilespmem:s30+$0xC] =	vst v3;
	s29 =	smov.u32 s1  }
0x501: {  	v3 =	vmul.f32 $1.838235220e-05, v5  }
.Ltmp13:
0x502: {  	v4 =	vadd.s32 v4, v8;
	v5 =	vtrunc.f32 v7;
	v7 =	vadd.f32 $5.000000000e-01, v1;
	(pc) =	sbr.rel @p0 .LBB2_28-.Ltmp13, $4  }
0x503: {  	v4 =	vshll.u32 v4, $0x3;
	v3 =	vtrunc.f32 v3;
	v5 =	vcvt.f32.s32 v5  }
0x504: {  	v8 =	vtrunc.f32 v10;
	v4 =	vadd.s32 v6, v4;
	v10 =	vmul.f32 $1.838235220e-05, v7  }
0x505: {  	v3 =	vcvt.f32.s32 v3;
	v7 =	vcvt.f32.s32 v8;
	v8 =	vmul.u32 $0x1FFF2B80, v5;
	[tilespmem:s30+$0xFFFFFFF0] =	vst v4;
	s30 =	smov.u32 s31  }
0x506: {  	s1 =	sadd.s32 $0x100, s1;
	v6 =	vadd.f32 $5.000000000e-01, v9;
	v4 =	vtrunc.f32 v9;
	v9 =	vtrunc.f32 v10  }
0x507: {  	v10 =	vmul.u32 $0x1FFF2B80, v3  }
0x508: {  	v7 =	vadd.s32 v7, v8  }
0x509: {  	v7 =	vshll.u32 v7, $0x3;
	v2 =	vadd.s32 v2, v10  }
0x50a: {  	s0 =	sadd.s32 $0x38, s31;
	v5 =	vadd.s32 v5, v7;
	v2 =	vshll.u32 v2, $0x3  }
0x50b: {  	[tilespmem:s0+$0x0] =	vst v5;
	v2 =	vadd.s32 v3, v2  }
0x50c: {  	v3 =	vld [tilespmem:s29+$0xC];
	[tilespmem:s0+$0xFFFFFFE4] =	vst v2  }
0x50d: {  	v2 =	vld [tilespmem:s29+$0xFFFFFF8C];
	_ =	sdelay $0x2  }
0x50e: {  	v1 =	vtrunc.f32 v1  }
0x50f: {  	v6 =	vmul.f32 $1.838235220e-05, v6;
	v5 =	vcvt.f32.s32 v9;
	v7 =	vadd.f32 $5.000000000e-01, v3  }
0x510: {  	v1 =	vcvt.f32.s32 v1;
	v8 =	vadd.f32 $5.000000000e-01, v2  }
0x511: {  	v6 =	vtrunc.f32 v6;
	v9 =	vmul.u32 $0x1FFF2B80, v5;
	v7 =	vmul.f32 $1.838235220e-05, v7  }
0x512: {  	v6 =	vcvt.f32.s32 v6;
	v8 =	vmul.f32 $1.838235220e-05, v8  }
0x513: {  	v4 =	vcvt.f32.s32 v4;
	v1 =	vadd.s32 v1, v9;
	v7 =	vtrunc.f32 v7  }
0x514: {  	v9 =	vmul.u32 $0x1FFF2B80, v6;
	v7 =	vcvt.f32.s32 v7;
	v8 =	vtrunc.f32 v8  }
0x515: {  	v1 =	vshll.u32 v1, $0x3;
	v3 =	vtrunc.f32 v3;
	v8 =	vcvt.f32.s32 v8  }
0x516: {  	v3 =	vcvt.f32.s32 v3;
	v2 =	vtrunc.f32 v2;
	v10 =	vmul.u32 $0x1FFF2B80, v7  }
0x517: {  	v4 =	vadd.s32 v4, v9;
	v2 =	vcvt.f32.s32 v2;
	v9 =	vmul.u32 $0x1FFF2B80, v8  }
0x518: {  	v1 =	vadd.s32 v5, v1;
	v4 =	vshll.u32 v4, $0x3;
	v3 =	vadd.s32 v3, v10  }
0x519: {  	[tilespmem:s30+$0xC] =	vst v1;
	v1 =	vadd.s32 v6, v4;
	v3 =	vshll.u32 v3, $0x3;
	v2 =	vadd.s32 v2, v9  }
0x51a: {  	[tilespmem:s30+$0xFFFFFFF0] =	vst v1;
	v1 =	vadd.s32 v7, v3;
	v2 =	vshll.u32 v2, $0x3  }
0x51b: {  	[tilespmem:s0+$0xC] =	vst v1;
	v1 =	vadd.s32 v8, v2  }
0x51c: {  	[tilespmem:s0+$0xFFFFFFF0] =	vst v1  }
0x51d: {  	[tilespmem:s21], [sflag:$0x4] =	stream.indirect.gather [hbm4b:s3+s15], $0x10, s20, s15, $0xb8;
	[tilespmem:$0x14E00] =	vst v63  }
0x51e: {  	_ =	swait.ge [sflag:s22], $0x7000  }
0x51f: {  	[sflag:s22] =	ssyncset.done $0x0  }
0x520: {  	s29 =	simm.s32 $0x4FC0;
	[sflag:s22] =	ssyncadd.s32 $0xFFFF9000  }
0x521: {  	v1 =	vld [tilespmem:s29+$0x180]  }
0x522: {  	v2 =	vld [tilespmem:s29+$0x190]  }
0x523: {  	v3 =	vld [tilespmem:s29+$0x1A0]  }
0x524: {  	v19 =	vld [tilespmem:s29+$0x1B0]  }
0x525: {  	v20 =	vld [tilespmem:s29+$0x0]  }
0x526: {  	v22 =	vld [tilespmem:s29+$0x10]  }
0x527: {  	v23 =	vld [tilespmem:s29+$0x20]  }
0x528: {  	v24 =	vld [tilespmem:s29+$0x30]  }
0x529: {  	v25 =	vld [tilespmem:s29+$0x40]  }
0x52a: {  	v26 =	vld [tilespmem:s29+$0x50]  }
0x52b: {  	v27 =	vld [tilespmem:s29+$0x60]  }
0x52c: {  	v28 =	vld [tilespmem:s29+$0x70]  }
0x52d: {  	v4 =	vld [tilespmem:s29+$0x80]  }
0x52e: {  	v5 =	vld [tilespmem:s29+$0x90]  }
0x52f: {  	v6 =	vld [tilespmem:s29+$0xA0]  }
0x530: {  	v8 =	vld [tilespmem:s29+$0xB0]  }
0x531: {  	v7 =	vld [tilespmem:s29+$0xC0]  }
0x532: {  	v9 =	vld [tilespmem:s29+$0xD0]  }
0x533: {  	v10 =	vld [tilespmem:s29+$0xE0]  }
0x534: {  	v12 =	vld [tilespmem:s29+$0xF0]  }
0x535: {  	v11 =	vld [tilespmem:s29+$0x100]  }
0x536: {  	v13 =	vld [tilespmem:s29+$0x110]  }
0x537: {  	v14 =	vld [tilespmem:s29+$0x120]  }
0x538: {  	v16 =	vld [tilespmem:s29+$0x130]  }
0x539: {  	v15 =	vld [tilespmem:s29+$0x140]  }
0x53a: {  	v17 =	vld [tilespmem:s29+$0x150]  }
0x53b: {  	v18 =	vld [tilespmem:s29+$0x160];
	v2 =	vadd.f32 v2, v1;
	v3 =	vadd.f32 v19, v3  }
0x53c: {  	v21 =	vld [tilespmem:s29+$0x170];
	v19 =	vadd.f32 v22, v20;
	v20 =	vadd.f32 v24, v23  }
0x53d: {  	s31 =	simm.s32 $0x2;
	s30 =	simm.s32 $0x0;
	v1 =	vld [tilespmem:s29+$0xFFFFFE50];
	v22 =	vadd.f32 v26, v25;
	v23 =	vadd.f32 v28, v27  }
.LBB2_30:
0x53e: {  	p0 =	slt.u32 s31, $0x3E;
	v24 =	vld [tilespmem:s29+$0xFFFFFE60];
	v4 =	vadd.f32 v5, v4;
	v5 =	vadd.f32 v8, v6  }
0x53f: {  	v7 =	vadd.f32 v9, v7;
	v8 =	vadd.f32 v12, v10;
	v6 =	vld [tilespmem:s29+$0xFFFFFE70]  }
0x540: {  	v10 =	vadd.f32 v13, v11;
	v11 =	vadd.f32 v16, v14;
	v9 =	vld [tilespmem:s29+$0xFFFFFE80]  }
0x541: {  	s0 =	sadd.s32 $0x1, s30;
	v13 =	vadd.f32 v17, v15;
	v12 =	vld [tilespmem:s29+$0xFFFFFE90];
	v14 =	vadd.f32 v21, v18  }
0x542: {  	v16 =	vadd.f32 v20, v19;
	v17 =	vadd.f32 v23, v22;
	v18 =	vmov s0;
	v15 =	vld [tilespmem:s29+$0xFFFFFEA0]  }
0x543: {  	v4 =	vadd.f32 v5, v4;
	v5 =	vadd.f32 v8, v7;
	v7 =	vadd.s32 $0x180, v18;
	v19 =	vld [tilespmem:s29+$0xFFFFFEB0]  }
0x544: {  	v10 =	vadd.f32 v11, v10;
	v11 =	vadd.f32 v14, v13;
	v7 =	vand.u32 $0x1BF, v7;
	v8 =	vld [tilespmem:s29+$0xFFFFFEC0]  }
0x545: {  	v2 =	vadd.f32 v3, v2;
	v3 =	vadd.f32 v17, v16;
	v7 =	vbroadcast v7, $0x0;
	v13 =	vld [tilespmem:s29+$0xFFFFFED0]  }
0x546: {  	v4 =	vadd.f32 v5, v4;
	v5 =	vadd.f32 v11, v10;
	v14 =	vld [tilespmem:s29+$0xFFFFFEE0]  }
0x547: {  	v6 =	vadd.f32 v6, v24;
	v9 =	vadd.f32 v12, v9;
	v7 =	vor.u32 v0, v7;
	v10 =	vld [tilespmem:s29+$0xFFFFFEF0]  }
0x548: {  	v3 =	vadd.f32 v4, v3;
	v2 =	vadd.f32 v2, v5;
	v11 =	vld [tilespmem:s29+$0xFFFFFF00]  }
0x549: {  	v5 =	vadd.f32 v19, v15;
	v4 =	vld [tilespmem:s29+$0xFFFFFF10]  }
0x54a: {  	v2 =	vadd.f32 v2, v3;
	v12 =	vld [tilespmem:s29+$0xFFFFFF20];
	v8 =	vadd.f32 v13, v8  }
0x54b: {  	v5 =	vadd.f32 v5, v9;
	v3 =	vld [tilespmem:s29+$0xFFFFFF30]  }
0x54c: {  	v9 =	vld [tilespmem:s29+$0xFFFFFF40];
	v10 =	vadd.f32 v10, v14;
	[tilespmem:v7+s23+$0x0] =	vst.idx.msk $0xffff, v2  }
0x54d: {  	v2 =	vld [tilespmem:s29+$0xFFFFFF50]  }
0x54e: {  	v7 =	vld [tilespmem:s29+$0xFFFFFF60];
	v4 =	vadd.f32 v4, v11;
	v8 =	vadd.f32 v10, v8  }
0x54f: {  	v10 =	vld [tilespmem:s29+$0xFFFFFF70]  }
0x550: {  	v11 =	vld [tilespmem:s29+$0xFFFFFF80];
	v3 =	vadd.f32 v3, v12  }
0x551: {  	v12 =	vld [tilespmem:s29+$0xFFFFFF90]  }
0x552: {  	v13 =	vld [tilespmem:s29+$0xFFFFFFA0];
	v2 =	vadd.f32 v2, v9;
	v3 =	vadd.f32 v3, v4  }
0x553: {  	v4 =	vld [tilespmem:s29+$0xFFFFFFB0]  }
0x554: {  	v9 =	vld [tilespmem:s29+$0xFFFFFE40];
	v7 =	vadd.f32 v10, v7;
	v3 =	vadd.f32 v3, v8  }
0x555: {  	v8 =	vld [tilespmem:s29+$0xFFFFFFC0]  }
0x556: {  	v10 =	vld [tilespmem:s29+$0xFFFFFFD0];
	v11 =	vadd.f32 v12, v11;
	v2 =	vadd.f32 v7, v2  }
0x557: {  	v7 =	vld [tilespmem:s29+$0xFFFFFFE0]  }
0x558: {  	v12 =	vld [tilespmem:s29+$0xFFFFFFF0];
	v4 =	vadd.f32 v4, v13;
	s29 =	sadd.s32 $0x380, s29  }
0x559: {  	v19 =	vld [tilespmem:s29+$0x180];
	v1 =	vadd.f32 v1, v9  }
0x55a: {  	v20 =	vld [tilespmem:s29+$0x190];
	v4 =	vadd.f32 v4, v11  }
0x55b: {  	v21 =	vld [tilespmem:s29+$0x1A0];
	v8 =	vadd.f32 v10, v8;
	v1 =	vadd.f32 v6, v1;
	v6 =	vmov s30;
	s30 =	smov.u32 s31  }
0x55c: {  	v22 =	vld [tilespmem:s29+$0x1B0];
	v2 =	vadd.f32 v4, v2;
	v4 =	vadd.s32 $0x180, v6  }
0x55d: {  	v23 =	vld [tilespmem:s29+$0x0];
	v6 =	vadd.f32 v12, v7;
	v1 =	vadd.f32 v5, v1;
	v4 =	vand.u32 $0x1BE, v4  }
0x55e: {  	v24 =	vld [tilespmem:s29+$0x10];
	v4 =	vbroadcast v4, $0x0  }
0x55f: {  	v25 =	vld [tilespmem:s29+$0x20];
	v5 =	vadd.f32 v6, v8;
	v1 =	vadd.f32 v3, v1  }
0x560: {  	v26 =	vld [tilespmem:s29+$0x30];
	v3 =	vor.u32 v0, v4  }
0x561: {  	v27 =	vld [tilespmem:s29+$0x40];
	v2 =	vadd.f32 v5, v2  }
0x562: {  	v28 =	vld [tilespmem:s29+$0x50]  }
0x563: {  	v29 =	vld [tilespmem:s29+$0x60];
	v1 =	vadd.f32 v2, v1  }
0x564: {  	v30 =	vld [tilespmem:s29+$0x70]  }
0x565: {  	v4 =	vld [tilespmem:s29+$0x80];
	[tilespmem:v3+s23+$0x0] =	vst.idx.msk $0xffff, v1  }
0x566: {  	v5 =	vld [tilespmem:s29+$0x90]  }
0x567: {  	v6 =	vld [tilespmem:s29+$0xA0]  }
0x568: {  	v8 =	vld [tilespmem:s29+$0xB0]  }
0x569: {  	v7 =	vld [tilespmem:s29+$0xC0]  }
0x56a: {  	v9 =	vld [tilespmem:s29+$0xD0]  }
0x56b: {  	v10 =	vld [tilespmem:s29+$0xE0]  }
0x56c: {  	v12 =	vld [tilespmem:s29+$0xF0]  }
0x56d: {  	v11 =	vld [tilespmem:s29+$0x100]  }
0x56e: {  	v13 =	vld [tilespmem:s29+$0x110]  }
0x56f: {  	v14 =	vld [tilespmem:s29+$0x120]  }
0x570: {  	v16 =	vld [tilespmem:s29+$0x130]  }
.Ltmp14:
0x571: {  	v15 =	vld [tilespmem:s29+$0x140];
	(pc) =	sbr.rel @p0 .LBB2_30-.Ltmp14, $4  }
0x572: {  	v17 =	vld [tilespmem:s29+$0x150]  }
0x573: {  	v2 =	vadd.f32 v20, v19;
	v3 =	vadd.f32 v22, v21;
	v18 =	vld [tilespmem:s29+$0x160]  }
0x574: {  	v19 =	vadd.f32 v24, v23;
	v20 =	vadd.f32 v26, v25;
	v21 =	vld [tilespmem:s29+$0x170]  }
0x575: {  	s31 =	sadd.s32 $0x2, s31;
	v22 =	vadd.f32 v28, v27;
	v23 =	vadd.f32 v30, v29;
	v1 =	vld [tilespmem:s29+$0xFFFFFE50]  }
0x576: {  	v24 =	vld [tilespmem:s29+$0xFFFFFE60]  }
0x577: {  	v25 =	vld [tilespmem:s29+$0xFFFFFE70]  }
0x578: {  	v26 =	vld [tilespmem:s29+$0xFFFFFE80]  }
0x579: {  	v27 =	vld [tilespmem:s29+$0xFFFFFE90]  }
0x57a: {  	v28 =	vld [tilespmem:s29+$0xFFFFFEA0]  }
0x57b: {  	v29 =	vld [tilespmem:s29+$0xFFFFFEB0]  }
0x57c: {  	v30 =	vld [tilespmem:s29+$0xFFFFFEC0]  }
0x57d: {  	v31 =	vld [tilespmem:s29+$0xFFFFFED0]  }
0x57e: {  	v32 =	vld [tilespmem:s29+$0xFFFFFEE0]  }
0x57f: {  	v33 =	vld [tilespmem:s29+$0xFFFFFEF0]  }
0x580: {  	v34 =	vld [tilespmem:s29+$0xFFFFFF00]  }
0x581: {  	v35 =	vld [tilespmem:s29+$0xFFFFFF10]  }
0x582: {  	v36 =	vld [tilespmem:s29+$0xFFFFFF20]  }
0x583: {  	v4 =	vadd.f32 v5, v4;
	v5 =	vadd.f32 v8, v6;
	v6 =	vld [tilespmem:s29+$0xFFFFFF30]  }
0x584: {  	v7 =	vadd.f32 v9, v7;
	v8 =	vadd.f32 v12, v10;
	v9 =	vld [tilespmem:s29+$0xFFFFFF40]  }
0x585: {  	v10 =	vadd.f32 v13, v11;
	v11 =	vadd.f32 v16, v14;
	v12 =	vld [tilespmem:s29+$0xFFFFFF50]  }
0x586: {  	v16 =	vadd.f32 v20, v19;
	v2 =	vadd.f32 v3, v2;
	v20 =	vld [tilespmem:s29+$0xFFFFFFC0]  }
0x587: {  	v13 =	vadd.f32 v17, v15;
	v15 =	vld [tilespmem:s29+$0xFFFFFF60];
	v17 =	vadd.f32 v23, v22  }
0x588: {  	v4 =	vadd.f32 v5, v4;
	v5 =	vadd.f32 v8, v7;
	v7 =	vld [tilespmem:s29+$0xFFFFFF80]  }
0x589: {  	v8 =	vadd.f32 v11, v10;
	v11 =	vld [tilespmem:s29+$0xFFFFFF90];
	v14 =	vadd.f32 v21, v18  }
0x58a: {  	v18 =	vld [tilespmem:s29+$0xFFFFFF70];
	v3 =	vadd.f32 v17, v16;
	v4 =	vadd.f32 v5, v4  }
0x58b: {  	v16 =	vld [tilespmem:s29+$0xFFFFFE40];
	v10 =	vadd.f32 v14, v13;
	v14 =	vadd.f32 v29, v28  }
0x58c: {  	v13 =	vld [tilespmem:s29+$0xFFFFFFA0];
	v17 =	vadd.f32 v25, v24;
	v23 =	vadd.f32 v35, v34  }
0x58d: {  	v6 =	vadd.f32 v6, v36;
	v5 =	vadd.f32 v10, v8;
	v8 =	vld [tilespmem:s29+$0xFFFFFFB0]  }
0x58e: {  	s0 =	sadd.s32 $0x1, s30;
	v58 =	vld [tilespmem:s29+$0xFFFFFFE0];
	v19 =	vadd.f32 v31, v30;
	v9 =	vadd.f32 v12, v9  }
0x58f: {  	v22 =	vmov s0;
	v21 =	vld [tilespmem:s29+$0xFFFFFFD0];
	v10 =	vadd.f32 v27, v26;
	v6 =	vadd.f32 v6, v23  }
0x590: {  	v22 =	vadd.s32 $0x180, v22;
	v12 =	vld [tilespmem:s29+$0xFFFFFFF0];
	v7 =	vadd.f32 v11, v7;
	v15 =	vadd.f32 v18, v15  }
0x591: {  	v11 =	vmov s30;
	v1 =	vadd.f32 v1, v16;
	v10 =	vadd.f32 v14, v10  }
0x592: {  	v11 =	vadd.s32 $0x180, v11;
	v14 =	vadd.f32 v33, v32;
	v8 =	vadd.f32 v8, v13  }
0x593: {  	v11 =	vand.u32 $0x1BE, v11;
	v9 =	vadd.f32 v15, v9;
	v1 =	vadd.f32 v17, v1  }
0x594: {  	v14 =	vadd.f32 v14, v19;
	v19 =	vand.u32 $0x1BF, v22;
	v7 =	vadd.f32 v8, v7  }
0x595: {  	v12 =	vadd.f32 v12, v58;
	v18 =	vbroadcast v19, $0x0;
	v8 =	vadd.f32 v21, v20  }
0x596: {  	v1 =	vadd.f32 v10, v1;
	v7 =	vadd.f32 v7, v9;
	v9 =	vbroadcast v11, $0x0  }
0x597: {  	v6 =	vadd.f32 v6, v14;
	v11 =	vor.u32 v0, v18;
	v8 =	vadd.f32 v12, v8  }
0x598: {  	v3 =	vadd.f32 v4, v3;
	v2 =	vadd.f32 v2, v5;
	v4 =	vor.u32 v0, v9  }
0x599: {  	v1 =	vadd.f32 v6, v1;
	v5 =	vadd.f32 v8, v7  }
0x59a: {  	v2 =	vadd.f32 v2, v3  }
0x59b: {  	v1 =	vadd.f32 v5, v1  }
0x59c: {  	[tilespmem:v11+s23+$0x0] =	vst.idx.msk $0xffff, v2  }
0x59d: {  	[tilespmem:v4+s23+$0x0] =	vst.idx.msk $0xffff, v1  }
0x59e: {  	_ =	swait.ge [sflag:s24], $0x7000  }
0x59f: {  	[sflag:s24] =	ssyncset.done $0x0  }
0x5a0: {  	s29 =	simm.s32 $0xBFC0;
	[sflag:s24] =	ssyncadd.s32 $0xFFFF9000  }
0x5a1: {  	v1 =	vld [tilespmem:s29+$0x180]  }
0x5a2: {  	v2 =	vld [tilespmem:s29+$0x190]  }
0x5a3: {  	v3 =	vld [tilespmem:s29+$0x1A0]  }
0x5a4: {  	v19 =	vld [tilespmem:s29+$0x1B0]  }
0x5a5: {  	v20 =	vld [tilespmem:s29+$0x0]  }
0x5a6: {  	v22 =	vld [tilespmem:s29+$0x10]  }
0x5a7: {  	v23 =	vld [tilespmem:s29+$0x20]  }
0x5a8: {  	v59 =	vld [tilespmem:s29+$0x30]  }
0x5a9: {  	v60 =	vld [tilespmem:s29+$0x40]  }
0x5aa: {  	v61 =	vld [tilespmem:s29+$0x50]  }
0x5ab: {  	v62 =	vld [tilespmem:s29+$0x60]  }
0x5ac: {  	v63 =	vld [tilespmem:s29+$0x70]  }
0x5ad: {  	v4 =	vld [tilespmem:s29+$0x80]  }
0x5ae: {  	v5 =	vld [tilespmem:s29+$0x90]  }
0x5af: {  	v6 =	vld [tilespmem:s29+$0xA0]  }
0x5b0: {  	v8 =	vld [tilespmem:s29+$0xB0]  }
0x5b1: {  	v7 =	vld [tilespmem:s29+$0xC0]  }
0x5b2: {  	v9 =	vld [tilespmem:s29+$0xD0]  }
0x5b3: {  	v10 =	vld [tilespmem:s29+$0xE0]  }
0x5b4: {  	v12 =	vld [tilespmem:s29+$0xF0]  }
0x5b5: {  	v11 =	vld [tilespmem:s29+$0x100]  }
0x5b6: {  	v13 =	vld [tilespmem:s29+$0x110]  }
0x5b7: {  	v14 =	vld [tilespmem:s29+$0x120]  }
0x5b8: {  	v16 =	vld [tilespmem:s29+$0x130]  }
0x5b9: {  	v15 =	vld [tilespmem:s29+$0x140]  }
0x5ba: {  	v17 =	vld [tilespmem:s29+$0x150]  }
0x5bb: {  	v18 =	vld [tilespmem:s29+$0x160];
	v2 =	vadd.f32 v2, v1;
	v3 =	vadd.f32 v19, v3  }
0x5bc: {  	v21 =	vld [tilespmem:s29+$0x170];
	v19 =	vadd.f32 v22, v20;
	v20 =	vadd.f32 v59, v23  }
0x5bd: {  	s31 =	simm.s32 $0x2;
	s30 =	simm.s32 $0x0;
	v1 =	vld [tilespmem:s29+$0xFFFFFE50];
	v22 =	vadd.f32 v61, v60;
	v23 =	vadd.f32 v63, v62  }
.LBB2_32:
0x5be: {  	p0 =	slt.u32 s31, $0x3E;
	v24 =	vld [tilespmem:s29+$0xFFFFFE60];
	v4 =	vadd.f32 v5, v4;
	v5 =	vadd.f32 v8, v6  }
0x5bf: {  	v7 =	vadd.f32 v9, v7;
	v8 =	vadd.f32 v12, v10;
	v6 =	vld [tilespmem:s29+$0xFFFFFE70]  }
0x5c0: {  	v10 =	vadd.f32 v13, v11;
	v11 =	vadd.f32 v16, v14;
	v9 =	vld [tilespmem:s29+$0xFFFFFE80]  }
0x5c1: {  	s0 =	sadd.s32 $0x1, s30;
	v13 =	vadd.f32 v17, v15;
	v12 =	vld [tilespmem:s29+$0xFFFFFE90];
	v14 =	vadd.f32 v21, v18  }
0x5c2: {  	v16 =	vadd.f32 v20, v19;
	v17 =	vadd.f32 v23, v22;
	v18 =	vmov s0;
	v15 =	vld [tilespmem:s29+$0xFFFFFEA0]  }
0x5c3: {  	v4 =	vadd.f32 v5, v4;
	v5 =	vadd.f32 v8, v7;
	v7 =	vadd.s32 $0x1C0, v18;
	v19 =	vld [tilespmem:s29+$0xFFFFFEB0]  }
0x5c4: {  	v10 =	vadd.f32 v11, v10;
	v11 =	vadd.f32 v14, v13;
	v7 =	vand.u32 $0x1FF, v7;
	v8 =	vld [tilespmem:s29+$0xFFFFFEC0]  }
0x5c5: {  	v2 =	vadd.f32 v3, v2;
	v3 =	vadd.f32 v17, v16;
	v7 =	vbroadcast v7, $0x0;
	v13 =	vld [tilespmem:s29+$0xFFFFFED0]  }
0x5c6: {  	v4 =	vadd.f32 v5, v4;
	v5 =	vadd.f32 v11, v10;
	v14 =	vld [tilespmem:s29+$0xFFFFFEE0]  }
0x5c7: {  	v6 =	vadd.f32 v6, v24;
	v9 =	vadd.f32 v12, v9;
	v7 =	vor.u32 v0, v7;
	v10 =	vld [tilespmem:s29+$0xFFFFFEF0]  }
0x5c8: {  	v3 =	vadd.f32 v4, v3;
	v2 =	vadd.f32 v2, v5;
	v11 =	vld [tilespmem:s29+$0xFFFFFF00]  }
0x5c9: {  	v5 =	vadd.f32 v19, v15;
	v4 =	vld [tilespmem:s29+$0xFFFFFF10]  }
0x5ca: {  	v2 =	vadd.f32 v2, v3;
	v12 =	vld [tilespmem:s29+$0xFFFFFF20];
	v8 =	vadd.f32 v13, v8  }
0x5cb: {  	v5 =	vadd.f32 v5, v9;
	v3 =	vld [tilespmem:s29+$0xFFFFFF30]  }
0x5cc: {  	v9 =	vld [tilespmem:s29+$0xFFFFFF40];
	v10 =	vadd.f32 v10, v14;
	[tilespmem:v7+s23+$0x0] =	vst.idx.msk $0xffff, v2  }
0x5cd: {  	v2 =	vld [tilespmem:s29+$0xFFFFFF50]  }
0x5ce: {  	v7 =	vld [tilespmem:s29+$0xFFFFFF60];
	v4 =	vadd.f32 v4, v11;
	v8 =	vadd.f32 v10, v8  }
0x5cf: {  	v10 =	vld [tilespmem:s29+$0xFFFFFF70]  }
0x5d0: {  	v11 =	vld [tilespmem:s29+$0xFFFFFF80];
	v3 =	vadd.f32 v3, v12  }
0x5d1: {  	v12 =	vld [tilespmem:s29+$0xFFFFFF90]  }
0x5d2: {  	v13 =	vld [tilespmem:s29+$0xFFFFFFA0];
	v2 =	vadd.f32 v2, v9;
	v3 =	vadd.f32 v3, v4  }
0x5d3: {  	v4 =	vld [tilespmem:s29+$0xFFFFFFB0]  }
0x5d4: {  	v9 =	vld [tilespmem:s29+$0xFFFFFE40];
	v7 =	vadd.f32 v10, v7;
	v3 =	vadd.f32 v3, v8  }
0x5d5: {  	v8 =	vld [tilespmem:s29+$0xFFFFFFC0]  }
0x5d6: {  	v10 =	vld [tilespmem:s29+$0xFFFFFFD0];
	v11 =	vadd.f32 v12, v11;
	v2 =	vadd.f32 v7, v2  }
0x5d7: {  	v7 =	vld [tilespmem:s29+$0xFFFFFFE0]  }
0x5d8: {  	v12 =	vld [tilespmem:s29+$0xFFFFFFF0];
	v4 =	vadd.f32 v4, v13;
	s29 =	sadd.s32 $0x380, s29  }
0x5d9: {  	v19 =	vld [tilespmem:s29+$0x180];
	v1 =	vadd.f32 v1, v9  }
0x5da: {  	v20 =	vld [tilespmem:s29+$0x190];
	v4 =	vadd.f32 v4, v11  }
0x5db: {  	v21 =	vld [tilespmem:s29+$0x1A0];
	v8 =	vadd.f32 v10, v8;
	v1 =	vadd.f32 v6, v1;
	v6 =	vmov s30;
	s30 =	smov.u32 s31  }
0x5dc: {  	v22 =	vld [tilespmem:s29+$0x1B0];
	v2 =	vadd.f32 v4, v2;
	v4 =	vadd.s32 $0x1C0, v6  }
0x5dd: {  	v23 =	vld [tilespmem:s29+$0x0];
	v6 =	vadd.f32 v12, v7;
	v1 =	vadd.f32 v5, v1;
	v4 =	vand.u32 $0x1FE, v4  }
0x5de: {  	v24 =	vld [tilespmem:s29+$0x10];
	v4 =	vbroadcast v4, $0x0  }
0x5df: {  	v25 =	vld [tilespmem:s29+$0x20];
	v5 =	vadd.f32 v6, v8;
	v1 =	vadd.f32 v3, v1  }
0x5e0: {  	v26 =	vld [tilespmem:s29+$0x30];
	v3 =	vor.u32 v0, v4  }
0x5e1: {  	v27 =	vld [tilespmem:s29+$0x40];
	v2 =	vadd.f32 v5, v2  }
0x5e2: {  	v28 =	vld [tilespmem:s29+$0x50]  }
0x5e3: {  	v29 =	vld [tilespmem:s29+$0x60];
	v1 =	vadd.f32 v2, v1  }
0x5e4: {  	v30 =	vld [tilespmem:s29+$0x70]  }
0x5e5: {  	v4 =	vld [tilespmem:s29+$0x80];
	[tilespmem:v3+s23+$0x0] =	vst.idx.msk $0xffff, v1  }
0x5e6: {  	v5 =	vld [tilespmem:s29+$0x90]  }
0x5e7: {  	v6 =	vld [tilespmem:s29+$0xA0]  }
0x5e8: {  	v8 =	vld [tilespmem:s29+$0xB0]  }
0x5e9: {  	v7 =	vld [tilespmem:s29+$0xC0]  }
0x5ea: {  	v9 =	vld [tilespmem:s29+$0xD0]  }
0x5eb: {  	v10 =	vld [tilespmem:s29+$0xE0]  }
0x5ec: {  	v12 =	vld [tilespmem:s29+$0xF0]  }
0x5ed: {  	v11 =	vld [tilespmem:s29+$0x100]  }
0x5ee: {  	v13 =	vld [tilespmem:s29+$0x110]  }
0x5ef: {  	v14 =	vld [tilespmem:s29+$0x120]  }
0x5f0: {  	v16 =	vld [tilespmem:s29+$0x130]  }
.Ltmp15:
0x5f1: {  	v15 =	vld [tilespmem:s29+$0x140];
	(pc) =	sbr.rel @p0 .LBB2_32-.Ltmp15, $4  }
0x5f2: {  	v17 =	vld [tilespmem:s29+$0x150]  }
0x5f3: {  	v2 =	vadd.f32 v20, v19;
	v3 =	vadd.f32 v22, v21;
	v18 =	vld [tilespmem:s29+$0x160]  }
0x5f4: {  	v19 =	vadd.f32 v24, v23;
	v20 =	vadd.f32 v26, v25;
	v21 =	vld [tilespmem:s29+$0x170]  }
0x5f5: {  	s31 =	sadd.s32 $0x2, s31;
	v22 =	vadd.f32 v28, v27;
	v23 =	vadd.f32 v30, v29;
	v1 =	vld [tilespmem:s29+$0xFFFFFE50]  }
0x5f6: {  	v24 =	vld [tilespmem:s29+$0xFFFFFE60]  }
0x5f7: {  	v25 =	vld [tilespmem:s29+$0xFFFFFE70]  }
0x5f8: {  	v26 =	vld [tilespmem:s29+$0xFFFFFE80]  }
0x5f9: {  	v27 =	vld [tilespmem:s29+$0xFFFFFE90]  }
0x5fa: {  	v28 =	vld [tilespmem:s29+$0xFFFFFEA0]  }
0x5fb: {  	v29 =	vld [tilespmem:s29+$0xFFFFFEB0]  }
0x5fc: {  	v30 =	vld [tilespmem:s29+$0xFFFFFEC0]  }
0x5fd: {  	v31 =	vld [tilespmem:s29+$0xFFFFFED0]  }
0x5fe: {  	v32 =	vld [tilespmem:s29+$0xFFFFFEE0]  }
0x5ff: {  	v33 =	vld [tilespmem:s29+$0xFFFFFEF0]  }
0x600: {  	v34 =	vld [tilespmem:s29+$0xFFFFFF00]  }
0x601: {  	v35 =	vld [tilespmem:s29+$0xFFFFFF10]  }
0x602: {  	v36 =	vld [tilespmem:s29+$0xFFFFFF20]  }
0x603: {  	v53 =	vadd.f32 v8, v6;
	v6 =	vld [tilespmem:s29+$0xFFFFFF30]  }
0x604: {  	v7 =	vadd.f32 v9, v7;
	v9 =	vld [tilespmem:s29+$0xFFFFFF40]  }
0x605: {  	v57 =	vld [tilespmem:s29+$0xFFFFFF50]  }
0x606: {  	v4 =	vadd.f32 v5, v4;
	v54 =	vadd.f32 v12, v10;
	v60 =	vld [tilespmem:s29+$0xFFFFFF60]  }
0x607: {  	v55 =	vadd.f32 v13, v11;
	v56 =	vadd.f32 v16, v14;
	v63 =	vld [tilespmem:s29+$0xFFFFFF70]  }
0x608: {  	v61 =	vadd.f32 v20, v19;
	v37 =	vld [tilespmem:s29+$0xFFFFFF80];
	v2 =	vadd.f32 v3, v2  }
0x609: {  	v40 =	vld [tilespmem:s29+$0xFFFFFF90];
	v58 =	vadd.f32 v17, v15;
	v62 =	vadd.f32 v23, v22  }
0x60a: {  	v41 =	vld [tilespmem:s29+$0xFFFFFFA0];
	v4 =	vadd.f32 v53, v4;
	v23 =	vadd.f32 v54, v7  }
0x60b: {  	v43 =	vld [tilespmem:s29+$0xFFFFFFB0];
	v38 =	vadd.f32 v56, v55;
	v59 =	vadd.f32 v21, v18  }
0x60c: {  	v46 =	vld [tilespmem:s29+$0xFFFFFE40];
	v3 =	vadd.f32 v62, v61;
	v4 =	vadd.f32 v23, v4  }
0x60d: {  	v49 =	vld [tilespmem:s29+$0xFFFFFFC0];
	v39 =	vadd.f32 v59, v58;
	v44 =	vadd.f32 v27, v26  }
0x60e: {  	v51 =	vld [tilespmem:s29+$0xFFFFFFD0];
	v45 =	vadd.f32 v29, v28;
	v47 =	vadd.f32 v25, v24  }
0x60f: {  	v48 =	vadd.f32 v31, v30;
	v50 =	vadd.f32 v33, v32  }
0x610: {  	s0 =	sadd.s32 $0x1, s30;
	v52 =	vadd.f32 v35, v34;
	v6 =	vadd.f32 v6, v36  }
0x611: {  	v53 =	vmov s0;
	v54 =	vld [tilespmem:s29+$0xFFFFFFE0];
	v9 =	vadd.f32 v57, v9;
	v15 =	vadd.f32 v63, v60  }
0x612: {  	v55 =	vld [tilespmem:s29+$0xFFFFFFF0];
	v23 =	vadd.s32 $0x1C0, v53;
	v7 =	vadd.f32 v40, v37;
	v8 =	vadd.f32 v43, v41  }
0x613: {  	v56 =	vand.u32 $0x1FF, v23;
	v1 =	vadd.f32 v1, v46;
	v59 =	vadd.f32 v51, v49  }
0x614: {  	v58 =	vmov s30;
	v42 =	vadd.f32 v39, v38;
	v10 =	vadd.f32 v45, v44  }
0x615: {  	v57 =	vbroadcast v56, $0x0;
	v14 =	vadd.f32 v50, v48;
	v6 =	vadd.f32 v6, v52  }
0x616: {  	v11 =	vadd.s32 $0x1C0, v58;
	v9 =	vadd.f32 v15, v9;
	v7 =	vadd.f32 v8, v7  }
0x617: {  	v1 =	vadd.f32 v47, v1;
	v12 =	vadd.f32 v55, v54;
	v11 =	vand.u32 $0x1FE, v11  }
0x618: {  	v60 =	vbroadcast v11, $0x0;
	v6 =	vadd.f32 v6, v14;
	v7 =	vadd.f32 v7, v9  }
0x619: {  	v61 =	vor.u32 v0, v57;
	v1 =	vadd.f32 v10, v1;
	v8 =	vadd.f32 v12, v59  }
0x61a: {  	v3 =	vadd.f32 v4, v3;
	v2 =	vadd.f32 v2, v42;
	v62 =	vor.u32 v0, v60  }
0x61b: {  	v1 =	vadd.f32 v6, v1;
	v63 =	vadd.f32 v8, v7  }
0x61c: {  	v2 =	vadd.f32 v2, v3  }
0x61d: {  	s28 =	sadd.s32 $0x1, s28;
	v1 =	vadd.f32 v63, v1  }
0x61e: {  	p0 =	sne.s32 s28, s13;
	[tilespmem:v61+s23+$0x0] =	vst.idx.msk $0xffff, v2  }
.Ltmp16:
0x61f: {  	[tilespmem:v62+s23+$0x0] =	vst.idx.msk $0xffff, v1;
	(pc) =	sbr.rel @p0 .LBB2_1-.Ltmp16, $4  }
0x620: {  	[hbm4b:s12+s25] =	stream.strided.scatter [tilespmem:s23], [sflag:$0x5], $0x2000, s16, s25, $0x38;
	[tilespmem:$0x14E00] =	vst v63  }
0x621: {  	_ =	swait.ge [sflag:s26], $0x2000  }
0x622: {  	[sflag:s26] =	ssyncset.done $0x0  }
0x623: {  	[sflag:s26] =	ssyncadd.s32 $0xFFFFE000  }
0x624: {  	_ =	sfence.sel $0x180000  }
0x625: {  	[bflag:$0x0] =	sbarrier.arrive $0xFFFF  }
0x626: {  	_ =	strace $0x90000047  }
0x627: {  	s0 =	stileid.u32;
	[bflag:$0x2] =	sbarrier.arrive $0xFFFF  }
0x628: {  	p0 =	sne.s32 s0, $0x0;
	s0 =	rddreg [dreg:$0x3]  }
0x629: {  	s0 =	sadd.s32 @!p0 $0x100000, s0  }
0x62a: {  	[sflag:s0] =	ssyncadd.tile.s32 @!p0 $0x1;
	_ =	shalt  }
.Lfunc_end2:
_tile_overlayer_lowered:
.L_overlay_start_2:
0x62b: {  	(tag) =	ssettag $0x2  }
0x62c: {  	s0 =	rddreg [dreg:$0x0];
	s2 =	stileid.u32  }
0x62d: {  	s1 =	rddreg [dreg:$0x1];
	p0 =	sne.s32 s2, $0x0  }
0x62e: {  	s3 =	rddreg [dreg:$0x2];
	[bflag:$0x3] =	sbarrier.arrive $0xFFFF;
	s2 =	simm.s32 @!p0 $0x1C05  }
0x62f: {  	[timem:s3], [sflag:s2] =	dma.local @!p0 [hbm:s0], s1  }
0x630: {  	s0 =	simm.s32 @!p0 $0x5  }
0x631: {  	_ =	swait.ge @!p0 [sflag:s0], s1  }
0x632: {  	s1 =	ssub.s32 @!p0 $0x0, s1;
	[sflag:s0] =	ssyncset.done @!p0 $0x0  }
0x633: {  	[sflag:s0] =	ssyncadd.s32 @!p0 s1  }
0x634: {  	[bflag:$0x3] =	sbarrier.arrive $0xFFFF  }
0x635: {  	_ =	shalt  }

</sc_bundles>
